<compile_context>
chip_gen: v7x
topology: tpu7x:2x2x1
jax: 0.10.2.dev20260603
libtpu: 0.0.44.dev20260713+nightly
codegen_flags: <defaults>
</compile_context>

<pallas_src>
import functools

import jax
import jax.numpy as jnp
from jax import lax
from jax.experimental import pallas as pl
from jax.experimental.pallas import tpu as pltpu
from jax.experimental.pallas import tpu_sc as plsc

T, N, H = 2048, 16, 256
MAXLEN = 4096

NC, NS = 2, 16
NW = NC * NS
ROWS = MAXLEN * N
RPW = ROWS // NW
CHUNK = 64
NCH = RPW // CHUNK
NBUF = 7
LEAD = 4
GROUPS = CHUNK // 16


def _gather_body(x_hbm, tgt_hbm, out_hbm, *scr):
    idx_v, fidx_v = scr[0], scr[1]
    bufs = scr[2:2 + NBUF]
    gsems = scr[2 + NBUF:2 + 2 * NBUF]
    wsems = scr[2 + 2 * NBUF:2 + 3 * NBUF]
    wid = lax.axis_index("s") * NC + lax.axis_index("c")
    base = wid * RPW

    pltpu.sync_copy(tgt_hbm.at[pl.ds(base, RPW)], idx_v)
    lane = lax.broadcasted_iota(jnp.int32, (16,), 0)

    def gather(j):
        for k in range(GROUPS):
            raw = idx_v[pl.ds(j * CHUNK + k * 16, 16)]
            fidx_v[j, pl.ds(k * 16, 16)] = raw * N + lane
        b = j % NBUF
        return pltpu.async_copy(x_hbm.at[fidx_v.at[j]], bufs[b], gsems[b])

    def write(j):
        b = j % NBUF
        return pltpu.async_copy(
            bufs[b], out_hbm.at[pl.ds(base + j * CHUNK, CHUNK)], wsems[b])

    gcop, wcop = {}, {}
    for j in range(min(LEAD, NCH)):
        gcop[j] = gather(j)
    for j in range(NCH):
        nj = j + LEAD
        if nj < NCH:
            pw = nj - NBUF
            if pw >= 0:
                wcop[pw].wait()
            gcop[nj] = gather(nj)
        gcop[j].wait()
        wcop[j] = write(j)
    for j in range(max(0, NCH - NBUF), NCH):
        wcop[j].wait()


_sc_gather = functools.partial(
    pl.kernel,
    out_type=jax.ShapeDtypeStruct((ROWS, H), jnp.float32),
    mesh=plsc.VectorSubcoreMesh(core_axis_name="c", subcore_axis_name="s"),
    scratch_types=(
        [pltpu.VMEM((RPW,), jnp.int32), pltpu.VMEM((NCH, CHUNK), jnp.int32)]
        + [pltpu.VMEM((CHUNK, H), jnp.float32)] * NBUF
        + [pltpu.SemaphoreType.DMA] * (2 * NBUF)
    ),
)(_gather_body)


def kernel(x, targets, lengths):
    xf = x.reshape(T * N, H)
    tf = targets.astype(jnp.int32).reshape(ROWS)
    out = _sc_gather(xf, tf)
    return out.reshape(MAXLEN, N, H), lengths

# --- scband reference (transcript-rebuilt; emitter-appended) ---
"""Pipeline reference for scband-repeat-context-71554155151847 (READ-ONLY COPY).

The authoritative reference and input builder live on the scoring server;
editing this copy changes nothing except your own understanding.
"""

import jax, jax.numpy as jnp
import numpy as np

T, N, H = 2048, 16, 256
MAXLEN = 4096

def setup_inputs(seed: int = 0) -> dict:
    key = jax.random.key(seed)
    k1, k2, k3 = jax.random.split(key, 3)
    x = jax.random.normal(k1, (T, N, H), dtype=jnp.float32)
    # raw run-length 'targets' (row ids into x, pre +1 shift); padidx entries would be -1,
    # here we sample valid ids in [0, T) so after the +1 shift no pad rows are gathered.
    targets = jax.random.randint(k2, (MAXLEN, N), 0, T, dtype=jnp.int64)
    lengths = jax.random.randint(k3, (N,), 1, MAXLEN, dtype=jnp.int64)
    return {"x": x, "targets": targets, "lengths": lengths}

def reference(x, targets, lengths):
    T_, N_, H_ = x.shape
    # px = cat([pad_row, x], dim=0); pad row is NaN as in the torch module
    pad = jnp.full((1, N_, H_), jnp.nan, dtype=x.dtype)
    px = jnp.concatenate([pad, x], axis=0)  # [T+1, N, H]
    idx = (targets + 1).astype(jnp.int32)   # matches (lt.new(targets) + 1)
    idx3 = jnp.broadcast_to(idx[:, :, None], (idx.shape[0], N_, H_))
    gathered = jnp.take_along_axis(px, idx3, axis=0)  # [maxlen, N, H]
    return (gathered, lengths)

if __name__ == "__main__":
    import jax
    _d = setup_inputs()
    print(jax.jit(kernel)(*tuple(_d.values())))

</pallas_src>

<mosaic_0001>
#map = affine_map<(d0, d1) -> (0, 0)>
#map1 = affine_map<(d0, d1) -> (0)>
module attributes {stable_mosaic.version = 14 : i64} {
  func.func @_gather_body(%arg0: i32, %arg1: i32, %arg2: memref<32768x256xf32, #tpu.memory_space<hbm>>, %arg3: memref<65536xi32, #tpu.memory_space<hbm>>, %arg4: memref<65536x256xf32, #tpu.memory_space<hbm>>, %arg5: memref<2048xi32, #tpu.memory_space<vmem>>, %arg6: memref<32x64xi32, #tpu.memory_space<vmem>>, %arg7: memref<64x256xf32, #tpu.memory_space<vmem>>, %arg8: memref<64x256xf32, #tpu.memory_space<vmem>>, %arg9: memref<64x256xf32, #tpu.memory_space<vmem>>, %arg10: memref<64x256xf32, #tpu.memory_space<vmem>>, %arg11: memref<64x256xf32, #tpu.memory_space<vmem>>, %arg12: memref<64x256xf32, #tpu.memory_space<vmem>>, %arg13: memref<64x256xf32, #tpu.memory_space<vmem>>, %arg14: memref<!tpu.dma_semaphore, #tpu.memory_space<semaphore_mem>>, %arg15: memref<!tpu.dma_semaphore, #tpu.memory_space<semaphore_mem>>, %arg16: memref<!tpu.dma_semaphore, #tpu.memory_space<semaphore_mem>>, %arg17: memref<!tpu.dma_semaphore, #tpu.memory_space<semaphore_mem>>, %arg18: memref<!tpu.dma_semaphore, #tpu.memory_space<semaphore_mem>>, %arg19: memref<!tpu.dma_semaphore, #tpu.memory_space<semaphore_mem>>, %arg20: memref<!tpu.dma_semaphore, #tpu.memory_space<semaphore_mem>>, %arg21: memref<!tpu.dma_semaphore, #tpu.memory_space<semaphore_mem>>, %arg22: memref<!tpu.dma_semaphore, #tpu.memory_space<semaphore_mem>>, %arg23: memref<!tpu.dma_semaphore, #tpu.memory_space<semaphore_mem>>, %arg24: memref<!tpu.dma_semaphore, #tpu.memory_space<semaphore_mem>>, %arg25: memref<!tpu.dma_semaphore, #tpu.memory_space<semaphore_mem>>, %arg26: memref<!tpu.dma_semaphore, #tpu.memory_space<semaphore_mem>>, %arg27: memref<!tpu.dma_semaphore, #tpu.memory_space<semaphore_mem>>) attributes {dimension_semantics = [#tpu.dimension_semantics<core_parallel>, #tpu.dimension_semantics<subcore_parallel>], iteration_bounds = array<i64: 2, 16>, scalar_prefetch = 0 : i64, scratch_operands = 23 : i64, tpu.core_type = #tpu.core_type<sc_vector_subcore>, window_params = [{transform_indices = #map}, {transform_indices = #map1}, {transform_indices = #map}]} {
    %mul3A = arith.constant 2 : i32
    %mul3A_0 = arith.muli %arg1, %mul3A : i32
    %add3A = arith.addi %mul3A_0, %arg0 : i32
    %mul3A_1 = arith.constant 2048 : i32
    %mul3A_2 = arith.muli %add3A, %mul3A_1 : i32
    "tpu.region"() ({
      %run_scoped3A = tpu.sem_alloc : memref<!tpu.dma_semaphore, #tpu.memory_space<semaphore_mem>>
      %dma_start3A_2431 = tpu.memref_slice %arg3[%mul3A_2] : memref<65536xi32, #tpu.memory_space<hbm>> -> memref<2048xi32, #tpu.memory_space<hbm>>
      %dma_start3A_2432 = tpu.memref_slice %arg3[%mul3A_2] : memref<65536xi32, #tpu.memory_space<hbm>> -> memref<2048xi32, #tpu.memory_space<hbm>>
      tpu.enqueue_dma source(%dma_start3A_2432 : memref<2048xi32, #tpu.memory_space<hbm>>) target(%arg5 : memref<2048xi32, #tpu.memory_space<vmem>>) target_semaphore(%run_scoped3A : memref<!tpu.dma_semaphore, #tpu.memory_space<semaphore_mem>>)
      %dma_wait3A_2433 = tpu.memref_slice %arg3[%mul3A_2] : memref<65536xi32, #tpu.memory_space<hbm>> -> memref<2048xi32, #tpu.memory_space<hbm>>
      %dma_wait3A_2434 = tpu.memref_slice %arg3[%mul3A_2] : memref<65536xi32, #tpu.memory_space<hbm>> -> memref<2048xi32, #tpu.memory_space<hbm>>
      tpu.wait_dma2 semaphore(%run_scoped3A : memref<!tpu.dma_semaphore, #tpu.memory_space<semaphore_mem>>) src(%dma_wait3A_2434 : memref<2048xi32, #tpu.memory_space<hbm>>) dst(%arg5 : memref<2048xi32, #tpu.memory_space<vmem>>)
      tpu.yield
    }) : () -> ()
    %iota3A = tpu.iota {dimensions = array<i32: 0>} : vector<16xi32>
    %get3A = arith.constant 0 : index
    %get3A_3 = tpu.vector_load %arg5[%get3A] {strides = array<i32>} : memref<2048xi32, #tpu.memory_space<vmem>>, vector<16xi32>,
    %get3A_4 = vector.shape_cast %get3A_3 : vector<16xi32> to vector<16xi32>
    %mul3A_5 = arith.constant 16 : i32
    %mul3A_6 = vector.broadcast %mul3A_5 : i32 to vector<16xi32>
    %mul3A_7 = arith.muli %get3A_4, %mul3A_6 : vector<16xi32>
    %add3A_8 = arith.addi %mul3A_7, %iota3A : vector<16xi32>
    %swap3A = arith.constant 0 : i32
    %swap3A_9 = arith.index_cast %swap3A : i32 to index
    %swap3A_10 = arith.constant 0 : index
    %swap3A_11 = tpu.vector_load %arg6[%swap3A_9, %swap3A_10] {strides = array<i32>} : memref<32x64xi32, #tpu.memory_space<vmem>>, vector<1x16xi32>,
    %swap3A_12 = vector.shape_cast %swap3A_11 : vector<1x16xi32> to vector<16xi32>
    %swap3A_13 = vector.shape_cast %add3A_8 : vector<16xi32> to vector<1x16xi32>
    tpu.vector_store %arg6[%swap3A_9, %swap3A_10], %swap3A_13 {strides = array<i32>} : memref<32x64xi32, #tpu.memory_space<vmem>>, vector<1x16xi32>,
    %get3A_14 = arith.constant 16 : index
    %get3A_15 = tpu.vector_load %arg5[%get3A_14] {strides = array<i32>} : memref<2048xi32, #tpu.memory_space<vmem>>, vector<16xi32>,
    %get3A_16 = vector.shape_cast %get3A_15 : vector<16xi32> to vector<16xi32>
    %mul3A_17 = arith.constant 16 : i32
    %mul3A_18 = vector.broadcast %mul3A_17 : i32 to vector<16xi32>
    %mul3A_19 = arith.muli %get3A_16, %mul3A_18 : vector<16xi32>
    %add3A_20 = arith.addi %mul3A_19, %iota3A : vector<16xi32>
    %swap3A_21 = arith.constant 0 : i32
    %swap3A_22 = arith.index_cast %swap3A_21 : i32 to index
    %swap3A_23 = arith.constant 16 : index
    %swap3A_24 = tpu.vector_load %arg6[%swap3A_22, %swap3A_23] {strides = array<i32>} : memref<32x64xi32, #tpu.memory_space<vmem>>, vector<1x16xi32>,
    %swap3A_25 = vector.shape_cast %swap3A_24 : vector<1x16xi32> to vector<16xi32>
    %swap3A_26 = vector.shape_cast %add3A_20 : vector<16xi32> to vector<1x16xi32>
    tpu.vector_store %arg6[%swap3A_22, %swap3A_23], %swap3A_26 {strides = array<i32>} : memref<32x64xi32, #tpu.memory_space<vmem>>, vector<1x16xi32>,
    %get3A_27 = arith.constant 32 : index
    %get3A_28 = tpu.vector_load %arg5[%get3A_27] {strides = array<i32>} : memref<2048xi32, #tpu.memory_space<vmem>>, vector<16xi32>,
    %get3A_29 = vector.shape_cast %get3A_28 : vector<16xi32> to vector<16xi32>
    %mul3A_30 = arith.constant 16 : i32
    %mul3A_31 = vector.broadcast %mul3A_30 : i32 to vector<16xi32>
    %mul3A_32 = arith.muli %get3A_29, %mul3A_31 : vector<16xi32>
    %add3A_33 = arith.addi %mul3A_32, %iota3A : vector<16xi32>
    %swap3A_34 = arith.constant 0 : i32
    %swap3A_35 = arith.index_cast %swap3A_34 : i32 to index
    %swap3A_36 = arith.constant 32 : index
    %swap3A_37 = tpu.vector_load %arg6[%swap3A_35, %swap3A_36] {strides = array<i32>} : memref<32x64xi32, #tpu.memory_space<vmem>>, vector<1x16xi32>,
    %swap3A_38 = vector.shape_cast %swap3A_37 : vector<1x16xi32> to vector<16xi32>
    %swap3A_39 = vector.shape_cast %add3A_33 : vector<16xi32> to vector<1x16xi32>
    tpu.vector_store %arg6[%swap3A_35, %swap3A_36], %swap3A_39 {strides = array<i32>} : memref<32x64xi32, #tpu.memory_space<vmem>>, vector<1x16xi32>,
    %get3A_40 = arith.constant 48 : index
    %get3A_41 = tpu.vector_load %arg5[%get3A_40] {strides = array<i32>} : memref<2048xi32, #tpu.memory_space<vmem>>, vector<16xi32>,
    %get3A_42 = vector.shape_cast %get3A_41 : vector<16xi32> to vector<16xi32>
    %mul3A_43 = arith.constant 16 : i32
    %mul3A_44 = vector.broadcast %mul3A_43 : i32 to vector<16xi32>
    %mul3A_45 = arith.muli %get3A_42, %mul3A_44 : vector<16xi32>
    %add3A_46 = arith.addi %mul3A_45, %iota3A : vector<16xi32>
    %swap3A_47 = arith.constant 0 : i32
    %swap3A_48 = arith.index_cast %swap3A_47 : i32 to index
    %swap3A_49 = arith.constant 48 : index
    %swap3A_50 = tpu.vector_load %arg6[%swap3A_48, %swap3A_49] {strides = array<i32>} : memref<32x64xi32, #tpu.memory_space<vmem>>, vector<1x16xi32>,
    %swap3A_51 = vector.shape_cast %swap3A_50 : vector<1x16xi32> to vector<16xi32>
    %swap3A_52 = vector.shape_cast %add3A_46 : vector<16xi32> to vector<1x16xi32>
    tpu.vector_store %arg6[%swap3A_48, %swap3A_49], %swap3A_52 {strides = array<i32>} : memref<32x64xi32, #tpu.memory_space<vmem>>, vector<1x16xi32>,
    %dma_start3A = arith.constant 0 : i32
    %dma_start3A_53 = arith.constant 0 : i32
    %dma_start3A_54 = tpu.memref_slice %arg6[%dma_start3A, %dma_start3A_53] : memref<32x64xi32, #tpu.memory_space<vmem>> -> memref<1x64xi32, #tpu.memory_space<vmem>>
    %dma_start3A_55 = tpu.memref_squeeze %dma_start3A_54 : memref<1x64xi32, #tpu.memory_space<vmem>> -> memref<64xi32, #tpu.memory_space<vmem>>
    %dma_start3A_56 = arith.constant 0 : i32
    %dma_start3A_57 = arith.constant 0 : i32
    %dma_start3A_58 = tpu.memref_slice %arg2[%dma_start3A_56, %dma_start3A_57] : memref<32768x256xf32, #tpu.memory_space<hbm>> -> memref<32768x256xf32, #tpu.memory_space<hbm>>
    tpu.enqueue_indirect_dma source(%dma_start3A_58 : memref<32768x256xf32, #tpu.memory_space<hbm>>) target(%arg7 : memref<64x256xf32, #tpu.memory_space<vmem>>) offsets(%dma_start3A_55 : memref<64xi32, #tpu.memory_space<vmem>>) semaphore(%arg14 : memref<!tpu.dma_semaphore, #tpu.memory_space<semaphore_mem>>)
    %get3A_59 = arith.constant 64 : index
    %get3A_60 = tpu.vector_load %arg5[%get3A_59] {strides = array<i32>} : memref<2048xi32, #tpu.memory_space<vmem>>, vector<16xi32>,
    %get3A_61 = vector.shape_cast %get3A_60 : vector<16xi32> to vector<16xi32>
    %mul3A_62 = arith.constant 16 : i32
    %mul3A_63 = vector.broadcast %mul3A_62 : i32 to vector<16xi32>
    %mul3A_64 = arith.muli %get3A_61, %mul3A_63 : vector<16xi32>
    %add3A_65 = arith.addi %mul3A_64, %iota3A : vector<16xi32>
    %swap3A_66 = arith.constant 1 : i32
    %swap3A_67 = arith.index_cast %swap3A_66 : i32 to index
    %swap3A_68 = arith.constant 0 : index
    %swap3A_69 = tpu.vector_load %arg6[%swap3A_67, %swap3A_68] {strides = array<i32>} : memref<32x64xi32, #tpu.memory_space<vmem>>, vector<1x16xi32>,
    %swap3A_70 = vector.shape_cast %swap3A_69 : vector<1x16xi32> to vector<16xi32>
    %swap3A_71 = vector.shape_cast %add3A_65 : vector<16xi32> to vector<1x16xi32>
    tpu.vector_store %arg6[%swap3A_67, %swap3A_68], %swap3A_71 {strides = array<i32>} : memref<32x64xi32, #tpu.memory_space<vmem>>, vector<1x16xi32>,
    %get3A_72 = arith.constant 80 : index
    %get3A_73 = tpu.vector_load %arg5[%get3A_72] {strides = array<i32>} : memref<2048xi32, #tpu.memory_space<vmem>>, vector<16xi32>,
    %get3A_74 = vector.shape_cast %get3A_73 : vector<16xi32> to vector<16xi32>
    %mul3A_75 = arith.constant 16 : i32
    %mul3A_76 = vector.broadcast %mul3A_75 : i32 to vector<16xi32>
    %mul3A_77 = arith.muli %get3A_74, %mul3A_76 : vector<16xi32>
    %add3A_78 = arith.addi %mul3A_77, %iota3A : vector<16xi32>
    %swap3A_79 = arith.constant 1 : i32
    %swap3A_80 = arith.index_cast %swap3A_79 : i32 to index
    %swap3A_81 = arith.constant 16 : index
    %swap3A_82 = tpu.vector_load %arg6[%swap3A_80, %swap3A_81] {strides = array<i32>} : memref<32x64xi32, #tpu.memory_space<vmem>>, vector<1x16xi32>,
    %swap3A_83 = vector.shape_cast %swap3A_82 : vector<1x16xi32> to vector<16xi32>
    %swap3A_84 = vector.shape_cast %add3A_78 : vector<16xi32> to vector<1x16xi32>
    tpu.vector_store %arg6[%swap3A_80, %swap3A_81], %swap3A_84 {strides = array<i32>} : memref<32x64xi32, #tpu.memory_space<vmem>>, vector<1x16xi32>,
    %get3A_85 = arith.constant 96 : index
    %get3A_86 = tpu.vector_load %arg5[%get3A_85] {strides = array<i32>} : memref<2048xi32, #tpu.memory_space<vmem>>, vector<16xi32>,
    %get3A_87 = vector.shape_cast %get3A_86 : vector<16xi32> to vector<16xi32>
    %mul3A_88 = arith.constant 16 : i32
    %mul3A_89 = vector.broadcast %mul3A_88 : i32 to vector<16xi32>
    %mul3A_90 = arith.muli %get3A_87, %mul3A_89 : vector<16xi32>
    %add3A_91 = arith.addi %mul3A_90, %iota3A : vector<16xi32>
    %swap3A_92 = arith.constant 1 : i32
    %swap3A_93 = arith.index_cast %swap3A_92 : i32 to index
    %swap3A_94 = arith.constant 32 : index
    %swap3A_95 = tpu.vector_load %arg6[%swap3A_93, %swap3A_94] {strides = array<i32>} : memref<32x64xi32, #tpu.memory_space<vmem>>, vector<1x16xi32>,
    %swap3A_96 = vector.shape_cast %swap3A_95 : vector<1x16xi32> to vector<16xi32>
    %swap3A_97 = vector.shape_cast %add3A_91 : vector<16xi32> to vector<1x16xi32>
    tpu.vector_store %arg6[%swap3A_93, %swap3A_94], %swap3A_97 {strides = array<i32>} : memref<32x64xi32, #tpu.memory_space<vmem>>, vector<1x16xi32>,
    %get3A_98 = arith.constant 112 : index
    %get3A_99 = tpu.vector_load %arg5[%get3A_98] {strides = array<i32>} : memref<2048xi32, #tpu.memory_space<vmem>>, vector<16xi32>,
    %get3A_100 = vector.shape_cast %get3A_99 : vector<16xi32> to vector<16xi32>
    %mul3A_101 = arith.constant 16 : i32
    %mul3A_102 = vector.broadcast %mul3A_101 : i32 to vector<16xi32>
    %mul3A_103 = arith.muli %get3A_100, %mul3A_102 : vector<16xi32>
    %add3A_104 = arith.addi %mul3A_103, %iota3A : vector<16xi32>
    %swap3A_105 = arith.constant 1 : i32
    %swap3A_106 = arith.index_cast %swap3A_105 : i32 to index
    %swap3A_107 = arith.constant 48 : index
    %swap3A_108 = tpu.vector_load %arg6[%swap3A_106, %swap3A_107] {strides = array<i32>} : memref<32x64xi32, #tpu.memory_space<vmem>>, vector<1x16xi32>,
    %swap3A_109 = vector.shape_cast %swap3A_108 : vector<1x16xi32> to vector<16xi32>
    %swap3A_110 = vector.shape_cast %add3A_104 : vector<16xi32> to vector<1x16xi32>
    tpu.vector_store %arg6[%swap3A_106, %swap3A_107], %swap3A_110 {strides = array<i32>} : memref<32x64xi32, #tpu.memory_space<vmem>>, vector<1x16xi32>,
    %dma_start3A_111 = arith.constant 1 : i32
    %dma_start3A_112 = arith.constant 0 : i32
    %dma_start3A_113 = tpu.memref_slice %arg6[%dma_start3A_111, %dma_start3A_112] : memref<32x64xi32, #tpu.memory_space<vmem>> -> memref<1x64xi32, #tpu.memory_space<vmem>>
    %dma_start3A_114 = tpu.memref_squeeze %dma_start3A_113 : memref<1x64xi32, #tpu.memory_space<vmem>> -> memref<64xi32, #tpu.memory_space<vmem>>
    %dma_start3A_115 = arith.constant 0 : i32
    %dma_start3A_116 = arith.constant 0 : i32
    %dma_start3A_117 = tpu.memref_slice %arg2[%dma_start3A_115, %dma_start3A_116] : memref<32768x256xf32, #tpu.memory_space<hbm>> -> memref<32768x256xf32, #tpu.memory_space<hbm>>
    tpu.enqueue_indirect_dma source(%dma_start3A_117 : memref<32768x256xf32, #tpu.memory_space<hbm>>) target(%arg8 : memref<64x256xf32, #tpu.memory_space<vmem>>) offsets(%dma_start3A_114 : memref<64xi32, #tpu.memory_space<vmem>>) semaphore(%arg15 : memref<!tpu.dma_semaphore, #tpu.memory_space<semaphore_mem>>)
    %get3A_118 = arith.constant 128 : index
    %get3A_119 = tpu.vector_load %arg5[%get3A_118] {strides = array<i32>} : memref<2048xi32, #tpu.memory_space<vmem>>, vector<16xi32>,
    %get3A_120 = vector.shape_cast %get3A_119 : vector<16xi32> to vector<16xi32>
    %mul3A_121 = arith.constant 16 : i32
    %mul3A_122 = vector.broadcast %mul3A_121 : i32 to vector<16xi32>
    %mul3A_123 = arith.muli %get3A_120, %mul3A_122 : vector<16xi32>
    %add3A_124 = arith.addi %mul3A_123, %iota3A : vector<16xi32>
    %swap3A_125 = arith.constant 2 : i32
    %swap3A_126 = arith.index_cast %swap3A_125 : i32 to index
    %swap3A_127 = arith.constant 0 : index
    %swap3A_128 = tpu.vector_load %arg6[%swap3A_126, %swap3A_127] {strides = array<i32>} : memref<32x64xi32, #tpu.memory_space<vmem>>, vector<1x16xi32>,
    %swap3A_129 = vector.shape_cast %swap3A_128 : vector<1x16xi32> to vector<16xi32>
    %swap3A_130 = vector.shape_cast %add3A_124 : vector<16xi32> to vector<1x16xi32>
    tpu.vector_store %arg6[%swap3A_126, %swap3A_127], %swap3A_130 {strides = array<i32>} : memref<32x64xi32, #tpu.memory_space<vmem>>, vector<1x16xi32>,
    %get3A_131 = arith.constant 144 : index
    %get3A_132 = tpu.vector_load %arg5[%get3A_131] {strides = array<i32>} : memref<2048xi32, #tpu.memory_space<vmem>>, vector<16xi32>,
    %get3A_133 = vector.shape_cast %get3A_132 : vector<16xi32> to vector<16xi32>
    %mul3A_134 = arith.constant 16 : i32
    %mul3A_135 = vector.broadcast %mul3A_134 : i32 to vector<16xi32>
    %mul3A_136 = arith.muli %get3A_133, %mul3A_135 : vector<16xi32>
    %add3A_137 = arith.addi %mul3A_136, %iota3A : vector<16xi32>
    %swap3A_138 = arith.constant 2 : i32
    %swap3A_139 = arith.index_cast %swap3A_138 : i32 to index
    %swap3A_140 = arith.constant 16 : index
    %swap3A_141 = tpu.vector_load %arg6[%swap3A_139, %swap3A_140] {strides = array<i32>} : memref<32x64xi32, #tpu.memory_space<vmem>>, vector<1x16xi32>,
    %swap3A_142 = vector.shape_cast %swap3A_141 : vector<1x16xi32> to vector<16xi32>
    %swap3A_143 = vector.shape_cast %add3A_137 : vector<16xi32> to vector<1x16xi32>
    tpu.vector_store %arg6[%swap3A_139, %swap3A_140], %swap3A_143 {strides = array<i32>} : memref<32x64xi32, #tpu.memory_space<vmem>>, vector<1x16xi32>,
    %get3A_144 = arith.constant 160 : index
    %get3A_145 = tpu.vector_load %arg5[%get3A_144] {strides = array<i32>} : memref<2048xi32, #tpu.memory_space<vmem>>, vector<16xi32>,
    %get3A_146 = vector.shape_cast %get3A_145 : vector<16xi32> to vector<16xi32>
    %mul3A_147 = arith.constant 16 : i32
    %mul3A_148 = vector.broadcast %mul3A_147 : i32 to vector<16xi32>
    %mul3A_149 = arith.muli %get3A_146, %mul3A_148 : vector<16xi32>
    %add3A_150 = arith.addi %mul3A_149, %iota3A : vector<16xi32>
    %swap3A_151 = arith.constant 2 : i32
    %swap3A_152 = arith.index_cast %swap3A_151 : i32 to index
    %swap3A_153 = arith.constant 32 : index
    %swap3A_154 = tpu.vector_load %arg6[%swap3A_152, %swap3A_153] {strides = array<i32>} : memref<32x64xi32, #tpu.memory_space<vmem>>, vector<1x16xi32>,
    %swap3A_155 = vector.shape_cast %swap3A_154 : vector<1x16xi32> to vector<16xi32>
    %swap3A_156 = vector.shape_cast %add3A_150 : vector<16xi32> to vector<1x16xi32>
    tpu.vector_store %arg6[%swap3A_152, %swap3A_153], %swap3A_156 {strides = array<i32>} : memref<32x64xi32, #tpu.memory_space<vmem>>, vector<1x16xi32>,
    %get3A_157 = arith.constant 176 : index
    %get3A_158 = tpu.vector_load %arg5[%get3A_157] {strides = array<i32>} : memref<2048xi32, #tpu.memory_space<vmem>>, vector<16xi32>,
    %get3A_159 = vector.shape_cast %get3A_158 : vector<16xi32> to vector<16xi32>
    %mul3A_160 = arith.constant 16 : i32
    %mul3A_161 = vector.broadcast %mul3A_160 : i32 to vector<16xi32>
    %mul3A_162 = arith.muli %get3A_159, %mul3A_161 : vector<16xi32>
    %add3A_163 = arith.addi %mul3A_162, %iota3A : vector<16xi32>
    %swap3A_164 = arith.constant 2 : i32
    %swap3A_165 = arith.index_cast %swap3A_164 : i32 to index
    %swap3A_166 = arith.constant 48 : index
    %swap3A_167 = tpu.vector_load %arg6[%swap3A_165, %swap3A_166] {strides = array<i32>} : memref<32x64xi32, #tpu.memory_space<vmem>>, vector<1x16xi32>,
    %swap3A_168 = vector.shape_cast %swap3A_167 : vector<1x16xi32> to vector<16xi32>
    %swap3A_169 = vector.shape_cast %add3A_163 : vector<16xi32> to vector<1x16xi32>
    tpu.vector_store %arg6[%swap3A_165, %swap3A_166], %swap3A_169 {strides = array<i32>} : memref<32x64xi32, #tpu.memory_space<vmem>>, vector<1x16xi32>,
    %dma_start3A_170 = arith.constant 2 : i32
    %dma_start3A_171 = arith.constant 0 : i32
    %dma_start3A_172 = tpu.memref_slice %arg6[%dma_start3A_170, %dma_start3A_171] : memref<32x64xi32, #tpu.memory_space<vmem>> -> memref<1x64xi32, #tpu.memory_space<vmem>>
    %dma_start3A_173 = tpu.memref_squeeze %dma_start3A_172 : memref<1x64xi32, #tpu.memory_space<vmem>> -> memref<64xi32, #tpu.memory_space<vmem>>
    %dma_start3A_174 = arith.constant 0 : i32
    %dma_start3A_175 = arith.constant 0 : i32
    %dma_start3A_176 = tpu.memref_slice %arg2[%dma_start3A_174, %dma_start3A_175] : memref<32768x256xf32, #tpu.memory_space<hbm>> -> memref<32768x256xf32, #tpu.memory_space<hbm>>
    tpu.enqueue_indirect_dma source(%dma_start3A_176 : memref<32768x256xf32, #tpu.memory_space<hbm>>) target(%arg9 : memref<64x256xf32, #tpu.memory_space<vmem>>) offsets(%dma_start3A_173 : memref<64xi32, #tpu.memory_space<vmem>>) semaphore(%arg16 : memref<!tpu.dma_semaphore, #tpu.memory_space<semaphore_mem>>)
    %get3A_177 = arith.constant 192 : index
    %get3A_178 = tpu.vector_load %arg5[%get3A_177] {strides = array<i32>} : memref<2048xi32, #tpu.memory_space<vmem>>, vector<16xi32>,
    %get3A_179 = vector.shape_cast %get3A_178 : vector<16xi32> to vector<16xi32>
    %mul3A_180 = arith.constant 16 : i32
    %mul3A_181 = vector.broadcast %mul3A_180 : i32 to vector<16xi32>
    %mul3A_182 = arith.muli %get3A_179, %mul3A_181 : vector<16xi32>
    %add3A_183 = arith.addi %mul3A_182, %iota3A : vector<16xi32>
    %swap3A_184 = arith.constant 3 : i32
    %swap3A_185 = arith.index_cast %swap3A_184 : i32 to index
    %swap3A_186 = arith.constant 0 : index
    %swap3A_187 = tpu.vector_load %arg6[%swap3A_185, %swap3A_186] {strides = array<i32>} : memref<32x64xi32, #tpu.memory_space<vmem>>, vector<1x16xi32>,
    %swap3A_188 = vector.shape_cast %swap3A_187 : vector<1x16xi32> to vector<16xi32>
    %swap3A_189 = vector.shape_cast %add3A_183 : vector<16xi32> to vector<1x16xi32>
    tpu.vector_store %arg6[%swap3A_185, %swap3A_186], %swap3A_189 {strides = array<i32>} : memref<32x64xi32, #tpu.memory_space<vmem>>, vector<1x16xi32>,
    %get3A_190 = arith.constant 208 : index
    %get3A_191 = tpu.vector_load %arg5[%get3A_190] {strides = array<i32>} : memref<2048xi32, #tpu.memory_space<vmem>>, vector<16xi32>,
    %get3A_192 = vector.shape_cast %get3A_191 : vector<16xi32> to vector<16xi32>
    %mul3A_193 = arith.constant 16 : i32
    %mul3A_194 = vector.broadcast %mul3A_193 : i32 to vector<16xi32>
    %mul3A_195 = arith.muli %get3A_192, %mul3A_194 : vector<16xi32>
    %add3A_196 = arith.addi %mul3A_195, %iota3A : vector<16xi32>
    %swap3A_197 = arith.constant 3 : i32
    %swap3A_198 = arith.index_cast %swap3A_197 : i32 to index
    %swap3A_199 = arith.constant 16 : index
    %swap3A_200 = tpu.vector_load %arg6[%swap3A_198, %swap3A_199] {strides = array<i32>} : memref<32x64xi32, #tpu.memory_space<vmem>>, vector<1x16xi32>,
    %swap3A_201 = vector.shape_cast %swap3A_200 : vector<1x16xi32> to vector<16xi32>
    %swap3A_202 = vector.shape_cast %add3A_196 : vector<16xi32> to vector<1x16xi32>
    tpu.vector_store %arg6[%swap3A_198, %swap3A_199], %swap3A_202 {strides = array<i32>} : memref<32x64xi32, #tpu.memory_space<vmem>>, vector<1x16xi32>,
    %get3A_203 = arith.constant 224 : index
    %get3A_204 = tpu.vector_load %arg5[%get3A_203] {strides = array<i32>} : memref<2048xi32, #tpu.memory_space<vmem>>, vector<16xi32>,
    %get3A_205 = vector.shape_cast %get3A_204 : vector<16xi32> to vector<16xi32>
    %mul3A_206 = arith.constant 16 : i32
    %mul3A_207 = vector.broadcast %mul3A_206 : i32 to vector<16xi32>
    %mul3A_208 = arith.muli %get3A_205, %mul3A_207 : vector<16xi32>
    %add3A_209 = arith.addi %mul3A_208, %iota3A : vector<16xi32>
    %swap3A_210 = arith.constant 3 : i32
    %swap3A_211 = arith.index_cast %swap3A_210 : i32 to index
    %swap3A_212 = arith.constant 32 : index
    %swap3A_213 = tpu.vector_load %arg6[%swap3A_211, %swap3A_212] {strides = array<i32>} : memref<32x64xi32, #tpu.memory_space<vmem>>, vector<1x16xi32>,
    %swap3A_214 = vector.shape_cast %swap3A_213 : vector<1x16xi32> to vector<16xi32>
    %swap3A_215 = vector.shape_cast %add3A_209 : vector<16xi32> to vector<1x16xi32>
    tpu.vector_store %arg6[%swap3A_211, %swap3A_212], %swap3A_215 {strides = array<i32>} : memref<32x64xi32, #tpu.memory_space<vmem>>, vector<1x16xi32>,
    %get3A_216 = arith.constant 240 : index
    %get3A_217 = tpu.vector_load %arg5[%get3A_216] {strides = array<i32>} : memref<2048xi32, #tpu.memory_space<vmem>>, vector<16xi32>,
    %get3A_218 = vector.shape_cast %get3A_217 : vector<16xi32> to vector<16xi32>
    %mul3A_219 = arith.constant 16 : i32
    %mul3A_220 = vector.broadcast %mul3A_219 : i32 to vector<16xi32>
    %mul3A_221 = arith.muli %get3A_218, %mul3A_220 : vector<16xi32>
    %add3A_222 = arith.addi %mul3A_221, %iota3A : vector<16xi32>
    %swap3A_223 = arith.constant 3 : i32
    %swap3A_224 = arith.index_cast %swap3A_223 : i32 to index
    %swap3A_225 = arith.constant 48 : index
    %swap3A_226 = tpu.vector_load %arg6[%swap3A_224, %swap3A_225] {strides = array<i32>} : memref<32x64xi32, #tpu.memory_space<vmem>>, vector<1x16xi32>,
    %swap3A_227 = vector.shape_cast %swap3A_226 : vector<1x16xi32> to vector<16xi32>
    %swap3A_228 = vector.shape_cast %add3A_222 : vector<16xi32> to vector<1x16xi32>
    tpu.vector_store %arg6[%swap3A_224, %swap3A_225], %swap3A_228 {strides = array<i32>} : memref<32x64xi32, #tpu.memory_space<vmem>>, vector<1x16xi32>,
    %dma_start3A_229 = arith.constant 3 : i32
    %dma_start3A_230 = arith.constant 0 : i32
    %dma_start3A_231 = tpu.memref_slice %arg6[%dma_start3A_229, %dma_start3A_230] : memref<32x64xi32, #tpu.memory_space<vmem>> -> memref<1x64xi32, #tpu.memory_space<vmem>>
    %dma_start3A_232 = tpu.memref_squeeze %dma_start3A_231 : memref<1x64xi32, #tpu.memory_space<vmem>> -> memref<64xi32, #tpu.memory_space<vmem>>
    %dma_start3A_233 = arith.constant 0 : i32
    %dma_start3A_234 = arith.constant 0 : i32
    %dma_start3A_235 = tpu.memref_slice %arg2[%dma_start3A_233, %dma_start3A_234] : memref<32768x256xf32, #tpu.memory_space<hbm>> -> memref<32768x256xf32, #tpu.memory_space<hbm>>
    tpu.enqueue_indirect_dma source(%dma_start3A_235 : memref<32768x256xf32, #tpu.memory_space<hbm>>) target(%arg10 : memref<64x256xf32, #tpu.memory_space<vmem>>) offsets(%dma_start3A_232 : memref<64xi32, #tpu.memory_space<vmem>>) semaphore(%arg17 : memref<!tpu.dma_semaphore, #tpu.memory_space<semaphore_mem>>)
    %get3A_236 = arith.constant 256 : index
    %get3A_237 = tpu.vector_load %arg5[%get3A_236] {strides = array<i32>} : memref<2048xi32, #tpu.memory_space<vmem>>, vector<16xi32>,
    %get3A_238 = vector.shape_cast %get3A_237 : vector<16xi32> to vector<16xi32>
    %mul3A_239 = arith.constant 16 : i32
    %mul3A_240 = vector.broadcast %mul3A_239 : i32 to vector<16xi32>
    %mul3A_241 = arith.muli %get3A_238, %mul3A_240 : vector<16xi32>
    %add3A_242 = arith.addi %mul3A_241, %iota3A : vector<16xi32>
    %swap3A_243 = arith.constant 4 : i32
    %swap3A_244 = arith.index_cast %swap3A_243 : i32 to index
    %swap3A_245 = arith.constant 0 : index
    %swap3A_246 = tpu.vector_load %arg6[%swap3A_244, %swap3A_245] {strides = array<i32>} : memref<32x64xi32, #tpu.memory_space<vmem>>, vector<1x16xi32>,
    %swap3A_247 = vector.shape_cast %swap3A_246 : vector<1x16xi32> to vector<16xi32>
    %swap3A_248 = vector.shape_cast %add3A_242 : vector<16xi32> to vector<1x16xi32>
    tpu.vector_store %arg6[%swap3A_244, %swap3A_245], %swap3A_248 {strides = array<i32>} : memref<32x64xi32, #tpu.memory_space<vmem>>, vector<1x16xi32>,
    %get3A_249 = arith.constant 272 : index
    %get3A_250 = tpu.vector_load %arg5[%get3A_249] {strides = array<i32>} : memref<2048xi32, #tpu.memory_space<vmem>>, vector<16xi32>,
    %get3A_251 = vector.shape_cast %get3A_250 : vector<16xi32> to vector<16xi32>
    %mul3A_252 = arith.constant 16 : i32
    %mul3A_253 = vector.broadcast %mul3A_252 : i32 to vector<16xi32>
    %mul3A_254 = arith.muli %get3A_251, %mul3A_253 : vector<16xi32>
    %add3A_255 = arith.addi %mul3A_254, %iota3A : vector<16xi32>
    %swap3A_256 = arith.constant 4 : i32
    %swap3A_257 = arith.index_cast %swap3A_256 : i32 to index
    %swap3A_258 = arith.constant 16 : index
    %swap3A_259 = tpu.vector_load %arg6[%swap3A_257, %swap3A_258] {strides = array<i32>} : memref<32x64xi32, #tpu.memory_space<vmem>>, vector<1x16xi32>,
    %swap3A_260 = vector.shape_cast %swap3A_259 : vector<1x16xi32> to vector<16xi32>
    %swap3A_261 = vector.shape_cast %add3A_255 : vector<16xi32> to vector<1x16xi32>
    tpu.vector_store %arg6[%swap3A_257, %swap3A_258], %swap3A_261 {strides = array<i32>} : memref<32x64xi32, #tpu.memory_space<vmem>>, vector<1x16xi32>,
    %get3A_262 = arith.constant 288 : index
    %get3A_263 = tpu.vector_load %arg5[%get3A_262] {strides = array<i32>} : memref<2048xi32, #tpu.memory_space<vmem>>, vector<16xi32>,
    %get3A_264 = vector.shape_cast %get3A_263 : vector<16xi32> to vector<16xi32>
    %mul3A_265 = arith.constant 16 : i32
    %mul3A_266 = vector.broadcast %mul3A_265 : i32 to vector<16xi32>
    %mul3A_267 = arith.muli %get3A_264, %mul3A_266 : vector<16xi32>
    %add3A_268 = arith.addi %mul3A_267, %iota3A : vector<16xi32>
    %swap3A_269 = arith.constant 4 : i32
    %swap3A_270 = arith.index_cast %swap3A_269 : i32 to index
    %swap3A_271 = arith.constant 32 : index
    %swap3A_272 = tpu.vector_load %arg6[%swap3A_270, %swap3A_271] {strides = array<i32>} : memref<32x64xi32, #tpu.memory_space<vmem>>, vector<1x16xi32>,
    %swap3A_273 = vector.shape_cast %swap3A_272 : vector<1x16xi32> to vector<16xi32>
    %swap3A_274 = vector.shape_cast %add3A_268 : vector<16xi32> to vector<1x16xi32>
    tpu.vector_store %arg6[%swap3A_270, %swap3A_271], %swap3A_274 {strides = array<i32>} : memref<32x64xi32, #tpu.memory_space<vmem>>, vector<1x16xi32>,
    %get3A_275 = arith.constant 304 : index
    %get3A_276 = tpu.vector_load %arg5[%get3A_275] {strides = array<i32>} : memref<2048xi32, #tpu.memory_space<vmem>>, vector<16xi32>,
    %get3A_277 = vector.shape_cast %get3A_276 : vector<16xi32> to vector<16xi32>
    %mul3A_278 = arith.constant 16 : i32
    %mul3A_279 = vector.broadcast %mul3A_278 : i32 to vector<16xi32>
    %mul3A_280 = arith.muli %get3A_277, %mul3A_279 : vector<16xi32>
    %add3A_281 = arith.addi %mul3A_280, %iota3A : vector<16xi32>
    %swap3A_282 = arith.constant 4 : i32
    %swap3A_283 = arith.index_cast %swap3A_282 : i32 to index
    %swap3A_284 = arith.constant 48 : index
    %swap3A_285 = tpu.vector_load %arg6[%swap3A_283, %swap3A_284] {strides = array<i32>} : memref<32x64xi32, #tpu.memory_space<vmem>>, vector<1x16xi32>,
    %swap3A_286 = vector.shape_cast %swap3A_285 : vector<1x16xi32> to vector<16xi32>
    %swap3A_287 = vector.shape_cast %add3A_281 : vector<16xi32> to vector<1x16xi32>
    tpu.vector_store %arg6[%swap3A_283, %swap3A_284], %swap3A_287 {strides = array<i32>} : memref<32x64xi32, #tpu.memory_space<vmem>>, vector<1x16xi32>,
    %dma_start3A_288 = arith.constant 4 : i32
    %dma_start3A_289 = arith.constant 0 : i32
    %dma_start3A_290 = tpu.memref_slice %arg6[%dma_start3A_288, %dma_start3A_289] : memref<32x64xi32, #tpu.memory_space<vmem>> -> memref<1x64xi32, #tpu.memory_space<vmem>>
    %dma_start3A_291 = tpu.memref_squeeze %dma_start3A_290 : memref<1x64xi32, #tpu.memory_space<vmem>> -> memref<64xi32, #tpu.memory_space<vmem>>
    %dma_start3A_292 = arith.constant 0 : i32
    %dma_start3A_293 = arith.constant 0 : i32
    %dma_start3A_294 = tpu.memref_slice %arg2[%dma_start3A_292, %dma_start3A_293] : memref<32768x256xf32, #tpu.memory_space<hbm>> -> memref<32768x256xf32, #tpu.memory_space<hbm>>
    tpu.enqueue_indirect_dma source(%dma_start3A_294 : memref<32768x256xf32, #tpu.memory_space<hbm>>) target(%arg11 : memref<64x256xf32, #tpu.memory_space<vmem>>) offsets(%dma_start3A_291 : memref<64xi32, #tpu.memory_space<vmem>>) semaphore(%arg18 : memref<!tpu.dma_semaphore, #tpu.memory_space<semaphore_mem>>)
    %dma_wait3A = arith.constant 0 : i32
    %dma_wait3A_295 = arith.constant 0 : i32
    %dma_wait3A_296 = tpu.memref_slice %arg6[%dma_wait3A, %dma_wait3A_295] : memref<32x64xi32, #tpu.memory_space<vmem>> -> memref<1x64xi32, #tpu.memory_space<vmem>>
    %dma_wait3A_297 = tpu.memref_squeeze %dma_wait3A_296 : memref<1x64xi32, #tpu.memory_space<vmem>> -> memref<64xi32, #tpu.memory_space<vmem>>
    %dma_wait3A_298 = arith.constant 0 : i32
    %dma_wait3A_299 = arith.constant 0 : i32
    %dma_wait3A_300 = tpu.memref_slice %arg2[%dma_wait3A_298, %dma_wait3A_299] : memref<32768x256xf32, #tpu.memory_space<hbm>> -> memref<32768x256xf32, #tpu.memory_space<hbm>>
    tpu.wait_indirect_dma semaphore(%arg14 : memref<!tpu.dma_semaphore, #tpu.memory_space<semaphore_mem>>) src(%dma_wait3A_300 : memref<32768x256xf32, #tpu.memory_space<hbm>>) dst(%arg7 : memref<64x256xf32, #tpu.memory_space<vmem>>)
    %add3A_301 = arith.constant 0 : i32
    %add3A_302 = arith.addi %mul3A_2, %add3A_301 : i32
    %dma_start3A_303 = arith.constant 0 : i32
    %dma_start3A_304 = tpu.memref_slice %arg4[%add3A_302, %dma_start3A_303] : memref<65536x256xf32, #tpu.memory_space<hbm>> -> memref<64x256xf32, #tpu.memory_space<hbm>>
    %dma_start3A_305 = arith.constant 0 : i32
    %dma_start3A_306 = tpu.memref_slice %arg4[%add3A_302, %dma_start3A_305] : memref<65536x256xf32, #tpu.memory_space<hbm>> -> memref<64x256xf32, #tpu.memory_space<hbm>>
    tpu.enqueue_dma source(%arg7 : memref<64x256xf32, #tpu.memory_space<vmem>>) target(%dma_start3A_306 : memref<64x256xf32, #tpu.memory_space<hbm>>) target_semaphore(%arg21 : memref<!tpu.dma_semaphore, #tpu.memory_space<semaphore_mem>>)
    %get3A_307 = arith.constant 320 : index
    %get3A_308 = tpu.vector_load %arg5[%get3A_307] {strides = array<i32>} : memref<2048xi32, #tpu.memory_space<vmem>>, vector<16xi32>,
    %get3A_309 = vector.shape_cast %get3A_308 : vector<16xi32> to vector<16xi32>
    %mul3A_310 = arith.constant 16 : i32
    %mul3A_311 = vector.broadcast %mul3A_310 : i32 to vector<16xi32>
    %mul3A_312 = arith.muli %get3A_309, %mul3A_311 : vector<16xi32>
    %add3A_313 = arith.addi %mul3A_312, %iota3A : vector<16xi32>
    %swap3A_314 = arith.constant 5 : i32
    %swap3A_315 = arith.index_cast %swap3A_314 : i32 to index
    %swap3A_316 = arith.constant 0 : index
    %swap3A_317 = tpu.vector_load %arg6[%swap3A_315, %swap3A_316] {strides = array<i32>} : memref<32x64xi32, #tpu.memory_space<vmem>>, vector<1x16xi32>,
    %swap3A_318 = vector.shape_cast %swap3A_317 : vector<1x16xi32> to vector<16xi32>
    %swap3A_319 = vector.shape_cast %add3A_313 : vector<16xi32> to vector<1x16xi32>
    tpu.vector_store %arg6[%swap3A_315, %swap3A_316], %swap3A_319 {strides = array<i32>} : memref<32x64xi32, #tpu.memory_space<vmem>>, vector<1x16xi32>,
    %get3A_320 = arith.constant 336 : index
    %get3A_321 = tpu.vector_load %arg5[%get3A_320] {strides = array<i32>} : memref<2048xi32, #tpu.memory_space<vmem>>, vector<16xi32>,
    %get3A_322 = vector.shape_cast %get3A_321 : vector<16xi32> to vector<16xi32>
    %mul3A_323 = arith.constant 16 : i32
    %mul3A_324 = vector.broadcast %mul3A_323 : i32 to vector<16xi32>
    %mul3A_325 = arith.muli %get3A_322, %mul3A_324 : vector<16xi32>
    %add3A_326 = arith.addi %mul3A_325, %iota3A : vector<16xi32>
    %swap3A_327 = arith.constant 5 : i32
    %swap3A_328 = arith.index_cast %swap3A_327 : i32 to index
    %swap3A_329 = arith.constant 16 : index
    %swap3A_330 = tpu.vector_load %arg6[%swap3A_328, %swap3A_329] {strides = array<i32>} : memref<32x64xi32, #tpu.memory_space<vmem>>, vector<1x16xi32>,
    %swap3A_331 = vector.shape_cast %swap3A_330 : vector<1x16xi32> to vector<16xi32>
    %swap3A_332 = vector.shape_cast %add3A_326 : vector<16xi32> to vector<1x16xi32>
    tpu.vector_store %arg6[%swap3A_328, %swap3A_329], %swap3A_332 {strides = array<i32>} : memref<32x64xi32, #tpu.memory_space<vmem>>, vector<1x16xi32>,
    %get3A_333 = arith.constant 352 : index
    %get3A_334 = tpu.vector_load %arg5[%get3A_333] {strides = array<i32>} : memref<2048xi32, #tpu.memory_space<vmem>>, vector<16xi32>,
    %get3A_335 = vector.shape_cast %get3A_334 : vector<16xi32> to vector<16xi32>
    %mul3A_336 = arith.constant 16 : i32
    %mul3A_337 = vector.broadcast %mul3A_336 : i32 to vector<16xi32>
    %mul3A_338 = arith.muli %get3A_335, %mul3A_337 : vector<16xi32>
    %add3A_339 = arith.addi %mul3A_338, %iota3A : vector<16xi32>
    %swap3A_340 = arith.constant 5 : i32
    %swap3A_341 = arith.index_cast %swap3A_340 : i32 to index
    %swap3A_342 = arith.constant 32 : index
    %swap3A_343 = tpu.vector_load %arg6[%swap3A_341, %swap3A_342] {strides = array<i32>} : memref<32x64xi32, #tpu.memory_space<vmem>>, vector<1x16xi32>,
    %swap3A_344 = vector.shape_cast %swap3A_343 : vector<1x16xi32> to vector<16xi32>
    %swap3A_345 = vector.shape_cast %add3A_339 : vector<16xi32> to vector<1x16xi32>
    tpu.vector_store %arg6[%swap3A_341, %swap3A_342], %swap3A_345 {strides = array<i32>} : memref<32x64xi32, #tpu.memory_space<vmem>>, vector<1x16xi32>,
    %get3A_346 = arith.constant 368 : index
    %get3A_347 = tpu.vector_load %arg5[%get3A_346] {strides = array<i32>} : memref<2048xi32, #tpu.memory_space<vmem>>, vector<16xi32>,
    %get3A_348 = vector.shape_cast %get3A_347 : vector<16xi32> to vector<16xi32>
    %mul3A_349 = arith.constant 16 : i32
    %mul3A_350 = vector.broadcast %mul3A_349 : i32 to vector<16xi32>
    %mul3A_351 = arith.muli %get3A_348, %mul3A_350 : vector<16xi32>
    %add3A_352 = arith.addi %mul3A_351, %iota3A : vector<16xi32>
    %swap3A_353 = arith.constant 5 : i32
    %swap3A_354 = arith.index_cast %swap3A_353 : i32 to index
    %swap3A_355 = arith.constant 48 : index
    %swap3A_356 = tpu.vector_load %arg6[%swap3A_354, %swap3A_355] {strides = array<i32>} : memref<32x64xi32, #tpu.memory_space<vmem>>, vector<1x16xi32>,
    %swap3A_357 = vector.shape_cast %swap3A_356 : vector<1x16xi32> to vector<16xi32>
    %swap3A_358 = vector.shape_cast %add3A_352 : vector<16xi32> to vector<1x16xi32>
    tpu.vector_store %arg6[%swap3A_354, %swap3A_355], %swap3A_358 {strides = array<i32>} : memref<32x64xi32, #tpu.memory_space<vmem>>, vector<1x16xi32>,
    %dma_start3A_359 = arith.constant 5 : i32
    %dma_start3A_360 = arith.constant 0 : i32
    %dma_start3A_361 = tpu.memref_slice %arg6[%dma_start3A_359, %dma_start3A_360] : memref<32x64xi32, #tpu.memory_space<vmem>> -> memref<1x64xi32, #tpu.memory_space<vmem>>
    %dma_start3A_362 = tpu.memref_squeeze %dma_start3A_361 : memref<1x64xi32, #tpu.memory_space<vmem>> -> memref<64xi32, #tpu.memory_space<vmem>>
    %dma_start3A_363 = arith.constant 0 : i32
    %dma_start3A_364 = arith.constant 0 : i32
    %dma_start3A_365 = tpu.memref_slice %arg2[%dma_start3A_363, %dma_start3A_364] : memref<32768x256xf32, #tpu.memory_space<hbm>> -> memref<32768x256xf32, #tpu.memory_space<hbm>>
    tpu.enqueue_indirect_dma source(%dma_start3A_365 : memref<32768x256xf32, #tpu.memory_space<hbm>>) target(%arg12 : memref<64x256xf32, #tpu.memory_space<vmem>>) offsets(%dma_start3A_362 : memref<64xi32, #tpu.memory_space<vmem>>) semaphore(%arg19 : memref<!tpu.dma_semaphore, #tpu.memory_space<semaphore_mem>>)
    %dma_wait3A_366 = arith.constant 1 : i32
    %dma_wait3A_367 = arith.constant 0 : i32
    %dma_wait3A_368 = tpu.memref_slice %arg6[%dma_wait3A_366, %dma_wait3A_367] : memref<32x64xi32, #tpu.memory_space<vmem>> -> memref<1x64xi32, #tpu.memory_space<vmem>>
    %dma_wait3A_369 = tpu.memref_squeeze %dma_wait3A_368 : memref<1x64xi32, #tpu.memory_space<vmem>> -> memref<64xi32, #tpu.memory_space<vmem>>
    %dma_wait3A_370 = arith.constant 0 : i32
    %dma_wait3A_371 = arith.constant 0 : i32
    %dma_wait3A_372 = tpu.memref_slice %arg2[%dma_wait3A_370, %dma_wait3A_371] : memref<32768x256xf32, #tpu.memory_space<hbm>> -> memref<32768x256xf32, #tpu.memory_space<hbm>>
    tpu.wait_indirect_dma semaphore(%arg15 : memref<!tpu.dma_semaphore, #tpu.memory_space<semaphore_mem>>) src(%dma_wait3A_372 : memref<32768x256xf32, #tpu.memory_space<hbm>>) dst(%arg8 : memref<64x256xf32, #tpu.memory_space<vmem>>)
    %add3A_373 = arith.constant 64 : i32
    %add3A_374 = arith.addi %mul3A_2, %add3A_373 : i32
    %dma_start3A_375 = arith.constant 0 : i32
    %dma_start3A_376 = tpu.memref_slice %arg4[%add3A_374, %dma_start3A_375] : memref<65536x256xf32, #tpu.memory_space<hbm>> -> memref<64x256xf32, #tpu.memory_space<hbm>>
    %dma_start3A_377 = arith.constant 0 : i32
    %dma_start3A_378 = tpu.memref_slice %arg4[%add3A_374, %dma_start3A_377] : memref<65536x256xf32, #tpu.memory_space<hbm>> -> memref<64x256xf32, #tpu.memory_space<hbm>>
    tpu.enqueue_dma source(%arg8 : memref<64x256xf32, #tpu.memory_space<vmem>>) target(%dma_start3A_378 : memref<64x256xf32, #tpu.memory_space<hbm>>) target_semaphore(%arg22 : memref<!tpu.dma_semaphore, #tpu.memory_space<semaphore_mem>>)
    %get3A_379 = arith.constant 384 : index
    %get3A_380 = tpu.vector_load %arg5[%get3A_379] {strides = array<i32>} : memref<2048xi32, #tpu.memory_space<vmem>>, vector<16xi32>,
    %get3A_381 = vector.shape_cast %get3A_380 : vector<16xi32> to vector<16xi32>
    %mul3A_382 = arith.constant 16 : i32
    %mul3A_383 = vector.broadcast %mul3A_382 : i32 to vector<16xi32>
    %mul3A_384 = arith.muli %get3A_381, %mul3A_383 : vector<16xi32>
    %add3A_385 = arith.addi %mul3A_384, %iota3A : vector<16xi32>
    %swap3A_386 = arith.constant 6 : i32
    %swap3A_387 = arith.index_cast %swap3A_386 : i32 to index
    %swap3A_388 = arith.constant 0 : index
    %swap3A_389 = tpu.vector_load %arg6[%swap3A_387, %swap3A_388] {strides = array<i32>} : memref<32x64xi32, #tpu.memory_space<vmem>>, vector<1x16xi32>,
    %swap3A_390 = vector.shape_cast %swap3A_389 : vector<1x16xi32> to vector<16xi32>
    %swap3A_391 = vector.shape_cast %add3A_385 : vector<16xi32> to vector<1x16xi32>
    tpu.vector_store %arg6[%swap3A_387, %swap3A_388], %swap3A_391 {strides = array<i32>} : memref<32x64xi32, #tpu.memory_space<vmem>>, vector<1x16xi32>,
    %get3A_392 = arith.constant 400 : index
    %get3A_393 = tpu.vector_load %arg5[%get3A_392] {strides = array<i32>} : memref<2048xi32, #tpu.memory_space<vmem>>, vector<16xi32>,
    %get3A_394 = vector.shape_cast %get3A_393 : vector<16xi32> to vector<16xi32>
    %mul3A_395 = arith.constant 16 : i32
    %mul3A_396 = vector.broadcast %mul3A_395 : i32 to vector<16xi32>
    %mul3A_397 = arith.muli %get3A_394, %mul3A_396 : vector<16xi32>
    %add3A_398 = arith.addi %mul3A_397, %iota3A : vector<16xi32>
    %swap3A_399 = arith.constant 6 : i32
    %swap3A_400 = arith.index_cast %swap3A_399 : i32 to index
    %swap3A_401 = arith.constant 16 : index
    %swap3A_402 = tpu.vector_load %arg6[%swap3A_400, %swap3A_401] {strides = array<i32>} : memref<32x64xi32, #tpu.memory_space<vmem>>, vector<1x16xi32>,
    %swap3A_403 = vector.shape_cast %swap3A_402 : vector<1x16xi32> to vector<16xi32>
    %swap3A_404 = vector.shape_cast %add3A_398 : vector<16xi32> to vector<1x16xi32>
    tpu.vector_store %arg6[%swap3A_400, %swap3A_401], %swap3A_404 {strides = array<i32>} : memref<32x64xi32, #tpu.memory_space<vmem>>, vector<1x16xi32>,
    %get3A_405 = arith.constant 416 : index
    %get3A_406 = tpu.vector_load %arg5[%get3A_405] {strides = array<i32>} : memref<2048xi32, #tpu.memory_space<vmem>>, vector<16xi32>,
    %get3A_407 = vector.shape_cast %get3A_406 : vector<16xi32> to vector<16xi32>
    %mul3A_408 = arith.constant 16 : i32
    %mul3A_409 = vector.broadcast %mul3A_408 : i32 to vector<16xi32>
    %mul3A_410 = arith.muli %get3A_407, %mul3A_409 : vector<16xi32>
    %add3A_411 = arith.addi %mul3A_410, %iota3A : vector<16xi32>
    %swap3A_412 = arith.constant 6 : i32
    %swap3A_413 = arith.index_cast %swap3A_412 : i32 to index
    %swap3A_414 = arith.constant 32 : index
    %swap3A_415 = tpu.vector_load %arg6[%swap3A_413, %swap3A_414] {strides = array<i32>} : memref<32x64xi32, #tpu.memory_space<vmem>>, vector<1x16xi32>,
    %swap3A_416 = vector.shape_cast %swap3A_415 : vector<1x16xi32> to vector<16xi32>
    %swap3A_417 = vector.shape_cast %add3A_411 : vector<16xi32> to vector<1x16xi32>
    tpu.vector_store %arg6[%swap3A_413, %swap3A_414], %swap3A_417 {strides = array<i32>} : memref<32x64xi32, #tpu.memory_space<vmem>>, vector<1x16xi32>,
    %get3A_418 = arith.constant 432 : index
    %get3A_419 = tpu.vector_load %arg5[%get3A_418] {strides = array<i32>} : memref<2048xi32, #tpu.memory_space<vmem>>, vector<16xi32>,
    %get3A_420 = vector.shape_cast %get3A_419 : vector<16xi32> to vector<16xi32>
    %mul3A_421 = arith.constant 16 : i32
    %mul3A_422 = vector.broadcast %mul3A_421 : i32 to vector<16xi32>
    %mul3A_423 = arith.muli %get3A_420, %mul3A_422 : vector<16xi32>
    %add3A_424 = arith.addi %mul3A_423, %iota3A : vector<16xi32>
    %swap3A_425 = arith.constant 6 : i32
    %swap3A_426 = arith.index_cast %swap3A_425 : i32 to index
    %swap3A_427 = arith.constant 48 : index
    %swap3A_428 = tpu.vector_load %arg6[%swap3A_426, %swap3A_427] {strides = array<i32>} : memref<32x64xi32, #tpu.memory_space<vmem>>, vector<1x16xi32>,
    %swap3A_429 = vector.shape_cast %swap3A_428 : vector<1x16xi32> to vector<16xi32>
    %swap3A_430 = vector.shape_cast %add3A_424 : vector<16xi32> to vector<1x16xi32>
    tpu.vector_store %arg6[%swap3A_426, %swap3A_427], %swap3A_430 {strides = array<i32>} : memref<32x64xi32, #tpu.memory_space<vmem>>, vector<1x16xi32>,
    %dma_start3A_431 = arith.constant 6 : i32
    %dma_start3A_432 = arith.constant 0 : i32
    %dma_start3A_433 = tpu.memref_slice %arg6[%dma_start3A_431, %dma_start3A_432] : memref<32x64xi32, #tpu.memory_space<vmem>> -> memref<1x64xi32, #tpu.memory_space<vmem>>
    %dma_start3A_434 = tpu.memref_squeeze %dma_start3A_433 : memref<1x64xi32, #tpu.memory_space<vmem>> -> memref<64xi32, #tpu.memory_space<vmem>>
    %dma_start3A_435 = arith.constant 0 : i32
    %dma_start3A_436 = arith.constant 0 : i32
    %dma_start3A_437 = tpu.memref_slice %arg2[%dma_start3A_435, %dma_start3A_436] : memref<32768x256xf32, #tpu.memory_space<hbm>> -> memref<32768x256xf32, #tpu.memory_space<hbm>>
    tpu.enqueue_indirect_dma source(%dma_start3A_437 : memref<32768x256xf32, #tpu.memory_space<hbm>>) target(%arg13 : memref<64x256xf32, #tpu.memory_space<vmem>>) offsets(%dma_start3A_434 : memref<64xi32, #tpu.memory_space<vmem>>) semaphore(%arg20 : memref<!tpu.dma_semaphore, #tpu.memory_space<semaphore_mem>>)
    %dma_wait3A_438 = arith.constant 2 : i32
    %dma_wait3A_439 = arith.constant 0 : i32
    %dma_wait3A_440 = tpu.memref_slice %arg6[%dma_wait3A_438, %dma_wait3A_439] : memref<32x64xi32, #tpu.memory_space<vmem>> -> memref<1x64xi32, #tpu.memory_space<vmem>>
    %dma_wait3A_441 = tpu.memref_squeeze %dma_wait3A_440 : memref<1x64xi32, #tpu.memory_space<vmem>> -> memref<64xi32, #tpu.memory_space<vmem>>
    %dma_wait3A_442 = arith.constant 0 : i32
    %dma_wait3A_443 = arith.constant 0 : i32
    %dma_wait3A_444 = tpu.memref_slice %arg2[%dma_wait3A_442, %dma_wait3A_443] : memref<32768x256xf32, #tpu.memory_space<hbm>> -> memref<32768x256xf32, #tpu.memory_space<hbm>>
    tpu.wait_indirect_dma semaphore(%arg16 : memref<!tpu.dma_semaphore, #tpu.memory_space<semaphore_mem>>) src(%dma_wait3A_444 : memref<32768x256xf32, #tpu.memory_space<hbm>>) dst(%arg9 : memref<64x256xf32, #tpu.memory_space<vmem>>)
    %add3A_445 = arith.constant 128 : i32
    %add3A_446 = arith.addi %mul3A_2, %add3A_445 : i32
    %dma_start3A_447 = arith.constant 0 : i32
    %dma_start3A_448 = tpu.memref_slice %arg4[%add3A_446, %dma_start3A_447] : memref<65536x256xf32, #tpu.memory_space<hbm>> -> memref<64x256xf32, #tpu.memory_space<hbm>>
    %dma_start3A_449 = arith.constant 0 : i32
    %dma_start3A_450 = tpu.memref_slice %arg4[%add3A_446, %dma_start3A_449] : memref<65536x256xf32, #tpu.memory_space<hbm>> -> memref<64x256xf32, #tpu.memory_space<hbm>>
    tpu.enqueue_dma source(%arg9 : memref<64x256xf32, #tpu.memory_space<vmem>>) target(%dma_start3A_450 : memref<64x256xf32, #tpu.memory_space<hbm>>) target_semaphore(%arg23 : memref<!tpu.dma_semaphore, #tpu.memory_space<semaphore_mem>>)
    %dma_wait3A_451 = arith.constant 0 : i32
    %dma_wait3A_452 = tpu.memref_slice %arg4[%add3A_302, %dma_wait3A_451] : memref<65536x256xf32, #tpu.memory_space<hbm>> -> memref<64x256xf32, #tpu.memory_space<hbm>>
    %dma_wait3A_453 = arith.constant 0 : i32
    %dma_wait3A_454 = tpu.memref_slice %arg4[%add3A_302, %dma_wait3A_453] : memref<65536x256xf32, #tpu.memory_space<hbm>> -> memref<64x256xf32, #tpu.memory_space<hbm>>
    tpu.wait_dma2 semaphore(%arg21 : memref<!tpu.dma_semaphore, #tpu.memory_space<semaphore_mem>>) src(%arg7 : memref<64x256xf32, #tpu.memory_space<vmem>>) dst(%dma_wait3A_454 : memref<64x256xf32, #tpu.memory_space<hbm>>)
    %get3A_455 = arith.constant 448 : index
    %get3A_456 = tpu.vector_load %arg5[%get3A_455] {strides = array<i32>} : memref<2048xi32, #tpu.memory_space<vmem>>, vector<16xi32>,
    %get3A_457 = vector.shape_cast %get3A_456 : vector<16xi32> to vector<16xi32>
    %mul3A_458 = arith.constant 16 : i32
    %mul3A_459 = vector.broadcast %mul3A_458 : i32 to vector<16xi32>
    %mul3A_460 = arith.muli %get3A_457, %mul3A_459 : vector<16xi32>
    %add3A_461 = arith.addi %mul3A_460, %iota3A : vector<16xi32>
    %swap3A_462 = arith.constant 7 : i32
    %swap3A_463 = arith.index_cast %swap3A_462 : i32 to index
    %swap3A_464 = arith.constant 0 : index
    %swap3A_465 = tpu.vector_load %arg6[%swap3A_463, %swap3A_464] {strides = array<i32>} : memref<32x64xi32, #tpu.memory_space<vmem>>, vector<1x16xi32>,
    %swap3A_466 = vector.shape_cast %swap3A_465 : vector<1x16xi32> to vector<16xi32>
    %swap3A_467 = vector.shape_cast %add3A_461 : vector<16xi32> to vector<1x16xi32>
    tpu.vector_store %arg6[%swap3A_463, %swap3A_464], %swap3A_467 {strides = array<i32>} : memref<32x64xi32, #tpu.memory_space<vmem>>, vector<1x16xi32>,
    %get3A_468 = arith.constant 464 : index
    %get3A_469 = tpu.vector_load %arg5[%get3A_468] {strides = array<i32>} : memref<2048xi32, #tpu.memory_space<vmem>>, vector<16xi32>,
    %get3A_470 = vector.shape_cast %get3A_469 : vector<16xi32> to vector<16xi32>
    %mul3A_471 = arith.constant 16 : i32
    %mul3A_472 = vector.broadcast %mul3A_471 : i32 to vector<16xi32>
    %mul3A_473 = arith.muli %get3A_470, %mul3A_472 : vector<16xi32>
    %add3A_474 = arith.addi %mul3A_473, %iota3A : vector<16xi32>
    %swap3A_475 = arith.constant 7 : i32
    %swap3A_476 = arith.index_cast %swap3A_475 : i32 to index
    %swap3A_477 = arith.constant 16 : index
    %swap3A_478 = tpu.vector_load %arg6[%swap3A_476, %swap3A_477] {strides = array<i32>} : memref<32x64xi32, #tpu.memory_space<vmem>>, vector<1x16xi32>,
    %swap3A_479 = vector.shape_cast %swap3A_478 : vector<1x16xi32> to vector<16xi32>
    %swap3A_480 = vector.shape_cast %add3A_474 : vector<16xi32> to vector<1x16xi32>
    tpu.vector_store %arg6[%swap3A_476, %swap3A_477], %swap3A_480 {strides = array<i32>} : memref<32x64xi32, #tpu.memory_space<vmem>>, vector<1x16xi32>,
    %get3A_481 = arith.constant 480 : index
    %get3A_482 = tpu.vector_load %arg5[%get3A_481] {strides = array<i32>} : memref<2048xi32, #tpu.memory_space<vmem>>, vector<16xi32>,
    %get3A_483 = vector.shape_cast %get3A_482 : vector<16xi32> to vector<16xi32>
    %mul3A_484 = arith.constant 16 : i32
    %mul3A_485 = vector.broadcast %mul3A_484 : i32 to vector<16xi32>
    %mul3A_486 = arith.muli %get3A_483, %mul3A_485 : vector<16xi32>
    %add3A_487 = arith.addi %mul3A_486, %iota3A : vector<16xi32>
    %swap3A_488 = arith.constant 7 : i32
    %swap3A_489 = arith.index_cast %swap3A_488 : i32 to index
    %swap3A_490 = arith.constant 32 : index
    %swap3A_491 = tpu.vector_load %arg6[%swap3A_489, %swap3A_490] {strides = array<i32>} : memref<32x64xi32, #tpu.memory_space<vmem>>, vector<1x16xi32>,
    %swap3A_492 = vector.shape_cast %swap3A_491 : vector<1x16xi32> to vector<16xi32>
    %swap3A_493 = vector.shape_cast %add3A_487 : vector<16xi32> to vector<1x16xi32>
    tpu.vector_store %arg6[%swap3A_489, %swap3A_490], %swap3A_493 {strides = array<i32>} : memref<32x64xi32, #tpu.memory_space<vmem>>, vector<1x16xi32>,
    %get3A_494 = arith.constant 496 : index
    %get3A_495 = tpu.vector_load %arg5[%get3A_494] {strides = array<i32>} : memref<2048xi32, #tpu.memory_space<vmem>>, vector<16xi32>,
    %get3A_496 = vector.shape_cast %get3A_495 : vector<16xi32> to vector<16xi32>
    %mul3A_497 = arith.constant 16 : i32
    %mul3A_498 = vector.broadcast %mul3A_497 : i32 to vector<16xi32>
    %mul3A_499 = arith.muli %get3A_496, %mul3A_498 : vector<16xi32>
    %add3A_500 = arith.addi %mul3A_499, %iota3A : vector<16xi32>
    %swap3A_501 = arith.constant 7 : i32
    %swap3A_502 = arith.index_cast %swap3A_501 : i32 to index
    %swap3A_503 = arith.constant 48 : index
    %swap3A_504 = tpu.vector_load %arg6[%swap3A_502, %swap3A_503] {strides = array<i32>} : memref<32x64xi32, #tpu.memory_space<vmem>>, vector<1x16xi32>,
    %swap3A_505 = vector.shape_cast %swap3A_504 : vector<1x16xi32> to vector<16xi32>
    %swap3A_506 = vector.shape_cast %add3A_500 : vector<16xi32> to vector<1x16xi32>
    tpu.vector_store %arg6[%swap3A_502, %swap3A_503], %swap3A_506 {strides = array<i32>} : memref<32x64xi32, #tpu.memory_space<vmem>>, vector<1x16xi32>,
    %dma_start3A_507 = arith.constant 7 : i32
    %dma_start3A_508 = arith.constant 0 : i32
    %dma_start3A_509 = tpu.memref_slice %arg6[%dma_start3A_507, %dma_start3A_508] : memref<32x64xi32, #tpu.memory_space<vmem>> -> memref<1x64xi32, #tpu.memory_space<vmem>>
    %dma_start3A_510 = tpu.memref_squeeze %dma_start3A_509 : memref<1x64xi32, #tpu.memory_space<vmem>> -> memref<64xi32, #tpu.memory_space<vmem>>
    %dma_start3A_511 = arith.constant 0 : i32
    %dma_start3A_512 = arith.constant 0 : i32
    %dma_start3A_513 = tpu.memref_slice %arg2[%dma_start3A_511, %dma_start3A_512] : memref<32768x256xf32, #tpu.memory_space<hbm>> -> memref<32768x256xf32, #tpu.memory_space<hbm>>
    tpu.enqueue_indirect_dma source(%dma_start3A_513 : memref<32768x256xf32, #tpu.memory_space<hbm>>) target(%arg7 : memref<64x256xf32, #tpu.memory_space<vmem>>) offsets(%dma_start3A_510 : memref<64xi32, #tpu.memory_space<vmem>>) semaphore(%arg14 : memref<!tpu.dma_semaphore, #tpu.memory_space<semaphore_mem>>)
    %dma_wait3A_514 = arith.constant 3 : i32
    %dma_wait3A_515 = arith.constant 0 : i32
    %dma_wait3A_516 = tpu.memref_slice %arg6[%dma_wait3A_514, %dma_wait3A_515] : memref<32x64xi32, #tpu.memory_space<vmem>> -> memref<1x64xi32, #tpu.memory_space<vmem>>
    %dma_wait3A_517 = tpu.memref_squeeze %dma_wait3A_516 : memref<1x64xi32, #tpu.memory_space<vmem>> -> memref<64xi32, #tpu.memory_space<vmem>>
    %dma_wait3A_518 = arith.constant 0 : i32
    %dma_wait3A_519 = arith.constant 0 : i32
    %dma_wait3A_520 = tpu.memref_slice %arg2[%dma_wait3A_518, %dma_wait3A_519] : memref<32768x256xf32, #tpu.memory_space<hbm>> -> memref<32768x256xf32, #tpu.memory_space<hbm>>
    tpu.wait_indirect_dma semaphore(%arg17 : memref<!tpu.dma_semaphore, #tpu.memory_space<semaphore_mem>>) src(%dma_wait3A_520 : memref<32768x256xf32, #tpu.memory_space<hbm>>) dst(%arg10 : memref<64x256xf32, #tpu.memory_space<vmem>>)
    %add3A_521 = arith.constant 192 : i32
    %add3A_522 = arith.addi %mul3A_2, %add3A_521 : i32
    %dma_start3A_523 = arith.constant 0 : i32
    %dma_start3A_524 = tpu.memref_slice %arg4[%add3A_522, %dma_start3A_523] : memref<65536x256xf32, #tpu.memory_space<hbm>> -> memref<64x256xf32, #tpu.memory_space<hbm>>
    %dma_start3A_525 = arith.constant 0 : i32
    %dma_start3A_526 = tpu.memref_slice %arg4[%add3A_522, %dma_start3A_525] : memref<65536x256xf32, #tpu.memory_space<hbm>> -> memref<64x256xf32, #tpu.memory_space<hbm>>
    tpu.enqueue_dma source(%arg10 : memref<64x256xf32, #tpu.memory_space<vmem>>) target(%dma_start3A_526 : memref<64x256xf32, #tpu.memory_space<hbm>>) target_semaphore(%arg24 : memref<!tpu.dma_semaphore, #tpu.memory_space<semaphore_mem>>)
    %dma_wait3A_527 = arith.constant 0 : i32
    %dma_wait3A_528 = tpu.memref_slice %arg4[%add3A_374, %dma_wait3A_527] : memref<65536x256xf32, #tpu.memory_space<hbm>> -> memref<64x256xf32, #tpu.memory_space<hbm>>
    %dma_wait3A_529 = arith.constant 0 : i32
    %dma_wait3A_530 = tpu.memref_slice %arg4[%add3A_374, %dma_wait3A_529] : memref<65536x256xf32, #tpu.memory_space<hbm>> -> memref<64x256xf32, #tpu.memory_space<hbm>>
    tpu.wait_dma2 semaphore(%arg22 : memref<!tpu.dma_semaphore, #tpu.memory_space<semaphore_mem>>) src(%arg8 : memref<64x256xf32, #tpu.memory_space<vmem>>) dst(%dma_wait3A_530 : memref<64x256xf32, #tpu.memory_space<hbm>>)
    %get3A_531 = arith.constant 512 : index
    %get3A_532 = tpu.vector_load %arg5[%get3A_531] {strides = array<i32>} : memref<2048xi32, #tpu.memory_space<vmem>>, vector<16xi32>,
    %get3A_533 = vector.shape_cast %get3A_532 : vector<16xi32> to vector<16xi32>
    %mul3A_534 = arith.constant 16 : i32
    %mul3A_535 = vector.broadcast %mul3A_534 : i32 to vector<16xi32>
    %mul3A_536 = arith.muli %get3A_533, %mul3A_535 : vector<16xi32>
    %add3A_537 = arith.addi %mul3A_536, %iota3A : vector<16xi32>
    %swap3A_538 = arith.constant 8 : i32
    %swap3A_539 = arith.index_cast %swap3A_538 : i32 to index
    %swap3A_540 = arith.constant 0 : index
    %swap3A_541 = tpu.vector_load %arg6[%swap3A_539, %swap3A_540] {strides = array<i32>} : memref<32x64xi32, #tpu.memory_space<vmem>>, vector<1x16xi32>,
    %swap3A_542 = vector.shape_cast %swap3A_541 : vector<1x16xi32> to vector<16xi32>
    %swap3A_543 = vector.shape_cast %add3A_537 : vector<16xi32> to vector<1x16xi32>
    tpu.vector_store %arg6[%swap3A_539, %swap3A_540], %swap3A_543 {strides = array<i32>} : memref<32x64xi32, #tpu.memory_space<vmem>>, vector<1x16xi32>,
    %get3A_544 = arith.constant 528 : index
    %get3A_545 = tpu.vector_load %arg5[%get3A_544] {strides = array<i32>} : memref<2048xi32, #tpu.memory_space<vmem>>, vector<16xi32>,
    %get3A_546 = vector.shape_cast %get3A_545 : vector<16xi32> to vector<16xi32>
    %mul3A_547 = arith.constant 16 : i32
    %mul3A_548 = vector.broadcast %mul3A_547 : i32 to vector<16xi32>
    %mul3A_549 = arith.muli %get3A_546, %mul3A_548 : vector<16xi32>
    %add3A_550 = arith.addi %mul3A_549, %iota3A : vector<16xi32>
    %swap3A_551 = arith.constant 8 : i32
    %swap3A_552 = arith.index_cast %swap3A_551 : i32 to index
    %swap3A_553 = arith.constant 16 : index
    %swap3A_554 = tpu.vector_load %arg6[%swap3A_552, %swap3A_553] {strides = array<i32>} : memref<32x64xi32, #tpu.memory_space<vmem>>, vector<1x16xi32>,
    %swap3A_555 = vector.shape_cast %swap3A_554 : vector<1x16xi32> to vector<16xi32>
    %swap3A_556 = vector.shape_cast %add3A_550 : vector<16xi32> to vector<1x16xi32>
    tpu.vector_store %arg6[%swap3A_552, %swap3A_553], %swap3A_556 {strides = array<i32>} : memref<32x64xi32, #tpu.memory_space<vmem>>, vector<1x16xi32>,
    %get3A_557 = arith.constant 544 : index
    %get3A_558 = tpu.vector_load %arg5[%get3A_557] {strides = array<i32>} : memref<2048xi32, #tpu.memory_space<vmem>>, vector<16xi32>,
    %get3A_559 = vector.shape_cast %get3A_558 : vector<16xi32> to vector<16xi32>
    %mul3A_560 = arith.constant 16 : i32
    %mul3A_561 = vector.broadcast %mul3A_560 : i32 to vector<16xi32>
    %mul3A_562 = arith.muli %get3A_559, %mul3A_561 : vector<16xi32>
    %add3A_563 = arith.addi %mul3A_562, %iota3A : vector<16xi32>
    %swap3A_564 = arith.constant 8 : i32
    %swap3A_565 = arith.index_cast %swap3A_564 : i32 to index
    %swap3A_566 = arith.constant 32 : index
    %swap3A_567 = tpu.vector_load %arg6[%swap3A_565, %swap3A_566] {strides = array<i32>} : memref<32x64xi32, #tpu.memory_space<vmem>>, vector<1x16xi32>,
    %swap3A_568 = vector.shape_cast %swap3A_567 : vector<1x16xi32> to vector<16xi32>
    %swap3A_569 = vector.shape_cast %add3A_563 : vector<16xi32> to vector<1x16xi32>
    tpu.vector_store %arg6[%swap3A_565, %swap3A_566], %swap3A_569 {strides = array<i32>} : memref<32x64xi32, #tpu.memory_space<vmem>>, vector<1x16xi32>,
    %get3A_570 = arith.constant 560 : index
    %get3A_571 = tpu.vector_load %arg5[%get3A_570] {strides = array<i32>} : memref<2048xi32, #tpu.memory_space<vmem>>, vector<16xi32>,
    %get3A_572 = vector.shape_cast %get3A_571 : vector<16xi32> to vector<16xi32>
    %mul3A_573 = arith.constant 16 : i32
    %mul3A_574 = vector.broadcast %mul3A_573 : i32 to vector<16xi32>
    %mul3A_575 = arith.muli %get3A_572, %mul3A_574 : vector<16xi32>
    %add3A_576 = arith.addi %mul3A_575, %iota3A : vector<16xi32>
    %swap3A_577 = arith.constant 8 : i32
    %swap3A_578 = arith.index_cast %swap3A_577 : i32 to index
    %swap3A_579 = arith.constant 48 : index
    %swap3A_580 = tpu.vector_load %arg6[%swap3A_578, %swap3A_579] {strides = array<i32>} : memref<32x64xi32, #tpu.memory_space<vmem>>, vector<1x16xi32>,
    %swap3A_581 = vector.shape_cast %swap3A_580 : vector<1x16xi32> to vector<16xi32>
    %swap3A_582 = vector.shape_cast %add3A_576 : vector<16xi32> to vector<1x16xi32>
    tpu.vector_store %arg6[%swap3A_578, %swap3A_579], %swap3A_582 {strides = array<i32>} : memref<32x64xi32, #tpu.memory_space<vmem>>, vector<1x16xi32>,
    %dma_start3A_583 = arith.constant 8 : i32
    %dma_start3A_584 = arith.constant 0 : i32
    %dma_start3A_585 = tpu.memref_slice %arg6[%dma_start3A_583, %dma_start3A_584] : memref<32x64xi32, #tpu.memory_space<vmem>> -> memref<1x64xi32, #tpu.memory_space<vmem>>
    %dma_start3A_586 = tpu.memref_squeeze %dma_start3A_585 : memref<1x64xi32, #tpu.memory_space<vmem>> -> memref<64xi32, #tpu.memory_space<vmem>>
    %dma_start3A_587 = arith.constant 0 : i32
    %dma_start3A_588 = arith.constant 0 : i32
    %dma_start3A_589 = tpu.memref_slice %arg2[%dma_start3A_587, %dma_start3A_588] : memref<32768x256xf32, #tpu.memory_space<hbm>> -> memref<32768x256xf32, #tpu.memory_space<hbm>>
    tpu.enqueue_indirect_dma source(%dma_start3A_589 : memref<32768x256xf32, #tpu.memory_space<hbm>>) target(%arg8 : memref<64x256xf32, #tpu.memory_space<vmem>>) offsets(%dma_start3A_586 : memref<64xi32, #tpu.memory_space<vmem>>) semaphore(%arg15 : memref<!tpu.dma_semaphore, #tpu.memory_space<semaphore_mem>>)
    %dma_wait3A_590 = arith.constant 4 : i32
    %dma_wait3A_591 = arith.constant 0 : i32
    %dma_wait3A_592 = tpu.memref_slice %arg6[%dma_wait3A_590, %dma_wait3A_591] : memref<32x64xi32, #tpu.memory_space<vmem>> -> memref<1x64xi32, #tpu.memory_space<vmem>>
    %dma_wait3A_593 = tpu.memref_squeeze %dma_wait3A_592 : memref<1x64xi32, #tpu.memory_space<vmem>> -> memref<64xi32, #tpu.memory_space<vmem>>
    %dma_wait3A_594 = arith.constant 0 : i32
    %dma_wait3A_595 = arith.constant 0 : i32
    %dma_wait3A_596 = tpu.memref_slice %arg2[%dma_wait3A_594, %dma_wait3A_595] : memref<32768x256xf32, #tpu.memory_space<hbm>> -> memref<32768x256xf32, #tpu.memory_space<hbm>>
    tpu.wait_indirect_dma semaphore(%arg18 : memref<!tpu.dma_semaphore, #tpu.memory_space<semaphore_mem>>) src(%dma_wait3A_596 : memref<32768x256xf32, #tpu.memory_space<hbm>>) dst(%arg11 : memref<64x256xf32, #tpu.memory_space<vmem>>)
    %add3A_597 = arith.constant 256 : i32
    %add3A_598 = arith.addi %mul3A_2, %add3A_597 : i32
    %dma_start3A_599 = arith.constant 0 : i32
    %dma_start3A_600 = tpu.memref_slice %arg4[%add3A_598, %dma_start3A_599] : memref<65536x256xf32, #tpu.memory_space<hbm>> -> memref<64x256xf32, #tpu.memory_space<hbm>>
    %dma_start3A_601 = arith.constant 0 : i32
    %dma_start3A_602 = tpu.memref_slice %arg4[%add3A_598, %dma_start3A_601] : memref<65536x256xf32, #tpu.memory_space<hbm>> -> memref<64x256xf32, #tpu.memory_space<hbm>>
    tpu.enqueue_dma source(%arg11 : memref<64x256xf32, #tpu.memory_space<vmem>>) target(%dma_start3A_602 : memref<64x256xf32, #tpu.memory_space<hbm>>) target_semaphore(%arg25 : memref<!tpu.dma_semaphore, #tpu.memory_space<semaphore_mem>>)
    %dma_wait3A_603 = arith.constant 0 : i32
    %dma_wait3A_604 = tpu.memref_slice %arg4[%add3A_446, %dma_wait3A_603] : memref<65536x256xf32, #tpu.memory_space<hbm>> -> memref<64x256xf32, #tpu.memory_space<hbm>>
    %dma_wait3A_605 = arith.constant 0 : i32
    %dma_wait3A_606 = tpu.memref_slice %arg4[%add3A_446, %dma_wait3A_605] : memref<65536x256xf32, #tpu.memory_space<hbm>> -> memref<64x256xf32, #tpu.memory_space<hbm>>
    tpu.wait_dma2 semaphore(%arg23 : memref<!tpu.dma_semaphore, #tpu.memory_space<semaphore_mem>>) src(%arg9 : memref<64x256xf32, #tpu.memory_space<vmem>>) dst(%dma_wait3A_606 : memref<64x256xf32, #tpu.memory_space<hbm>>)
    %get3A_607 = arith.constant 576 : index
    %get3A_608 = tpu.vector_load %arg5[%get3A_607] {strides = array<i32>} : memref<2048xi32, #tpu.memory_space<vmem>>, vector<16xi32>,
    %get3A_609 = vector.shape_cast %get3A_608 : vector<16xi32> to vector<16xi32>
    %mul3A_610 = arith.constant 16 : i32
    %mul3A_611 = vector.broadcast %mul3A_610 : i32 to vector<16xi32>
    %mul3A_612 = arith.muli %get3A_609, %mul3A_611 : vector<16xi32>
    %add3A_613 = arith.addi %mul3A_612, %iota3A : vector<16xi32>
    %swap3A_614 = arith.constant 9 : i32
    %swap3A_615 = arith.index_cast %swap3A_614 : i32 to index
    %swap3A_616 = arith.constant 0 : index
    %swap3A_617 = tpu.vector_load %arg6[%swap3A_615, %swap3A_616] {strides = array<i32>} : memref<32x64xi32, #tpu.memory_space<vmem>>, vector<1x16xi32>,
    %swap3A_618 = vector.shape_cast %swap3A_617 : vector<1x16xi32> to vector<16xi32>
    %swap3A_619 = vector.shape_cast %add3A_613 : vector<16xi32> to vector<1x16xi32>
    tpu.vector_store %arg6[%swap3A_615, %swap3A_616], %swap3A_619 {strides = array<i32>} : memref<32x64xi32, #tpu.memory_space<vmem>>, vector<1x16xi32>,
    %get3A_620 = arith.constant 592 : index
    %get3A_621 = tpu.vector_load %arg5[%get3A_620] {strides = array<i32>} : memref<2048xi32, #tpu.memory_space<vmem>>, vector<16xi32>,
    %get3A_622 = vector.shape_cast %get3A_621 : vector<16xi32> to vector<16xi32>
    %mul3A_623 = arith.constant 16 : i32
    %mul3A_624 = vector.broadcast %mul3A_623 : i32 to vector<16xi32>
    %mul3A_625 = arith.muli %get3A_622, %mul3A_624 : vector<16xi32>
    %add3A_626 = arith.addi %mul3A_625, %iota3A : vector<16xi32>
    %swap3A_627 = arith.constant 9 : i32
    %swap3A_628 = arith.index_cast %swap3A_627 : i32 to index
    %swap3A_629 = arith.constant 16 : index
    %swap3A_630 = tpu.vector_load %arg6[%swap3A_628, %swap3A_629] {strides = array<i32>} : memref<32x64xi32, #tpu.memory_space<vmem>>, vector<1x16xi32>,
    %swap3A_631 = vector.shape_cast %swap3A_630 : vector<1x16xi32> to vector<16xi32>
    %swap3A_632 = vector.shape_cast %add3A_626 : vector<16xi32> to vector<1x16xi32>
    tpu.vector_store %arg6[%swap3A_628, %swap3A_629], %swap3A_632 {strides = array<i32>} : memref<32x64xi32, #tpu.memory_space<vmem>>, vector<1x16xi32>,
    %get3A_633 = arith.constant 608 : index
    %get3A_634 = tpu.vector_load %arg5[%get3A_633] {strides = array<i32>} : memref<2048xi32, #tpu.memory_space<vmem>>, vector<16xi32>,
    %get3A_635 = vector.shape_cast %get3A_634 : vector<16xi32> to vector<16xi32>
    %mul3A_636 = arith.constant 16 : i32
    %mul3A_637 = vector.broadcast %mul3A_636 : i32 to vector<16xi32>
    %mul3A_638 = arith.muli %get3A_635, %mul3A_637 : vector<16xi32>
    %add3A_639 = arith.addi %mul3A_638, %iota3A : vector<16xi32>
    %swap3A_640 = arith.constant 9 : i32
    %swap3A_641 = arith.index_cast %swap3A_640 : i32 to index
    %swap3A_642 = arith.constant 32 : index
    %swap3A_643 = tpu.vector_load %arg6[%swap3A_641, %swap3A_642] {strides = array<i32>} : memref<32x64xi32, #tpu.memory_space<vmem>>, vector<1x16xi32>,
    %swap3A_644 = vector.shape_cast %swap3A_643 : vector<1x16xi32> to vector<16xi32>
    %swap3A_645 = vector.shape_cast %add3A_639 : vector<16xi32> to vector<1x16xi32>
    tpu.vector_store %arg6[%swap3A_641, %swap3A_642], %swap3A_645 {strides = array<i32>} : memref<32x64xi32, #tpu.memory_space<vmem>>, vector<1x16xi32>,
    %get3A_646 = arith.constant 624 : index
    %get3A_647 = tpu.vector_load %arg5[%get3A_646] {strides = array<i32>} : memref<2048xi32, #tpu.memory_space<vmem>>, vector<16xi32>,
    %get3A_648 = vector.shape_cast %get3A_647 : vector<16xi32> to vector<16xi32>
    %mul3A_649 = arith.constant 16 : i32
    %mul3A_650 = vector.broadcast %mul3A_649 : i32 to vector<16xi32>
    %mul3A_651 = arith.muli %get3A_648, %mul3A_650 : vector<16xi32>
    %add3A_652 = arith.addi %mul3A_651, %iota3A : vector<16xi32>
    %swap3A_653 = arith.constant 9 : i32
    %swap3A_654 = arith.index_cast %swap3A_653 : i32 to index
    %swap3A_655 = arith.constant 48 : index
    %swap3A_656 = tpu.vector_load %arg6[%swap3A_654, %swap3A_655] {strides = array<i32>} : memref<32x64xi32, #tpu.memory_space<vmem>>, vector<1x16xi32>,
    %swap3A_657 = vector.shape_cast %swap3A_656 : vector<1x16xi32> to vector<16xi32>
    %swap3A_658 = vector.shape_cast %add3A_652 : vector<16xi32> to vector<1x16xi32>
    tpu.vector_store %arg6[%swap3A_654, %swap3A_655], %swap3A_658 {strides = array<i32>} : memref<32x64xi32, #tpu.memory_space<vmem>>, vector<1x16xi32>,
    %dma_start3A_659 = arith.constant 9 : i32
    %dma_start3A_660 = arith.constant 0 : i32
    %dma_start3A_661 = tpu.memref_slice %arg6[%dma_start3A_659, %dma_start3A_660] : memref<32x64xi32, #tpu.memory_space<vmem>> -> memref<1x64xi32, #tpu.memory_space<vmem>>
    %dma_start3A_662 = tpu.memref_squeeze %dma_start3A_661 : memref<1x64xi32, #tpu.memory_space<vmem>> -> memref<64xi32, #tpu.memory_space<vmem>>
    %dma_start3A_663 = arith.constant 0 : i32
    %dma_start3A_664 = arith.constant 0 : i32
    %dma_start3A_665 = tpu.memref_slice %arg2[%dma_start3A_663, %dma_start3A_664] : memref<32768x256xf32, #tpu.memory_space<hbm>> -> memref<32768x256xf32, #tpu.memory_space<hbm>>
    tpu.enqueue_indirect_dma source(%dma_start3A_665 : memref<32768x256xf32, #tpu.memory_space<hbm>>) target(%arg9 : memref<64x256xf32, #tpu.memory_space<vmem>>) offsets(%dma_start3A_662 : memref<64xi32, #tpu.memory_space<vmem>>) semaphore(%arg16 : memref<!tpu.dma_semaphore, #tpu.memory_space<semaphore_mem>>)
    %dma_wait3A_666 = arith.constant 5 : i32
    %dma_wait3A_667 = arith.constant 0 : i32
    %dma_wait3A_668 = tpu.memref_slice %arg6[%dma_wait3A_666, %dma_wait3A_667] : memref<32x64xi32, #tpu.memory_space<vmem>> -> memref<1x64xi32, #tpu.memory_space<vmem>>
    %dma_wait3A_669 = tpu.memref_squeeze %dma_wait3A_668 : memref<1x64xi32, #tpu.memory_space<vmem>> -> memref<64xi32, #tpu.memory_space<vmem>>
    %dma_wait3A_670 = arith.constant 0 : i32
    %dma_wait3A_671 = arith.constant 0 : i32
    %dma_wait3A_672 = tpu.memref_slice %arg2[%dma_wait3A_670, %dma_wait3A_671] : memref<32768x256xf32, #tpu.memory_space<hbm>> -> memref<32768x256xf32, #tpu.memory_space<hbm>>
    tpu.wait_indirect_dma semaphore(%arg19 : memref<!tpu.dma_semaphore, #tpu.memory_space<semaphore_mem>>) src(%dma_wait3A_672 : memref<32768x256xf32, #tpu.memory_space<hbm>>) dst(%arg12 : memref<64x256xf32, #tpu.memory_space<vmem>>)
    %add3A_673 = arith.constant 320 : i32
    %add3A_674 = arith.addi %mul3A_2, %add3A_673 : i32
    %dma_start3A_675 = arith.constant 0 : i32
    %dma_start3A_676 = tpu.memref_slice %arg4[%add3A_674, %dma_start3A_675] : memref<65536x256xf32, #tpu.memory_space<hbm>> -> memref<64x256xf32, #tpu.memory_space<hbm>>
    %dma_start3A_677 = arith.constant 0 : i32
    %dma_start3A_678 = tpu.memref_slice %arg4[%add3A_674, %dma_start3A_677] : memref<65536x256xf32, #tpu.memory_space<hbm>> -> memref<64x256xf32, #tpu.memory_space<hbm>>
    tpu.enqueue_dma source(%arg12 : memref<64x256xf32, #tpu.memory_space<vmem>>) target(%dma_start3A_678 : memref<64x256xf32, #tpu.memory_space<hbm>>) target_semaphore(%arg26 : memref<!tpu.dma_semaphore, #tpu.memory_space<semaphore_mem>>)
    %dma_wait3A_679 = arith.constant 0 : i32
    %dma_wait3A_680 = tpu.memref_slice %arg4[%add3A_522, %dma_wait3A_679] : memref<65536x256xf32, #tpu.memory_space<hbm>> -> memref<64x256xf32, #tpu.memory_space<hbm>>
    %dma_wait3A_681 = arith.constant 0 : i32
    %dma_wait3A_682 = tpu.memref_slice %arg4[%add3A_522, %dma_wait3A_681] : memref<65536x256xf32, #tpu.memory_space<hbm>> -> memref<64x256xf32, #tpu.memory_space<hbm>>
    tpu.wait_dma2 semaphore(%arg24 : memref<!tpu.dma_semaphore, #tpu.memory_space<semaphore_mem>>) src(%arg10 : memref<64x256xf32, #tpu.memory_space<vmem>>) dst(%dma_wait3A_682 : memref<64x256xf32, #tpu.memory_space<hbm>>)
    %get3A_683 = arith.constant 640 : index
    %get3A_684 = tpu.vector_load %arg5[%get3A_683] {strides = array<i32>} : memref<2048xi32, #tpu.memory_space<vmem>>, vector<16xi32>,
    %get3A_685 = vector.shape_cast %get3A_684 : vector<16xi32> to vector<16xi32>
    %mul3A_686 = arith.constant 16 : i32
    %mul3A_687 = vector.broadcast %mul3A_686 : i32 to vector<16xi32>
    %mul3A_688 = arith.muli %get3A_685, %mul3A_687 : vector<16xi32>
    %add3A_689 = arith.addi %mul3A_688, %iota3A : vector<16xi32>
    %swap3A_690 = arith.constant 10 : i32
    %swap3A_691 = arith.index_cast %swap3A_690 : i32 to index
    %swap3A_692 = arith.constant 0 : index
    %swap3A_693 = tpu.vector_load %arg6[%swap3A_691, %swap3A_692] {strides = array<i32>} : memref<32x64xi32, #tpu.memory_space<vmem>>, vector<1x16xi32>,
    %swap3A_694 = vector.shape_cast %swap3A_693 : vector<1x16xi32> to vector<16xi32>
    %swap3A_695 = vector.shape_cast %add3A_689 : vector<16xi32> to vector<1x16xi32>
    tpu.vector_store %arg6[%swap3A_691, %swap3A_692], %swap3A_695 {strides = array<i32>} : memref<32x64xi32, #tpu.memory_space<vmem>>, vector<1x16xi32>,
    %get3A_696 = arith.constant 656 : index
    %get3A_697 = tpu.vector_load %arg5[%get3A_696] {strides = array<i32>} : memref<2048xi32, #tpu.memory_space<vmem>>, vector<16xi32>,
    %get3A_698 = vector.shape_cast %get3A_697 : vector<16xi32> to vector<16xi32>
    %mul3A_699 = arith.constant 16 : i32
    %mul3A_700 = vector.broadcast %mul3A_699 : i32 to vector<16xi32>
    %mul3A_701 = arith.muli %get3A_698, %mul3A_700 : vector<16xi32>
    %add3A_702 = arith.addi %mul3A_701, %iota3A : vector<16xi32>
    %swap3A_703 = arith.constant 10 : i32
    %swap3A_704 = arith.index_cast %swap3A_703 : i32 to index
    %swap3A_705 = arith.constant 16 : index
    %swap3A_706 = tpu.vector_load %arg6[%swap3A_704, %swap3A_705] {strides = array<i32>} : memref<32x64xi32, #tpu.memory_space<vmem>>, vector<1x16xi32>,
    %swap3A_707 = vector.shape_cast %swap3A_706 : vector<1x16xi32> to vector<16xi32>
    %swap3A_708 = vector.shape_cast %add3A_702 : vector<16xi32> to vector<1x16xi32>
    tpu.vector_store %arg6[%swap3A_704, %swap3A_705], %swap3A_708 {strides = array<i32>} : memref<32x64xi32, #tpu.memory_space<vmem>>, vector<1x16xi32>,
    %get3A_709 = arith.constant 672 : index
    %get3A_710 = tpu.vector_load %arg5[%get3A_709] {strides = array<i32>} : memref<2048xi32, #tpu.memory_space<vmem>>, vector<16xi32>,
    %get3A_711 = vector.shape_cast %get3A_710 : vector<16xi32> to vector<16xi32>
    %mul3A_712 = arith.constant 16 : i32
    %mul3A_713 = vector.broadcast %mul3A_712 : i32 to vector<16xi32>
    %mul3A_714 = arith.muli %get3A_711, %mul3A_713 : vector<16xi32>
    %add3A_715 = arith.addi %mul3A_714, %iota3A : vector<16xi32>
    %swap3A_716 = arith.constant 10 : i32
    %swap3A_717 = arith.index_cast %swap3A_716 : i32 to index
    %swap3A_718 = arith.constant 32 : index
    %swap3A_719 = tpu.vector_load %arg6[%swap3A_717, %swap3A_718] {strides = array<i32>} : memref<32x64xi32, #tpu.memory_space<vmem>>, vector<1x16xi32>,
    %swap3A_720 = vector.shape_cast %swap3A_719 : vector<1x16xi32> to vector<16xi32>
    %swap3A_721 = vector.shape_cast %add3A_715 : vector<16xi32> to vector<1x16xi32>
    tpu.vector_store %arg6[%swap3A_717, %swap3A_718], %swap3A_721 {strides = array<i32>} : memref<32x64xi32, #tpu.memory_space<vmem>>, vector<1x16xi32>,
    %get3A_722 = arith.constant 688 : index
    %get3A_723 = tpu.vector_load %arg5[%get3A_722] {strides = array<i32>} : memref<2048xi32, #tpu.memory_space<vmem>>, vector<16xi32>,
    %get3A_724 = vector.shape_cast %get3A_723 : vector<16xi32> to vector<16xi32>
    %mul3A_725 = arith.constant 16 : i32
    %mul3A_726 = vector.broadcast %mul3A_725 : i32 to vector<16xi32>
    %mul3A_727 = arith.muli %get3A_724, %mul3A_726 : vector<16xi32>
    %add3A_728 = arith.addi %mul3A_727, %iota3A : vector<16xi32>
    %swap3A_729 = arith.constant 10 : i32
    %swap3A_730 = arith.index_cast %swap3A_729 : i32 to index
    %swap3A_731 = arith.constant 48 : index
    %swap3A_732 = tpu.vector_load %arg6[%swap3A_730, %swap3A_731] {strides = array<i32>} : memref<32x64xi32, #tpu.memory_space<vmem>>, vector<1x16xi32>,
    %swap3A_733 = vector.shape_cast %swap3A_732 : vector<1x16xi32> to vector<16xi32>
    %swap3A_734 = vector.shape_cast %add3A_728 : vector<16xi32> to vector<1x16xi32>
    tpu.vector_store %arg6[%swap3A_730, %swap3A_731], %swap3A_734 {strides = array<i32>} : memref<32x64xi32, #tpu.memory_space<vmem>>, vector<1x16xi32>,
    %dma_start3A_735 = arith.constant 10 : i32
    %dma_start3A_736 = arith.constant 0 : i32
    %dma_start3A_737 = tpu.memref_slice %arg6[%dma_start3A_735, %dma_start3A_736] : memref<32x64xi32, #tpu.memory_space<vmem>> -> memref<1x64xi32, #tpu.memory_space<vmem>>
    %dma_start3A_738 = tpu.memref_squeeze %dma_start3A_737 : memref<1x64xi32, #tpu.memory_space<vmem>> -> memref<64xi32, #tpu.memory_space<vmem>>
    %dma_start3A_739 = arith.constant 0 : i32
    %dma_start3A_740 = arith.constant 0 : i32
    %dma_start3A_741 = tpu.memref_slice %arg2[%dma_start3A_739, %dma_start3A_740] : memref<32768x256xf32, #tpu.memory_space<hbm>> -> memref<32768x256xf32, #tpu.memory_space<hbm>>
    tpu.enqueue_indirect_dma source(%dma_start3A_741 : memref<32768x256xf32, #tpu.memory_space<hbm>>) target(%arg10 : memref<64x256xf32, #tpu.memory_space<vmem>>) offsets(%dma_start3A_738 : memref<64xi32, #tpu.memory_space<vmem>>) semaphore(%arg17 : memref<!tpu.dma_semaphore, #tpu.memory_space<semaphore_mem>>)
    %dma_wait3A_742 = arith.constant 6 : i32
    %dma_wait3A_743 = arith.constant 0 : i32
    %dma_wait3A_744 = tpu.memref_slice %arg6[%dma_wait3A_742, %dma_wait3A_743] : memref<32x64xi32, #tpu.memory_space<vmem>> -> memref<1x64xi32, #tpu.memory_space<vmem>>
    %dma_wait3A_745 = tpu.memref_squeeze %dma_wait3A_744 : memref<1x64xi32, #tpu.memory_space<vmem>> -> memref<64xi32, #tpu.memory_space<vmem>>
    %dma_wait3A_746 = arith.constant 0 : i32
    %dma_wait3A_747 = arith.constant 0 : i32
    %dma_wait3A_748 = tpu.memref_slice %arg2[%dma_wait3A_746, %dma_wait3A_747] : memref<32768x256xf32, #tpu.memory_space<hbm>> -> memref<32768x256xf32, #tpu.memory_space<hbm>>
    tpu.wait_indirect_dma semaphore(%arg20 : memref<!tpu.dma_semaphore, #tpu.memory_space<semaphore_mem>>) src(%dma_wait3A_748 : memref<32768x256xf32, #tpu.memory_space<hbm>>) dst(%arg13 : memref<64x256xf32, #tpu.memory_space<vmem>>)
    %add3A_749 = arith.constant 384 : i32
    %add3A_750 = arith.addi %mul3A_2, %add3A_749 : i32
    %dma_start3A_751 = arith.constant 0 : i32
    %dma_start3A_752 = tpu.memref_slice %arg4[%add3A_750, %dma_start3A_751] : memref<65536x256xf32, #tpu.memory_space<hbm>> -> memref<64x256xf32, #tpu.memory_space<hbm>>
    %dma_start3A_753 = arith.constant 0 : i32
    %dma_start3A_754 = tpu.memref_slice %arg4[%add3A_750, %dma_start3A_753] : memref<65536x256xf32, #tpu.memory_space<hbm>> -> memref<64x256xf32, #tpu.memory_space<hbm>>
    tpu.enqueue_dma source(%arg13 : memref<64x256xf32, #tpu.memory_space<vmem>>) target(%dma_start3A_754 : memref<64x256xf32, #tpu.memory_space<hbm>>) target_semaphore(%arg27 : memref<!tpu.dma_semaphore, #tpu.memory_space<semaphore_mem>>)
    %dma_wait3A_755 = arith.constant 0 : i32
    %dma_wait3A_756 = tpu.memref_slice %arg4[%add3A_598, %dma_wait3A_755] : memref<65536x256xf32, #tpu.memory_space<hbm>> -> memref<64x256xf32, #tpu.memory_space<hbm>>
    %dma_wait3A_757 = arith.constant 0 : i32
    %dma_wait3A_758 = tpu.memref_slice %arg4[%add3A_598, %dma_wait3A_757] : memref<65536x256xf32, #tpu.memory_space<hbm>> -> memref<64x256xf32, #tpu.memory_space<hbm>>
    tpu.wait_dma2 semaphore(%arg25 : memref<!tpu.dma_semaphore, #tpu.memory_space<semaphore_mem>>) src(%arg11 : memref<64x256xf32, #tpu.memory_space<vmem>>) dst(%dma_wait3A_758 : memref<64x256xf32, #tpu.memory_space<hbm>>)
    %get3A_759 = arith.constant 704 : index
    %get3A_760 = tpu.vector_load %arg5[%get3A_759] {strides = array<i32>} : memref<2048xi32, #tpu.memory_space<vmem>>, vector<16xi32>,
    %get3A_761 = vector.shape_cast %get3A_760 : vector<16xi32> to vector<16xi32>
    %mul3A_762 = arith.constant 16 : i32
    %mul3A_763 = vector.broadcast %mul3A_762 : i32 to vector<16xi32>
    %mul3A_764 = arith.muli %get3A_761, %mul3A_763 : vector<16xi32>
    %add3A_765 = arith.addi %mul3A_764, %iota3A : vector<16xi32>
    %swap3A_766 = arith.constant 11 : i32
    %swap3A_767 = arith.index_cast %swap3A_766 : i32 to index
    %swap3A_768 = arith.constant 0 : index
    %swap3A_769 = tpu.vector_load %arg6[%swap3A_767, %swap3A_768] {strides = array<i32>} : memref<32x64xi32, #tpu.memory_space<vmem>>, vector<1x16xi32>,
    %swap3A_770 = vector.shape_cast %swap3A_769 : vector<1x16xi32> to vector<16xi32>
    %swap3A_771 = vector.shape_cast %add3A_765 : vector<16xi32> to vector<1x16xi32>
    tpu.vector_store %arg6[%swap3A_767, %swap3A_768], %swap3A_771 {strides = array<i32>} : memref<32x64xi32, #tpu.memory_space<vmem>>, vector<1x16xi32>,
    %get3A_772 = arith.constant 720 : index
    %get3A_773 = tpu.vector_load %arg5[%get3A_772] {strides = array<i32>} : memref<2048xi32, #tpu.memory_space<vmem>>, vector<16xi32>,
    %get3A_774 = vector.shape_cast %get3A_773 : vector<16xi32> to vector<16xi32>
    %mul3A_775 = arith.constant 16 : i32
    %mul3A_776 = vector.broadcast %mul3A_775 : i32 to vector<16xi32>
    %mul3A_777 = arith.muli %get3A_774, %mul3A_776 : vector<16xi32>
    %add3A_778 = arith.addi %mul3A_777, %iota3A : vector<16xi32>
    %swap3A_779 = arith.constant 11 : i32
    %swap3A_780 = arith.index_cast %swap3A_779 : i32 to index
    %swap3A_781 = arith.constant 16 : index
    %swap3A_782 = tpu.vector_load %arg6[%swap3A_780, %swap3A_781] {strides = array<i32>} : memref<32x64xi32, #tpu.memory_space<vmem>>, vector<1x16xi32>,
    %swap3A_783 = vector.shape_cast %swap3A_782 : vector<1x16xi32> to vector<16xi32>
    %swap3A_784 = vector.shape_cast %add3A_778 : vector<16xi32> to vector<1x16xi32>
    tpu.vector_store %arg6[%swap3A_780, %swap3A_781], %swap3A_784 {strides = array<i32>} : memref<32x64xi32, #tpu.memory_space<vmem>>, vector<1x16xi32>,
    %get3A_785 = arith.constant 736 : index
    %get3A_786 = tpu.vector_load %arg5[%get3A_785] {strides = array<i32>} : memref<2048xi32, #tpu.memory_space<vmem>>, vector<16xi32>,
    %get3A_787 = vector.shape_cast %get3A_786 : vector<16xi32> to vector<16xi32>
    %mul3A_788 = arith.constant 16 : i32
    %mul3A_789 = vector.broadcast %mul3A_788 : i32 to vector<16xi32>
    %mul3A_790 = arith.muli %get3A_787, %mul3A_789 : vector<16xi32>
    %add3A_791 = arith.addi %mul3A_790, %iota3A : vector<16xi32>
    %swap3A_792 = arith.constant 11 : i32
    %swap3A_793 = arith.index_cast %swap3A_792 : i32 to index
    %swap3A_794 = arith.constant 32 : index
    %swap3A_795 = tpu.vector_load %arg6[%swap3A_793, %swap3A_794] {strides = array<i32>} : memref<32x64xi32, #tpu.memory_space<vmem>>, vector<1x16xi32>,
    %swap3A_796 = vector.shape_cast %swap3A_795 : vector<1x16xi32> to vector<16xi32>
    %swap3A_797 = vector.shape_cast %add3A_791 : vector<16xi32> to vector<1x16xi32>
    tpu.vector_store %arg6[%swap3A_793, %swap3A_794], %swap3A_797 {strides = array<i32>} : memref<32x64xi32, #tpu.memory_space<vmem>>, vector<1x16xi32>,
    %get3A_798 = arith.constant 752 : index
    %get3A_799 = tpu.vector_load %arg5[%get3A_798] {strides = array<i32>} : memref<2048xi32, #tpu.memory_space<vmem>>, vector<16xi32>,
    %get3A_800 = vector.shape_cast %get3A_799 : vector<16xi32> to vector<16xi32>
    %mul3A_801 = arith.constant 16 : i32
    %mul3A_802 = vector.broadcast %mul3A_801 : i32 to vector<16xi32>
    %mul3A_803 = arith.muli %get3A_800, %mul3A_802 : vector<16xi32>
    %add3A_804 = arith.addi %mul3A_803, %iota3A : vector<16xi32>
    %swap3A_805 = arith.constant 11 : i32
    %swap3A_806 = arith.index_cast %swap3A_805 : i32 to index
    %swap3A_807 = arith.constant 48 : index
    %swap3A_808 = tpu.vector_load %arg6[%swap3A_806, %swap3A_807] {strides = array<i32>} : memref<32x64xi32, #tpu.memory_space<vmem>>, vector<1x16xi32>,
    %swap3A_809 = vector.shape_cast %swap3A_808 : vector<1x16xi32> to vector<16xi32>
    %swap3A_810 = vector.shape_cast %add3A_804 : vector<16xi32> to vector<1x16xi32>
    tpu.vector_store %arg6[%swap3A_806, %swap3A_807], %swap3A_810 {strides = array<i32>} : memref<32x64xi32, #tpu.memory_space<vmem>>, vector<1x16xi32>,
    %dma_start3A_811 = arith.constant 11 : i32
    %dma_start3A_812 = arith.constant 0 : i32
    %dma_start3A_813 = tpu.memref_slice %arg6[%dma_start3A_811, %dma_start3A_812] : memref<32x64xi32, #tpu.memory_space<vmem>> -> memref<1x64xi32, #tpu.memory_space<vmem>>
    %dma_start3A_814 = tpu.memref_squeeze %dma_start3A_813 : memref<1x64xi32, #tpu.memory_space<vmem>> -> memref<64xi32, #tpu.memory_space<vmem>>
    %dma_start3A_815 = arith.constant 0 : i32
    %dma_start3A_816 = arith.constant 0 : i32
    %dma_start3A_817 = tpu.memref_slice %arg2[%dma_start3A_815, %dma_start3A_816] : memref<32768x256xf32, #tpu.memory_space<hbm>> -> memref<32768x256xf32, #tpu.memory_space<hbm>>
    tpu.enqueue_indirect_dma source(%dma_start3A_817 : memref<32768x256xf32, #tpu.memory_space<hbm>>) target(%arg11 : memref<64x256xf32, #tpu.memory_space<vmem>>) offsets(%dma_start3A_814 : memref<64xi32, #tpu.memory_space<vmem>>) semaphore(%arg18 : memref<!tpu.dma_semaphore, #tpu.memory_space<semaphore_mem>>)
    %dma_wait3A_818 = arith.constant 7 : i32
    %dma_wait3A_819 = arith.constant 0 : i32
    %dma_wait3A_820 = tpu.memref_slice %arg6[%dma_wait3A_818, %dma_wait3A_819] : memref<32x64xi32, #tpu.memory_space<vmem>> -> memref<1x64xi32, #tpu.memory_space<vmem>>
    %dma_wait3A_821 = tpu.memref_squeeze %dma_wait3A_820 : memref<1x64xi32, #tpu.memory_space<vmem>> -> memref<64xi32, #tpu.memory_space<vmem>>
    %dma_wait3A_822 = arith.constant 0 : i32
    %dma_wait3A_823 = arith.constant 0 : i32
    %dma_wait3A_824 = tpu.memref_slice %arg2[%dma_wait3A_822, %dma_wait3A_823] : memref<32768x256xf32, #tpu.memory_space<hbm>> -> memref<32768x256xf32, #tpu.memory_space<hbm>>
    tpu.wait_indirect_dma semaphore(%arg14 : memref<!tpu.dma_semaphore, #tpu.memory_space<semaphore_mem>>) src(%dma_wait3A_824 : memref<32768x256xf32, #tpu.memory_space<hbm>>) dst(%arg7 : memref<64x256xf32, #tpu.memory_space<vmem>>)
    %add3A_825 = arith.constant 448 : i32
    %add3A_826 = arith.addi %mul3A_2, %add3A_825 : i32
    %dma_start3A_827 = arith.constant 0 : i32
    %dma_start3A_828 = tpu.memref_slice %arg4[%add3A_826, %dma_start3A_827] : memref<65536x256xf32, #tpu.memory_space<hbm>> -> memref<64x256xf32, #tpu.memory_space<hbm>>
    %dma_start3A_829 = arith.constant 0 : i32
    %dma_start3A_830 = tpu.memref_slice %arg4[%add3A_826, %dma_start3A_829] : memref<65536x256xf32, #tpu.memory_space<hbm>> -> memref<64x256xf32, #tpu.memory_space<hbm>>
    tpu.enqueue_dma source(%arg7 : memref<64x256xf32, #tpu.memory_space<vmem>>) target(%dma_start3A_830 : memref<64x256xf32, #tpu.memory_space<hbm>>) target_semaphore(%arg21 : memref<!tpu.dma_semaphore, #tpu.memory_space<semaphore_mem>>)
    %dma_wait3A_831 = arith.constant 0 : i32
    %dma_wait3A_832 = tpu.memref_slice %arg4[%add3A_674, %dma_wait3A_831] : memref<65536x256xf32, #tpu.memory_space<hbm>> -> memref<64x256xf32, #tpu.memory_space<hbm>>
    %dma_wait3A_833 = arith.constant 0 : i32
    %dma_wait3A_834 = tpu.memref_slice %arg4[%add3A_674, %dma_wait3A_833] : memref<65536x256xf32, #tpu.memory_space<hbm>> -> memref<64x256xf32, #tpu.memory_space<hbm>>
    tpu.wait_dma2 semaphore(%arg26 : memref<!tpu.dma_semaphore, #tpu.memory_space<semaphore_mem>>) src(%arg12 : memref<64x256xf32, #tpu.memory_space<vmem>>) dst(%dma_wait3A_834 : memref<64x256xf32, #tpu.memory_space<hbm>>)
    %get3A_835 = arith.constant 768 : index
    %get3A_836 = tpu.vector_load %arg5[%get3A_835] {strides = array<i32>} : memref<2048xi32, #tpu.memory_space<vmem>>, vector<16xi32>,
    %get3A_837 = vector.shape_cast %get3A_836 : vector<16xi32> to vector<16xi32>
    %mul3A_838 = arith.constant 16 : i32
    %mul3A_839 = vector.broadcast %mul3A_838 : i32 to vector<16xi32>
    %mul3A_840 = arith.muli %get3A_837, %mul3A_839 : vector<16xi32>
    %add3A_841 = arith.addi %mul3A_840, %iota3A : vector<16xi32>
    %swap3A_842 = arith.constant 12 : i32
    %swap3A_843 = arith.index_cast %swap3A_842 : i32 to index
    %swap3A_844 = arith.constant 0 : index
    %swap3A_845 = tpu.vector_load %arg6[%swap3A_843, %swap3A_844] {strides = array<i32>} : memref<32x64xi32, #tpu.memory_space<vmem>>, vector<1x16xi32>,
    %swap3A_846 = vector.shape_cast %swap3A_845 : vector<1x16xi32> to vector<16xi32>
    %swap3A_847 = vector.shape_cast %add3A_841 : vector<16xi32> to vector<1x16xi32>
    tpu.vector_store %arg6[%swap3A_843, %swap3A_844], %swap3A_847 {strides = array<i32>} : memref<32x64xi32, #tpu.memory_space<vmem>>, vector<1x16xi32>,
    %get3A_848 = arith.constant 784 : index
    %get3A_849 = tpu.vector_load %arg5[%get3A_848] {strides = array<i32>} : memref<2048xi32, #tpu.memory_space<vmem>>, vector<16xi32>,
    %get3A_850 = vector.shape_cast %get3A_849 : vector<16xi32> to vector<16xi32>
    %mul3A_851 = arith.constant 16 : i32
    %mul3A_852 = vector.broadcast %mul3A_851 : i32 to vector<16xi32>
    %mul3A_853 = arith.muli %get3A_850, %mul3A_852 : vector<16xi32>
    %add3A_854 = arith.addi %mul3A_853, %iota3A : vector<16xi32>
    %swap3A_855 = arith.constant 12 : i32
    %swap3A_856 = arith.index_cast %swap3A_855 : i32 to index
    %swap3A_857 = arith.constant 16 : index
    %swap3A_858 = tpu.vector_load %arg6[%swap3A_856, %swap3A_857] {strides = array<i32>} : memref<32x64xi32, #tpu.memory_space<vmem>>, vector<1x16xi32>,
    %swap3A_859 = vector.shape_cast %swap3A_858 : vector<1x16xi32> to vector<16xi32>
    %swap3A_860 = vector.shape_cast %add3A_854 : vector<16xi32> to vector<1x16xi32>
    tpu.vector_store %arg6[%swap3A_856, %swap3A_857], %swap3A_860 {strides = array<i32>} : memref<32x64xi32, #tpu.memory_space<vmem>>, vector<1x16xi32>,
    %get3A_861 = arith.constant 800 : index
    %get3A_862 = tpu.vector_load %arg5[%get3A_861] {strides = array<i32>} : memref<2048xi32, #tpu.memory_space<vmem>>, vector<16xi32>,
    %get3A_863 = vector.shape_cast %get3A_862 : vector<16xi32> to vector<16xi32>
    %mul3A_864 = arith.constant 16 : i32
    %mul3A_865 = vector.broadcast %mul3A_864 : i32 to vector<16xi32>
    %mul3A_866 = arith.muli %get3A_863, %mul3A_865 : vector<16xi32>
    %add3A_867 = arith.addi %mul3A_866, %iota3A : vector<16xi32>
    %swap3A_868 = arith.constant 12 : i32
    %swap3A_869 = arith.index_cast %swap3A_868 : i32 to index
    %swap3A_870 = arith.constant 32 : index
    %swap3A_871 = tpu.vector_load %arg6[%swap3A_869, %swap3A_870] {strides = array<i32>} : memref<32x64xi32, #tpu.memory_space<vmem>>, vector<1x16xi32>,
    %swap3A_872 = vector.shape_cast %swap3A_871 : vector<1x16xi32> to vector<16xi32>
    %swap3A_873 = vector.shape_cast %add3A_867 : vector<16xi32> to vector<1x16xi32>
    tpu.vector_store %arg6[%swap3A_869, %swap3A_870], %swap3A_873 {strides = array<i32>} : memref<32x64xi32, #tpu.memory_space<vmem>>, vector<1x16xi32>,
    %get3A_874 = arith.constant 816 : index
    %get3A_875 = tpu.vector_load %arg5[%get3A_874] {strides = array<i32>} : memref<2048xi32, #tpu.memory_space<vmem>>, vector<16xi32>,
    %get3A_876 = vector.shape_cast %get3A_875 : vector<16xi32> to vector<16xi32>
    %mul3A_877 = arith.constant 16 : i32
    %mul3A_878 = vector.broadcast %mul3A_877 : i32 to vector<16xi32>
    %mul3A_879 = arith.muli %get3A_876, %mul3A_878 : vector<16xi32>
    %add3A_880 = arith.addi %mul3A_879, %iota3A : vector<16xi32>
    %swap3A_881 = arith.constant 12 : i32
    %swap3A_882 = arith.index_cast %swap3A_881 : i32 to index
    %swap3A_883 = arith.constant 48 : index
    %swap3A_884 = tpu.vector_load %arg6[%swap3A_882, %swap3A_883] {strides = array<i32>} : memref<32x64xi32, #tpu.memory_space<vmem>>, vector<1x16xi32>,
    %swap3A_885 = vector.shape_cast %swap3A_884 : vector<1x16xi32> to vector<16xi32>
    %swap3A_886 = vector.shape_cast %add3A_880 : vector<16xi32> to vector<1x16xi32>
    tpu.vector_store %arg6[%swap3A_882, %swap3A_883], %swap3A_886 {strides = array<i32>} : memref<32x64xi32, #tpu.memory_space<vmem>>, vector<1x16xi32>,
    %dma_start3A_887 = arith.constant 12 : i32
    %dma_start3A_888 = arith.constant 0 : i32
    %dma_start3A_889 = tpu.memref_slice %arg6[%dma_start3A_887, %dma_start3A_888] : memref<32x64xi32, #tpu.memory_space<vmem>> -> memref<1x64xi32, #tpu.memory_space<vmem>>
    %dma_start3A_890 = tpu.memref_squeeze %dma_start3A_889 : memref<1x64xi32, #tpu.memory_space<vmem>> -> memref<64xi32, #tpu.memory_space<vmem>>
    %dma_start3A_891 = arith.constant 0 : i32
    %dma_start3A_892 = arith.constant 0 : i32
    %dma_start3A_893 = tpu.memref_slice %arg2[%dma_start3A_891, %dma_start3A_892] : memref<32768x256xf32, #tpu.memory_space<hbm>> -> memref<32768x256xf32, #tpu.memory_space<hbm>>
    tpu.enqueue_indirect_dma source(%dma_start3A_893 : memref<32768x256xf32, #tpu.memory_space<hbm>>) target(%arg12 : memref<64x256xf32, #tpu.memory_space<vmem>>) offsets(%dma_start3A_890 : memref<64xi32, #tpu.memory_space<vmem>>) semaphore(%arg19 : memref<!tpu.dma_semaphore, #tpu.memory_space<semaphore_mem>>)
    %dma_wait3A_894 = arith.constant 8 : i32
    %dma_wait3A_895 = arith.constant 0 : i32
    %dma_wait3A_896 = tpu.memref_slice %arg6[%dma_wait3A_894, %dma_wait3A_895] : memref<32x64xi32, #tpu.memory_space<vmem>> -> memref<1x64xi32, #tpu.memory_space<vmem>>
    %dma_wait3A_897 = tpu.memref_squeeze %dma_wait3A_896 : memref<1x64xi32, #tpu.memory_space<vmem>> -> memref<64xi32, #tpu.memory_space<vmem>>
    %dma_wait3A_898 = arith.constant 0 : i32
    %dma_wait3A_899 = arith.constant 0 : i32
    %dma_wait3A_900 = tpu.memref_slice %arg2[%dma_wait3A_898, %dma_wait3A_899] : memref<32768x256xf32, #tpu.memory_space<hbm>> -> memref<32768x256xf32, #tpu.memory_space<hbm>>
    tpu.wait_indirect_dma semaphore(%arg15 : memref<!tpu.dma_semaphore, #tpu.memory_space<semaphore_mem>>) src(%dma_wait3A_900 : memref<32768x256xf32, #tpu.memory_space<hbm>>) dst(%arg8 : memref<64x256xf32, #tpu.memory_space<vmem>>)
    %add3A_901 = arith.constant 512 : i32
    %add3A_902 = arith.addi %mul3A_2, %add3A_901 : i32
    %dma_start3A_903 = arith.constant 0 : i32
    %dma_start3A_904 = tpu.memref_slice %arg4[%add3A_902, %dma_start3A_903] : memref<65536x256xf32, #tpu.memory_space<hbm>> -> memref<64x256xf32, #tpu.memory_space<hbm>>
    %dma_start3A_905 = arith.constant 0 : i32
    %dma_start3A_906 = tpu.memref_slice %arg4[%add3A_902, %dma_start3A_905] : memref<65536x256xf32, #tpu.memory_space<hbm>> -> memref<64x256xf32, #tpu.memory_space<hbm>>
    tpu.enqueue_dma source(%arg8 : memref<64x256xf32, #tpu.memory_space<vmem>>) target(%dma_start3A_906 : memref<64x256xf32, #tpu.memory_space<hbm>>) target_semaphore(%arg22 : memref<!tpu.dma_semaphore, #tpu.memory_space<semaphore_mem>>)
    %dma_wait3A_907 = arith.constant 0 : i32
    %dma_wait3A_908 = tpu.memref_slice %arg4[%add3A_750, %dma_wait3A_907] : memref<65536x256xf32, #tpu.memory_space<hbm>> -> memref<64x256xf32, #tpu.memory_space<hbm>>
    %dma_wait3A_909 = arith.constant 0 : i32
    %dma_wait3A_910 = tpu.memref_slice %arg4[%add3A_750, %dma_wait3A_909] : memref<65536x256xf32, #tpu.memory_space<hbm>> -> memref<64x256xf32, #tpu.memory_space<hbm>>
    tpu.wait_dma2 semaphore(%arg27 : memref<!tpu.dma_semaphore, #tpu.memory_space<semaphore_mem>>) src(%arg13 : memref<64x256xf32, #tpu.memory_space<vmem>>) dst(%dma_wait3A_910 : memref<64x256xf32, #tpu.memory_space<hbm>>)
    %get3A_911 = arith.constant 832 : index
    %get3A_912 = tpu.vector_load %arg5[%get3A_911] {strides = array<i32>} : memref<2048xi32, #tpu.memory_space<vmem>>, vector<16xi32>,
    %get3A_913 = vector.shape_cast %get3A_912 : vector<16xi32> to vector<16xi32>
    %mul3A_914 = arith.constant 16 : i32
    %mul3A_915 = vector.broadcast %mul3A_914 : i32 to vector<16xi32>
    %mul3A_916 = arith.muli %get3A_913, %mul3A_915 : vector<16xi32>
    %add3A_917 = arith.addi %mul3A_916, %iota3A : vector<16xi32>
    %swap3A_918 = arith.constant 13 : i32
    %swap3A_919 = arith.index_cast %swap3A_918 : i32 to index
    %swap3A_920 = arith.constant 0 : index
    %swap3A_921 = tpu.vector_load %arg6[%swap3A_919, %swap3A_920] {strides = array<i32>} : memref<32x64xi32, #tpu.memory_space<vmem>>, vector<1x16xi32>,
    %swap3A_922 = vector.shape_cast %swap3A_921 : vector<1x16xi32> to vector<16xi32>
    %swap3A_923 = vector.shape_cast %add3A_917 : vector<16xi32> to vector<1x16xi32>
    tpu.vector_store %arg6[%swap3A_919, %swap3A_920], %swap3A_923 {strides = array<i32>} : memref<32x64xi32, #tpu.memory_space<vmem>>, vector<1x16xi32>,
    %get3A_924 = arith.constant 848 : index
    %get3A_925 = tpu.vector_load %arg5[%get3A_924] {strides = array<i32>} : memref<2048xi32, #tpu.memory_space<vmem>>, vector<16xi32>,
    %get3A_926 = vector.shape_cast %get3A_925 : vector<16xi32> to vector<16xi32>
    %mul3A_927 = arith.constant 16 : i32
    %mul3A_928 = vector.broadcast %mul3A_927 : i32 to vector<16xi32>
    %mul3A_929 = arith.muli %get3A_926, %mul3A_928 : vector<16xi32>
    %add3A_930 = arith.addi %mul3A_929, %iota3A : vector<16xi32>
    %swap3A_931 = arith.constant 13 : i32
    %swap3A_932 = arith.index_cast %swap3A_931 : i32 to index
    %swap3A_933 = arith.constant 16 : index
    %swap3A_934 = tpu.vector_load %arg6[%swap3A_932, %swap3A_933] {strides = array<i32>} : memref<32x64xi32, #tpu.memory_space<vmem>>, vector<1x16xi32>,
    %swap3A_935 = vector.shape_cast %swap3A_934 : vector<1x16xi32> to vector<16xi32>
    %swap3A_936 = vector.shape_cast %add3A_930 : vector<16xi32> to vector<1x16xi32>
    tpu.vector_store %arg6[%swap3A_932, %swap3A_933], %swap3A_936 {strides = array<i32>} : memref<32x64xi32, #tpu.memory_space<vmem>>, vector<1x16xi32>,
    %get3A_937 = arith.constant 864 : index
    %get3A_938 = tpu.vector_load %arg5[%get3A_937] {strides = array<i32>} : memref<2048xi32, #tpu.memory_space<vmem>>, vector<16xi32>,
    %get3A_939 = vector.shape_cast %get3A_938 : vector<16xi32> to vector<16xi32>
    %mul3A_940 = arith.constant 16 : i32
    %mul3A_941 = vector.broadcast %mul3A_940 : i32 to vector<16xi32>
    %mul3A_942 = arith.muli %get3A_939, %mul3A_941 : vector<16xi32>
    %add3A_943 = arith.addi %mul3A_942, %iota3A : vector<16xi32>
    %swap3A_944 = arith.constant 13 : i32
    %swap3A_945 = arith.index_cast %swap3A_944 : i32 to index
    %swap3A_946 = arith.constant 32 : index
    %swap3A_947 = tpu.vector_load %arg6[%swap3A_945, %swap3A_946] {strides = array<i32>} : memref<32x64xi32, #tpu.memory_space<vmem>>, vector<1x16xi32>,
    %swap3A_948 = vector.shape_cast %swap3A_947 : vector<1x16xi32> to vector<16xi32>
    %swap3A_949 = vector.shape_cast %add3A_943 : vector<16xi32> to vector<1x16xi32>
    tpu.vector_store %arg6[%swap3A_945, %swap3A_946], %swap3A_949 {strides = array<i32>} : memref<32x64xi32, #tpu.memory_space<vmem>>, vector<1x16xi32>,
    %get3A_950 = arith.constant 880 : index
    %get3A_951 = tpu.vector_load %arg5[%get3A_950] {strides = array<i32>} : memref<2048xi32, #tpu.memory_space<vmem>>, vector<16xi32>,
    %get3A_952 = vector.shape_cast %get3A_951 : vector<16xi32> to vector<16xi32>
    %mul3A_953 = arith.constant 16 : i32
    %mul3A_954 = vector.broadcast %mul3A_953 : i32 to vector<16xi32>
    %mul3A_955 = arith.muli %get3A_952, %mul3A_954 : vector<16xi32>
    %add3A_956 = arith.addi %mul3A_955, %iota3A : vector<16xi32>
    %swap3A_957 = arith.constant 13 : i32
    %swap3A_958 = arith.index_cast %swap3A_957 : i32 to index
    %swap3A_959 = arith.constant 48 : index
    %swap3A_960 = tpu.vector_load %arg6[%swap3A_958, %swap3A_959] {strides = array<i32>} : memref<32x64xi32, #tpu.memory_space<vmem>>, vector<1x16xi32>,
    %swap3A_961 = vector.shape_cast %swap3A_960 : vector<1x16xi32> to vector<16xi32>
    %swap3A_962 = vector.shape_cast %add3A_956 : vector<16xi32> to vector<1x16xi32>
    tpu.vector_store %arg6[%swap3A_958, %swap3A_959], %swap3A_962 {strides = array<i32>} : memref<32x64xi32, #tpu.memory_space<vmem>>, vector<1x16xi32>,
    %dma_start3A_963 = arith.constant 13 : i32
    %dma_start3A_964 = arith.constant 0 : i32
    %dma_start3A_965 = tpu.memref_slice %arg6[%dma_start3A_963, %dma_start3A_964] : memref<32x64xi32, #tpu.memory_space<vmem>> -> memref<1x64xi32, #tpu.memory_space<vmem>>
    %dma_start3A_966 = tpu.memref_squeeze %dma_start3A_965 : memref<1x64xi32, #tpu.memory_space<vmem>> -> memref<64xi32, #tpu.memory_space<vmem>>
    %dma_start3A_967 = arith.constant 0 : i32
    %dma_start3A_968 = arith.constant 0 : i32
    %dma_start3A_969 = tpu.memref_slice %arg2[%dma_start3A_967, %dma_start3A_968] : memref<32768x256xf32, #tpu.memory_space<hbm>> -> memref<32768x256xf32, #tpu.memory_space<hbm>>
    tpu.enqueue_indirect_dma source(%dma_start3A_969 : memref<32768x256xf32, #tpu.memory_space<hbm>>) target(%arg13 : memref<64x256xf32, #tpu.memory_space<vmem>>) offsets(%dma_start3A_966 : memref<64xi32, #tpu.memory_space<vmem>>) semaphore(%arg20 : memref<!tpu.dma_semaphore, #tpu.memory_space<semaphore_mem>>)
    %dma_wait3A_970 = arith.constant 9 : i32
    %dma_wait3A_971 = arith.constant 0 : i32
    %dma_wait3A_972 = tpu.memref_slice %arg6[%dma_wait3A_970, %dma_wait3A_971] : memref<32x64xi32, #tpu.memory_space<vmem>> -> memref<1x64xi32, #tpu.memory_space<vmem>>
    %dma_wait3A_973 = tpu.memref_squeeze %dma_wait3A_972 : memref<1x64xi32, #tpu.memory_space<vmem>> -> memref<64xi32, #tpu.memory_space<vmem>>
    %dma_wait3A_974 = arith.constant 0 : i32
    %dma_wait3A_975 = arith.constant 0 : i32
    %dma_wait3A_976 = tpu.memref_slice %arg2[%dma_wait3A_974, %dma_wait3A_975] : memref<32768x256xf32, #tpu.memory_space<hbm>> -> memref<32768x256xf32, #tpu.memory_space<hbm>>
    tpu.wait_indirect_dma semaphore(%arg16 : memref<!tpu.dma_semaphore, #tpu.memory_space<semaphore_mem>>) src(%dma_wait3A_976 : memref<32768x256xf32, #tpu.memory_space<hbm>>) dst(%arg9 : memref<64x256xf32, #tpu.memory_space<vmem>>)
    %add3A_977 = arith.constant 576 : i32
    %add3A_978 = arith.addi %mul3A_2, %add3A_977 : i32
    %dma_start3A_979 = arith.constant 0 : i32
    %dma_start3A_980 = tpu.memref_slice %arg4[%add3A_978, %dma_start3A_979] : memref<65536x256xf32, #tpu.memory_space<hbm>> -> memref<64x256xf32, #tpu.memory_space<hbm>>
    %dma_start3A_981 = arith.constant 0 : i32
    %dma_start3A_982 = tpu.memref_slice %arg4[%add3A_978, %dma_start3A_981] : memref<65536x256xf32, #tpu.memory_space<hbm>> -> memref<64x256xf32, #tpu.memory_space<hbm>>
    tpu.enqueue_dma source(%arg9 : memref<64x256xf32, #tpu.memory_space<vmem>>) target(%dma_start3A_982 : memref<64x256xf32, #tpu.memory_space<hbm>>) target_semaphore(%arg23 : memref<!tpu.dma_semaphore, #tpu.memory_space<semaphore_mem>>)
    %dma_wait3A_983 = arith.constant 0 : i32
    %dma_wait3A_984 = tpu.memref_slice %arg4[%add3A_826, %dma_wait3A_983] : memref<65536x256xf32, #tpu.memory_space<hbm>> -> memref<64x256xf32, #tpu.memory_space<hbm>>
    %dma_wait3A_985 = arith.constant 0 : i32
    %dma_wait3A_986 = tpu.memref_slice %arg4[%add3A_826, %dma_wait3A_985] : memref<65536x256xf32, #tpu.memory_space<hbm>> -> memref<64x256xf32, #tpu.memory_space<hbm>>
    tpu.wait_dma2 semaphore(%arg21 : memref<!tpu.dma_semaphore, #tpu.memory_space<semaphore_mem>>) src(%arg7 : memref<64x256xf32, #tpu.memory_space<vmem>>) dst(%dma_wait3A_986 : memref<64x256xf32, #tpu.memory_space<hbm>>)
    %get3A_987 = arith.constant 896 : index
    %get3A_988 = tpu.vector_load %arg5[%get3A_987] {strides = array<i32>} : memref<2048xi32, #tpu.memory_space<vmem>>, vector<16xi32>,
    %get3A_989 = vector.shape_cast %get3A_988 : vector<16xi32> to vector<16xi32>
    %mul3A_990 = arith.constant 16 : i32
    %mul3A_991 = vector.broadcast %mul3A_990 : i32 to vector<16xi32>
    %mul3A_992 = arith.muli %get3A_989, %mul3A_991 : vector<16xi32>
    %add3A_993 = arith.addi %mul3A_992, %iota3A : vector<16xi32>
    %swap3A_994 = arith.constant 14 : i32
    %swap3A_995 = arith.index_cast %swap3A_994 : i32 to index
    %swap3A_996 = arith.constant 0 : index
    %swap3A_997 = tpu.vector_load %arg6[%swap3A_995, %swap3A_996] {strides = array<i32>} : memref<32x64xi32, #tpu.memory_space<vmem>>, vector<1x16xi32>,
    %swap3A_998 = vector.shape_cast %swap3A_997 : vector<1x16xi32> to vector<16xi32>
    %swap3A_999 = vector.shape_cast %add3A_993 : vector<16xi32> to vector<1x16xi32>
    tpu.vector_store %arg6[%swap3A_995, %swap3A_996], %swap3A_999 {strides = array<i32>} : memref<32x64xi32, #tpu.memory_space<vmem>>, vector<1x16xi32>,
    %get3A_1000 = arith.constant 912 : index
    %get3A_1001 = tpu.vector_load %arg5[%get3A_1000] {strides = array<i32>} : memref<2048xi32, #tpu.memory_space<vmem>>, vector<16xi32>,
    %get3A_1002 = vector.shape_cast %get3A_1001 : vector<16xi32> to vector<16xi32>
    %mul3A_1003 = arith.constant 16 : i32
    %mul3A_1004 = vector.broadcast %mul3A_1003 : i32 to vector<16xi32>
    %mul3A_1005 = arith.muli %get3A_1002, %mul3A_1004 : vector<16xi32>
    %add3A_1006 = arith.addi %mul3A_1005, %iota3A : vector<16xi32>
    %swap3A_1007 = arith.constant 14 : i32
    %swap3A_1008 = arith.index_cast %swap3A_1007 : i32 to index
    %swap3A_1009 = arith.constant 16 : index
    %swap3A_1010 = tpu.vector_load %arg6[%swap3A_1008, %swap3A_1009] {strides = array<i32>} : memref<32x64xi32, #tpu.memory_space<vmem>>, vector<1x16xi32>,
    %swap3A_1011 = vector.shape_cast %swap3A_1010 : vector<1x16xi32> to vector<16xi32>
    %swap3A_1012 = vector.shape_cast %add3A_1006 : vector<16xi32> to vector<1x16xi32>
    tpu.vector_store %arg6[%swap3A_1008, %swap3A_1009], %swap3A_1012 {strides = array<i32>} : memref<32x64xi32, #tpu.memory_space<vmem>>, vector<1x16xi32>,
    %get3A_1013 = arith.constant 928 : index
    %get3A_1014 = tpu.vector_load %arg5[%get3A_1013] {strides = array<i32>} : memref<2048xi32, #tpu.memory_space<vmem>>, vector<16xi32>,
    %get3A_1015 = vector.shape_cast %get3A_1014 : vector<16xi32> to vector<16xi32>
    %mul3A_1016 = arith.constant 16 : i32
    %mul3A_1017 = vector.broadcast %mul3A_1016 : i32 to vector<16xi32>
    %mul3A_1018 = arith.muli %get3A_1015, %mul3A_1017 : vector<16xi32>
    %add3A_1019 = arith.addi %mul3A_1018, %iota3A : vector<16xi32>
    %swap3A_1020 = arith.constant 14 : i32
    %swap3A_1021 = arith.index_cast %swap3A_1020 : i32 to index
    %swap3A_1022 = arith.constant 32 : index
    %swap3A_1023 = tpu.vector_load %arg6[%swap3A_1021, %swap3A_1022] {strides = array<i32>} : memref<32x64xi32, #tpu.memory_space<vmem>>, vector<1x16xi32>,
    %swap3A_1024 = vector.shape_cast %swap3A_1023 : vector<1x16xi32> to vector<16xi32>
    %swap3A_1025 = vector.shape_cast %add3A_1019 : vector<16xi32> to vector<1x16xi32>
    tpu.vector_store %arg6[%swap3A_1021, %swap3A_1022], %swap3A_1025 {strides = array<i32>} : memref<32x64xi32, #tpu.memory_space<vmem>>, vector<1x16xi32>,
    %get3A_1026 = arith.constant 944 : index
    %get3A_1027 = tpu.vector_load %arg5[%get3A_1026] {strides = array<i32>} : memref<2048xi32, #tpu.memory_space<vmem>>, vector<16xi32>,
    %get3A_1028 = vector.shape_cast %get3A_1027 : vector<16xi32> to vector<16xi32>
    %mul3A_1029 = arith.constant 16 : i32
    %mul3A_1030 = vector.broadcast %mul3A_1029 : i32 to vector<16xi32>
    %mul3A_1031 = arith.muli %get3A_1028, %mul3A_1030 : vector<16xi32>
    %add3A_1032 = arith.addi %mul3A_1031, %iota3A : vector<16xi32>
    %swap3A_1033 = arith.constant 14 : i32
    %swap3A_1034 = arith.index_cast %swap3A_1033 : i32 to index
    %swap3A_1035 = arith.constant 48 : index
    %swap3A_1036 = tpu.vector_load %arg6[%swap3A_1034, %swap3A_1035] {strides = array<i32>} : memref<32x64xi32, #tpu.memory_space<vmem>>, vector<1x16xi32>,
    %swap3A_1037 = vector.shape_cast %swap3A_1036 : vector<1x16xi32> to vector<16xi32>
    %swap3A_1038 = vector.shape_cast %add3A_1032 : vector<16xi32> to vector<1x16xi32>
    tpu.vector_store %arg6[%swap3A_1034, %swap3A_1035], %swap3A_1038 {strides = array<i32>} : memref<32x64xi32, #tpu.memory_space<vmem>>, vector<1x16xi32>,
    %dma_start3A_1039 = arith.constant 14 : i32
    %dma_start3A_1040 = arith.constant 0 : i32
    %dma_start3A_1041 = tpu.memref_slice %arg6[%dma_start3A_1039, %dma_start3A_1040] : memref<32x64xi32, #tpu.memory_space<vmem>> -> memref<1x64xi32, #tpu.memory_space<vmem>>
    %dma_start3A_1042 = tpu.memref_squeeze %dma_start3A_1041 : memref<1x64xi32, #tpu.memory_space<vmem>> -> memref<64xi32, #tpu.memory_space<vmem>>
    %dma_start3A_1043 = arith.constant 0 : i32
    %dma_start3A_1044 = arith.constant 0 : i32
    %dma_start3A_1045 = tpu.memref_slice %arg2[%dma_start3A_1043, %dma_start3A_1044] : memref<32768x256xf32, #tpu.memory_space<hbm>> -> memref<32768x256xf32, #tpu.memory_space<hbm>>
    tpu.enqueue_indirect_dma source(%dma_start3A_1045 : memref<32768x256xf32, #tpu.memory_space<hbm>>) target(%arg7 : memref<64x256xf32, #tpu.memory_space<vmem>>) offsets(%dma_start3A_1042 : memref<64xi32, #tpu.memory_space<vmem>>) semaphore(%arg14 : memref<!tpu.dma_semaphore, #tpu.memory_space<semaphore_mem>>)
    %dma_wait3A_1046 = arith.constant 10 : i32
    %dma_wait3A_1047 = arith.constant 0 : i32
    %dma_wait3A_1048 = tpu.memref_slice %arg6[%dma_wait3A_1046, %dma_wait3A_1047] : memref<32x64xi32, #tpu.memory_space<vmem>> -> memref<1x64xi32, #tpu.memory_space<vmem>>
    %dma_wait3A_1049 = tpu.memref_squeeze %dma_wait3A_1048 : memref<1x64xi32, #tpu.memory_space<vmem>> -> memref<64xi32, #tpu.memory_space<vmem>>
    %dma_wait3A_1050 = arith.constant 0 : i32
    %dma_wait3A_1051 = arith.constant 0 : i32
    %dma_wait3A_1052 = tpu.memref_slice %arg2[%dma_wait3A_1050, %dma_wait3A_1051] : memref<32768x256xf32, #tpu.memory_space<hbm>> -> memref<32768x256xf32, #tpu.memory_space<hbm>>
    tpu.wait_indirect_dma semaphore(%arg17 : memref<!tpu.dma_semaphore, #tpu.memory_space<semaphore_mem>>) src(%dma_wait3A_1052 : memref<32768x256xf32, #tpu.memory_space<hbm>>) dst(%arg10 : memref<64x256xf32, #tpu.memory_space<vmem>>)
    %add3A_1053 = arith.constant 640 : i32
    %add3A_1054 = arith.addi %mul3A_2, %add3A_1053 : i32
    %dma_start3A_1055 = arith.constant 0 : i32
    %dma_start3A_1056 = tpu.memref_slice %arg4[%add3A_1054, %dma_start3A_1055] : memref<65536x256xf32, #tpu.memory_space<hbm>> -> memref<64x256xf32, #tpu.memory_space<hbm>>
    %dma_start3A_1057 = arith.constant 0 : i32
    %dma_start3A_1058 = tpu.memref_slice %arg4[%add3A_1054, %dma_start3A_1057] : memref<65536x256xf32, #tpu.memory_space<hbm>> -> memref<64x256xf32, #tpu.memory_space<hbm>>
    tpu.enqueue_dma source(%arg10 : memref<64x256xf32, #tpu.memory_space<vmem>>) target(%dma_start3A_1058 : memref<64x256xf32, #tpu.memory_space<hbm>>) target_semaphore(%arg24 : memref<!tpu.dma_semaphore, #tpu.memory_space<semaphore_mem>>)
    %dma_wait3A_1059 = arith.constant 0 : i32
    %dma_wait3A_1060 = tpu.memref_slice %arg4[%add3A_902, %dma_wait3A_1059] : memref<65536x256xf32, #tpu.memory_space<hbm>> -> memref<64x256xf32, #tpu.memory_space<hbm>>
    %dma_wait3A_1061 = arith.constant 0 : i32
    %dma_wait3A_1062 = tpu.memref_slice %arg4[%add3A_902, %dma_wait3A_1061] : memref<65536x256xf32, #tpu.memory_space<hbm>> -> memref<64x256xf32, #tpu.memory_space<hbm>>
    tpu.wait_dma2 semaphore(%arg22 : memref<!tpu.dma_semaphore, #tpu.memory_space<semaphore_mem>>) src(%arg8 : memref<64x256xf32, #tpu.memory_space<vmem>>) dst(%dma_wait3A_1062 : memref<64x256xf32, #tpu.memory_space<hbm>>)
    %get3A_1063 = arith.constant 960 : index
    %get3A_1064 = tpu.vector_load %arg5[%get3A_1063] {strides = array<i32>} : memref<2048xi32, #tpu.memory_space<vmem>>, vector<16xi32>,
    %get3A_1065 = vector.shape_cast %get3A_1064 : vector<16xi32> to vector<16xi32>
    %mul3A_1066 = arith.constant 16 : i32
    %mul3A_1067 = vector.broadcast %mul3A_1066 : i32 to vector<16xi32>
    %mul3A_1068 = arith.muli %get3A_1065, %mul3A_1067 : vector<16xi32>
    %add3A_1069 = arith.addi %mul3A_1068, %iota3A : vector<16xi32>
    %swap3A_1070 = arith.constant 15 : i32
    %swap3A_1071 = arith.index_cast %swap3A_1070 : i32 to index
    %swap3A_1072 = arith.constant 0 : index
    %swap3A_1073 = tpu.vector_load %arg6[%swap3A_1071, %swap3A_1072] {strides = array<i32>} : memref<32x64xi32, #tpu.memory_space<vmem>>, vector<1x16xi32>,
    %swap3A_1074 = vector.shape_cast %swap3A_1073 : vector<1x16xi32> to vector<16xi32>
    %swap3A_1075 = vector.shape_cast %add3A_1069 : vector<16xi32> to vector<1x16xi32>
    tpu.vector_store %arg6[%swap3A_1071, %swap3A_1072], %swap3A_1075 {strides = array<i32>} : memref<32x64xi32, #tpu.memory_space<vmem>>, vector<1x16xi32>,
    %get3A_1076 = arith.constant 976 : index
    %get3A_1077 = tpu.vector_load %arg5[%get3A_1076] {strides = array<i32>} : memref<2048xi32, #tpu.memory_space<vmem>>, vector<16xi32>,
    %get3A_1078 = vector.shape_cast %get3A_1077 : vector<16xi32> to vector<16xi32>
    %mul3A_1079 = arith.constant 16 : i32
    %mul3A_1080 = vector.broadcast %mul3A_1079 : i32 to vector<16xi32>
    %mul3A_1081 = arith.muli %get3A_1078, %mul3A_1080 : vector<16xi32>
    %add3A_1082 = arith.addi %mul3A_1081, %iota3A : vector<16xi32>
    %swap3A_1083 = arith.constant 15 : i32
    %swap3A_1084 = arith.index_cast %swap3A_1083 : i32 to index
    %swap3A_1085 = arith.constant 16 : index
    %swap3A_1086 = tpu.vector_load %arg6[%swap3A_1084, %swap3A_1085] {strides = array<i32>} : memref<32x64xi32, #tpu.memory_space<vmem>>, vector<1x16xi32>,
    %swap3A_1087 = vector.shape_cast %swap3A_1086 : vector<1x16xi32> to vector<16xi32>
    %swap3A_1088 = vector.shape_cast %add3A_1082 : vector<16xi32> to vector<1x16xi32>
    tpu.vector_store %arg6[%swap3A_1084, %swap3A_1085], %swap3A_1088 {strides = array<i32>} : memref<32x64xi32, #tpu.memory_space<vmem>>, vector<1x16xi32>,
    %get3A_1089 = arith.constant 992 : index
    %get3A_1090 = tpu.vector_load %arg5[%get3A_1089] {strides = array<i32>} : memref<2048xi32, #tpu.memory_space<vmem>>, vector<16xi32>,
    %get3A_1091 = vector.shape_cast %get3A_1090 : vector<16xi32> to vector<16xi32>
    %mul3A_1092 = arith.constant 16 : i32
    %mul3A_1093 = vector.broadcast %mul3A_1092 : i32 to vector<16xi32>
    %mul3A_1094 = arith.muli %get3A_1091, %mul3A_1093 : vector<16xi32>
    %add3A_1095 = arith.addi %mul3A_1094, %iota3A : vector<16xi32>
    %swap3A_1096 = arith.constant 15 : i32
    %swap3A_1097 = arith.index_cast %swap3A_1096 : i32 to index
    %swap3A_1098 = arith.constant 32 : index
    %swap3A_1099 = tpu.vector_load %arg6[%swap3A_1097, %swap3A_1098] {strides = array<i32>} : memref<32x64xi32, #tpu.memory_space<vmem>>, vector<1x16xi32>,
    %swap3A_1100 = vector.shape_cast %swap3A_1099 : vector<1x16xi32> to vector<16xi32>
    %swap3A_1101 = vector.shape_cast %add3A_1095 : vector<16xi32> to vector<1x16xi32>
    tpu.vector_store %arg6[%swap3A_1097, %swap3A_1098], %swap3A_1101 {strides = array<i32>} : memref<32x64xi32, #tpu.memory_space<vmem>>, vector<1x16xi32>,
    %get3A_1102 = arith.constant 1008 : index
    %get3A_1103 = tpu.vector_load %arg5[%get3A_1102] {strides = array<i32>} : memref<2048xi32, #tpu.memory_space<vmem>>, vector<16xi32>,
    %get3A_1104 = vector.shape_cast %get3A_1103 : vector<16xi32> to vector<16xi32>
    %mul3A_1105 = arith.constant 16 : i32
    %mul3A_1106 = vector.broadcast %mul3A_1105 : i32 to vector<16xi32>
    %mul3A_1107 = arith.muli %get3A_1104, %mul3A_1106 : vector<16xi32>
    %add3A_1108 = arith.addi %mul3A_1107, %iota3A : vector<16xi32>
    %swap3A_1109 = arith.constant 15 : i32
    %swap3A_1110 = arith.index_cast %swap3A_1109 : i32 to index
    %swap3A_1111 = arith.constant 48 : index
    %swap3A_1112 = tpu.vector_load %arg6[%swap3A_1110, %swap3A_1111] {strides = array<i32>} : memref<32x64xi32, #tpu.memory_space<vmem>>, vector<1x16xi32>,
    %swap3A_1113 = vector.shape_cast %swap3A_1112 : vector<1x16xi32> to vector<16xi32>
    %swap3A_1114 = vector.shape_cast %add3A_1108 : vector<16xi32> to vector<1x16xi32>
    tpu.vector_store %arg6[%swap3A_1110, %swap3A_1111], %swap3A_1114 {strides = array<i32>} : memref<32x64xi32, #tpu.memory_space<vmem>>, vector<1x16xi32>,
    %dma_start3A_1115 = arith.constant 15 : i32
    %dma_start3A_1116 = arith.constant 0 : i32
    %dma_start3A_1117 = tpu.memref_slice %arg6[%dma_start3A_1115, %dma_start3A_1116] : memref<32x64xi32, #tpu.memory_space<vmem>> -> memref<1x64xi32, #tpu.memory_space<vmem>>
    %dma_start3A_1118 = tpu.memref_squeeze %dma_start3A_1117 : memref<1x64xi32, #tpu.memory_space<vmem>> -> memref<64xi32, #tpu.memory_space<vmem>>
    %dma_start3A_1119 = arith.constant 0 : i32
    %dma_start3A_1120 = arith.constant 0 : i32
    %dma_start3A_1121 = tpu.memref_slice %arg2[%dma_start3A_1119, %dma_start3A_1120] : memref<32768x256xf32, #tpu.memory_space<hbm>> -> memref<32768x256xf32, #tpu.memory_space<hbm>>
    tpu.enqueue_indirect_dma source(%dma_start3A_1121 : memref<32768x256xf32, #tpu.memory_space<hbm>>) target(%arg8 : memref<64x256xf32, #tpu.memory_space<vmem>>) offsets(%dma_start3A_1118 : memref<64xi32, #tpu.memory_space<vmem>>) semaphore(%arg15 : memref<!tpu.dma_semaphore, #tpu.memory_space<semaphore_mem>>)
    %dma_wait3A_1122 = arith.constant 11 : i32
    %dma_wait3A_1123 = arith.constant 0 : i32
    %dma_wait3A_1124 = tpu.memref_slice %arg6[%dma_wait3A_1122, %dma_wait3A_1123] : memref<32x64xi32, #tpu.memory_space<vmem>> -> memref<1x64xi32, #tpu.memory_space<vmem>>
    %dma_wait3A_1125 = tpu.memref_squeeze %dma_wait3A_1124 : memref<1x64xi32, #tpu.memory_space<vmem>> -> memref<64xi32, #tpu.memory_space<vmem>>
    %dma_wait3A_1126 = arith.constant 0 : i32
    %dma_wait3A_1127 = arith.constant 0 : i32
    %dma_wait3A_1128 = tpu.memref_slice %arg2[%dma_wait3A_1126, %dma_wait3A_1127] : memref<32768x256xf32, #tpu.memory_space<hbm>> -> memref<32768x256xf32, #tpu.memory_space<hbm>>
    tpu.wait_indirect_dma semaphore(%arg18 : memref<!tpu.dma_semaphore, #tpu.memory_space<semaphore_mem>>) src(%dma_wait3A_1128 : memref<32768x256xf32, #tpu.memory_space<hbm>>) dst(%arg11 : memref<64x256xf32, #tpu.memory_space<vmem>>)
    %add3A_1129 = arith.constant 704 : i32
    %add3A_1130 = arith.addi %mul3A_2, %add3A_1129 : i32
    %dma_start3A_1131 = arith.constant 0 : i32
    %dma_start3A_1132 = tpu.memref_slice %arg4[%add3A_1130, %dma_start3A_1131] : memref<65536x256xf32, #tpu.memory_space<hbm>> -> memref<64x256xf32, #tpu.memory_space<hbm>>
    %dma_start3A_1133 = arith.constant 0 : i32
    %dma_start3A_1134 = tpu.memref_slice %arg4[%add3A_1130, %dma_start3A_1133] : memref<65536x256xf32, #tpu.memory_space<hbm>> -> memref<64x256xf32, #tpu.memory_space<hbm>>
    tpu.enqueue_dma source(%arg11 : memref<64x256xf32, #tpu.memory_space<vmem>>) target(%dma_start3A_1134 : memref<64x256xf32, #tpu.memory_space<hbm>>) target_semaphore(%arg25 : memref<!tpu.dma_semaphore, #tpu.memory_space<semaphore_mem>>)
    %dma_wait3A_1135 = arith.constant 0 : i32
    %dma_wait3A_1136 = tpu.memref_slice %arg4[%add3A_978, %dma_wait3A_1135] : memref<65536x256xf32, #tpu.memory_space<hbm>> -> memref<64x256xf32, #tpu.memory_space<hbm>>
    %dma_wait3A_1137 = arith.constant 0 : i32
    %dma_wait3A_1138 = tpu.memref_slice %arg4[%add3A_978, %dma_wait3A_1137] : memref<65536x256xf32, #tpu.memory_space<hbm>> -> memref<64x256xf32, #tpu.memory_space<hbm>>
    tpu.wait_dma2 semaphore(%arg23 : memref<!tpu.dma_semaphore, #tpu.memory_space<semaphore_mem>>) src(%arg9 : memref<64x256xf32, #tpu.memory_space<vmem>>) dst(%dma_wait3A_1138 : memref<64x256xf32, #tpu.memory_space<hbm>>)
    %get3A_1139 = arith.constant 1024 : index
    %get3A_1140 = tpu.vector_load %arg5[%get3A_1139] {strides = array<i32>} : memref<2048xi32, #tpu.memory_space<vmem>>, vector<16xi32>,
    %get3A_1141 = vector.shape_cast %get3A_1140 : vector<16xi32> to vector<16xi32>
    %mul3A_1142 = arith.constant 16 : i32
    %mul3A_1143 = vector.broadcast %mul3A_1142 : i32 to vector<16xi32>
    %mul3A_1144 = arith.muli %get3A_1141, %mul3A_1143 : vector<16xi32>
    %add3A_1145 = arith.addi %mul3A_1144, %iota3A : vector<16xi32>
    %swap3A_1146 = arith.constant 16 : i32
    %swap3A_1147 = arith.index_cast %swap3A_1146 : i32 to index
    %swap3A_1148 = arith.constant 0 : index
    %swap3A_1149 = tpu.vector_load %arg6[%swap3A_1147, %swap3A_1148] {strides = array<i32>} : memref<32x64xi32, #tpu.memory_space<vmem>>, vector<1x16xi32>,
    %swap3A_1150 = vector.shape_cast %swap3A_1149 : vector<1x16xi32> to vector<16xi32>
    %swap3A_1151 = vector.shape_cast %add3A_1145 : vector<16xi32> to vector<1x16xi32>
    tpu.vector_store %arg6[%swap3A_1147, %swap3A_1148], %swap3A_1151 {strides = array<i32>} : memref<32x64xi32, #tpu.memory_space<vmem>>, vector<1x16xi32>,
    %get3A_1152 = arith.constant 1040 : index
    %get3A_1153 = tpu.vector_load %arg5[%get3A_1152] {strides = array<i32>} : memref<2048xi32, #tpu.memory_space<vmem>>, vector<16xi32>,
    %get3A_1154 = vector.shape_cast %get3A_1153 : vector<16xi32> to vector<16xi32>
    %mul3A_1155 = arith.constant 16 : i32
    %mul3A_1156 = vector.broadcast %mul3A_1155 : i32 to vector<16xi32>
    %mul3A_1157 = arith.muli %get3A_1154, %mul3A_1156 : vector<16xi32>
    %add3A_1158 = arith.addi %mul3A_1157, %iota3A : vector<16xi32>
    %swap3A_1159 = arith.constant 16 : i32
    %swap3A_1160 = arith.index_cast %swap3A_1159 : i32 to index
    %swap3A_1161 = arith.constant 16 : index
    %swap3A_1162 = tpu.vector_load %arg6[%swap3A_1160, %swap3A_1161] {strides = array<i32>} : memref<32x64xi32, #tpu.memory_space<vmem>>, vector<1x16xi32>,
    %swap3A_1163 = vector.shape_cast %swap3A_1162 : vector<1x16xi32> to vector<16xi32>
    %swap3A_1164 = vector.shape_cast %add3A_1158 : vector<16xi32> to vector<1x16xi32>
    tpu.vector_store %arg6[%swap3A_1160, %swap3A_1161], %swap3A_1164 {strides = array<i32>} : memref<32x64xi32, #tpu.memory_space<vmem>>, vector<1x16xi32>,
    %get3A_1165 = arith.constant 1056 : index
    %get3A_1166 = tpu.vector_load %arg5[%get3A_1165] {strides = array<i32>} : memref<2048xi32, #tpu.memory_space<vmem>>, vector<16xi32>,
    %get3A_1167 = vector.shape_cast %get3A_1166 : vector<16xi32> to vector<16xi32>
    %mul3A_1168 = arith.constant 16 : i32
    %mul3A_1169 = vector.broadcast %mul3A_1168 : i32 to vector<16xi32>
    %mul3A_1170 = arith.muli %get3A_1167, %mul3A_1169 : vector<16xi32>
    %add3A_1171 = arith.addi %mul3A_1170, %iota3A : vector<16xi32>
    %swap3A_1172 = arith.constant 16 : i32
    %swap3A_1173 = arith.index_cast %swap3A_1172 : i32 to index
    %swap3A_1174 = arith.constant 32 : index
    %swap3A_1175 = tpu.vector_load %arg6[%swap3A_1173, %swap3A_1174] {strides = array<i32>} : memref<32x64xi32, #tpu.memory_space<vmem>>, vector<1x16xi32>,
    %swap3A_1176 = vector.shape_cast %swap3A_1175 : vector<1x16xi32> to vector<16xi32>
    %swap3A_1177 = vector.shape_cast %add3A_1171 : vector<16xi32> to vector<1x16xi32>
    tpu.vector_store %arg6[%swap3A_1173, %swap3A_1174], %swap3A_1177 {strides = array<i32>} : memref<32x64xi32, #tpu.memory_space<vmem>>, vector<1x16xi32>,
    %get3A_1178 = arith.constant 1072 : index
    %get3A_1179 = tpu.vector_load %arg5[%get3A_1178] {strides = array<i32>} : memref<2048xi32, #tpu.memory_space<vmem>>, vector<16xi32>,
    %get3A_1180 = vector.shape_cast %get3A_1179 : vector<16xi32> to vector<16xi32>
    %mul3A_1181 = arith.constant 16 : i32
    %mul3A_1182 = vector.broadcast %mul3A_1181 : i32 to vector<16xi32>
    %mul3A_1183 = arith.muli %get3A_1180, %mul3A_1182 : vector<16xi32>
    %add3A_1184 = arith.addi %mul3A_1183, %iota3A : vector<16xi32>
    %swap3A_1185 = arith.constant 16 : i32
    %swap3A_1186 = arith.index_cast %swap3A_1185 : i32 to index
    %swap3A_1187 = arith.constant 48 : index
    %swap3A_1188 = tpu.vector_load %arg6[%swap3A_1186, %swap3A_1187] {strides = array<i32>} : memref<32x64xi32, #tpu.memory_space<vmem>>, vector<1x16xi32>,
    %swap3A_1189 = vector.shape_cast %swap3A_1188 : vector<1x16xi32> to vector<16xi32>
    %swap3A_1190 = vector.shape_cast %add3A_1184 : vector<16xi32> to vector<1x16xi32>
    tpu.vector_store %arg6[%swap3A_1186, %swap3A_1187], %swap3A_1190 {strides = array<i32>} : memref<32x64xi32, #tpu.memory_space<vmem>>, vector<1x16xi32>,
    %dma_start3A_1191 = arith.constant 16 : i32
    %dma_start3A_1192 = arith.constant 0 : i32
    %dma_start3A_1193 = tpu.memref_slice %arg6[%dma_start3A_1191, %dma_start3A_1192] : memref<32x64xi32, #tpu.memory_space<vmem>> -> memref<1x64xi32, #tpu.memory_space<vmem>>
    %dma_start3A_1194 = tpu.memref_squeeze %dma_start3A_1193 : memref<1x64xi32, #tpu.memory_space<vmem>> -> memref<64xi32, #tpu.memory_space<vmem>>
    %dma_start3A_1195 = arith.constant 0 : i32
    %dma_start3A_1196 = arith.constant 0 : i32
    %dma_start3A_1197 = tpu.memref_slice %arg2[%dma_start3A_1195, %dma_start3A_1196] : memref<32768x256xf32, #tpu.memory_space<hbm>> -> memref<32768x256xf32, #tpu.memory_space<hbm>>
    tpu.enqueue_indirect_dma source(%dma_start3A_1197 : memref<32768x256xf32, #tpu.memory_space<hbm>>) target(%arg9 : memref<64x256xf32, #tpu.memory_space<vmem>>) offsets(%dma_start3A_1194 : memref<64xi32, #tpu.memory_space<vmem>>) semaphore(%arg16 : memref<!tpu.dma_semaphore, #tpu.memory_space<semaphore_mem>>)
    %dma_wait3A_1198 = arith.constant 12 : i32
    %dma_wait3A_1199 = arith.constant 0 : i32
    %dma_wait3A_1200 = tpu.memref_slice %arg6[%dma_wait3A_1198, %dma_wait3A_1199] : memref<32x64xi32, #tpu.memory_space<vmem>> -> memref<1x64xi32, #tpu.memory_space<vmem>>
    %dma_wait3A_1201 = tpu.memref_squeeze %dma_wait3A_1200 : memref<1x64xi32, #tpu.memory_space<vmem>> -> memref<64xi32, #tpu.memory_space<vmem>>
    %dma_wait3A_1202 = arith.constant 0 : i32
    %dma_wait3A_1203 = arith.constant 0 : i32
    %dma_wait3A_1204 = tpu.memref_slice %arg2[%dma_wait3A_1202, %dma_wait3A_1203] : memref<32768x256xf32, #tpu.memory_space<hbm>> -> memref<32768x256xf32, #tpu.memory_space<hbm>>
    tpu.wait_indirect_dma semaphore(%arg19 : memref<!tpu.dma_semaphore, #tpu.memory_space<semaphore_mem>>) src(%dma_wait3A_1204 : memref<32768x256xf32, #tpu.memory_space<hbm>>) dst(%arg12 : memref<64x256xf32, #tpu.memory_space<vmem>>)
    %add3A_1205 = arith.constant 768 : i32
    %add3A_1206 = arith.addi %mul3A_2, %add3A_1205 : i32
    %dma_start3A_1207 = arith.constant 0 : i32
    %dma_start3A_1208 = tpu.memref_slice %arg4[%add3A_1206, %dma_start3A_1207] : memref<65536x256xf32, #tpu.memory_space<hbm>> -> memref<64x256xf32, #tpu.memory_space<hbm>>
    %dma_start3A_1209 = arith.constant 0 : i32
    %dma_start3A_1210 = tpu.memref_slice %arg4[%add3A_1206, %dma_start3A_1209] : memref<65536x256xf32, #tpu.memory_space<hbm>> -> memref<64x256xf32, #tpu.memory_space<hbm>>
    tpu.enqueue_dma source(%arg12 : memref<64x256xf32, #tpu.memory_space<vmem>>) target(%dma_start3A_1210 : memref<64x256xf32, #tpu.memory_space<hbm>>) target_semaphore(%arg26 : memref<!tpu.dma_semaphore, #tpu.memory_space<semaphore_mem>>)
    %dma_wait3A_1211 = arith.constant 0 : i32
    %dma_wait3A_1212 = tpu.memref_slice %arg4[%add3A_1054, %dma_wait3A_1211] : memref<65536x256xf32, #tpu.memory_space<hbm>> -> memref<64x256xf32, #tpu.memory_space<hbm>>
    %dma_wait3A_1213 = arith.constant 0 : i32
    %dma_wait3A_1214 = tpu.memref_slice %arg4[%add3A_1054, %dma_wait3A_1213] : memref<65536x256xf32, #tpu.memory_space<hbm>> -> memref<64x256xf32, #tpu.memory_space<hbm>>
    tpu.wait_dma2 semaphore(%arg24 : memref<!tpu.dma_semaphore, #tpu.memory_space<semaphore_mem>>) src(%arg10 : memref<64x256xf32, #tpu.memory_space<vmem>>) dst(%dma_wait3A_1214 : memref<64x256xf32, #tpu.memory_space<hbm>>)
    %get3A_1215 = arith.constant 1088 : index
    %get3A_1216 = tpu.vector_load %arg5[%get3A_1215] {strides = array<i32>} : memref<2048xi32, #tpu.memory_space<vmem>>, vector<16xi32>,
    %get3A_1217 = vector.shape_cast %get3A_1216 : vector<16xi32> to vector<16xi32>
    %mul3A_1218 = arith.constant 16 : i32
    %mul3A_1219 = vector.broadcast %mul3A_1218 : i32 to vector<16xi32>
    %mul3A_1220 = arith.muli %get3A_1217, %mul3A_1219 : vector<16xi32>
    %add3A_1221 = arith.addi %mul3A_1220, %iota3A : vector<16xi32>
    %swap3A_1222 = arith.constant 17 : i32
    %swap3A_1223 = arith.index_cast %swap3A_1222 : i32 to index
    %swap3A_1224 = arith.constant 0 : index
    %swap3A_1225 = tpu.vector_load %arg6[%swap3A_1223, %swap3A_1224] {strides = array<i32>} : memref<32x64xi32, #tpu.memory_space<vmem>>, vector<1x16xi32>,
    %swap3A_1226 = vector.shape_cast %swap3A_1225 : vector<1x16xi32> to vector<16xi32>
    %swap3A_1227 = vector.shape_cast %add3A_1221 : vector<16xi32> to vector<1x16xi32>
    tpu.vector_store %arg6[%swap3A_1223, %swap3A_1224], %swap3A_1227 {strides = array<i32>} : memref<32x64xi32, #tpu.memory_space<vmem>>, vector<1x16xi32>,
    %get3A_1228 = arith.constant 1104 : index
    %get3A_1229 = tpu.vector_load %arg5[%get3A_1228] {strides = array<i32>} : memref<2048xi32, #tpu.memory_space<vmem>>, vector<16xi32>,
    %get3A_1230 = vector.shape_cast %get3A_1229 : vector<16xi32> to vector<16xi32>
    %mul3A_1231 = arith.constant 16 : i32
    %mul3A_1232 = vector.broadcast %mul3A_1231 : i32 to vector<16xi32>
    %mul3A_1233 = arith.muli %get3A_1230, %mul3A_1232 : vector<16xi32>
    %add3A_1234 = arith.addi %mul3A_1233, %iota3A : vector<16xi32>
    %swap3A_1235 = arith.constant 17 : i32
    %swap3A_1236 = arith.index_cast %swap3A_1235 : i32 to index
    %swap3A_1237 = arith.constant 16 : index
    %swap3A_1238 = tpu.vector_load %arg6[%swap3A_1236, %swap3A_1237] {strides = array<i32>} : memref<32x64xi32, #tpu.memory_space<vmem>>, vector<1x16xi32>,
    %swap3A_1239 = vector.shape_cast %swap3A_1238 : vector<1x16xi32> to vector<16xi32>
    %swap3A_1240 = vector.shape_cast %add3A_1234 : vector<16xi32> to vector<1x16xi32>
    tpu.vector_store %arg6[%swap3A_1236, %swap3A_1237], %swap3A_1240 {strides = array<i32>} : memref<32x64xi32, #tpu.memory_space<vmem>>, vector<1x16xi32>,
    %get3A_1241 = arith.constant 1120 : index
    %get3A_1242 = tpu.vector_load %arg5[%get3A_1241] {strides = array<i32>} : memref<2048xi32, #tpu.memory_space<vmem>>, vector<16xi32>,
    %get3A_1243 = vector.shape_cast %get3A_1242 : vector<16xi32> to vector<16xi32>
    %mul3A_1244 = arith.constant 16 : i32
    %mul3A_1245 = vector.broadcast %mul3A_1244 : i32 to vector<16xi32>
    %mul3A_1246 = arith.muli %get3A_1243, %mul3A_1245 : vector<16xi32>
    %add3A_1247 = arith.addi %mul3A_1246, %iota3A : vector<16xi32>
    %swap3A_1248 = arith.constant 17 : i32
    %swap3A_1249 = arith.index_cast %swap3A_1248 : i32 to index
    %swap3A_1250 = arith.constant 32 : index
    %swap3A_1251 = tpu.vector_load %arg6[%swap3A_1249, %swap3A_1250] {strides = array<i32>} : memref<32x64xi32, #tpu.memory_space<vmem>>, vector<1x16xi32>,
    %swap3A_1252 = vector.shape_cast %swap3A_1251 : vector<1x16xi32> to vector<16xi32>
    %swap3A_1253 = vector.shape_cast %add3A_1247 : vector<16xi32> to vector<1x16xi32>
    tpu.vector_store %arg6[%swap3A_1249, %swap3A_1250], %swap3A_1253 {strides = array<i32>} : memref<32x64xi32, #tpu.memory_space<vmem>>, vector<1x16xi32>,
    %get3A_1254 = arith.constant 1136 : index
    %get3A_1255 = tpu.vector_load %arg5[%get3A_1254] {strides = array<i32>} : memref<2048xi32, #tpu.memory_space<vmem>>, vector<16xi32>,
    %get3A_1256 = vector.shape_cast %get3A_1255 : vector<16xi32> to vector<16xi32>
    %mul3A_1257 = arith.constant 16 : i32
    %mul3A_1258 = vector.broadcast %mul3A_1257 : i32 to vector<16xi32>
    %mul3A_1259 = arith.muli %get3A_1256, %mul3A_1258 : vector<16xi32>
    %add3A_1260 = arith.addi %mul3A_1259, %iota3A : vector<16xi32>
    %swap3A_1261 = arith.constant 17 : i32
    %swap3A_1262 = arith.index_cast %swap3A_1261 : i32 to index
    %swap3A_1263 = arith.constant 48 : index
    %swap3A_1264 = tpu.vector_load %arg6[%swap3A_1262, %swap3A_1263] {strides = array<i32>} : memref<32x64xi32, #tpu.memory_space<vmem>>, vector<1x16xi32>,
    %swap3A_1265 = vector.shape_cast %swap3A_1264 : vector<1x16xi32> to vector<16xi32>
    %swap3A_1266 = vector.shape_cast %add3A_1260 : vector<16xi32> to vector<1x16xi32>
    tpu.vector_store %arg6[%swap3A_1262, %swap3A_1263], %swap3A_1266 {strides = array<i32>} : memref<32x64xi32, #tpu.memory_space<vmem>>, vector<1x16xi32>,
    %dma_start3A_1267 = arith.constant 17 : i32
    %dma_start3A_1268 = arith.constant 0 : i32
    %dma_start3A_1269 = tpu.memref_slice %arg6[%dma_start3A_1267, %dma_start3A_1268] : memref<32x64xi32, #tpu.memory_space<vmem>> -> memref<1x64xi32, #tpu.memory_space<vmem>>
    %dma_start3A_1270 = tpu.memref_squeeze %dma_start3A_1269 : memref<1x64xi32, #tpu.memory_space<vmem>> -> memref<64xi32, #tpu.memory_space<vmem>>
    %dma_start3A_1271 = arith.constant 0 : i32
    %dma_start3A_1272 = arith.constant 0 : i32
    %dma_start3A_1273 = tpu.memref_slice %arg2[%dma_start3A_1271, %dma_start3A_1272] : memref<32768x256xf32, #tpu.memory_space<hbm>> -> memref<32768x256xf32, #tpu.memory_space<hbm>>
    tpu.enqueue_indirect_dma source(%dma_start3A_1273 : memref<32768x256xf32, #tpu.memory_space<hbm>>) target(%arg10 : memref<64x256xf32, #tpu.memory_space<vmem>>) offsets(%dma_start3A_1270 : memref<64xi32, #tpu.memory_space<vmem>>) semaphore(%arg17 : memref<!tpu.dma_semaphore, #tpu.memory_space<semaphore_mem>>)
    %dma_wait3A_1274 = arith.constant 13 : i32
    %dma_wait3A_1275 = arith.constant 0 : i32
    %dma_wait3A_1276 = tpu.memref_slice %arg6[%dma_wait3A_1274, %dma_wait3A_1275] : memref<32x64xi32, #tpu.memory_space<vmem>> -> memref<1x64xi32, #tpu.memory_space<vmem>>
    %dma_wait3A_1277 = tpu.memref_squeeze %dma_wait3A_1276 : memref<1x64xi32, #tpu.memory_space<vmem>> -> memref<64xi32, #tpu.memory_space<vmem>>
    %dma_wait3A_1278 = arith.constant 0 : i32
    %dma_wait3A_1279 = arith.constant 0 : i32
    %dma_wait3A_1280 = tpu.memref_slice %arg2[%dma_wait3A_1278, %dma_wait3A_1279] : memref<32768x256xf32, #tpu.memory_space<hbm>> -> memref<32768x256xf32, #tpu.memory_space<hbm>>
    tpu.wait_indirect_dma semaphore(%arg20 : memref<!tpu.dma_semaphore, #tpu.memory_space<semaphore_mem>>) src(%dma_wait3A_1280 : memref<32768x256xf32, #tpu.memory_space<hbm>>) dst(%arg13 : memref<64x256xf32, #tpu.memory_space<vmem>>)
    %add3A_1281 = arith.constant 832 : i32
    %add3A_1282 = arith.addi %mul3A_2, %add3A_1281 : i32
    %dma_start3A_1283 = arith.constant 0 : i32
    %dma_start3A_1284 = tpu.memref_slice %arg4[%add3A_1282, %dma_start3A_1283] : memref<65536x256xf32, #tpu.memory_space<hbm>> -> memref<64x256xf32, #tpu.memory_space<hbm>>
    %dma_start3A_1285 = arith.constant 0 : i32
    %dma_start3A_1286 = tpu.memref_slice %arg4[%add3A_1282, %dma_start3A_1285] : memref<65536x256xf32, #tpu.memory_space<hbm>> -> memref<64x256xf32, #tpu.memory_space<hbm>>
    tpu.enqueue_dma source(%arg13 : memref<64x256xf32, #tpu.memory_space<vmem>>) target(%dma_start3A_1286 : memref<64x256xf32, #tpu.memory_space<hbm>>) target_semaphore(%arg27 : memref<!tpu.dma_semaphore, #tpu.memory_space<semaphore_mem>>)
    %dma_wait3A_1287 = arith.constant 0 : i32
    %dma_wait3A_1288 = tpu.memref_slice %arg4[%add3A_1130, %dma_wait3A_1287] : memref<65536x256xf32, #tpu.memory_space<hbm>> -> memref<64x256xf32, #tpu.memory_space<hbm>>
    %dma_wait3A_1289 = arith.constant 0 : i32
    %dma_wait3A_1290 = tpu.memref_slice %arg4[%add3A_1130, %dma_wait3A_1289] : memref<65536x256xf32, #tpu.memory_space<hbm>> -> memref<64x256xf32, #tpu.memory_space<hbm>>
    tpu.wait_dma2 semaphore(%arg25 : memref<!tpu.dma_semaphore, #tpu.memory_space<semaphore_mem>>) src(%arg11 : memref<64x256xf32, #tpu.memory_space<vmem>>) dst(%dma_wait3A_1290 : memref<64x256xf32, #tpu.memory_space<hbm>>)
    %get3A_1291 = arith.constant 1152 : index
    %get3A_1292 = tpu.vector_load %arg5[%get3A_1291] {strides = array<i32>} : memref<2048xi32, #tpu.memory_space<vmem>>, vector<16xi32>,
    %get3A_1293 = vector.shape_cast %get3A_1292 : vector<16xi32> to vector<16xi32>
    %mul3A_1294 = arith.constant 16 : i32
    %mul3A_1295 = vector.broadcast %mul3A_1294 : i32 to vector<16xi32>
    %mul3A_1296 = arith.muli %get3A_1293, %mul3A_1295 : vector<16xi32>
    %add3A_1297 = arith.addi %mul3A_1296, %iota3A : vector<16xi32>
    %swap3A_1298 = arith.constant 18 : i32
    %swap3A_1299 = arith.index_cast %swap3A_1298 : i32 to index
    %swap3A_1300 = arith.constant 0 : index
    %swap3A_1301 = tpu.vector_load %arg6[%swap3A_1299, %swap3A_1300] {strides = array<i32>} : memref<32x64xi32, #tpu.memory_space<vmem>>, vector<1x16xi32>,
    %swap3A_1302 = vector.shape_cast %swap3A_1301 : vector<1x16xi32> to vector<16xi32>
    %swap3A_1303 = vector.shape_cast %add3A_1297 : vector<16xi32> to vector<1x16xi32>
    tpu.vector_store %arg6[%swap3A_1299, %swap3A_1300], %swap3A_1303 {strides = array<i32>} : memref<32x64xi32, #tpu.memory_space<vmem>>, vector<1x16xi32>,
    %get3A_1304 = arith.constant 1168 : index
    %get3A_1305 = tpu.vector_load %arg5[%get3A_1304] {strides = array<i32>} : memref<2048xi32, #tpu.memory_space<vmem>>, vector<16xi32>,
    %get3A_1306 = vector.shape_cast %get3A_1305 : vector<16xi32> to vector<16xi32>
    %mul3A_1307 = arith.constant 16 : i32
    %mul3A_1308 = vector.broadcast %mul3A_1307 : i32 to vector<16xi32>
    %mul3A_1309 = arith.muli %get3A_1306, %mul3A_1308 : vector<16xi32>
    %add3A_1310 = arith.addi %mul3A_1309, %iota3A : vector<16xi32>
    %swap3A_1311 = arith.constant 18 : i32
    %swap3A_1312 = arith.index_cast %swap3A_1311 : i32 to index
    %swap3A_1313 = arith.constant 16 : index
    %swap3A_1314 = tpu.vector_load %arg6[%swap3A_1312, %swap3A_1313] {strides = array<i32>} : memref<32x64xi32, #tpu.memory_space<vmem>>, vector<1x16xi32>,
    %swap3A_1315 = vector.shape_cast %swap3A_1314 : vector<1x16xi32> to vector<16xi32>
    %swap3A_1316 = vector.shape_cast %add3A_1310 : vector<16xi32> to vector<1x16xi32>
    tpu.vector_store %arg6[%swap3A_1312, %swap3A_1313], %swap3A_1316 {strides = array<i32>} : memref<32x64xi32, #tpu.memory_space<vmem>>, vector<1x16xi32>,
    %get3A_1317 = arith.constant 1184 : index
    %get3A_1318 = tpu.vector_load %arg5[%get3A_1317] {strides = array<i32>} : memref<2048xi32, #tpu.memory_space<vmem>>, vector<16xi32>,
    %get3A_1319 = vector.shape_cast %get3A_1318 : vector<16xi32> to vector<16xi32>
    %mul3A_1320 = arith.constant 16 : i32
    %mul3A_1321 = vector.broadcast %mul3A_1320 : i32 to vector<16xi32>
    %mul3A_1322 = arith.muli %get3A_1319, %mul3A_1321 : vector<16xi32>
    %add3A_1323 = arith.addi %mul3A_1322, %iota3A : vector<16xi32>
    %swap3A_1324 = arith.constant 18 : i32
    %swap3A_1325 = arith.index_cast %swap3A_1324 : i32 to index
    %swap3A_1326 = arith.constant 32 : index
    %swap3A_1327 = tpu.vector_load %arg6[%swap3A_1325, %swap3A_1326] {strides = array<i32>} : memref<32x64xi32, #tpu.memory_space<vmem>>, vector<1x16xi32>,
    %swap3A_1328 = vector.shape_cast %swap3A_1327 : vector<1x16xi32> to vector<16xi32>
    %swap3A_1329 = vector.shape_cast %add3A_1323 : vector<16xi32> to vector<1x16xi32>
    tpu.vector_store %arg6[%swap3A_1325, %swap3A_1326], %swap3A_1329 {strides = array<i32>} : memref<32x64xi32, #tpu.memory_space<vmem>>, vector<1x16xi32>,
    %get3A_1330 = arith.constant 1200 : index
    %get3A_1331 = tpu.vector_load %arg5[%get3A_1330] {strides = array<i32>} : memref<2048xi32, #tpu.memory_space<vmem>>, vector<16xi32>,
    %get3A_1332 = vector.shape_cast %get3A_1331 : vector<16xi32> to vector<16xi32>
    %mul3A_1333 = arith.constant 16 : i32
    %mul3A_1334 = vector.broadcast %mul3A_1333 : i32 to vector<16xi32>
    %mul3A_1335 = arith.muli %get3A_1332, %mul3A_1334 : vector<16xi32>
    %add3A_1336 = arith.addi %mul3A_1335, %iota3A : vector<16xi32>
    %swap3A_1337 = arith.constant 18 : i32
    %swap3A_1338 = arith.index_cast %swap3A_1337 : i32 to index
    %swap3A_1339 = arith.constant 48 : index
    %swap3A_1340 = tpu.vector_load %arg6[%swap3A_1338, %swap3A_1339] {strides = array<i32>} : memref<32x64xi32, #tpu.memory_space<vmem>>, vector<1x16xi32>,
    %swap3A_1341 = vector.shape_cast %swap3A_1340 : vector<1x16xi32> to vector<16xi32>
    %swap3A_1342 = vector.shape_cast %add3A_1336 : vector<16xi32> to vector<1x16xi32>
    tpu.vector_store %arg6[%swap3A_1338, %swap3A_1339], %swap3A_1342 {strides = array<i32>} : memref<32x64xi32, #tpu.memory_space<vmem>>, vector<1x16xi32>,
    %dma_start3A_1343 = arith.constant 18 : i32
    %dma_start3A_1344 = arith.constant 0 : i32
    %dma_start3A_1345 = tpu.memref_slice %arg6[%dma_start3A_1343, %dma_start3A_1344] : memref<32x64xi32, #tpu.memory_space<vmem>> -> memref<1x64xi32, #tpu.memory_space<vmem>>
    %dma_start3A_1346 = tpu.memref_squeeze %dma_start3A_1345 : memref<1x64xi32, #tpu.memory_space<vmem>> -> memref<64xi32, #tpu.memory_space<vmem>>
    %dma_start3A_1347 = arith.constant 0 : i32
    %dma_start3A_1348 = arith.constant 0 : i32
    %dma_start3A_1349 = tpu.memref_slice %arg2[%dma_start3A_1347, %dma_start3A_1348] : memref<32768x256xf32, #tpu.memory_space<hbm>> -> memref<32768x256xf32, #tpu.memory_space<hbm>>
    tpu.enqueue_indirect_dma source(%dma_start3A_1349 : memref<32768x256xf32, #tpu.memory_space<hbm>>) target(%arg11 : memref<64x256xf32, #tpu.memory_space<vmem>>) offsets(%dma_start3A_1346 : memref<64xi32, #tpu.memory_space<vmem>>) semaphore(%arg18 : memref<!tpu.dma_semaphore, #tpu.memory_space<semaphore_mem>>)
    %dma_wait3A_1350 = arith.constant 14 : i32
    %dma_wait3A_1351 = arith.constant 0 : i32
    %dma_wait3A_1352 = tpu.memref_slice %arg6[%dma_wait3A_1350, %dma_wait3A_1351] : memref<32x64xi32, #tpu.memory_space<vmem>> -> memref<1x64xi32, #tpu.memory_space<vmem>>
    %dma_wait3A_1353 = tpu.memref_squeeze %dma_wait3A_1352 : memref<1x64xi32, #tpu.memory_space<vmem>> -> memref<64xi32, #tpu.memory_space<vmem>>
    %dma_wait3A_1354 = arith.constant 0 : i32
    %dma_wait3A_1355 = arith.constant 0 : i32
    %dma_wait3A_1356 = tpu.memref_slice %arg2[%dma_wait3A_1354, %dma_wait3A_1355] : memref<32768x256xf32, #tpu.memory_space<hbm>> -> memref<32768x256xf32, #tpu.memory_space<hbm>>
    tpu.wait_indirect_dma semaphore(%arg14 : memref<!tpu.dma_semaphore, #tpu.memory_space<semaphore_mem>>) src(%dma_wait3A_1356 : memref<32768x256xf32, #tpu.memory_space<hbm>>) dst(%arg7 : memref<64x256xf32, #tpu.memory_space<vmem>>)
    %add3A_1357 = arith.constant 896 : i32
    %add3A_1358 = arith.addi %mul3A_2, %add3A_1357 : i32
    %dma_start3A_1359 = arith.constant 0 : i32
    %dma_start3A_1360 = tpu.memref_slice %arg4[%add3A_1358, %dma_start3A_1359] : memref<65536x256xf32, #tpu.memory_space<hbm>> -> memref<64x256xf32, #tpu.memory_space<hbm>>
    %dma_start3A_1361 = arith.constant 0 : i32
    %dma_start3A_1362 = tpu.memref_slice %arg4[%add3A_1358, %dma_start3A_1361] : memref<65536x256xf32, #tpu.memory_space<hbm>> -> memref<64x256xf32, #tpu.memory_space<hbm>>
    tpu.enqueue_dma source(%arg7 : memref<64x256xf32, #tpu.memory_space<vmem>>) target(%dma_start3A_1362 : memref<64x256xf32, #tpu.memory_space<hbm>>) target_semaphore(%arg21 : memref<!tpu.dma_semaphore, #tpu.memory_space<semaphore_mem>>)
    %dma_wait3A_1363 = arith.constant 0 : i32
    %dma_wait3A_1364 = tpu.memref_slice %arg4[%add3A_1206, %dma_wait3A_1363] : memref<65536x256xf32, #tpu.memory_space<hbm>> -> memref<64x256xf32, #tpu.memory_space<hbm>>
    %dma_wait3A_1365 = arith.constant 0 : i32
    %dma_wait3A_1366 = tpu.memref_slice %arg4[%add3A_1206, %dma_wait3A_1365] : memref<65536x256xf32, #tpu.memory_space<hbm>> -> memref<64x256xf32, #tpu.memory_space<hbm>>
    tpu.wait_dma2 semaphore(%arg26 : memref<!tpu.dma_semaphore, #tpu.memory_space<semaphore_mem>>) src(%arg12 : memref<64x256xf32, #tpu.memory_space<vmem>>) dst(%dma_wait3A_1366 : memref<64x256xf32, #tpu.memory_space<hbm>>)
    %get3A_1367 = arith.constant 1216 : index
    %get3A_1368 = tpu.vector_load %arg5[%get3A_1367] {strides = array<i32>} : memref<2048xi32, #tpu.memory_space<vmem>>, vector<16xi32>,
    %get3A_1369 = vector.shape_cast %get3A_1368 : vector<16xi32> to vector<16xi32>
    %mul3A_1370 = arith.constant 16 : i32
    %mul3A_1371 = vector.broadcast %mul3A_1370 : i32 to vector<16xi32>
    %mul3A_1372 = arith.muli %get3A_1369, %mul3A_1371 : vector<16xi32>
    %add3A_1373 = arith.addi %mul3A_1372, %iota3A : vector<16xi32>
    %swap3A_1374 = arith.constant 19 : i32
    %swap3A_1375 = arith.index_cast %swap3A_1374 : i32 to index
    %swap3A_1376 = arith.constant 0 : index
    %swap3A_1377 = tpu.vector_load %arg6[%swap3A_1375, %swap3A_1376] {strides = array<i32>} : memref<32x64xi32, #tpu.memory_space<vmem>>, vector<1x16xi32>,
    %swap3A_1378 = vector.shape_cast %swap3A_1377 : vector<1x16xi32> to vector<16xi32>
    %swap3A_1379 = vector.shape_cast %add3A_1373 : vector<16xi32> to vector<1x16xi32>
    tpu.vector_store %arg6[%swap3A_1375, %swap3A_1376], %swap3A_1379 {strides = array<i32>} : memref<32x64xi32, #tpu.memory_space<vmem>>, vector<1x16xi32>,
    %get3A_1380 = arith.constant 1232 : index
    %get3A_1381 = tpu.vector_load %arg5[%get3A_1380] {strides = array<i32>} : memref<2048xi32, #tpu.memory_space<vmem>>, vector<16xi32>,
    %get3A_1382 = vector.shape_cast %get3A_1381 : vector<16xi32> to vector<16xi32>
    %mul3A_1383 = arith.constant 16 : i32
    %mul3A_1384 = vector.broadcast %mul3A_1383 : i32 to vector<16xi32>
    %mul3A_1385 = arith.muli %get3A_1382, %mul3A_1384 : vector<16xi32>
    %add3A_1386 = arith.addi %mul3A_1385, %iota3A : vector<16xi32>
    %swap3A_1387 = arith.constant 19 : i32
    %swap3A_1388 = arith.index_cast %swap3A_1387 : i32 to index
    %swap3A_1389 = arith.constant 16 : index
    %swap3A_1390 = tpu.vector_load %arg6[%swap3A_1388, %swap3A_1389] {strides = array<i32>} : memref<32x64xi32, #tpu.memory_space<vmem>>, vector<1x16xi32>,
    %swap3A_1391 = vector.shape_cast %swap3A_1390 : vector<1x16xi32> to vector<16xi32>
    %swap3A_1392 = vector.shape_cast %add3A_1386 : vector<16xi32> to vector<1x16xi32>
    tpu.vector_store %arg6[%swap3A_1388, %swap3A_1389], %swap3A_1392 {strides = array<i32>} : memref<32x64xi32, #tpu.memory_space<vmem>>, vector<1x16xi32>,
    %get3A_1393 = arith.constant 1248 : index
    %get3A_1394 = tpu.vector_load %arg5[%get3A_1393] {strides = array<i32>} : memref<2048xi32, #tpu.memory_space<vmem>>, vector<16xi32>,
    %get3A_1395 = vector.shape_cast %get3A_1394 : vector<16xi32> to vector<16xi32>
    %mul3A_1396 = arith.constant 16 : i32
    %mul3A_1397 = vector.broadcast %mul3A_1396 : i32 to vector<16xi32>
    %mul3A_1398 = arith.muli %get3A_1395, %mul3A_1397 : vector<16xi32>
    %add3A_1399 = arith.addi %mul3A_1398, %iota3A : vector<16xi32>
    %swap3A_1400 = arith.constant 19 : i32
    %swap3A_1401 = arith.index_cast %swap3A_1400 : i32 to index
    %swap3A_1402 = arith.constant 32 : index
    %swap3A_1403 = tpu.vector_load %arg6[%swap3A_1401, %swap3A_1402] {strides = array<i32>} : memref<32x64xi32, #tpu.memory_space<vmem>>, vector<1x16xi32>,
    %swap3A_1404 = vector.shape_cast %swap3A_1403 : vector<1x16xi32> to vector<16xi32>
    %swap3A_1405 = vector.shape_cast %add3A_1399 : vector<16xi32> to vector<1x16xi32>
    tpu.vector_store %arg6[%swap3A_1401, %swap3A_1402], %swap3A_1405 {strides = array<i32>} : memref<32x64xi32, #tpu.memory_space<vmem>>, vector<1x16xi32>,
    %get3A_1406 = arith.constant 1264 : index
    %get3A_1407 = tpu.vector_load %arg5[%get3A_1406] {strides = array<i32>} : memref<2048xi32, #tpu.memory_space<vmem>>, vector<16xi32>,
    %get3A_1408 = vector.shape_cast %get3A_1407 : vector<16xi32> to vector<16xi32>
    %mul3A_1409 = arith.constant 16 : i32
    %mul3A_1410 = vector.broadcast %mul3A_1409 : i32 to vector<16xi32>
    %mul3A_1411 = arith.muli %get3A_1408, %mul3A_1410 : vector<16xi32>
    %add3A_1412 = arith.addi %mul3A_1411, %iota3A : vector<16xi32>
    %swap3A_1413 = arith.constant 19 : i32
    %swap3A_1414 = arith.index_cast %swap3A_1413 : i32 to index
    %swap3A_1415 = arith.constant 48 : index
    %swap3A_1416 = tpu.vector_load %arg6[%swap3A_1414, %swap3A_1415] {strides = array<i32>} : memref<32x64xi32, #tpu.memory_space<vmem>>, vector<1x16xi32>,
    %swap3A_1417 = vector.shape_cast %swap3A_1416 : vector<1x16xi32> to vector<16xi32>
    %swap3A_1418 = vector.shape_cast %add3A_1412 : vector<16xi32> to vector<1x16xi32>
    tpu.vector_store %arg6[%swap3A_1414, %swap3A_1415], %swap3A_1418 {strides = array<i32>} : memref<32x64xi32, #tpu.memory_space<vmem>>, vector<1x16xi32>,
    %dma_start3A_1419 = arith.constant 19 : i32
    %dma_start3A_1420 = arith.constant 0 : i32
    %dma_start3A_1421 = tpu.memref_slice %arg6[%dma_start3A_1419, %dma_start3A_1420] : memref<32x64xi32, #tpu.memory_space<vmem>> -> memref<1x64xi32, #tpu.memory_space<vmem>>
    %dma_start3A_1422 = tpu.memref_squeeze %dma_start3A_1421 : memref<1x64xi32, #tpu.memory_space<vmem>> -> memref<64xi32, #tpu.memory_space<vmem>>
    %dma_start3A_1423 = arith.constant 0 : i32
    %dma_start3A_1424 = arith.constant 0 : i32
    %dma_start3A_1425 = tpu.memref_slice %arg2[%dma_start3A_1423, %dma_start3A_1424] : memref<32768x256xf32, #tpu.memory_space<hbm>> -> memref<32768x256xf32, #tpu.memory_space<hbm>>
    tpu.enqueue_indirect_dma source(%dma_start3A_1425 : memref<32768x256xf32, #tpu.memory_space<hbm>>) target(%arg12 : memref<64x256xf32, #tpu.memory_space<vmem>>) offsets(%dma_start3A_1422 : memref<64xi32, #tpu.memory_space<vmem>>) semaphore(%arg19 : memref<!tpu.dma_semaphore, #tpu.memory_space<semaphore_mem>>)
    %dma_wait3A_1426 = arith.constant 15 : i32
    %dma_wait3A_1427 = arith.constant 0 : i32
    %dma_wait3A_1428 = tpu.memref_slice %arg6[%dma_wait3A_1426, %dma_wait3A_1427] : memref<32x64xi32, #tpu.memory_space<vmem>> -> memref<1x64xi32, #tpu.memory_space<vmem>>
    %dma_wait3A_1429 = tpu.memref_squeeze %dma_wait3A_1428 : memref<1x64xi32, #tpu.memory_space<vmem>> -> memref<64xi32, #tpu.memory_space<vmem>>
    %dma_wait3A_1430 = arith.constant 0 : i32
    %dma_wait3A_1431 = arith.constant 0 : i32
    %dma_wait3A_1432 = tpu.memref_slice %arg2[%dma_wait3A_1430, %dma_wait3A_1431] : memref<32768x256xf32, #tpu.memory_space<hbm>> -> memref<32768x256xf32, #tpu.memory_space<hbm>>
    tpu.wait_indirect_dma semaphore(%arg15 : memref<!tpu.dma_semaphore, #tpu.memory_space<semaphore_mem>>) src(%dma_wait3A_1432 : memref<32768x256xf32, #tpu.memory_space<hbm>>) dst(%arg8 : memref<64x256xf32, #tpu.memory_space<vmem>>)
    %add3A_1433 = arith.constant 960 : i32
    %add3A_1434 = arith.addi %mul3A_2, %add3A_1433 : i32
    %dma_start3A_1435 = arith.constant 0 : i32
    %dma_start3A_1436 = tpu.memref_slice %arg4[%add3A_1434, %dma_start3A_1435] : memref<65536x256xf32, #tpu.memory_space<hbm>> -> memref<64x256xf32, #tpu.memory_space<hbm>>
    %dma_start3A_1437 = arith.constant 0 : i32
    %dma_start3A_1438 = tpu.memref_slice %arg4[%add3A_1434, %dma_start3A_1437] : memref<65536x256xf32, #tpu.memory_space<hbm>> -> memref<64x256xf32, #tpu.memory_space<hbm>>
    tpu.enqueue_dma source(%arg8 : memref<64x256xf32, #tpu.memory_space<vmem>>) target(%dma_start3A_1438 : memref<64x256xf32, #tpu.memory_space<hbm>>) target_semaphore(%arg22 : memref<!tpu.dma_semaphore, #tpu.memory_space<semaphore_mem>>)
    %dma_wait3A_1439 = arith.constant 0 : i32
    %dma_wait3A_1440 = tpu.memref_slice %arg4[%add3A_1282, %dma_wait3A_1439] : memref<65536x256xf32, #tpu.memory_space<hbm>> -> memref<64x256xf32, #tpu.memory_space<hbm>>
    %dma_wait3A_1441 = arith.constant 0 : i32
    %dma_wait3A_1442 = tpu.memref_slice %arg4[%add3A_1282, %dma_wait3A_1441] : memref<65536x256xf32, #tpu.memory_space<hbm>> -> memref<64x256xf32, #tpu.memory_space<hbm>>
    tpu.wait_dma2 semaphore(%arg27 : memref<!tpu.dma_semaphore, #tpu.memory_space<semaphore_mem>>) src(%arg13 : memref<64x256xf32, #tpu.memory_space<vmem>>) dst(%dma_wait3A_1442 : memref<64x256xf32, #tpu.memory_space<hbm>>)
    %get3A_1443 = arith.constant 1280 : index
    %get3A_1444 = tpu.vector_load %arg5[%get3A_1443] {strides = array<i32>} : memref<2048xi32, #tpu.memory_space<vmem>>, vector<16xi32>,
    %get3A_1445 = vector.shape_cast %get3A_1444 : vector<16xi32> to vector<16xi32>
    %mul3A_1446 = arith.constant 16 : i32
    %mul3A_1447 = vector.broadcast %mul3A_1446 : i32 to vector<16xi32>
    %mul3A_1448 = arith.muli %get3A_1445, %mul3A_1447 : vector<16xi32>
    %add3A_1449 = arith.addi %mul3A_1448, %iota3A : vector<16xi32>
    %swap3A_1450 = arith.constant 20 : i32
    %swap3A_1451 = arith.index_cast %swap3A_1450 : i32 to index
    %swap3A_1452 = arith.constant 0 : index
    %swap3A_1453 = tpu.vector_load %arg6[%swap3A_1451, %swap3A_1452] {strides = array<i32>} : memref<32x64xi32, #tpu.memory_space<vmem>>, vector<1x16xi32>,
    %swap3A_1454 = vector.shape_cast %swap3A_1453 : vector<1x16xi32> to vector<16xi32>
    %swap3A_1455 = vector.shape_cast %add3A_1449 : vector<16xi32> to vector<1x16xi32>
    tpu.vector_store %arg6[%swap3A_1451, %swap3A_1452], %swap3A_1455 {strides = array<i32>} : memref<32x64xi32, #tpu.memory_space<vmem>>, vector<1x16xi32>,
    %get3A_1456 = arith.constant 1296 : index
    %get3A_1457 = tpu.vector_load %arg5[%get3A_1456] {strides = array<i32>} : memref<2048xi32, #tpu.memory_space<vmem>>, vector<16xi32>,
    %get3A_1458 = vector.shape_cast %get3A_1457 : vector<16xi32> to vector<16xi32>
    %mul3A_1459 = arith.constant 16 : i32
    %mul3A_1460 = vector.broadcast %mul3A_1459 : i32 to vector<16xi32>
    %mul3A_1461 = arith.muli %get3A_1458, %mul3A_1460 : vector<16xi32>
    %add3A_1462 = arith.addi %mul3A_1461, %iota3A : vector<16xi32>
    %swap3A_1463 = arith.constant 20 : i32
    %swap3A_1464 = arith.index_cast %swap3A_1463 : i32 to index
    %swap3A_1465 = arith.constant 16 : index
    %swap3A_1466 = tpu.vector_load %arg6[%swap3A_1464, %swap3A_1465] {strides = array<i32>} : memref<32x64xi32, #tpu.memory_space<vmem>>, vector<1x16xi32>,
    %swap3A_1467 = vector.shape_cast %swap3A_1466 : vector<1x16xi32> to vector<16xi32>
    %swap3A_1468 = vector.shape_cast %add3A_1462 : vector<16xi32> to vector<1x16xi32>
    tpu.vector_store %arg6[%swap3A_1464, %swap3A_1465], %swap3A_1468 {strides = array<i32>} : memref<32x64xi32, #tpu.memory_space<vmem>>, vector<1x16xi32>,
    %get3A_1469 = arith.constant 1312 : index
    %get3A_1470 = tpu.vector_load %arg5[%get3A_1469] {strides = array<i32>} : memref<2048xi32, #tpu.memory_space<vmem>>, vector<16xi32>,
    %get3A_1471 = vector.shape_cast %get3A_1470 : vector<16xi32> to vector<16xi32>
    %mul3A_1472 = arith.constant 16 : i32
    %mul3A_1473 = vector.broadcast %mul3A_1472 : i32 to vector<16xi32>
    %mul3A_1474 = arith.muli %get3A_1471, %mul3A_1473 : vector<16xi32>
    %add3A_1475 = arith.addi %mul3A_1474, %iota3A : vector<16xi32>
    %swap3A_1476 = arith.constant 20 : i32
    %swap3A_1477 = arith.index_cast %swap3A_1476 : i32 to index
    %swap3A_1478 = arith.constant 32 : index
    %swap3A_1479 = tpu.vector_load %arg6[%swap3A_1477, %swap3A_1478] {strides = array<i32>} : memref<32x64xi32, #tpu.memory_space<vmem>>, vector<1x16xi32>,
    %swap3A_1480 = vector.shape_cast %swap3A_1479 : vector<1x16xi32> to vector<16xi32>
    %swap3A_1481 = vector.shape_cast %add3A_1475 : vector<16xi32> to vector<1x16xi32>
    tpu.vector_store %arg6[%swap3A_1477, %swap3A_1478], %swap3A_1481 {strides = array<i32>} : memref<32x64xi32, #tpu.memory_space<vmem>>, vector<1x16xi32>,
    %get3A_1482 = arith.constant 1328 : index
    %get3A_1483 = tpu.vector_load %arg5[%get3A_1482] {strides = array<i32>} : memref<2048xi32, #tpu.memory_space<vmem>>, vector<16xi32>,
    %get3A_1484 = vector.shape_cast %get3A_1483 : vector<16xi32> to vector<16xi32>
    %mul3A_1485 = arith.constant 16 : i32
    %mul3A_1486 = vector.broadcast %mul3A_1485 : i32 to vector<16xi32>
    %mul3A_1487 = arith.muli %get3A_1484, %mul3A_1486 : vector<16xi32>
    %add3A_1488 = arith.addi %mul3A_1487, %iota3A : vector<16xi32>
    %swap3A_1489 = arith.constant 20 : i32
    %swap3A_1490 = arith.index_cast %swap3A_1489 : i32 to index
    %swap3A_1491 = arith.constant 48 : index
    %swap3A_1492 = tpu.vector_load %arg6[%swap3A_1490, %swap3A_1491] {strides = array<i32>} : memref<32x64xi32, #tpu.memory_space<vmem>>, vector<1x16xi32>,
    %swap3A_1493 = vector.shape_cast %swap3A_1492 : vector<1x16xi32> to vector<16xi32>
    %swap3A_1494 = vector.shape_cast %add3A_1488 : vector<16xi32> to vector<1x16xi32>
    tpu.vector_store %arg6[%swap3A_1490, %swap3A_1491], %swap3A_1494 {strides = array<i32>} : memref<32x64xi32, #tpu.memory_space<vmem>>, vector<1x16xi32>,
    %dma_start3A_1495 = arith.constant 20 : i32
    %dma_start3A_1496 = arith.constant 0 : i32
    %dma_start3A_1497 = tpu.memref_slice %arg6[%dma_start3A_1495, %dma_start3A_1496] : memref<32x64xi32, #tpu.memory_space<vmem>> -> memref<1x64xi32, #tpu.memory_space<vmem>>
    %dma_start3A_1498 = tpu.memref_squeeze %dma_start3A_1497 : memref<1x64xi32, #tpu.memory_space<vmem>> -> memref<64xi32, #tpu.memory_space<vmem>>
    %dma_start3A_1499 = arith.constant 0 : i32
    %dma_start3A_1500 = arith.constant 0 : i32
    %dma_start3A_1501 = tpu.memref_slice %arg2[%dma_start3A_1499, %dma_start3A_1500] : memref<32768x256xf32, #tpu.memory_space<hbm>> -> memref<32768x256xf32, #tpu.memory_space<hbm>>
    tpu.enqueue_indirect_dma source(%dma_start3A_1501 : memref<32768x256xf32, #tpu.memory_space<hbm>>) target(%arg13 : memref<64x256xf32, #tpu.memory_space<vmem>>) offsets(%dma_start3A_1498 : memref<64xi32, #tpu.memory_space<vmem>>) semaphore(%arg20 : memref<!tpu.dma_semaphore, #tpu.memory_space<semaphore_mem>>)
    %dma_wait3A_1502 = arith.constant 16 : i32
    %dma_wait3A_1503 = arith.constant 0 : i32
    %dma_wait3A_1504 = tpu.memref_slice %arg6[%dma_wait3A_1502, %dma_wait3A_1503] : memref<32x64xi32, #tpu.memory_space<vmem>> -> memref<1x64xi32, #tpu.memory_space<vmem>>
    %dma_wait3A_1505 = tpu.memref_squeeze %dma_wait3A_1504 : memref<1x64xi32, #tpu.memory_space<vmem>> -> memref<64xi32, #tpu.memory_space<vmem>>
    %dma_wait3A_1506 = arith.constant 0 : i32
    %dma_wait3A_1507 = arith.constant 0 : i32
    %dma_wait3A_1508 = tpu.memref_slice %arg2[%dma_wait3A_1506, %dma_wait3A_1507] : memref<32768x256xf32, #tpu.memory_space<hbm>> -> memref<32768x256xf32, #tpu.memory_space<hbm>>
    tpu.wait_indirect_dma semaphore(%arg16 : memref<!tpu.dma_semaphore, #tpu.memory_space<semaphore_mem>>) src(%dma_wait3A_1508 : memref<32768x256xf32, #tpu.memory_space<hbm>>) dst(%arg9 : memref<64x256xf32, #tpu.memory_space<vmem>>)
    %add3A_1509 = arith.constant 1024 : i32
    %add3A_1510 = arith.addi %mul3A_2, %add3A_1509 : i32
    %dma_start3A_1511 = arith.constant 0 : i32
    %dma_start3A_1512 = tpu.memref_slice %arg4[%add3A_1510, %dma_start3A_1511] : memref<65536x256xf32, #tpu.memory_space<hbm>> -> memref<64x256xf32, #tpu.memory_space<hbm>>
    %dma_start3A_1513 = arith.constant 0 : i32
    %dma_start3A_1514 = tpu.memref_slice %arg4[%add3A_1510, %dma_start3A_1513] : memref<65536x256xf32, #tpu.memory_space<hbm>> -> memref<64x256xf32, #tpu.memory_space<hbm>>
    tpu.enqueue_dma source(%arg9 : memref<64x256xf32, #tpu.memory_space<vmem>>) target(%dma_start3A_1514 : memref<64x256xf32, #tpu.memory_space<hbm>>) target_semaphore(%arg23 : memref<!tpu.dma_semaphore, #tpu.memory_space<semaphore_mem>>)
    %dma_wait3A_1515 = arith.constant 0 : i32
    %dma_wait3A_1516 = tpu.memref_slice %arg4[%add3A_1358, %dma_wait3A_1515] : memref<65536x256xf32, #tpu.memory_space<hbm>> -> memref<64x256xf32, #tpu.memory_space<hbm>>
    %dma_wait3A_1517 = arith.constant 0 : i32
    %dma_wait3A_1518 = tpu.memref_slice %arg4[%add3A_1358, %dma_wait3A_1517] : memref<65536x256xf32, #tpu.memory_space<hbm>> -> memref<64x256xf32, #tpu.memory_space<hbm>>
    tpu.wait_dma2 semaphore(%arg21 : memref<!tpu.dma_semaphore, #tpu.memory_space<semaphore_mem>>) src(%arg7 : memref<64x256xf32, #tpu.memory_space<vmem>>) dst(%dma_wait3A_1518 : memref<64x256xf32, #tpu.memory_space<hbm>>)
    %get3A_1519 = arith.constant 1344 : index
    %get3A_1520 = tpu.vector_load %arg5[%get3A_1519] {strides = array<i32>} : memref<2048xi32, #tpu.memory_space<vmem>>, vector<16xi32>,
    %get3A_1521 = vector.shape_cast %get3A_1520 : vector<16xi32> to vector<16xi32>
    %mul3A_1522 = arith.constant 16 : i32
    %mul3A_1523 = vector.broadcast %mul3A_1522 : i32 to vector<16xi32>
    %mul3A_1524 = arith.muli %get3A_1521, %mul3A_1523 : vector<16xi32>
    %add3A_1525 = arith.addi %mul3A_1524, %iota3A : vector<16xi32>
    %swap3A_1526 = arith.constant 21 : i32
    %swap3A_1527 = arith.index_cast %swap3A_1526 : i32 to index
    %swap3A_1528 = arith.constant 0 : index
    %swap3A_1529 = tpu.vector_load %arg6[%swap3A_1527, %swap3A_1528] {strides = array<i32>} : memref<32x64xi32, #tpu.memory_space<vmem>>, vector<1x16xi32>,
    %swap3A_1530 = vector.shape_cast %swap3A_1529 : vector<1x16xi32> to vector<16xi32>
    %swap3A_1531 = vector.shape_cast %add3A_1525 : vector<16xi32> to vector<1x16xi32>
    tpu.vector_store %arg6[%swap3A_1527, %swap3A_1528], %swap3A_1531 {strides = array<i32>} : memref<32x64xi32, #tpu.memory_space<vmem>>, vector<1x16xi32>,
    %get3A_1532 = arith.constant 1360 : index
    %get3A_1533 = tpu.vector_load %arg5[%get3A_1532] {strides = array<i32>} : memref<2048xi32, #tpu.memory_space<vmem>>, vector<16xi32>,
    %get3A_1534 = vector.shape_cast %get3A_1533 : vector<16xi32> to vector<16xi32>
    %mul3A_1535 = arith.constant 16 : i32
    %mul3A_1536 = vector.broadcast %mul3A_1535 : i32 to vector<16xi32>
    %mul3A_1537 = arith.muli %get3A_1534, %mul3A_1536 : vector<16xi32>
    %add3A_1538 = arith.addi %mul3A_1537, %iota3A : vector<16xi32>
    %swap3A_1539 = arith.constant 21 : i32
    %swap3A_1540 = arith.index_cast %swap3A_1539 : i32 to index
    %swap3A_1541 = arith.constant 16 : index
    %swap3A_1542 = tpu.vector_load %arg6[%swap3A_1540, %swap3A_1541] {strides = array<i32>} : memref<32x64xi32, #tpu.memory_space<vmem>>, vector<1x16xi32>,
    %swap3A_1543 = vector.shape_cast %swap3A_1542 : vector<1x16xi32> to vector<16xi32>
    %swap3A_1544 = vector.shape_cast %add3A_1538 : vector<16xi32> to vector<1x16xi32>
    tpu.vector_store %arg6[%swap3A_1540, %swap3A_1541], %swap3A_1544 {strides = array<i32>} : memref<32x64xi32, #tpu.memory_space<vmem>>, vector<1x16xi32>,
    %get3A_1545 = arith.constant 1376 : index
    %get3A_1546 = tpu.vector_load %arg5[%get3A_1545] {strides = array<i32>} : memref<2048xi32, #tpu.memory_space<vmem>>, vector<16xi32>,
    %get3A_1547 = vector.shape_cast %get3A_1546 : vector<16xi32> to vector<16xi32>
    %mul3A_1548 = arith.constant 16 : i32
    %mul3A_1549 = vector.broadcast %mul3A_1548 : i32 to vector<16xi32>
    %mul3A_1550 = arith.muli %get3A_1547, %mul3A_1549 : vector<16xi32>
    %add3A_1551 = arith.addi %mul3A_1550, %iota3A : vector<16xi32>
    %swap3A_1552 = arith.constant 21 : i32
    %swap3A_1553 = arith.index_cast %swap3A_1552 : i32 to index
    %swap3A_1554 = arith.constant 32 : index
    %swap3A_1555 = tpu.vector_load %arg6[%swap3A_1553, %swap3A_1554] {strides = array<i32>} : memref<32x64xi32, #tpu.memory_space<vmem>>, vector<1x16xi32>,
    %swap3A_1556 = vector.shape_cast %swap3A_1555 : vector<1x16xi32> to vector<16xi32>
    %swap3A_1557 = vector.shape_cast %add3A_1551 : vector<16xi32> to vector<1x16xi32>
    tpu.vector_store %arg6[%swap3A_1553, %swap3A_1554], %swap3A_1557 {strides = array<i32>} : memref<32x64xi32, #tpu.memory_space<vmem>>, vector<1x16xi32>,
    %get3A_1558 = arith.constant 1392 : index
    %get3A_1559 = tpu.vector_load %arg5[%get3A_1558] {strides = array<i32>} : memref<2048xi32, #tpu.memory_space<vmem>>, vector<16xi32>,
    %get3A_1560 = vector.shape_cast %get3A_1559 : vector<16xi32> to vector<16xi32>
    %mul3A_1561 = arith.constant 16 : i32
    %mul3A_1562 = vector.broadcast %mul3A_1561 : i32 to vector<16xi32>
    %mul3A_1563 = arith.muli %get3A_1560, %mul3A_1562 : vector<16xi32>
    %add3A_1564 = arith.addi %mul3A_1563, %iota3A : vector<16xi32>
    %swap3A_1565 = arith.constant 21 : i32
    %swap3A_1566 = arith.index_cast %swap3A_1565 : i32 to index
    %swap3A_1567 = arith.constant 48 : index
    %swap3A_1568 = tpu.vector_load %arg6[%swap3A_1566, %swap3A_1567] {strides = array<i32>} : memref<32x64xi32, #tpu.memory_space<vmem>>, vector<1x16xi32>,
    %swap3A_1569 = vector.shape_cast %swap3A_1568 : vector<1x16xi32> to vector<16xi32>
    %swap3A_1570 = vector.shape_cast %add3A_1564 : vector<16xi32> to vector<1x16xi32>
    tpu.vector_store %arg6[%swap3A_1566, %swap3A_1567], %swap3A_1570 {strides = array<i32>} : memref<32x64xi32, #tpu.memory_space<vmem>>, vector<1x16xi32>,
    %dma_start3A_1571 = arith.constant 21 : i32
    %dma_start3A_1572 = arith.constant 0 : i32
    %dma_start3A_1573 = tpu.memref_slice %arg6[%dma_start3A_1571, %dma_start3A_1572] : memref<32x64xi32, #tpu.memory_space<vmem>> -> memref<1x64xi32, #tpu.memory_space<vmem>>
    %dma_start3A_1574 = tpu.memref_squeeze %dma_start3A_1573 : memref<1x64xi32, #tpu.memory_space<vmem>> -> memref<64xi32, #tpu.memory_space<vmem>>
    %dma_start3A_1575 = arith.constant 0 : i32
    %dma_start3A_1576 = arith.constant 0 : i32
    %dma_start3A_1577 = tpu.memref_slice %arg2[%dma_start3A_1575, %dma_start3A_1576] : memref<32768x256xf32, #tpu.memory_space<hbm>> -> memref<32768x256xf32, #tpu.memory_space<hbm>>
    tpu.enqueue_indirect_dma source(%dma_start3A_1577 : memref<32768x256xf32, #tpu.memory_space<hbm>>) target(%arg7 : memref<64x256xf32, #tpu.memory_space<vmem>>) offsets(%dma_start3A_1574 : memref<64xi32, #tpu.memory_space<vmem>>) semaphore(%arg14 : memref<!tpu.dma_semaphore, #tpu.memory_space<semaphore_mem>>)
    %dma_wait3A_1578 = arith.constant 17 : i32
    %dma_wait3A_1579 = arith.constant 0 : i32
    %dma_wait3A_1580 = tpu.memref_slice %arg6[%dma_wait3A_1578, %dma_wait3A_1579] : memref<32x64xi32, #tpu.memory_space<vmem>> -> memref<1x64xi32, #tpu.memory_space<vmem>>
    %dma_wait3A_1581 = tpu.memref_squeeze %dma_wait3A_1580 : memref<1x64xi32, #tpu.memory_space<vmem>> -> memref<64xi32, #tpu.memory_space<vmem>>
    %dma_wait3A_1582 = arith.constant 0 : i32
    %dma_wait3A_1583 = arith.constant 0 : i32
    %dma_wait3A_1584 = tpu.memref_slice %arg2[%dma_wait3A_1582, %dma_wait3A_1583] : memref<32768x256xf32, #tpu.memory_space<hbm>> -> memref<32768x256xf32, #tpu.memory_space<hbm>>
    tpu.wait_indirect_dma semaphore(%arg17 : memref<!tpu.dma_semaphore, #tpu.memory_space<semaphore_mem>>) src(%dma_wait3A_1584 : memref<32768x256xf32, #tpu.memory_space<hbm>>) dst(%arg10 : memref<64x256xf32, #tpu.memory_space<vmem>>)
    %add3A_1585 = arith.constant 1088 : i32
    %add3A_1586 = arith.addi %mul3A_2, %add3A_1585 : i32
    %dma_start3A_1587 = arith.constant 0 : i32
    %dma_start3A_1588 = tpu.memref_slice %arg4[%add3A_1586, %dma_start3A_1587] : memref<65536x256xf32, #tpu.memory_space<hbm>> -> memref<64x256xf32, #tpu.memory_space<hbm>>
    %dma_start3A_1589 = arith.constant 0 : i32
    %dma_start3A_1590 = tpu.memref_slice %arg4[%add3A_1586, %dma_start3A_1589] : memref<65536x256xf32, #tpu.memory_space<hbm>> -> memref<64x256xf32, #tpu.memory_space<hbm>>
    tpu.enqueue_dma source(%arg10 : memref<64x256xf32, #tpu.memory_space<vmem>>) target(%dma_start3A_1590 : memref<64x256xf32, #tpu.memory_space<hbm>>) target_semaphore(%arg24 : memref<!tpu.dma_semaphore, #tpu.memory_space<semaphore_mem>>)
    %dma_wait3A_1591 = arith.constant 0 : i32
    %dma_wait3A_1592 = tpu.memref_slice %arg4[%add3A_1434, %dma_wait3A_1591] : memref<65536x256xf32, #tpu.memory_space<hbm>> -> memref<64x256xf32, #tpu.memory_space<hbm>>
    %dma_wait3A_1593 = arith.constant 0 : i32
    %dma_wait3A_1594 = tpu.memref_slice %arg4[%add3A_1434, %dma_wait3A_1593] : memref<65536x256xf32, #tpu.memory_space<hbm>> -> memref<64x256xf32, #tpu.memory_space<hbm>>
    tpu.wait_dma2 semaphore(%arg22 : memref<!tpu.dma_semaphore, #tpu.memory_space<semaphore_mem>>) src(%arg8 : memref<64x256xf32, #tpu.memory_space<vmem>>) dst(%dma_wait3A_1594 : memref<64x256xf32, #tpu.memory_space<hbm>>)
    %get3A_1595 = arith.constant 1408 : index
    %get3A_1596 = tpu.vector_load %arg5[%get3A_1595] {strides = array<i32>} : memref<2048xi32, #tpu.memory_space<vmem>>, vector<16xi32>,
    %get3A_1597 = vector.shape_cast %get3A_1596 : vector<16xi32> to vector<16xi32>
    %mul3A_1598 = arith.constant 16 : i32
    %mul3A_1599 = vector.broadcast %mul3A_1598 : i32 to vector<16xi32>
    %mul3A_1600 = arith.muli %get3A_1597, %mul3A_1599 : vector<16xi32>
    %add3A_1601 = arith.addi %mul3A_1600, %iota3A : vector<16xi32>
    %swap3A_1602 = arith.constant 22 : i32
    %swap3A_1603 = arith.index_cast %swap3A_1602 : i32 to index
    %swap3A_1604 = arith.constant 0 : index
    %swap3A_1605 = tpu.vector_load %arg6[%swap3A_1603, %swap3A_1604] {strides = array<i32>} : memref<32x64xi32, #tpu.memory_space<vmem>>, vector<1x16xi32>,
    %swap3A_1606 = vector.shape_cast %swap3A_1605 : vector<1x16xi32> to vector<16xi32>
    %swap3A_1607 = vector.shape_cast %add3A_1601 : vector<16xi32> to vector<1x16xi32>
    tpu.vector_store %arg6[%swap3A_1603, %swap3A_1604], %swap3A_1607 {strides = array<i32>} : memref<32x64xi32, #tpu.memory_space<vmem>>, vector<1x16xi32>,
    %get3A_1608 = arith.constant 1424 : index
    %get3A_1609 = tpu.vector_load %arg5[%get3A_1608] {strides = array<i32>} : memref<2048xi32, #tpu.memory_space<vmem>>, vector<16xi32>,
    %get3A_1610 = vector.shape_cast %get3A_1609 : vector<16xi32> to vector<16xi32>
    %mul3A_1611 = arith.constant 16 : i32
    %mul3A_1612 = vector.broadcast %mul3A_1611 : i32 to vector<16xi32>
    %mul3A_1613 = arith.muli %get3A_1610, %mul3A_1612 : vector<16xi32>
    %add3A_1614 = arith.addi %mul3A_1613, %iota3A : vector<16xi32>
    %swap3A_1615 = arith.constant 22 : i32
    %swap3A_1616 = arith.index_cast %swap3A_1615 : i32 to index
    %swap3A_1617 = arith.constant 16 : index
    %swap3A_1618 = tpu.vector_load %arg6[%swap3A_1616, %swap3A_1617] {strides = array<i32>} : memref<32x64xi32, #tpu.memory_space<vmem>>, vector<1x16xi32>,
    %swap3A_1619 = vector.shape_cast %swap3A_1618 : vector<1x16xi32> to vector<16xi32>
    %swap3A_1620 = vector.shape_cast %add3A_1614 : vector<16xi32> to vector<1x16xi32>
    tpu.vector_store %arg6[%swap3A_1616, %swap3A_1617], %swap3A_1620 {strides = array<i32>} : memref<32x64xi32, #tpu.memory_space<vmem>>, vector<1x16xi32>,
    %get3A_1621 = arith.constant 1440 : index
    %get3A_1622 = tpu.vector_load %arg5[%get3A_1621] {strides = array<i32>} : memref<2048xi32, #tpu.memory_space<vmem>>, vector<16xi32>,
    %get3A_1623 = vector.shape_cast %get3A_1622 : vector<16xi32> to vector<16xi32>
    %mul3A_1624 = arith.constant 16 : i32
    %mul3A_1625 = vector.broadcast %mul3A_1624 : i32 to vector<16xi32>
    %mul3A_1626 = arith.muli %get3A_1623, %mul3A_1625 : vector<16xi32>
    %add3A_1627 = arith.addi %mul3A_1626, %iota3A : vector<16xi32>
    %swap3A_1628 = arith.constant 22 : i32
    %swap3A_1629 = arith.index_cast %swap3A_1628 : i32 to index
    %swap3A_1630 = arith.constant 32 : index
    %swap3A_1631 = tpu.vector_load %arg6[%swap3A_1629, %swap3A_1630] {strides = array<i32>} : memref<32x64xi32, #tpu.memory_space<vmem>>, vector<1x16xi32>,
    %swap3A_1632 = vector.shape_cast %swap3A_1631 : vector<1x16xi32> to vector<16xi32>
    %swap3A_1633 = vector.shape_cast %add3A_1627 : vector<16xi32> to vector<1x16xi32>
    tpu.vector_store %arg6[%swap3A_1629, %swap3A_1630], %swap3A_1633 {strides = array<i32>} : memref<32x64xi32, #tpu.memory_space<vmem>>, vector<1x16xi32>,
    %get3A_1634 = arith.constant 1456 : index
    %get3A_1635 = tpu.vector_load %arg5[%get3A_1634] {strides = array<i32>} : memref<2048xi32, #tpu.memory_space<vmem>>, vector<16xi32>,
    %get3A_1636 = vector.shape_cast %get3A_1635 : vector<16xi32> to vector<16xi32>
    %mul3A_1637 = arith.constant 16 : i32
    %mul3A_1638 = vector.broadcast %mul3A_1637 : i32 to vector<16xi32>
    %mul3A_1639 = arith.muli %get3A_1636, %mul3A_1638 : vector<16xi32>
    %add3A_1640 = arith.addi %mul3A_1639, %iota3A : vector<16xi32>
    %swap3A_1641 = arith.constant 22 : i32
    %swap3A_1642 = arith.index_cast %swap3A_1641 : i32 to index
    %swap3A_1643 = arith.constant 48 : index
    %swap3A_1644 = tpu.vector_load %arg6[%swap3A_1642, %swap3A_1643] {strides = array<i32>} : memref<32x64xi32, #tpu.memory_space<vmem>>, vector<1x16xi32>,
    %swap3A_1645 = vector.shape_cast %swap3A_1644 : vector<1x16xi32> to vector<16xi32>
    %swap3A_1646 = vector.shape_cast %add3A_1640 : vector<16xi32> to vector<1x16xi32>
    tpu.vector_store %arg6[%swap3A_1642, %swap3A_1643], %swap3A_1646 {strides = array<i32>} : memref<32x64xi32, #tpu.memory_space<vmem>>, vector<1x16xi32>,
    %dma_start3A_1647 = arith.constant 22 : i32
    %dma_start3A_1648 = arith.constant 0 : i32
    %dma_start3A_1649 = tpu.memref_slice %arg6[%dma_start3A_1647, %dma_start3A_1648] : memref<32x64xi32, #tpu.memory_space<vmem>> -> memref<1x64xi32, #tpu.memory_space<vmem>>
    %dma_start3A_1650 = tpu.memref_squeeze %dma_start3A_1649 : memref<1x64xi32, #tpu.memory_space<vmem>> -> memref<64xi32, #tpu.memory_space<vmem>>
    %dma_start3A_1651 = arith.constant 0 : i32
    %dma_start3A_1652 = arith.constant 0 : i32
    %dma_start3A_1653 = tpu.memref_slice %arg2[%dma_start3A_1651, %dma_start3A_1652] : memref<32768x256xf32, #tpu.memory_space<hbm>> -> memref<32768x256xf32, #tpu.memory_space<hbm>>
    tpu.enqueue_indirect_dma source(%dma_start3A_1653 : memref<32768x256xf32, #tpu.memory_space<hbm>>) target(%arg8 : memref<64x256xf32, #tpu.memory_space<vmem>>) offsets(%dma_start3A_1650 : memref<64xi32, #tpu.memory_space<vmem>>) semaphore(%arg15 : memref<!tpu.dma_semaphore, #tpu.memory_space<semaphore_mem>>)
    %dma_wait3A_1654 = arith.constant 18 : i32
    %dma_wait3A_1655 = arith.constant 0 : i32
    %dma_wait3A_1656 = tpu.memref_slice %arg6[%dma_wait3A_1654, %dma_wait3A_1655] : memref<32x64xi32, #tpu.memory_space<vmem>> -> memref<1x64xi32, #tpu.memory_space<vmem>>
    %dma_wait3A_1657 = tpu.memref_squeeze %dma_wait3A_1656 : memref<1x64xi32, #tpu.memory_space<vmem>> -> memref<64xi32, #tpu.memory_space<vmem>>
    %dma_wait3A_1658 = arith.constant 0 : i32
    %dma_wait3A_1659 = arith.constant 0 : i32
    %dma_wait3A_1660 = tpu.memref_slice %arg2[%dma_wait3A_1658, %dma_wait3A_1659] : memref<32768x256xf32, #tpu.memory_space<hbm>> -> memref<32768x256xf32, #tpu.memory_space<hbm>>
    tpu.wait_indirect_dma semaphore(%arg18 : memref<!tpu.dma_semaphore, #tpu.memory_space<semaphore_mem>>) src(%dma_wait3A_1660 : memref<32768x256xf32, #tpu.memory_space<hbm>>) dst(%arg11 : memref<64x256xf32, #tpu.memory_space<vmem>>)
    %add3A_1661 = arith.constant 1152 : i32
    %add3A_1662 = arith.addi %mul3A_2, %add3A_1661 : i32
    %dma_start3A_1663 = arith.constant 0 : i32
    %dma_start3A_1664 = tpu.memref_slice %arg4[%add3A_1662, %dma_start3A_1663] : memref<65536x256xf32, #tpu.memory_space<hbm>> -> memref<64x256xf32, #tpu.memory_space<hbm>>
    %dma_start3A_1665 = arith.constant 0 : i32
    %dma_start3A_1666 = tpu.memref_slice %arg4[%add3A_1662, %dma_start3A_1665] : memref<65536x256xf32, #tpu.memory_space<hbm>> -> memref<64x256xf32, #tpu.memory_space<hbm>>
    tpu.enqueue_dma source(%arg11 : memref<64x256xf32, #tpu.memory_space<vmem>>) target(%dma_start3A_1666 : memref<64x256xf32, #tpu.memory_space<hbm>>) target_semaphore(%arg25 : memref<!tpu.dma_semaphore, #tpu.memory_space<semaphore_mem>>)
    %dma_wait3A_1667 = arith.constant 0 : i32
    %dma_wait3A_1668 = tpu.memref_slice %arg4[%add3A_1510, %dma_wait3A_1667] : memref<65536x256xf32, #tpu.memory_space<hbm>> -> memref<64x256xf32, #tpu.memory_space<hbm>>
    %dma_wait3A_1669 = arith.constant 0 : i32
    %dma_wait3A_1670 = tpu.memref_slice %arg4[%add3A_1510, %dma_wait3A_1669] : memref<65536x256xf32, #tpu.memory_space<hbm>> -> memref<64x256xf32, #tpu.memory_space<hbm>>
    tpu.wait_dma2 semaphore(%arg23 : memref<!tpu.dma_semaphore, #tpu.memory_space<semaphore_mem>>) src(%arg9 : memref<64x256xf32, #tpu.memory_space<vmem>>) dst(%dma_wait3A_1670 : memref<64x256xf32, #tpu.memory_space<hbm>>)
    %get3A_1671 = arith.constant 1472 : index
    %get3A_1672 = tpu.vector_load %arg5[%get3A_1671] {strides = array<i32>} : memref<2048xi32, #tpu.memory_space<vmem>>, vector<16xi32>,
    %get3A_1673 = vector.shape_cast %get3A_1672 : vector<16xi32> to vector<16xi32>
    %mul3A_1674 = arith.constant 16 : i32
    %mul3A_1675 = vector.broadcast %mul3A_1674 : i32 to vector<16xi32>
    %mul3A_1676 = arith.muli %get3A_1673, %mul3A_1675 : vector<16xi32>
    %add3A_1677 = arith.addi %mul3A_1676, %iota3A : vector<16xi32>
    %swap3A_1678 = arith.constant 23 : i32
    %swap3A_1679 = arith.index_cast %swap3A_1678 : i32 to index
    %swap3A_1680 = arith.constant 0 : index
    %swap3A_1681 = tpu.vector_load %arg6[%swap3A_1679, %swap3A_1680] {strides = array<i32>} : memref<32x64xi32, #tpu.memory_space<vmem>>, vector<1x16xi32>,
    %swap3A_1682 = vector.shape_cast %swap3A_1681 : vector<1x16xi32> to vector<16xi32>
    %swap3A_1683 = vector.shape_cast %add3A_1677 : vector<16xi32> to vector<1x16xi32>
    tpu.vector_store %arg6[%swap3A_1679, %swap3A_1680], %swap3A_1683 {strides = array<i32>} : memref<32x64xi32, #tpu.memory_space<vmem>>, vector<1x16xi32>,
    %get3A_1684 = arith.constant 1488 : index
    %get3A_1685 = tpu.vector_load %arg5[%get3A_1684] {strides = array<i32>} : memref<2048xi32, #tpu.memory_space<vmem>>, vector<16xi32>,
    %get3A_1686 = vector.shape_cast %get3A_1685 : vector<16xi32> to vector<16xi32>
    %mul3A_1687 = arith.constant 16 : i32
    %mul3A_1688 = vector.broadcast %mul3A_1687 : i32 to vector<16xi32>
    %mul3A_1689 = arith.muli %get3A_1686, %mul3A_1688 : vector<16xi32>
    %add3A_1690 = arith.addi %mul3A_1689, %iota3A : vector<16xi32>
    %swap3A_1691 = arith.constant 23 : i32
    %swap3A_1692 = arith.index_cast %swap3A_1691 : i32 to index
    %swap3A_1693 = arith.constant 16 : index
    %swap3A_1694 = tpu.vector_load %arg6[%swap3A_1692, %swap3A_1693] {strides = array<i32>} : memref<32x64xi32, #tpu.memory_space<vmem>>, vector<1x16xi32>,
    %swap3A_1695 = vector.shape_cast %swap3A_1694 : vector<1x16xi32> to vector<16xi32>
    %swap3A_1696 = vector.shape_cast %add3A_1690 : vector<16xi32> to vector<1x16xi32>
    tpu.vector_store %arg6[%swap3A_1692, %swap3A_1693], %swap3A_1696 {strides = array<i32>} : memref<32x64xi32, #tpu.memory_space<vmem>>, vector<1x16xi32>,
    %get3A_1697 = arith.constant 1504 : index
    %get3A_1698 = tpu.vector_load %arg5[%get3A_1697] {strides = array<i32>} : memref<2048xi32, #tpu.memory_space<vmem>>, vector<16xi32>,
    %get3A_1699 = vector.shape_cast %get3A_1698 : vector<16xi32> to vector<16xi32>
    %mul3A_1700 = arith.constant 16 : i32
    %mul3A_1701 = vector.broadcast %mul3A_1700 : i32 to vector<16xi32>
    %mul3A_1702 = arith.muli %get3A_1699, %mul3A_1701 : vector<16xi32>
    %add3A_1703 = arith.addi %mul3A_1702, %iota3A : vector<16xi32>
    %swap3A_1704 = arith.constant 23 : i32
    %swap3A_1705 = arith.index_cast %swap3A_1704 : i32 to index
    %swap3A_1706 = arith.constant 32 : index
    %swap3A_1707 = tpu.vector_load %arg6[%swap3A_1705, %swap3A_1706] {strides = array<i32>} : memref<32x64xi32, #tpu.memory_space<vmem>>, vector<1x16xi32>,
    %swap3A_1708 = vector.shape_cast %swap3A_1707 : vector<1x16xi32> to vector<16xi32>
    %swap3A_1709 = vector.shape_cast %add3A_1703 : vector<16xi32> to vector<1x16xi32>
    tpu.vector_store %arg6[%swap3A_1705, %swap3A_1706], %swap3A_1709 {strides = array<i32>} : memref<32x64xi32, #tpu.memory_space<vmem>>, vector<1x16xi32>,
    %get3A_1710 = arith.constant 1520 : index
    %get3A_1711 = tpu.vector_load %arg5[%get3A_1710] {strides = array<i32>} : memref<2048xi32, #tpu.memory_space<vmem>>, vector<16xi32>,
    %get3A_1712 = vector.shape_cast %get3A_1711 : vector<16xi32> to vector<16xi32>
    %mul3A_1713 = arith.constant 16 : i32
    %mul3A_1714 = vector.broadcast %mul3A_1713 : i32 to vector<16xi32>
    %mul3A_1715 = arith.muli %get3A_1712, %mul3A_1714 : vector<16xi32>
    %add3A_1716 = arith.addi %mul3A_1715, %iota3A : vector<16xi32>
    %swap3A_1717 = arith.constant 23 : i32
    %swap3A_1718 = arith.index_cast %swap3A_1717 : i32 to index
    %swap3A_1719 = arith.constant 48 : index
    %swap3A_1720 = tpu.vector_load %arg6[%swap3A_1718, %swap3A_1719] {strides = array<i32>} : memref<32x64xi32, #tpu.memory_space<vmem>>, vector<1x16xi32>,
    %swap3A_1721 = vector.shape_cast %swap3A_1720 : vector<1x16xi32> to vector<16xi32>
    %swap3A_1722 = vector.shape_cast %add3A_1716 : vector<16xi32> to vector<1x16xi32>
    tpu.vector_store %arg6[%swap3A_1718, %swap3A_1719], %swap3A_1722 {strides = array<i32>} : memref<32x64xi32, #tpu.memory_space<vmem>>, vector<1x16xi32>,
    %dma_start3A_1723 = arith.constant 23 : i32
    %dma_start3A_1724 = arith.constant 0 : i32
    %dma_start3A_1725 = tpu.memref_slice %arg6[%dma_start3A_1723, %dma_start3A_1724] : memref<32x64xi32, #tpu.memory_space<vmem>> -> memref<1x64xi32, #tpu.memory_space<vmem>>
    %dma_start3A_1726 = tpu.memref_squeeze %dma_start3A_1725 : memref<1x64xi32, #tpu.memory_space<vmem>> -> memref<64xi32, #tpu.memory_space<vmem>>
    %dma_start3A_1727 = arith.constant 0 : i32
    %dma_start3A_1728 = arith.constant 0 : i32
    %dma_start3A_1729 = tpu.memref_slice %arg2[%dma_start3A_1727, %dma_start3A_1728] : memref<32768x256xf32, #tpu.memory_space<hbm>> -> memref<32768x256xf32, #tpu.memory_space<hbm>>
    tpu.enqueue_indirect_dma source(%dma_start3A_1729 : memref<32768x256xf32, #tpu.memory_space<hbm>>) target(%arg9 : memref<64x256xf32, #tpu.memory_space<vmem>>) offsets(%dma_start3A_1726 : memref<64xi32, #tpu.memory_space<vmem>>) semaphore(%arg16 : memref<!tpu.dma_semaphore, #tpu.memory_space<semaphore_mem>>)
    %dma_wait3A_1730 = arith.constant 19 : i32
    %dma_wait3A_1731 = arith.constant 0 : i32
    %dma_wait3A_1732 = tpu.memref_slice %arg6[%dma_wait3A_1730, %dma_wait3A_1731] : memref<32x64xi32, #tpu.memory_space<vmem>> -> memref<1x64xi32, #tpu.memory_space<vmem>>
    %dma_wait3A_1733 = tpu.memref_squeeze %dma_wait3A_1732 : memref<1x64xi32, #tpu.memory_space<vmem>> -> memref<64xi32, #tpu.memory_space<vmem>>
    %dma_wait3A_1734 = arith.constant 0 : i32
    %dma_wait3A_1735 = arith.constant 0 : i32
    %dma_wait3A_1736 = tpu.memref_slice %arg2[%dma_wait3A_1734, %dma_wait3A_1735] : memref<32768x256xf32, #tpu.memory_space<hbm>> -> memref<32768x256xf32, #tpu.memory_space<hbm>>
    tpu.wait_indirect_dma semaphore(%arg19 : memref<!tpu.dma_semaphore, #tpu.memory_space<semaphore_mem>>) src(%dma_wait3A_1736 : memref<32768x256xf32, #tpu.memory_space<hbm>>) dst(%arg12 : memref<64x256xf32, #tpu.memory_space<vmem>>)
    %add3A_1737 = arith.constant 1216 : i32
    %add3A_1738 = arith.addi %mul3A_2, %add3A_1737 : i32
    %dma_start3A_1739 = arith.constant 0 : i32
    %dma_start3A_1740 = tpu.memref_slice %arg4[%add3A_1738, %dma_start3A_1739] : memref<65536x256xf32, #tpu.memory_space<hbm>> -> memref<64x256xf32, #tpu.memory_space<hbm>>
    %dma_start3A_1741 = arith.constant 0 : i32
    %dma_start3A_1742 = tpu.memref_slice %arg4[%add3A_1738, %dma_start3A_1741] : memref<65536x256xf32, #tpu.memory_space<hbm>> -> memref<64x256xf32, #tpu.memory_space<hbm>>
    tpu.enqueue_dma source(%arg12 : memref<64x256xf32, #tpu.memory_space<vmem>>) target(%dma_start3A_1742 : memref<64x256xf32, #tpu.memory_space<hbm>>) target_semaphore(%arg26 : memref<!tpu.dma_semaphore, #tpu.memory_space<semaphore_mem>>)
    %dma_wait3A_1743 = arith.constant 0 : i32
    %dma_wait3A_1744 = tpu.memref_slice %arg4[%add3A_1586, %dma_wait3A_1743] : memref<65536x256xf32, #tpu.memory_space<hbm>> -> memref<64x256xf32, #tpu.memory_space<hbm>>
    %dma_wait3A_1745 = arith.constant 0 : i32
    %dma_wait3A_1746 = tpu.memref_slice %arg4[%add3A_1586, %dma_wait3A_1745] : memref<65536x256xf32, #tpu.memory_space<hbm>> -> memref<64x256xf32, #tpu.memory_space<hbm>>
    tpu.wait_dma2 semaphore(%arg24 : memref<!tpu.dma_semaphore, #tpu.memory_space<semaphore_mem>>) src(%arg10 : memref<64x256xf32, #tpu.memory_space<vmem>>) dst(%dma_wait3A_1746 : memref<64x256xf32, #tpu.memory_space<hbm>>)
    %get3A_1747 = arith.constant 1536 : index
    %get3A_1748 = tpu.vector_load %arg5[%get3A_1747] {strides = array<i32>} : memref<2048xi32, #tpu.memory_space<vmem>>, vector<16xi32>,
    %get3A_1749 = vector.shape_cast %get3A_1748 : vector<16xi32> to vector<16xi32>
    %mul3A_1750 = arith.constant 16 : i32
    %mul3A_1751 = vector.broadcast %mul3A_1750 : i32 to vector<16xi32>
    %mul3A_1752 = arith.muli %get3A_1749, %mul3A_1751 : vector<16xi32>
    %add3A_1753 = arith.addi %mul3A_1752, %iota3A : vector<16xi32>
    %swap3A_1754 = arith.constant 24 : i32
    %swap3A_1755 = arith.index_cast %swap3A_1754 : i32 to index
    %swap3A_1756 = arith.constant 0 : index
    %swap3A_1757 = tpu.vector_load %arg6[%swap3A_1755, %swap3A_1756] {strides = array<i32>} : memref<32x64xi32, #tpu.memory_space<vmem>>, vector<1x16xi32>,
    %swap3A_1758 = vector.shape_cast %swap3A_1757 : vector<1x16xi32> to vector<16xi32>
    %swap3A_1759 = vector.shape_cast %add3A_1753 : vector<16xi32> to vector<1x16xi32>
    tpu.vector_store %arg6[%swap3A_1755, %swap3A_1756], %swap3A_1759 {strides = array<i32>} : memref<32x64xi32, #tpu.memory_space<vmem>>, vector<1x16xi32>,
    %get3A_1760 = arith.constant 1552 : index
    %get3A_1761 = tpu.vector_load %arg5[%get3A_1760] {strides = array<i32>} : memref<2048xi32, #tpu.memory_space<vmem>>, vector<16xi32>,
    %get3A_1762 = vector.shape_cast %get3A_1761 : vector<16xi32> to vector<16xi32>
    %mul3A_1763 = arith.constant 16 : i32
    %mul3A_1764 = vector.broadcast %mul3A_1763 : i32 to vector<16xi32>
    %mul3A_1765 = arith.muli %get3A_1762, %mul3A_1764 : vector<16xi32>
    %add3A_1766 = arith.addi %mul3A_1765, %iota3A : vector<16xi32>
    %swap3A_1767 = arith.constant 24 : i32
    %swap3A_1768 = arith.index_cast %swap3A_1767 : i32 to index
    %swap3A_1769 = arith.constant 16 : index
    %swap3A_1770 = tpu.vector_load %arg6[%swap3A_1768, %swap3A_1769] {strides = array<i32>} : memref<32x64xi32, #tpu.memory_space<vmem>>, vector<1x16xi32>,
    %swap3A_1771 = vector.shape_cast %swap3A_1770 : vector<1x16xi32> to vector<16xi32>
    %swap3A_1772 = vector.shape_cast %add3A_1766 : vector<16xi32> to vector<1x16xi32>
    tpu.vector_store %arg6[%swap3A_1768, %swap3A_1769], %swap3A_1772 {strides = array<i32>} : memref<32x64xi32, #tpu.memory_space<vmem>>, vector<1x16xi32>,
    %get3A_1773 = arith.constant 1568 : index
    %get3A_1774 = tpu.vector_load %arg5[%get3A_1773] {strides = array<i32>} : memref<2048xi32, #tpu.memory_space<vmem>>, vector<16xi32>,
    %get3A_1775 = vector.shape_cast %get3A_1774 : vector<16xi32> to vector<16xi32>
    %mul3A_1776 = arith.constant 16 : i32
    %mul3A_1777 = vector.broadcast %mul3A_1776 : i32 to vector<16xi32>
    %mul3A_1778 = arith.muli %get3A_1775, %mul3A_1777 : vector<16xi32>
    %add3A_1779 = arith.addi %mul3A_1778, %iota3A : vector<16xi32>
    %swap3A_1780 = arith.constant 24 : i32
    %swap3A_1781 = arith.index_cast %swap3A_1780 : i32 to index
    %swap3A_1782 = arith.constant 32 : index
    %swap3A_1783 = tpu.vector_load %arg6[%swap3A_1781, %swap3A_1782] {strides = array<i32>} : memref<32x64xi32, #tpu.memory_space<vmem>>, vector<1x16xi32>,
    %swap3A_1784 = vector.shape_cast %swap3A_1783 : vector<1x16xi32> to vector<16xi32>
    %swap3A_1785 = vector.shape_cast %add3A_1779 : vector<16xi32> to vector<1x16xi32>
    tpu.vector_store %arg6[%swap3A_1781, %swap3A_1782], %swap3A_1785 {strides = array<i32>} : memref<32x64xi32, #tpu.memory_space<vmem>>, vector<1x16xi32>,
    %get3A_1786 = arith.constant 1584 : index
    %get3A_1787 = tpu.vector_load %arg5[%get3A_1786] {strides = array<i32>} : memref<2048xi32, #tpu.memory_space<vmem>>, vector<16xi32>,
    %get3A_1788 = vector.shape_cast %get3A_1787 : vector<16xi32> to vector<16xi32>
    %mul3A_1789 = arith.constant 16 : i32
    %mul3A_1790 = vector.broadcast %mul3A_1789 : i32 to vector<16xi32>
    %mul3A_1791 = arith.muli %get3A_1788, %mul3A_1790 : vector<16xi32>
    %add3A_1792 = arith.addi %mul3A_1791, %iota3A : vector<16xi32>
    %swap3A_1793 = arith.constant 24 : i32
    %swap3A_1794 = arith.index_cast %swap3A_1793 : i32 to index
    %swap3A_1795 = arith.constant 48 : index
    %swap3A_1796 = tpu.vector_load %arg6[%swap3A_1794, %swap3A_1795] {strides = array<i32>} : memref<32x64xi32, #tpu.memory_space<vmem>>, vector<1x16xi32>,
    %swap3A_1797 = vector.shape_cast %swap3A_1796 : vector<1x16xi32> to vector<16xi32>
    %swap3A_1798 = vector.shape_cast %add3A_1792 : vector<16xi32> to vector<1x16xi32>
    tpu.vector_store %arg6[%swap3A_1794, %swap3A_1795], %swap3A_1798 {strides = array<i32>} : memref<32x64xi32, #tpu.memory_space<vmem>>, vector<1x16xi32>,
    %dma_start3A_1799 = arith.constant 24 : i32
    %dma_start3A_1800 = arith.constant 0 : i32
    %dma_start3A_1801 = tpu.memref_slice %arg6[%dma_start3A_1799, %dma_start3A_1800] : memref<32x64xi32, #tpu.memory_space<vmem>> -> memref<1x64xi32, #tpu.memory_space<vmem>>
    %dma_start3A_1802 = tpu.memref_squeeze %dma_start3A_1801 : memref<1x64xi32, #tpu.memory_space<vmem>> -> memref<64xi32, #tpu.memory_space<vmem>>
    %dma_start3A_1803 = arith.constant 0 : i32
    %dma_start3A_1804 = arith.constant 0 : i32
    %dma_start3A_1805 = tpu.memref_slice %arg2[%dma_start3A_1803, %dma_start3A_1804] : memref<32768x256xf32, #tpu.memory_space<hbm>> -> memref<32768x256xf32, #tpu.memory_space<hbm>>
    tpu.enqueue_indirect_dma source(%dma_start3A_1805 : memref<32768x256xf32, #tpu.memory_space<hbm>>) target(%arg10 : memref<64x256xf32, #tpu.memory_space<vmem>>) offsets(%dma_start3A_1802 : memref<64xi32, #tpu.memory_space<vmem>>) semaphore(%arg17 : memref<!tpu.dma_semaphore, #tpu.memory_space<semaphore_mem>>)
    %dma_wait3A_1806 = arith.constant 20 : i32
    %dma_wait3A_1807 = arith.constant 0 : i32
    %dma_wait3A_1808 = tpu.memref_slice %arg6[%dma_wait3A_1806, %dma_wait3A_1807] : memref<32x64xi32, #tpu.memory_space<vmem>> -> memref<1x64xi32, #tpu.memory_space<vmem>>
    %dma_wait3A_1809 = tpu.memref_squeeze %dma_wait3A_1808 : memref<1x64xi32, #tpu.memory_space<vmem>> -> memref<64xi32, #tpu.memory_space<vmem>>
    %dma_wait3A_1810 = arith.constant 0 : i32
    %dma_wait3A_1811 = arith.constant 0 : i32
    %dma_wait3A_1812 = tpu.memref_slice %arg2[%dma_wait3A_1810, %dma_wait3A_1811] : memref<32768x256xf32, #tpu.memory_space<hbm>> -> memref<32768x256xf32, #tpu.memory_space<hbm>>
    tpu.wait_indirect_dma semaphore(%arg20 : memref<!tpu.dma_semaphore, #tpu.memory_space<semaphore_mem>>) src(%dma_wait3A_1812 : memref<32768x256xf32, #tpu.memory_space<hbm>>) dst(%arg13 : memref<64x256xf32, #tpu.memory_space<vmem>>)
    %add3A_1813 = arith.constant 1280 : i32
    %add3A_1814 = arith.addi %mul3A_2, %add3A_1813 : i32
    %dma_start3A_1815 = arith.constant 0 : i32
    %dma_start3A_1816 = tpu.memref_slice %arg4[%add3A_1814, %dma_start3A_1815] : memref<65536x256xf32, #tpu.memory_space<hbm>> -> memref<64x256xf32, #tpu.memory_space<hbm>>
    %dma_start3A_1817 = arith.constant 0 : i32
    %dma_start3A_1818 = tpu.memref_slice %arg4[%add3A_1814, %dma_start3A_1817] : memref<65536x256xf32, #tpu.memory_space<hbm>> -> memref<64x256xf32, #tpu.memory_space<hbm>>
    tpu.enqueue_dma source(%arg13 : memref<64x256xf32, #tpu.memory_space<vmem>>) target(%dma_start3A_1818 : memref<64x256xf32, #tpu.memory_space<hbm>>) target_semaphore(%arg27 : memref<!tpu.dma_semaphore, #tpu.memory_space<semaphore_mem>>)
    %dma_wait3A_1819 = arith.constant 0 : i32
    %dma_wait3A_1820 = tpu.memref_slice %arg4[%add3A_1662, %dma_wait3A_1819] : memref<65536x256xf32, #tpu.memory_space<hbm>> -> memref<64x256xf32, #tpu.memory_space<hbm>>
    %dma_wait3A_1821 = arith.constant 0 : i32
    %dma_wait3A_1822 = tpu.memref_slice %arg4[%add3A_1662, %dma_wait3A_1821] : memref<65536x256xf32, #tpu.memory_space<hbm>> -> memref<64x256xf32, #tpu.memory_space<hbm>>
    tpu.wait_dma2 semaphore(%arg25 : memref<!tpu.dma_semaphore, #tpu.memory_space<semaphore_mem>>) src(%arg11 : memref<64x256xf32, #tpu.memory_space<vmem>>) dst(%dma_wait3A_1822 : memref<64x256xf32, #tpu.memory_space<hbm>>)
    %get3A_1823 = arith.constant 1600 : index
    %get3A_1824 = tpu.vector_load %arg5[%get3A_1823] {strides = array<i32>} : memref<2048xi32, #tpu.memory_space<vmem>>, vector<16xi32>,
    %get3A_1825 = vector.shape_cast %get3A_1824 : vector<16xi32> to vector<16xi32>
    %mul3A_1826 = arith.constant 16 : i32
    %mul3A_1827 = vector.broadcast %mul3A_1826 : i32 to vector<16xi32>
    %mul3A_1828 = arith.muli %get3A_1825, %mul3A_1827 : vector<16xi32>
    %add3A_1829 = arith.addi %mul3A_1828, %iota3A : vector<16xi32>
    %swap3A_1830 = arith.constant 25 : i32
    %swap3A_1831 = arith.index_cast %swap3A_1830 : i32 to index
    %swap3A_1832 = arith.constant 0 : index
    %swap3A_1833 = tpu.vector_load %arg6[%swap3A_1831, %swap3A_1832] {strides = array<i32>} : memref<32x64xi32, #tpu.memory_space<vmem>>, vector<1x16xi32>,
    %swap3A_1834 = vector.shape_cast %swap3A_1833 : vector<1x16xi32> to vector<16xi32>
    %swap3A_1835 = vector.shape_cast %add3A_1829 : vector<16xi32> to vector<1x16xi32>
    tpu.vector_store %arg6[%swap3A_1831, %swap3A_1832], %swap3A_1835 {strides = array<i32>} : memref<32x64xi32, #tpu.memory_space<vmem>>, vector<1x16xi32>,
    %get3A_1836 = arith.constant 1616 : index
    %get3A_1837 = tpu.vector_load %arg5[%get3A_1836] {strides = array<i32>} : memref<2048xi32, #tpu.memory_space<vmem>>, vector<16xi32>,
    %get3A_1838 = vector.shape_cast %get3A_1837 : vector<16xi32> to vector<16xi32>
    %mul3A_1839 = arith.constant 16 : i32
    %mul3A_1840 = vector.broadcast %mul3A_1839 : i32 to vector<16xi32>
    %mul3A_1841 = arith.muli %get3A_1838, %mul3A_1840 : vector<16xi32>
    %add3A_1842 = arith.addi %mul3A_1841, %iota3A : vector<16xi32>
    %swap3A_1843 = arith.constant 25 : i32
    %swap3A_1844 = arith.index_cast %swap3A_1843 : i32 to index
    %swap3A_1845 = arith.constant 16 : index
    %swap3A_1846 = tpu.vector_load %arg6[%swap3A_1844, %swap3A_1845] {strides = array<i32>} : memref<32x64xi32, #tpu.memory_space<vmem>>, vector<1x16xi32>,
    %swap3A_1847 = vector.shape_cast %swap3A_1846 : vector<1x16xi32> to vector<16xi32>
    %swap3A_1848 = vector.shape_cast %add3A_1842 : vector<16xi32> to vector<1x16xi32>
    tpu.vector_store %arg6[%swap3A_1844, %swap3A_1845], %swap3A_1848 {strides = array<i32>} : memref<32x64xi32, #tpu.memory_space<vmem>>, vector<1x16xi32>,
    %get3A_1849 = arith.constant 1632 : index
    %get3A_1850 = tpu.vector_load %arg5[%get3A_1849] {strides = array<i32>} : memref<2048xi32, #tpu.memory_space<vmem>>, vector<16xi32>,
    %get3A_1851 = vector.shape_cast %get3A_1850 : vector<16xi32> to vector<16xi32>
    %mul3A_1852 = arith.constant 16 : i32
    %mul3A_1853 = vector.broadcast %mul3A_1852 : i32 to vector<16xi32>
    %mul3A_1854 = arith.muli %get3A_1851, %mul3A_1853 : vector<16xi32>
    %add3A_1855 = arith.addi %mul3A_1854, %iota3A : vector<16xi32>
    %swap3A_1856 = arith.constant 25 : i32
    %swap3A_1857 = arith.index_cast %swap3A_1856 : i32 to index
    %swap3A_1858 = arith.constant 32 : index
    %swap3A_1859 = tpu.vector_load %arg6[%swap3A_1857, %swap3A_1858] {strides = array<i32>} : memref<32x64xi32, #tpu.memory_space<vmem>>, vector<1x16xi32>,
    %swap3A_1860 = vector.shape_cast %swap3A_1859 : vector<1x16xi32> to vector<16xi32>
    %swap3A_1861 = vector.shape_cast %add3A_1855 : vector<16xi32> to vector<1x16xi32>
    tpu.vector_store %arg6[%swap3A_1857, %swap3A_1858], %swap3A_1861 {strides = array<i32>} : memref<32x64xi32, #tpu.memory_space<vmem>>, vector<1x16xi32>,
    %get3A_1862 = arith.constant 1648 : index
    %get3A_1863 = tpu.vector_load %arg5[%get3A_1862] {strides = array<i32>} : memref<2048xi32, #tpu.memory_space<vmem>>, vector<16xi32>,
    %get3A_1864 = vector.shape_cast %get3A_1863 : vector<16xi32> to vector<16xi32>
    %mul3A_1865 = arith.constant 16 : i32
    %mul3A_1866 = vector.broadcast %mul3A_1865 : i32 to vector<16xi32>
    %mul3A_1867 = arith.muli %get3A_1864, %mul3A_1866 : vector<16xi32>
    %add3A_1868 = arith.addi %mul3A_1867, %iota3A : vector<16xi32>
    %swap3A_1869 = arith.constant 25 : i32
    %swap3A_1870 = arith.index_cast %swap3A_1869 : i32 to index
    %swap3A_1871 = arith.constant 48 : index
    %swap3A_1872 = tpu.vector_load %arg6[%swap3A_1870, %swap3A_1871] {strides = array<i32>} : memref<32x64xi32, #tpu.memory_space<vmem>>, vector<1x16xi32>,
    %swap3A_1873 = vector.shape_cast %swap3A_1872 : vector<1x16xi32> to vector<16xi32>
    %swap3A_1874 = vector.shape_cast %add3A_1868 : vector<16xi32> to vector<1x16xi32>
    tpu.vector_store %arg6[%swap3A_1870, %swap3A_1871], %swap3A_1874 {strides = array<i32>} : memref<32x64xi32, #tpu.memory_space<vmem>>, vector<1x16xi32>,
    %dma_start3A_1875 = arith.constant 25 : i32
    %dma_start3A_1876 = arith.constant 0 : i32
    %dma_start3A_1877 = tpu.memref_slice %arg6[%dma_start3A_1875, %dma_start3A_1876] : memref<32x64xi32, #tpu.memory_space<vmem>> -> memref<1x64xi32, #tpu.memory_space<vmem>>
    %dma_start3A_1878 = tpu.memref_squeeze %dma_start3A_1877 : memref<1x64xi32, #tpu.memory_space<vmem>> -> memref<64xi32, #tpu.memory_space<vmem>>
    %dma_start3A_1879 = arith.constant 0 : i32
    %dma_start3A_1880 = arith.constant 0 : i32
    %dma_start3A_1881 = tpu.memref_slice %arg2[%dma_start3A_1879, %dma_start3A_1880] : memref<32768x256xf32, #tpu.memory_space<hbm>> -> memref<32768x256xf32, #tpu.memory_space<hbm>>
    tpu.enqueue_indirect_dma source(%dma_start3A_1881 : memref<32768x256xf32, #tpu.memory_space<hbm>>) target(%arg11 : memref<64x256xf32, #tpu.memory_space<vmem>>) offsets(%dma_start3A_1878 : memref<64xi32, #tpu.memory_space<vmem>>) semaphore(%arg18 : memref<!tpu.dma_semaphore, #tpu.memory_space<semaphore_mem>>)
    %dma_wait3A_1882 = arith.constant 21 : i32
    %dma_wait3A_1883 = arith.constant 0 : i32
    %dma_wait3A_1884 = tpu.memref_slice %arg6[%dma_wait3A_1882, %dma_wait3A_1883] : memref<32x64xi32, #tpu.memory_space<vmem>> -> memref<1x64xi32, #tpu.memory_space<vmem>>
    %dma_wait3A_1885 = tpu.memref_squeeze %dma_wait3A_1884 : memref<1x64xi32, #tpu.memory_space<vmem>> -> memref<64xi32, #tpu.memory_space<vmem>>
    %dma_wait3A_1886 = arith.constant 0 : i32
    %dma_wait3A_1887 = arith.constant 0 : i32
    %dma_wait3A_1888 = tpu.memref_slice %arg2[%dma_wait3A_1886, %dma_wait3A_1887] : memref<32768x256xf32, #tpu.memory_space<hbm>> -> memref<32768x256xf32, #tpu.memory_space<hbm>>
    tpu.wait_indirect_dma semaphore(%arg14 : memref<!tpu.dma_semaphore, #tpu.memory_space<semaphore_mem>>) src(%dma_wait3A_1888 : memref<32768x256xf32, #tpu.memory_space<hbm>>) dst(%arg7 : memref<64x256xf32, #tpu.memory_space<vmem>>)
    %add3A_1889 = arith.constant 1344 : i32
    %add3A_1890 = arith.addi %mul3A_2, %add3A_1889 : i32
    %dma_start3A_1891 = arith.constant 0 : i32
    %dma_start3A_1892 = tpu.memref_slice %arg4[%add3A_1890, %dma_start3A_1891] : memref<65536x256xf32, #tpu.memory_space<hbm>> -> memref<64x256xf32, #tpu.memory_space<hbm>>
    %dma_start3A_1893 = arith.constant 0 : i32
    %dma_start3A_1894 = tpu.memref_slice %arg4[%add3A_1890, %dma_start3A_1893] : memref<65536x256xf32, #tpu.memory_space<hbm>> -> memref<64x256xf32, #tpu.memory_space<hbm>>
    tpu.enqueue_dma source(%arg7 : memref<64x256xf32, #tpu.memory_space<vmem>>) target(%dma_start3A_1894 : memref<64x256xf32, #tpu.memory_space<hbm>>) target_semaphore(%arg21 : memref<!tpu.dma_semaphore, #tpu.memory_space<semaphore_mem>>)
    %dma_wait3A_1895 = arith.constant 0 : i32
    %dma_wait3A_1896 = tpu.memref_slice %arg4[%add3A_1738, %dma_wait3A_1895] : memref<65536x256xf32, #tpu.memory_space<hbm>> -> memref<64x256xf32, #tpu.memory_space<hbm>>
    %dma_wait3A_1897 = arith.constant 0 : i32
    %dma_wait3A_1898 = tpu.memref_slice %arg4[%add3A_1738, %dma_wait3A_1897] : memref<65536x256xf32, #tpu.memory_space<hbm>> -> memref<64x256xf32, #tpu.memory_space<hbm>>
    tpu.wait_dma2 semaphore(%arg26 : memref<!tpu.dma_semaphore, #tpu.memory_space<semaphore_mem>>) src(%arg12 : memref<64x256xf32, #tpu.memory_space<vmem>>) dst(%dma_wait3A_1898 : memref<64x256xf32, #tpu.memory_space<hbm>>)
    %get3A_1899 = arith.constant 1664 : index
    %get3A_1900 = tpu.vector_load %arg5[%get3A_1899] {strides = array<i32>} : memref<2048xi32, #tpu.memory_space<vmem>>, vector<16xi32>,
    %get3A_1901 = vector.shape_cast %get3A_1900 : vector<16xi32> to vector<16xi32>
    %mul3A_1902 = arith.constant 16 : i32
    %mul3A_1903 = vector.broadcast %mul3A_1902 : i32 to vector<16xi32>
    %mul3A_1904 = arith.muli %get3A_1901, %mul3A_1903 : vector<16xi32>
    %add3A_1905 = arith.addi %mul3A_1904, %iota3A : vector<16xi32>
    %swap3A_1906 = arith.constant 26 : i32
    %swap3A_1907 = arith.index_cast %swap3A_1906 : i32 to index
    %swap3A_1908 = arith.constant 0 : index
    %swap3A_1909 = tpu.vector_load %arg6[%swap3A_1907, %swap3A_1908] {strides = array<i32>} : memref<32x64xi32, #tpu.memory_space<vmem>>, vector<1x16xi32>,
    %swap3A_1910 = vector.shape_cast %swap3A_1909 : vector<1x16xi32> to vector<16xi32>
    %swap3A_1911 = vector.shape_cast %add3A_1905 : vector<16xi32> to vector<1x16xi32>
    tpu.vector_store %arg6[%swap3A_1907, %swap3A_1908], %swap3A_1911 {strides = array<i32>} : memref<32x64xi32, #tpu.memory_space<vmem>>, vector<1x16xi32>,
    %get3A_1912 = arith.constant 1680 : index
    %get3A_1913 = tpu.vector_load %arg5[%get3A_1912] {strides = array<i32>} : memref<2048xi32, #tpu.memory_space<vmem>>, vector<16xi32>,
    %get3A_1914 = vector.shape_cast %get3A_1913 : vector<16xi32> to vector<16xi32>
    %mul3A_1915 = arith.constant 16 : i32
    %mul3A_1916 = vector.broadcast %mul3A_1915 : i32 to vector<16xi32>
    %mul3A_1917 = arith.muli %get3A_1914, %mul3A_1916 : vector<16xi32>
    %add3A_1918 = arith.addi %mul3A_1917, %iota3A : vector<16xi32>
    %swap3A_1919 = arith.constant 26 : i32
    %swap3A_1920 = arith.index_cast %swap3A_1919 : i32 to index
    %swap3A_1921 = arith.constant 16 : index
    %swap3A_1922 = tpu.vector_load %arg6[%swap3A_1920, %swap3A_1921] {strides = array<i32>} : memref<32x64xi32, #tpu.memory_space<vmem>>, vector<1x16xi32>,
    %swap3A_1923 = vector.shape_cast %swap3A_1922 : vector<1x16xi32> to vector<16xi32>
    %swap3A_1924 = vector.shape_cast %add3A_1918 : vector<16xi32> to vector<1x16xi32>
    tpu.vector_store %arg6[%swap3A_1920, %swap3A_1921], %swap3A_1924 {strides = array<i32>} : memref<32x64xi32, #tpu.memory_space<vmem>>, vector<1x16xi32>,
    %get3A_1925 = arith.constant 1696 : index
    %get3A_1926 = tpu.vector_load %arg5[%get3A_1925] {strides = array<i32>} : memref<2048xi32, #tpu.memory_space<vmem>>, vector<16xi32>,
    %get3A_1927 = vector.shape_cast %get3A_1926 : vector<16xi32> to vector<16xi32>
    %mul3A_1928 = arith.constant 16 : i32
    %mul3A_1929 = vector.broadcast %mul3A_1928 : i32 to vector<16xi32>
    %mul3A_1930 = arith.muli %get3A_1927, %mul3A_1929 : vector<16xi32>
    %add3A_1931 = arith.addi %mul3A_1930, %iota3A : vector<16xi32>
    %swap3A_1932 = arith.constant 26 : i32
    %swap3A_1933 = arith.index_cast %swap3A_1932 : i32 to index
    %swap3A_1934 = arith.constant 32 : index
    %swap3A_1935 = tpu.vector_load %arg6[%swap3A_1933, %swap3A_1934] {strides = array<i32>} : memref<32x64xi32, #tpu.memory_space<vmem>>, vector<1x16xi32>,
    %swap3A_1936 = vector.shape_cast %swap3A_1935 : vector<1x16xi32> to vector<16xi32>
    %swap3A_1937 = vector.shape_cast %add3A_1931 : vector<16xi32> to vector<1x16xi32>
    tpu.vector_store %arg6[%swap3A_1933, %swap3A_1934], %swap3A_1937 {strides = array<i32>} : memref<32x64xi32, #tpu.memory_space<vmem>>, vector<1x16xi32>,
    %get3A_1938 = arith.constant 1712 : index
    %get3A_1939 = tpu.vector_load %arg5[%get3A_1938] {strides = array<i32>} : memref<2048xi32, #tpu.memory_space<vmem>>, vector<16xi32>,
    %get3A_1940 = vector.shape_cast %get3A_1939 : vector<16xi32> to vector<16xi32>
    %mul3A_1941 = arith.constant 16 : i32
    %mul3A_1942 = vector.broadcast %mul3A_1941 : i32 to vector<16xi32>
    %mul3A_1943 = arith.muli %get3A_1940, %mul3A_1942 : vector<16xi32>
    %add3A_1944 = arith.addi %mul3A_1943, %iota3A : vector<16xi32>
    %swap3A_1945 = arith.constant 26 : i32
    %swap3A_1946 = arith.index_cast %swap3A_1945 : i32 to index
    %swap3A_1947 = arith.constant 48 : index
    %swap3A_1948 = tpu.vector_load %arg6[%swap3A_1946, %swap3A_1947] {strides = array<i32>} : memref<32x64xi32, #tpu.memory_space<vmem>>, vector<1x16xi32>,
    %swap3A_1949 = vector.shape_cast %swap3A_1948 : vector<1x16xi32> to vector<16xi32>
    %swap3A_1950 = vector.shape_cast %add3A_1944 : vector<16xi32> to vector<1x16xi32>
    tpu.vector_store %arg6[%swap3A_1946, %swap3A_1947], %swap3A_1950 {strides = array<i32>} : memref<32x64xi32, #tpu.memory_space<vmem>>, vector<1x16xi32>,
    %dma_start3A_1951 = arith.constant 26 : i32
    %dma_start3A_1952 = arith.constant 0 : i32
    %dma_start3A_1953 = tpu.memref_slice %arg6[%dma_start3A_1951, %dma_start3A_1952] : memref<32x64xi32, #tpu.memory_space<vmem>> -> memref<1x64xi32, #tpu.memory_space<vmem>>
    %dma_start3A_1954 = tpu.memref_squeeze %dma_start3A_1953 : memref<1x64xi32, #tpu.memory_space<vmem>> -> memref<64xi32, #tpu.memory_space<vmem>>
    %dma_start3A_1955 = arith.constant 0 : i32
    %dma_start3A_1956 = arith.constant 0 : i32
    %dma_start3A_1957 = tpu.memref_slice %arg2[%dma_start3A_1955, %dma_start3A_1956] : memref<32768x256xf32, #tpu.memory_space<hbm>> -> memref<32768x256xf32, #tpu.memory_space<hbm>>
    tpu.enqueue_indirect_dma source(%dma_start3A_1957 : memref<32768x256xf32, #tpu.memory_space<hbm>>) target(%arg12 : memref<64x256xf32, #tpu.memory_space<vmem>>) offsets(%dma_start3A_1954 : memref<64xi32, #tpu.memory_space<vmem>>) semaphore(%arg19 : memref<!tpu.dma_semaphore, #tpu.memory_space<semaphore_mem>>)
    %dma_wait3A_1958 = arith.constant 22 : i32
    %dma_wait3A_1959 = arith.constant 0 : i32
    %dma_wait3A_1960 = tpu.memref_slice %arg6[%dma_wait3A_1958, %dma_wait3A_1959] : memref<32x64xi32, #tpu.memory_space<vmem>> -> memref<1x64xi32, #tpu.memory_space<vmem>>
    %dma_wait3A_1961 = tpu.memref_squeeze %dma_wait3A_1960 : memref<1x64xi32, #tpu.memory_space<vmem>> -> memref<64xi32, #tpu.memory_space<vmem>>
    %dma_wait3A_1962 = arith.constant 0 : i32
    %dma_wait3A_1963 = arith.constant 0 : i32
    %dma_wait3A_1964 = tpu.memref_slice %arg2[%dma_wait3A_1962, %dma_wait3A_1963] : memref<32768x256xf32, #tpu.memory_space<hbm>> -> memref<32768x256xf32, #tpu.memory_space<hbm>>
    tpu.wait_indirect_dma semaphore(%arg15 : memref<!tpu.dma_semaphore, #tpu.memory_space<semaphore_mem>>) src(%dma_wait3A_1964 : memref<32768x256xf32, #tpu.memory_space<hbm>>) dst(%arg8 : memref<64x256xf32, #tpu.memory_space<vmem>>)
    %add3A_1965 = arith.constant 1408 : i32
    %add3A_1966 = arith.addi %mul3A_2, %add3A_1965 : i32
    %dma_start3A_1967 = arith.constant 0 : i32
    %dma_start3A_1968 = tpu.memref_slice %arg4[%add3A_1966, %dma_start3A_1967] : memref<65536x256xf32, #tpu.memory_space<hbm>> -> memref<64x256xf32, #tpu.memory_space<hbm>>
    %dma_start3A_1969 = arith.constant 0 : i32
    %dma_start3A_1970 = tpu.memref_slice %arg4[%add3A_1966, %dma_start3A_1969] : memref<65536x256xf32, #tpu.memory_space<hbm>> -> memref<64x256xf32, #tpu.memory_space<hbm>>
    tpu.enqueue_dma source(%arg8 : memref<64x256xf32, #tpu.memory_space<vmem>>) target(%dma_start3A_1970 : memref<64x256xf32, #tpu.memory_space<hbm>>) target_semaphore(%arg22 : memref<!tpu.dma_semaphore, #tpu.memory_space<semaphore_mem>>)
    %dma_wait3A_1971 = arith.constant 0 : i32
    %dma_wait3A_1972 = tpu.memref_slice %arg4[%add3A_1814, %dma_wait3A_1971] : memref<65536x256xf32, #tpu.memory_space<hbm>> -> memref<64x256xf32, #tpu.memory_space<hbm>>
    %dma_wait3A_1973 = arith.constant 0 : i32
    %dma_wait3A_1974 = tpu.memref_slice %arg4[%add3A_1814, %dma_wait3A_1973] : memref<65536x256xf32, #tpu.memory_space<hbm>> -> memref<64x256xf32, #tpu.memory_space<hbm>>
    tpu.wait_dma2 semaphore(%arg27 : memref<!tpu.dma_semaphore, #tpu.memory_space<semaphore_mem>>) src(%arg13 : memref<64x256xf32, #tpu.memory_space<vmem>>) dst(%dma_wait3A_1974 : memref<64x256xf32, #tpu.memory_space<hbm>>)
    %get3A_1975 = arith.constant 1728 : index
    %get3A_1976 = tpu.vector_load %arg5[%get3A_1975] {strides = array<i32>} : memref<2048xi32, #tpu.memory_space<vmem>>, vector<16xi32>,
    %get3A_1977 = vector.shape_cast %get3A_1976 : vector<16xi32> to vector<16xi32>
    %mul3A_1978 = arith.constant 16 : i32
    %mul3A_1979 = vector.broadcast %mul3A_1978 : i32 to vector<16xi32>
    %mul3A_1980 = arith.muli %get3A_1977, %mul3A_1979 : vector<16xi32>
    %add3A_1981 = arith.addi %mul3A_1980, %iota3A : vector<16xi32>
    %swap3A_1982 = arith.constant 27 : i32
    %swap3A_1983 = arith.index_cast %swap3A_1982 : i32 to index
    %swap3A_1984 = arith.constant 0 : index
    %swap3A_1985 = tpu.vector_load %arg6[%swap3A_1983, %swap3A_1984] {strides = array<i32>} : memref<32x64xi32, #tpu.memory_space<vmem>>, vector<1x16xi32>,
    %swap3A_1986 = vector.shape_cast %swap3A_1985 : vector<1x16xi32> to vector<16xi32>
    %swap3A_1987 = vector.shape_cast %add3A_1981 : vector<16xi32> to vector<1x16xi32>
    tpu.vector_store %arg6[%swap3A_1983, %swap3A_1984], %swap3A_1987 {strides = array<i32>} : memref<32x64xi32, #tpu.memory_space<vmem>>, vector<1x16xi32>,
    %get3A_1988 = arith.constant 1744 : index
    %get3A_1989 = tpu.vector_load %arg5[%get3A_1988] {strides = array<i32>} : memref<2048xi32, #tpu.memory_space<vmem>>, vector<16xi32>,
    %get3A_1990 = vector.shape_cast %get3A_1989 : vector<16xi32> to vector<16xi32>
    %mul3A_1991 = arith.constant 16 : i32
    %mul3A_1992 = vector.broadcast %mul3A_1991 : i32 to vector<16xi32>
    %mul3A_1993 = arith.muli %get3A_1990, %mul3A_1992 : vector<16xi32>
    %add3A_1994 = arith.addi %mul3A_1993, %iota3A : vector<16xi32>
    %swap3A_1995 = arith.constant 27 : i32
    %swap3A_1996 = arith.index_cast %swap3A_1995 : i32 to index
    %swap3A_1997 = arith.constant 16 : index
    %swap3A_1998 = tpu.vector_load %arg6[%swap3A_1996, %swap3A_1997] {strides = array<i32>} : memref<32x64xi32, #tpu.memory_space<vmem>>, vector<1x16xi32>,
    %swap3A_1999 = vector.shape_cast %swap3A_1998 : vector<1x16xi32> to vector<16xi32>
    %swap3A_2000 = vector.shape_cast %add3A_1994 : vector<16xi32> to vector<1x16xi32>
    tpu.vector_store %arg6[%swap3A_1996, %swap3A_1997], %swap3A_2000 {strides = array<i32>} : memref<32x64xi32, #tpu.memory_space<vmem>>, vector<1x16xi32>,
    %get3A_2001 = arith.constant 1760 : index
    %get3A_2002 = tpu.vector_load %arg5[%get3A_2001] {strides = array<i32>} : memref<2048xi32, #tpu.memory_space<vmem>>, vector<16xi32>,
    %get3A_2003 = vector.shape_cast %get3A_2002 : vector<16xi32> to vector<16xi32>
    %mul3A_2004 = arith.constant 16 : i32
    %mul3A_2005 = vector.broadcast %mul3A_2004 : i32 to vector<16xi32>
    %mul3A_2006 = arith.muli %get3A_2003, %mul3A_2005 : vector<16xi32>
    %add3A_2007 = arith.addi %mul3A_2006, %iota3A : vector<16xi32>
    %swap3A_2008 = arith.constant 27 : i32
    %swap3A_2009 = arith.index_cast %swap3A_2008 : i32 to index
    %swap3A_2010 = arith.constant 32 : index
    %swap3A_2011 = tpu.vector_load %arg6[%swap3A_2009, %swap3A_2010] {strides = array<i32>} : memref<32x64xi32, #tpu.memory_space<vmem>>, vector<1x16xi32>,
    %swap3A_2012 = vector.shape_cast %swap3A_2011 : vector<1x16xi32> to vector<16xi32>
    %swap3A_2013 = vector.shape_cast %add3A_2007 : vector<16xi32> to vector<1x16xi32>
    tpu.vector_store %arg6[%swap3A_2009, %swap3A_2010], %swap3A_2013 {strides = array<i32>} : memref<32x64xi32, #tpu.memory_space<vmem>>, vector<1x16xi32>,
    %get3A_2014 = arith.constant 1776 : index
    %get3A_2015 = tpu.vector_load %arg5[%get3A_2014] {strides = array<i32>} : memref<2048xi32, #tpu.memory_space<vmem>>, vector<16xi32>,
    %get3A_2016 = vector.shape_cast %get3A_2015 : vector<16xi32> to vector<16xi32>
    %mul3A_2017 = arith.constant 16 : i32
    %mul3A_2018 = vector.broadcast %mul3A_2017 : i32 to vector<16xi32>
    %mul3A_2019 = arith.muli %get3A_2016, %mul3A_2018 : vector<16xi32>
    %add3A_2020 = arith.addi %mul3A_2019, %iota3A : vector<16xi32>
    %swap3A_2021 = arith.constant 27 : i32
    %swap3A_2022 = arith.index_cast %swap3A_2021 : i32 to index
    %swap3A_2023 = arith.constant 48 : index
    %swap3A_2024 = tpu.vector_load %arg6[%swap3A_2022, %swap3A_2023] {strides = array<i32>} : memref<32x64xi32, #tpu.memory_space<vmem>>, vector<1x16xi32>,
    %swap3A_2025 = vector.shape_cast %swap3A_2024 : vector<1x16xi32> to vector<16xi32>
    %swap3A_2026 = vector.shape_cast %add3A_2020 : vector<16xi32> to vector<1x16xi32>
    tpu.vector_store %arg6[%swap3A_2022, %swap3A_2023], %swap3A_2026 {strides = array<i32>} : memref<32x64xi32, #tpu.memory_space<vmem>>, vector<1x16xi32>,
    %dma_start3A_2027 = arith.constant 27 : i32
    %dma_start3A_2028 = arith.constant 0 : i32
    %dma_start3A_2029 = tpu.memref_slice %arg6[%dma_start3A_2027, %dma_start3A_2028] : memref<32x64xi32, #tpu.memory_space<vmem>> -> memref<1x64xi32, #tpu.memory_space<vmem>>
    %dma_start3A_2030 = tpu.memref_squeeze %dma_start3A_2029 : memref<1x64xi32, #tpu.memory_space<vmem>> -> memref<64xi32, #tpu.memory_space<vmem>>
    %dma_start3A_2031 = arith.constant 0 : i32
    %dma_start3A_2032 = arith.constant 0 : i32
    %dma_start3A_2033 = tpu.memref_slice %arg2[%dma_start3A_2031, %dma_start3A_2032] : memref<32768x256xf32, #tpu.memory_space<hbm>> -> memref<32768x256xf32, #tpu.memory_space<hbm>>
    tpu.enqueue_indirect_dma source(%dma_start3A_2033 : memref<32768x256xf32, #tpu.memory_space<hbm>>) target(%arg13 : memref<64x256xf32, #tpu.memory_space<vmem>>) offsets(%dma_start3A_2030 : memref<64xi32, #tpu.memory_space<vmem>>) semaphore(%arg20 : memref<!tpu.dma_semaphore, #tpu.memory_space<semaphore_mem>>)
    %dma_wait3A_2034 = arith.constant 23 : i32
    %dma_wait3A_2035 = arith.constant 0 : i32
    %dma_wait3A_2036 = tpu.memref_slice %arg6[%dma_wait3A_2034, %dma_wait3A_2035] : memref<32x64xi32, #tpu.memory_space<vmem>> -> memref<1x64xi32, #tpu.memory_space<vmem>>
    %dma_wait3A_2037 = tpu.memref_squeeze %dma_wait3A_2036 : memref<1x64xi32, #tpu.memory_space<vmem>> -> memref<64xi32, #tpu.memory_space<vmem>>
    %dma_wait3A_2038 = arith.constant 0 : i32
    %dma_wait3A_2039 = arith.constant 0 : i32
    %dma_wait3A_2040 = tpu.memref_slice %arg2[%dma_wait3A_2038, %dma_wait3A_2039] : memref<32768x256xf32, #tpu.memory_space<hbm>> -> memref<32768x256xf32, #tpu.memory_space<hbm>>
    tpu.wait_indirect_dma semaphore(%arg16 : memref<!tpu.dma_semaphore, #tpu.memory_space<semaphore_mem>>) src(%dma_wait3A_2040 : memref<32768x256xf32, #tpu.memory_space<hbm>>) dst(%arg9 : memref<64x256xf32, #tpu.memory_space<vmem>>)
    %add3A_2041 = arith.constant 1472 : i32
    %add3A_2042 = arith.addi %mul3A_2, %add3A_2041 : i32
    %dma_start3A_2043 = arith.constant 0 : i32
    %dma_start3A_2044 = tpu.memref_slice %arg4[%add3A_2042, %dma_start3A_2043] : memref<65536x256xf32, #tpu.memory_space<hbm>> -> memref<64x256xf32, #tpu.memory_space<hbm>>
    %dma_start3A_2045 = arith.constant 0 : i32
    %dma_start3A_2046 = tpu.memref_slice %arg4[%add3A_2042, %dma_start3A_2045] : memref<65536x256xf32, #tpu.memory_space<hbm>> -> memref<64x256xf32, #tpu.memory_space<hbm>>
    tpu.enqueue_dma source(%arg9 : memref<64x256xf32, #tpu.memory_space<vmem>>) target(%dma_start3A_2046 : memref<64x256xf32, #tpu.memory_space<hbm>>) target_semaphore(%arg23 : memref<!tpu.dma_semaphore, #tpu.memory_space<semaphore_mem>>)
    %dma_wait3A_2047 = arith.constant 0 : i32
    %dma_wait3A_2048 = tpu.memref_slice %arg4[%add3A_1890, %dma_wait3A_2047] : memref<65536x256xf32, #tpu.memory_space<hbm>> -> memref<64x256xf32, #tpu.memory_space<hbm>>
    %dma_wait3A_2049 = arith.constant 0 : i32
    %dma_wait3A_2050 = tpu.memref_slice %arg4[%add3A_1890, %dma_wait3A_2049] : memref<65536x256xf32, #tpu.memory_space<hbm>> -> memref<64x256xf32, #tpu.memory_space<hbm>>
    tpu.wait_dma2 semaphore(%arg21 : memref<!tpu.dma_semaphore, #tpu.memory_space<semaphore_mem>>) src(%arg7 : memref<64x256xf32, #tpu.memory_space<vmem>>) dst(%dma_wait3A_2050 : memref<64x256xf32, #tpu.memory_space<hbm>>)
    %get3A_2051 = arith.constant 1792 : index
    %get3A_2052 = tpu.vector_load %arg5[%get3A_2051] {strides = array<i32>} : memref<2048xi32, #tpu.memory_space<vmem>>, vector<16xi32>,
    %get3A_2053 = vector.shape_cast %get3A_2052 : vector<16xi32> to vector<16xi32>
    %mul3A_2054 = arith.constant 16 : i32
    %mul3A_2055 = vector.broadcast %mul3A_2054 : i32 to vector<16xi32>
    %mul3A_2056 = arith.muli %get3A_2053, %mul3A_2055 : vector<16xi32>
    %add3A_2057 = arith.addi %mul3A_2056, %iota3A : vector<16xi32>
    %swap3A_2058 = arith.constant 28 : i32
    %swap3A_2059 = arith.index_cast %swap3A_2058 : i32 to index
    %swap3A_2060 = arith.constant 0 : index
    %swap3A_2061 = tpu.vector_load %arg6[%swap3A_2059, %swap3A_2060] {strides = array<i32>} : memref<32x64xi32, #tpu.memory_space<vmem>>, vector<1x16xi32>,
    %swap3A_2062 = vector.shape_cast %swap3A_2061 : vector<1x16xi32> to vector<16xi32>
    %swap3A_2063 = vector.shape_cast %add3A_2057 : vector<16xi32> to vector<1x16xi32>
    tpu.vector_store %arg6[%swap3A_2059, %swap3A_2060], %swap3A_2063 {strides = array<i32>} : memref<32x64xi32, #tpu.memory_space<vmem>>, vector<1x16xi32>,
    %get3A_2064 = arith.constant 1808 : index
    %get3A_2065 = tpu.vector_load %arg5[%get3A_2064] {strides = array<i32>} : memref<2048xi32, #tpu.memory_space<vmem>>, vector<16xi32>,
    %get3A_2066 = vector.shape_cast %get3A_2065 : vector<16xi32> to vector<16xi32>
    %mul3A_2067 = arith.constant 16 : i32
    %mul3A_2068 = vector.broadcast %mul3A_2067 : i32 to vector<16xi32>
    %mul3A_2069 = arith.muli %get3A_2066, %mul3A_2068 : vector<16xi32>
    %add3A_2070 = arith.addi %mul3A_2069, %iota3A : vector<16xi32>
    %swap3A_2071 = arith.constant 28 : i32
    %swap3A_2072 = arith.index_cast %swap3A_2071 : i32 to index
    %swap3A_2073 = arith.constant 16 : index
    %swap3A_2074 = tpu.vector_load %arg6[%swap3A_2072, %swap3A_2073] {strides = array<i32>} : memref<32x64xi32, #tpu.memory_space<vmem>>, vector<1x16xi32>,
    %swap3A_2075 = vector.shape_cast %swap3A_2074 : vector<1x16xi32> to vector<16xi32>
    %swap3A_2076 = vector.shape_cast %add3A_2070 : vector<16xi32> to vector<1x16xi32>
    tpu.vector_store %arg6[%swap3A_2072, %swap3A_2073], %swap3A_2076 {strides = array<i32>} : memref<32x64xi32, #tpu.memory_space<vmem>>, vector<1x16xi32>,
    %get3A_2077 = arith.constant 1824 : index
    %get3A_2078 = tpu.vector_load %arg5[%get3A_2077] {strides = array<i32>} : memref<2048xi32, #tpu.memory_space<vmem>>, vector<16xi32>,
    %get3A_2079 = vector.shape_cast %get3A_2078 : vector<16xi32> to vector<16xi32>
    %mul3A_2080 = arith.constant 16 : i32
    %mul3A_2081 = vector.broadcast %mul3A_2080 : i32 to vector<16xi32>
    %mul3A_2082 = arith.muli %get3A_2079, %mul3A_2081 : vector<16xi32>
    %add3A_2083 = arith.addi %mul3A_2082, %iota3A : vector<16xi32>
    %swap3A_2084 = arith.constant 28 : i32
    %swap3A_2085 = arith.index_cast %swap3A_2084 : i32 to index
    %swap3A_2086 = arith.constant 32 : index
    %swap3A_2087 = tpu.vector_load %arg6[%swap3A_2085, %swap3A_2086] {strides = array<i32>} : memref<32x64xi32, #tpu.memory_space<vmem>>, vector<1x16xi32>,
    %swap3A_2088 = vector.shape_cast %swap3A_2087 : vector<1x16xi32> to vector<16xi32>
    %swap3A_2089 = vector.shape_cast %add3A_2083 : vector<16xi32> to vector<1x16xi32>
    tpu.vector_store %arg6[%swap3A_2085, %swap3A_2086], %swap3A_2089 {strides = array<i32>} : memref<32x64xi32, #tpu.memory_space<vmem>>, vector<1x16xi32>,
    %get3A_2090 = arith.constant 1840 : index
    %get3A_2091 = tpu.vector_load %arg5[%get3A_2090] {strides = array<i32>} : memref<2048xi32, #tpu.memory_space<vmem>>, vector<16xi32>,
    %get3A_2092 = vector.shape_cast %get3A_2091 : vector<16xi32> to vector<16xi32>
    %mul3A_2093 = arith.constant 16 : i32
    %mul3A_2094 = vector.broadcast %mul3A_2093 : i32 to vector<16xi32>
    %mul3A_2095 = arith.muli %get3A_2092, %mul3A_2094 : vector<16xi32>
    %add3A_2096 = arith.addi %mul3A_2095, %iota3A : vector<16xi32>
    %swap3A_2097 = arith.constant 28 : i32
    %swap3A_2098 = arith.index_cast %swap3A_2097 : i32 to index
    %swap3A_2099 = arith.constant 48 : index
    %swap3A_2100 = tpu.vector_load %arg6[%swap3A_2098, %swap3A_2099] {strides = array<i32>} : memref<32x64xi32, #tpu.memory_space<vmem>>, vector<1x16xi32>,
    %swap3A_2101 = vector.shape_cast %swap3A_2100 : vector<1x16xi32> to vector<16xi32>
    %swap3A_2102 = vector.shape_cast %add3A_2096 : vector<16xi32> to vector<1x16xi32>
    tpu.vector_store %arg6[%swap3A_2098, %swap3A_2099], %swap3A_2102 {strides = array<i32>} : memref<32x64xi32, #tpu.memory_space<vmem>>, vector<1x16xi32>,
    %dma_start3A_2103 = arith.constant 28 : i32
    %dma_start3A_2104 = arith.constant 0 : i32
    %dma_start3A_2105 = tpu.memref_slice %arg6[%dma_start3A_2103, %dma_start3A_2104] : memref<32x64xi32, #tpu.memory_space<vmem>> -> memref<1x64xi32, #tpu.memory_space<vmem>>
    %dma_start3A_2106 = tpu.memref_squeeze %dma_start3A_2105 : memref<1x64xi32, #tpu.memory_space<vmem>> -> memref<64xi32, #tpu.memory_space<vmem>>
    %dma_start3A_2107 = arith.constant 0 : i32
    %dma_start3A_2108 = arith.constant 0 : i32
    %dma_start3A_2109 = tpu.memref_slice %arg2[%dma_start3A_2107, %dma_start3A_2108] : memref<32768x256xf32, #tpu.memory_space<hbm>> -> memref<32768x256xf32, #tpu.memory_space<hbm>>
    tpu.enqueue_indirect_dma source(%dma_start3A_2109 : memref<32768x256xf32, #tpu.memory_space<hbm>>) target(%arg7 : memref<64x256xf32, #tpu.memory_space<vmem>>) offsets(%dma_start3A_2106 : memref<64xi32, #tpu.memory_space<vmem>>) semaphore(%arg14 : memref<!tpu.dma_semaphore, #tpu.memory_space<semaphore_mem>>)
    %dma_wait3A_2110 = arith.constant 24 : i32
    %dma_wait3A_2111 = arith.constant 0 : i32
    %dma_wait3A_2112 = tpu.memref_slice %arg6[%dma_wait3A_2110, %dma_wait3A_2111] : memref<32x64xi32, #tpu.memory_space<vmem>> -> memref<1x64xi32, #tpu.memory_space<vmem>>
    %dma_wait3A_2113 = tpu.memref_squeeze %dma_wait3A_2112 : memref<1x64xi32, #tpu.memory_space<vmem>> -> memref<64xi32, #tpu.memory_space<vmem>>
    %dma_wait3A_2114 = arith.constant 0 : i32
    %dma_wait3A_2115 = arith.constant 0 : i32
    %dma_wait3A_2116 = tpu.memref_slice %arg2[%dma_wait3A_2114, %dma_wait3A_2115] : memref<32768x256xf32, #tpu.memory_space<hbm>> -> memref<32768x256xf32, #tpu.memory_space<hbm>>
    tpu.wait_indirect_dma semaphore(%arg17 : memref<!tpu.dma_semaphore, #tpu.memory_space<semaphore_mem>>) src(%dma_wait3A_2116 : memref<32768x256xf32, #tpu.memory_space<hbm>>) dst(%arg10 : memref<64x256xf32, #tpu.memory_space<vmem>>)
    %add3A_2117 = arith.constant 1536 : i32
    %add3A_2118 = arith.addi %mul3A_2, %add3A_2117 : i32
    %dma_start3A_2119 = arith.constant 0 : i32
    %dma_start3A_2120 = tpu.memref_slice %arg4[%add3A_2118, %dma_start3A_2119] : memref<65536x256xf32, #tpu.memory_space<hbm>> -> memref<64x256xf32, #tpu.memory_space<hbm>>
    %dma_start3A_2121 = arith.constant 0 : i32
    %dma_start3A_2122 = tpu.memref_slice %arg4[%add3A_2118, %dma_start3A_2121] : memref<65536x256xf32, #tpu.memory_space<hbm>> -> memref<64x256xf32, #tpu.memory_space<hbm>>
    tpu.enqueue_dma source(%arg10 : memref<64x256xf32, #tpu.memory_space<vmem>>) target(%dma_start3A_2122 : memref<64x256xf32, #tpu.memory_space<hbm>>) target_semaphore(%arg24 : memref<!tpu.dma_semaphore, #tpu.memory_space<semaphore_mem>>)
    %dma_wait3A_2123 = arith.constant 0 : i32
    %dma_wait3A_2124 = tpu.memref_slice %arg4[%add3A_1966, %dma_wait3A_2123] : memref<65536x256xf32, #tpu.memory_space<hbm>> -> memref<64x256xf32, #tpu.memory_space<hbm>>
    %dma_wait3A_2125 = arith.constant 0 : i32
    %dma_wait3A_2126 = tpu.memref_slice %arg4[%add3A_1966, %dma_wait3A_2125] : memref<65536x256xf32, #tpu.memory_space<hbm>> -> memref<64x256xf32, #tpu.memory_space<hbm>>
    tpu.wait_dma2 semaphore(%arg22 : memref<!tpu.dma_semaphore, #tpu.memory_space<semaphore_mem>>) src(%arg8 : memref<64x256xf32, #tpu.memory_space<vmem>>) dst(%dma_wait3A_2126 : memref<64x256xf32, #tpu.memory_space<hbm>>)
    %get3A_2127 = arith.constant 1856 : index
    %get3A_2128 = tpu.vector_load %arg5[%get3A_2127] {strides = array<i32>} : memref<2048xi32, #tpu.memory_space<vmem>>, vector<16xi32>,
    %get3A_2129 = vector.shape_cast %get3A_2128 : vector<16xi32> to vector<16xi32>
    %mul3A_2130 = arith.constant 16 : i32
    %mul3A_2131 = vector.broadcast %mul3A_2130 : i32 to vector<16xi32>
    %mul3A_2132 = arith.muli %get3A_2129, %mul3A_2131 : vector<16xi32>
    %add3A_2133 = arith.addi %mul3A_2132, %iota3A : vector<16xi32>
    %swap3A_2134 = arith.constant 29 : i32
    %swap3A_2135 = arith.index_cast %swap3A_2134 : i32 to index
    %swap3A_2136 = arith.constant 0 : index
    %swap3A_2137 = tpu.vector_load %arg6[%swap3A_2135, %swap3A_2136] {strides = array<i32>} : memref<32x64xi32, #tpu.memory_space<vmem>>, vector<1x16xi32>,
    %swap3A_2138 = vector.shape_cast %swap3A_2137 : vector<1x16xi32> to vector<16xi32>
    %swap3A_2139 = vector.shape_cast %add3A_2133 : vector<16xi32> to vector<1x16xi32>
    tpu.vector_store %arg6[%swap3A_2135, %swap3A_2136], %swap3A_2139 {strides = array<i32>} : memref<32x64xi32, #tpu.memory_space<vmem>>, vector<1x16xi32>,
    %get3A_2140 = arith.constant 1872 : index
    %get3A_2141 = tpu.vector_load %arg5[%get3A_2140] {strides = array<i32>} : memref<2048xi32, #tpu.memory_space<vmem>>, vector<16xi32>,
    %get3A_2142 = vector.shape_cast %get3A_2141 : vector<16xi32> to vector<16xi32>
    %mul3A_2143 = arith.constant 16 : i32
    %mul3A_2144 = vector.broadcast %mul3A_2143 : i32 to vector<16xi32>
    %mul3A_2145 = arith.muli %get3A_2142, %mul3A_2144 : vector<16xi32>
    %add3A_2146 = arith.addi %mul3A_2145, %iota3A : vector<16xi32>
    %swap3A_2147 = arith.constant 29 : i32
    %swap3A_2148 = arith.index_cast %swap3A_2147 : i32 to index
    %swap3A_2149 = arith.constant 16 : index
    %swap3A_2150 = tpu.vector_load %arg6[%swap3A_2148, %swap3A_2149] {strides = array<i32>} : memref<32x64xi32, #tpu.memory_space<vmem>>, vector<1x16xi32>,
    %swap3A_2151 = vector.shape_cast %swap3A_2150 : vector<1x16xi32> to vector<16xi32>
    %swap3A_2152 = vector.shape_cast %add3A_2146 : vector<16xi32> to vector<1x16xi32>
    tpu.vector_store %arg6[%swap3A_2148, %swap3A_2149], %swap3A_2152 {strides = array<i32>} : memref<32x64xi32, #tpu.memory_space<vmem>>, vector<1x16xi32>,
    %get3A_2153 = arith.constant 1888 : index
    %get3A_2154 = tpu.vector_load %arg5[%get3A_2153] {strides = array<i32>} : memref<2048xi32, #tpu.memory_space<vmem>>, vector<16xi32>,
    %get3A_2155 = vector.shape_cast %get3A_2154 : vector<16xi32> to vector<16xi32>
    %mul3A_2156 = arith.constant 16 : i32
    %mul3A_2157 = vector.broadcast %mul3A_2156 : i32 to vector<16xi32>
    %mul3A_2158 = arith.muli %get3A_2155, %mul3A_2157 : vector<16xi32>
    %add3A_2159 = arith.addi %mul3A_2158, %iota3A : vector<16xi32>
    %swap3A_2160 = arith.constant 29 : i32
    %swap3A_2161 = arith.index_cast %swap3A_2160 : i32 to index
    %swap3A_2162 = arith.constant 32 : index
    %swap3A_2163 = tpu.vector_load %arg6[%swap3A_2161, %swap3A_2162] {strides = array<i32>} : memref<32x64xi32, #tpu.memory_space<vmem>>, vector<1x16xi32>,
    %swap3A_2164 = vector.shape_cast %swap3A_2163 : vector<1x16xi32> to vector<16xi32>
    %swap3A_2165 = vector.shape_cast %add3A_2159 : vector<16xi32> to vector<1x16xi32>
    tpu.vector_store %arg6[%swap3A_2161, %swap3A_2162], %swap3A_2165 {strides = array<i32>} : memref<32x64xi32, #tpu.memory_space<vmem>>, vector<1x16xi32>,
    %get3A_2166 = arith.constant 1904 : index
    %get3A_2167 = tpu.vector_load %arg5[%get3A_2166] {strides = array<i32>} : memref<2048xi32, #tpu.memory_space<vmem>>, vector<16xi32>,
    %get3A_2168 = vector.shape_cast %get3A_2167 : vector<16xi32> to vector<16xi32>
    %mul3A_2169 = arith.constant 16 : i32
    %mul3A_2170 = vector.broadcast %mul3A_2169 : i32 to vector<16xi32>
    %mul3A_2171 = arith.muli %get3A_2168, %mul3A_2170 : vector<16xi32>
    %add3A_2172 = arith.addi %mul3A_2171, %iota3A : vector<16xi32>
    %swap3A_2173 = arith.constant 29 : i32
    %swap3A_2174 = arith.index_cast %swap3A_2173 : i32 to index
    %swap3A_2175 = arith.constant 48 : index
    %swap3A_2176 = tpu.vector_load %arg6[%swap3A_2174, %swap3A_2175] {strides = array<i32>} : memref<32x64xi32, #tpu.memory_space<vmem>>, vector<1x16xi32>,
    %swap3A_2177 = vector.shape_cast %swap3A_2176 : vector<1x16xi32> to vector<16xi32>
    %swap3A_2178 = vector.shape_cast %add3A_2172 : vector<16xi32> to vector<1x16xi32>
    tpu.vector_store %arg6[%swap3A_2174, %swap3A_2175], %swap3A_2178 {strides = array<i32>} : memref<32x64xi32, #tpu.memory_space<vmem>>, vector<1x16xi32>,
    %dma_start3A_2179 = arith.constant 29 : i32
    %dma_start3A_2180 = arith.constant 0 : i32
    %dma_start3A_2181 = tpu.memref_slice %arg6[%dma_start3A_2179, %dma_start3A_2180] : memref<32x64xi32, #tpu.memory_space<vmem>> -> memref<1x64xi32, #tpu.memory_space<vmem>>
    %dma_start3A_2182 = tpu.memref_squeeze %dma_start3A_2181 : memref<1x64xi32, #tpu.memory_space<vmem>> -> memref<64xi32, #tpu.memory_space<vmem>>
    %dma_start3A_2183 = arith.constant 0 : i32
    %dma_start3A_2184 = arith.constant 0 : i32
    %dma_start3A_2185 = tpu.memref_slice %arg2[%dma_start3A_2183, %dma_start3A_2184] : memref<32768x256xf32, #tpu.memory_space<hbm>> -> memref<32768x256xf32, #tpu.memory_space<hbm>>
    tpu.enqueue_indirect_dma source(%dma_start3A_2185 : memref<32768x256xf32, #tpu.memory_space<hbm>>) target(%arg8 : memref<64x256xf32, #tpu.memory_space<vmem>>) offsets(%dma_start3A_2182 : memref<64xi32, #tpu.memory_space<vmem>>) semaphore(%arg15 : memref<!tpu.dma_semaphore, #tpu.memory_space<semaphore_mem>>)
    %dma_wait3A_2186 = arith.constant 25 : i32
    %dma_wait3A_2187 = arith.constant 0 : i32
    %dma_wait3A_2188 = tpu.memref_slice %arg6[%dma_wait3A_2186, %dma_wait3A_2187] : memref<32x64xi32, #tpu.memory_space<vmem>> -> memref<1x64xi32, #tpu.memory_space<vmem>>
    %dma_wait3A_2189 = tpu.memref_squeeze %dma_wait3A_2188 : memref<1x64xi32, #tpu.memory_space<vmem>> -> memref<64xi32, #tpu.memory_space<vmem>>
    %dma_wait3A_2190 = arith.constant 0 : i32
    %dma_wait3A_2191 = arith.constant 0 : i32
    %dma_wait3A_2192 = tpu.memref_slice %arg2[%dma_wait3A_2190, %dma_wait3A_2191] : memref<32768x256xf32, #tpu.memory_space<hbm>> -> memref<32768x256xf32, #tpu.memory_space<hbm>>
    tpu.wait_indirect_dma semaphore(%arg18 : memref<!tpu.dma_semaphore, #tpu.memory_space<semaphore_mem>>) src(%dma_wait3A_2192 : memref<32768x256xf32, #tpu.memory_space<hbm>>) dst(%arg11 : memref<64x256xf32, #tpu.memory_space<vmem>>)
    %add3A_2193 = arith.constant 1600 : i32
    %add3A_2194 = arith.addi %mul3A_2, %add3A_2193 : i32
    %dma_start3A_2195 = arith.constant 0 : i32
    %dma_start3A_2196 = tpu.memref_slice %arg4[%add3A_2194, %dma_start3A_2195] : memref<65536x256xf32, #tpu.memory_space<hbm>> -> memref<64x256xf32, #tpu.memory_space<hbm>>
    %dma_start3A_2197 = arith.constant 0 : i32
    %dma_start3A_2198 = tpu.memref_slice %arg4[%add3A_2194, %dma_start3A_2197] : memref<65536x256xf32, #tpu.memory_space<hbm>> -> memref<64x256xf32, #tpu.memory_space<hbm>>
    tpu.enqueue_dma source(%arg11 : memref<64x256xf32, #tpu.memory_space<vmem>>) target(%dma_start3A_2198 : memref<64x256xf32, #tpu.memory_space<hbm>>) target_semaphore(%arg25 : memref<!tpu.dma_semaphore, #tpu.memory_space<semaphore_mem>>)
    %dma_wait3A_2199 = arith.constant 0 : i32
    %dma_wait3A_2200 = tpu.memref_slice %arg4[%add3A_2042, %dma_wait3A_2199] : memref<65536x256xf32, #tpu.memory_space<hbm>> -> memref<64x256xf32, #tpu.memory_space<hbm>>
    %dma_wait3A_2201 = arith.constant 0 : i32
    %dma_wait3A_2202 = tpu.memref_slice %arg4[%add3A_2042, %dma_wait3A_2201] : memref<65536x256xf32, #tpu.memory_space<hbm>> -> memref<64x256xf32, #tpu.memory_space<hbm>>
    tpu.wait_dma2 semaphore(%arg23 : memref<!tpu.dma_semaphore, #tpu.memory_space<semaphore_mem>>) src(%arg9 : memref<64x256xf32, #tpu.memory_space<vmem>>) dst(%dma_wait3A_2202 : memref<64x256xf32, #tpu.memory_space<hbm>>)
    %get3A_2203 = arith.constant 1920 : index
    %get3A_2204 = tpu.vector_load %arg5[%get3A_2203] {strides = array<i32>} : memref<2048xi32, #tpu.memory_space<vmem>>, vector<16xi32>,
    %get3A_2205 = vector.shape_cast %get3A_2204 : vector<16xi32> to vector<16xi32>
    %mul3A_2206 = arith.constant 16 : i32
    %mul3A_2207 = vector.broadcast %mul3A_2206 : i32 to vector<16xi32>
    %mul3A_2208 = arith.muli %get3A_2205, %mul3A_2207 : vector<16xi32>
    %add3A_2209 = arith.addi %mul3A_2208, %iota3A : vector<16xi32>
    %swap3A_2210 = arith.constant 30 : i32
    %swap3A_2211 = arith.index_cast %swap3A_2210 : i32 to index
    %swap3A_2212 = arith.constant 0 : index
    %swap3A_2213 = tpu.vector_load %arg6[%swap3A_2211, %swap3A_2212] {strides = array<i32>} : memref<32x64xi32, #tpu.memory_space<vmem>>, vector<1x16xi32>,
    %swap3A_2214 = vector.shape_cast %swap3A_2213 : vector<1x16xi32> to vector<16xi32>
    %swap3A_2215 = vector.shape_cast %add3A_2209 : vector<16xi32> to vector<1x16xi32>
    tpu.vector_store %arg6[%swap3A_2211, %swap3A_2212], %swap3A_2215 {strides = array<i32>} : memref<32x64xi32, #tpu.memory_space<vmem>>, vector<1x16xi32>,
    %get3A_2216 = arith.constant 1936 : index
    %get3A_2217 = tpu.vector_load %arg5[%get3A_2216] {strides = array<i32>} : memref<2048xi32, #tpu.memory_space<vmem>>, vector<16xi32>,
    %get3A_2218 = vector.shape_cast %get3A_2217 : vector<16xi32> to vector<16xi32>
    %mul3A_2219 = arith.constant 16 : i32
    %mul3A_2220 = vector.broadcast %mul3A_2219 : i32 to vector<16xi32>
    %mul3A_2221 = arith.muli %get3A_2218, %mul3A_2220 : vector<16xi32>
    %add3A_2222 = arith.addi %mul3A_2221, %iota3A : vector<16xi32>
    %swap3A_2223 = arith.constant 30 : i32
    %swap3A_2224 = arith.index_cast %swap3A_2223 : i32 to index
    %swap3A_2225 = arith.constant 16 : index
    %swap3A_2226 = tpu.vector_load %arg6[%swap3A_2224, %swap3A_2225] {strides = array<i32>} : memref<32x64xi32, #tpu.memory_space<vmem>>, vector<1x16xi32>,
    %swap3A_2227 = vector.shape_cast %swap3A_2226 : vector<1x16xi32> to vector<16xi32>
    %swap3A_2228 = vector.shape_cast %add3A_2222 : vector<16xi32> to vector<1x16xi32>
    tpu.vector_store %arg6[%swap3A_2224, %swap3A_2225], %swap3A_2228 {strides = array<i32>} : memref<32x64xi32, #tpu.memory_space<vmem>>, vector<1x16xi32>,
    %get3A_2229 = arith.constant 1952 : index
    %get3A_2230 = tpu.vector_load %arg5[%get3A_2229] {strides = array<i32>} : memref<2048xi32, #tpu.memory_space<vmem>>, vector<16xi32>,
    %get3A_2231 = vector.shape_cast %get3A_2230 : vector<16xi32> to vector<16xi32>
    %mul3A_2232 = arith.constant 16 : i32
    %mul3A_2233 = vector.broadcast %mul3A_2232 : i32 to vector<16xi32>
    %mul3A_2234 = arith.muli %get3A_2231, %mul3A_2233 : vector<16xi32>
    %add3A_2235 = arith.addi %mul3A_2234, %iota3A : vector<16xi32>
    %swap3A_2236 = arith.constant 30 : i32
    %swap3A_2237 = arith.index_cast %swap3A_2236 : i32 to index
    %swap3A_2238 = arith.constant 32 : index
    %swap3A_2239 = tpu.vector_load %arg6[%swap3A_2237, %swap3A_2238] {strides = array<i32>} : memref<32x64xi32, #tpu.memory_space<vmem>>, vector<1x16xi32>,
    %swap3A_2240 = vector.shape_cast %swap3A_2239 : vector<1x16xi32> to vector<16xi32>
    %swap3A_2241 = vector.shape_cast %add3A_2235 : vector<16xi32> to vector<1x16xi32>
    tpu.vector_store %arg6[%swap3A_2237, %swap3A_2238], %swap3A_2241 {strides = array<i32>} : memref<32x64xi32, #tpu.memory_space<vmem>>, vector<1x16xi32>,
    %get3A_2242 = arith.constant 1968 : index
    %get3A_2243 = tpu.vector_load %arg5[%get3A_2242] {strides = array<i32>} : memref<2048xi32, #tpu.memory_space<vmem>>, vector<16xi32>,
    %get3A_2244 = vector.shape_cast %get3A_2243 : vector<16xi32> to vector<16xi32>
    %mul3A_2245 = arith.constant 16 : i32
    %mul3A_2246 = vector.broadcast %mul3A_2245 : i32 to vector<16xi32>
    %mul3A_2247 = arith.muli %get3A_2244, %mul3A_2246 : vector<16xi32>
    %add3A_2248 = arith.addi %mul3A_2247, %iota3A : vector<16xi32>
    %swap3A_2249 = arith.constant 30 : i32
    %swap3A_2250 = arith.index_cast %swap3A_2249 : i32 to index
    %swap3A_2251 = arith.constant 48 : index
    %swap3A_2252 = tpu.vector_load %arg6[%swap3A_2250, %swap3A_2251] {strides = array<i32>} : memref<32x64xi32, #tpu.memory_space<vmem>>, vector<1x16xi32>,
    %swap3A_2253 = vector.shape_cast %swap3A_2252 : vector<1x16xi32> to vector<16xi32>
    %swap3A_2254 = vector.shape_cast %add3A_2248 : vector<16xi32> to vector<1x16xi32>
    tpu.vector_store %arg6[%swap3A_2250, %swap3A_2251], %swap3A_2254 {strides = array<i32>} : memref<32x64xi32, #tpu.memory_space<vmem>>, vector<1x16xi32>,
    %dma_start3A_2255 = arith.constant 30 : i32
    %dma_start3A_2256 = arith.constant 0 : i32
    %dma_start3A_2257 = tpu.memref_slice %arg6[%dma_start3A_2255, %dma_start3A_2256] : memref<32x64xi32, #tpu.memory_space<vmem>> -> memref<1x64xi32, #tpu.memory_space<vmem>>
    %dma_start3A_2258 = tpu.memref_squeeze %dma_start3A_2257 : memref<1x64xi32, #tpu.memory_space<vmem>> -> memref<64xi32, #tpu.memory_space<vmem>>
    %dma_start3A_2259 = arith.constant 0 : i32
    %dma_start3A_2260 = arith.constant 0 : i32
    %dma_start3A_2261 = tpu.memref_slice %arg2[%dma_start3A_2259, %dma_start3A_2260] : memref<32768x256xf32, #tpu.memory_space<hbm>> -> memref<32768x256xf32, #tpu.memory_space<hbm>>
    tpu.enqueue_indirect_dma source(%dma_start3A_2261 : memref<32768x256xf32, #tpu.memory_space<hbm>>) target(%arg9 : memref<64x256xf32, #tpu.memory_space<vmem>>) offsets(%dma_start3A_2258 : memref<64xi32, #tpu.memory_space<vmem>>) semaphore(%arg16 : memref<!tpu.dma_semaphore, #tpu.memory_space<semaphore_mem>>)
    %dma_wait3A_2262 = arith.constant 26 : i32
    %dma_wait3A_2263 = arith.constant 0 : i32
    %dma_wait3A_2264 = tpu.memref_slice %arg6[%dma_wait3A_2262, %dma_wait3A_2263] : memref<32x64xi32, #tpu.memory_space<vmem>> -> memref<1x64xi32, #tpu.memory_space<vmem>>
    %dma_wait3A_2265 = tpu.memref_squeeze %dma_wait3A_2264 : memref<1x64xi32, #tpu.memory_space<vmem>> -> memref<64xi32, #tpu.memory_space<vmem>>
    %dma_wait3A_2266 = arith.constant 0 : i32
    %dma_wait3A_2267 = arith.constant 0 : i32
    %dma_wait3A_2268 = tpu.memref_slice %arg2[%dma_wait3A_2266, %dma_wait3A_2267] : memref<32768x256xf32, #tpu.memory_space<hbm>> -> memref<32768x256xf32, #tpu.memory_space<hbm>>
    tpu.wait_indirect_dma semaphore(%arg19 : memref<!tpu.dma_semaphore, #tpu.memory_space<semaphore_mem>>) src(%dma_wait3A_2268 : memref<32768x256xf32, #tpu.memory_space<hbm>>) dst(%arg12 : memref<64x256xf32, #tpu.memory_space<vmem>>)
    %add3A_2269 = arith.constant 1664 : i32
    %add3A_2270 = arith.addi %mul3A_2, %add3A_2269 : i32
    %dma_start3A_2271 = arith.constant 0 : i32
    %dma_start3A_2272 = tpu.memref_slice %arg4[%add3A_2270, %dma_start3A_2271] : memref<65536x256xf32, #tpu.memory_space<hbm>> -> memref<64x256xf32, #tpu.memory_space<hbm>>
    %dma_start3A_2273 = arith.constant 0 : i32
    %dma_start3A_2274 = tpu.memref_slice %arg4[%add3A_2270, %dma_start3A_2273] : memref<65536x256xf32, #tpu.memory_space<hbm>> -> memref<64x256xf32, #tpu.memory_space<hbm>>
    tpu.enqueue_dma source(%arg12 : memref<64x256xf32, #tpu.memory_space<vmem>>) target(%dma_start3A_2274 : memref<64x256xf32, #tpu.memory_space<hbm>>) target_semaphore(%arg26 : memref<!tpu.dma_semaphore, #tpu.memory_space<semaphore_mem>>)
    %dma_wait3A_2275 = arith.constant 0 : i32
    %dma_wait3A_2276 = tpu.memref_slice %arg4[%add3A_2118, %dma_wait3A_2275] : memref<65536x256xf32, #tpu.memory_space<hbm>> -> memref<64x256xf32, #tpu.memory_space<hbm>>
    %dma_wait3A_2277 = arith.constant 0 : i32
    %dma_wait3A_2278 = tpu.memref_slice %arg4[%add3A_2118, %dma_wait3A_2277] : memref<65536x256xf32, #tpu.memory_space<hbm>> -> memref<64x256xf32, #tpu.memory_space<hbm>>
    tpu.wait_dma2 semaphore(%arg24 : memref<!tpu.dma_semaphore, #tpu.memory_space<semaphore_mem>>) src(%arg10 : memref<64x256xf32, #tpu.memory_space<vmem>>) dst(%dma_wait3A_2278 : memref<64x256xf32, #tpu.memory_space<hbm>>)
    %get3A_2279 = arith.constant 1984 : index
    %get3A_2280 = tpu.vector_load %arg5[%get3A_2279] {strides = array<i32>} : memref<2048xi32, #tpu.memory_space<vmem>>, vector<16xi32>,
    %get3A_2281 = vector.shape_cast %get3A_2280 : vector<16xi32> to vector<16xi32>
    %mul3A_2282 = arith.constant 16 : i32
    %mul3A_2283 = vector.broadcast %mul3A_2282 : i32 to vector<16xi32>
    %mul3A_2284 = arith.muli %get3A_2281, %mul3A_2283 : vector<16xi32>
    %add3A_2285 = arith.addi %mul3A_2284, %iota3A : vector<16xi32>
    %swap3A_2286 = arith.constant 31 : i32
    %swap3A_2287 = arith.index_cast %swap3A_2286 : i32 to index
    %swap3A_2288 = arith.constant 0 : index
    %swap3A_2289 = tpu.vector_load %arg6[%swap3A_2287, %swap3A_2288] {strides = array<i32>} : memref<32x64xi32, #tpu.memory_space<vmem>>, vector<1x16xi32>,
    %swap3A_2290 = vector.shape_cast %swap3A_2289 : vector<1x16xi32> to vector<16xi32>
    %swap3A_2291 = vector.shape_cast %add3A_2285 : vector<16xi32> to vector<1x16xi32>
    tpu.vector_store %arg6[%swap3A_2287, %swap3A_2288], %swap3A_2291 {strides = array<i32>} : memref<32x64xi32, #tpu.memory_space<vmem>>, vector<1x16xi32>,
    %get3A_2292 = arith.constant 2000 : index
    %get3A_2293 = tpu.vector_load %arg5[%get3A_2292] {strides = array<i32>} : memref<2048xi32, #tpu.memory_space<vmem>>, vector<16xi32>,
    %get3A_2294 = vector.shape_cast %get3A_2293 : vector<16xi32> to vector<16xi32>
    %mul3A_2295 = arith.constant 16 : i32
    %mul3A_2296 = vector.broadcast %mul3A_2295 : i32 to vector<16xi32>
    %mul3A_2297 = arith.muli %get3A_2294, %mul3A_2296 : vector<16xi32>
    %add3A_2298 = arith.addi %mul3A_2297, %iota3A : vector<16xi32>
    %swap3A_2299 = arith.constant 31 : i32
    %swap3A_2300 = arith.index_cast %swap3A_2299 : i32 to index
    %swap3A_2301 = arith.constant 16 : index
    %swap3A_2302 = tpu.vector_load %arg6[%swap3A_2300, %swap3A_2301] {strides = array<i32>} : memref<32x64xi32, #tpu.memory_space<vmem>>, vector<1x16xi32>,
    %swap3A_2303 = vector.shape_cast %swap3A_2302 : vector<1x16xi32> to vector<16xi32>
    %swap3A_2304 = vector.shape_cast %add3A_2298 : vector<16xi32> to vector<1x16xi32>
    tpu.vector_store %arg6[%swap3A_2300, %swap3A_2301], %swap3A_2304 {strides = array<i32>} : memref<32x64xi32, #tpu.memory_space<vmem>>, vector<1x16xi32>,
    %get3A_2305 = arith.constant 2016 : index
    %get3A_2306 = tpu.vector_load %arg5[%get3A_2305] {strides = array<i32>} : memref<2048xi32, #tpu.memory_space<vmem>>, vector<16xi32>,
    %get3A_2307 = vector.shape_cast %get3A_2306 : vector<16xi32> to vector<16xi32>
    %mul3A_2308 = arith.constant 16 : i32
    %mul3A_2309 = vector.broadcast %mul3A_2308 : i32 to vector<16xi32>
    %mul3A_2310 = arith.muli %get3A_2307, %mul3A_2309 : vector<16xi32>
    %add3A_2311 = arith.addi %mul3A_2310, %iota3A : vector<16xi32>
    %swap3A_2312 = arith.constant 31 : i32
    %swap3A_2313 = arith.index_cast %swap3A_2312 : i32 to index
    %swap3A_2314 = arith.constant 32 : index
    %swap3A_2315 = tpu.vector_load %arg6[%swap3A_2313, %swap3A_2314] {strides = array<i32>} : memref<32x64xi32, #tpu.memory_space<vmem>>, vector<1x16xi32>,
    %swap3A_2316 = vector.shape_cast %swap3A_2315 : vector<1x16xi32> to vector<16xi32>
    %swap3A_2317 = vector.shape_cast %add3A_2311 : vector<16xi32> to vector<1x16xi32>
    tpu.vector_store %arg6[%swap3A_2313, %swap3A_2314], %swap3A_2317 {strides = array<i32>} : memref<32x64xi32, #tpu.memory_space<vmem>>, vector<1x16xi32>,
    %get3A_2318 = arith.constant 2032 : index
    %get3A_2319 = tpu.vector_load %arg5[%get3A_2318] {strides = array<i32>} : memref<2048xi32, #tpu.memory_space<vmem>>, vector<16xi32>,
    %get3A_2320 = vector.shape_cast %get3A_2319 : vector<16xi32> to vector<16xi32>
    %mul3A_2321 = arith.constant 16 : i32
    %mul3A_2322 = vector.broadcast %mul3A_2321 : i32 to vector<16xi32>
    %mul3A_2323 = arith.muli %get3A_2320, %mul3A_2322 : vector<16xi32>
    %add3A_2324 = arith.addi %mul3A_2323, %iota3A : vector<16xi32>
    %swap3A_2325 = arith.constant 31 : i32
    %swap3A_2326 = arith.index_cast %swap3A_2325 : i32 to index
    %swap3A_2327 = arith.constant 48 : index
    %swap3A_2328 = tpu.vector_load %arg6[%swap3A_2326, %swap3A_2327] {strides = array<i32>} : memref<32x64xi32, #tpu.memory_space<vmem>>, vector<1x16xi32>,
    %swap3A_2329 = vector.shape_cast %swap3A_2328 : vector<1x16xi32> to vector<16xi32>
    %swap3A_2330 = vector.shape_cast %add3A_2324 : vector<16xi32> to vector<1x16xi32>
    tpu.vector_store %arg6[%swap3A_2326, %swap3A_2327], %swap3A_2330 {strides = array<i32>} : memref<32x64xi32, #tpu.memory_space<vmem>>, vector<1x16xi32>,
    %dma_start3A_2331 = arith.constant 31 : i32
    %dma_start3A_2332 = arith.constant 0 : i32
    %dma_start3A_2333 = tpu.memref_slice %arg6[%dma_start3A_2331, %dma_start3A_2332] : memref<32x64xi32, #tpu.memory_space<vmem>> -> memref<1x64xi32, #tpu.memory_space<vmem>>
    %dma_start3A_2334 = tpu.memref_squeeze %dma_start3A_2333 : memref<1x64xi32, #tpu.memory_space<vmem>> -> memref<64xi32, #tpu.memory_space<vmem>>
    %dma_start3A_2335 = arith.constant 0 : i32
    %dma_start3A_2336 = arith.constant 0 : i32
    %dma_start3A_2337 = tpu.memref_slice %arg2[%dma_start3A_2335, %dma_start3A_2336] : memref<32768x256xf32, #tpu.memory_space<hbm>> -> memref<32768x256xf32, #tpu.memory_space<hbm>>
    tpu.enqueue_indirect_dma source(%dma_start3A_2337 : memref<32768x256xf32, #tpu.memory_space<hbm>>) target(%arg10 : memref<64x256xf32, #tpu.memory_space<vmem>>) offsets(%dma_start3A_2334 : memref<64xi32, #tpu.memory_space<vmem>>) semaphore(%arg17 : memref<!tpu.dma_semaphore, #tpu.memory_space<semaphore_mem>>)
    %dma_wait3A_2338 = arith.constant 27 : i32
    %dma_wait3A_2339 = arith.constant 0 : i32
    %dma_wait3A_2340 = tpu.memref_slice %arg6[%dma_wait3A_2338, %dma_wait3A_2339] : memref<32x64xi32, #tpu.memory_space<vmem>> -> memref<1x64xi32, #tpu.memory_space<vmem>>
    %dma_wait3A_2341 = tpu.memref_squeeze %dma_wait3A_2340 : memref<1x64xi32, #tpu.memory_space<vmem>> -> memref<64xi32, #tpu.memory_space<vmem>>
    %dma_wait3A_2342 = arith.constant 0 : i32
    %dma_wait3A_2343 = arith.constant 0 : i32
    %dma_wait3A_2344 = tpu.memref_slice %arg2[%dma_wait3A_2342, %dma_wait3A_2343] : memref<32768x256xf32, #tpu.memory_space<hbm>> -> memref<32768x256xf32, #tpu.memory_space<hbm>>
    tpu.wait_indirect_dma semaphore(%arg20 : memref<!tpu.dma_semaphore, #tpu.memory_space<semaphore_mem>>) src(%dma_wait3A_2344 : memref<32768x256xf32, #tpu.memory_space<hbm>>) dst(%arg13 : memref<64x256xf32, #tpu.memory_space<vmem>>)
    %add3A_2345 = arith.constant 1728 : i32
    %add3A_2346 = arith.addi %mul3A_2, %add3A_2345 : i32
    %dma_start3A_2347 = arith.constant 0 : i32
    %dma_start3A_2348 = tpu.memref_slice %arg4[%add3A_2346, %dma_start3A_2347] : memref<65536x256xf32, #tpu.memory_space<hbm>> -> memref<64x256xf32, #tpu.memory_space<hbm>>
    %dma_start3A_2349 = arith.constant 0 : i32
    %dma_start3A_2350 = tpu.memref_slice %arg4[%add3A_2346, %dma_start3A_2349] : memref<65536x256xf32, #tpu.memory_space<hbm>> -> memref<64x256xf32, #tpu.memory_space<hbm>>
    tpu.enqueue_dma source(%arg13 : memref<64x256xf32, #tpu.memory_space<vmem>>) target(%dma_start3A_2350 : memref<64x256xf32, #tpu.memory_space<hbm>>) target_semaphore(%arg27 : memref<!tpu.dma_semaphore, #tpu.memory_space<semaphore_mem>>)
    %dma_wait3A_2351 = arith.constant 28 : i32
    %dma_wait3A_2352 = arith.constant 0 : i32
    %dma_wait3A_2353 = tpu.memref_slice %arg6[%dma_wait3A_2351, %dma_wait3A_2352] : memref<32x64xi32, #tpu.memory_space<vmem>> -> memref<1x64xi32, #tpu.memory_space<vmem>>
    %dma_wait3A_2354 = tpu.memref_squeeze %dma_wait3A_2353 : memref<1x64xi32, #tpu.memory_space<vmem>> -> memref<64xi32, #tpu.memory_space<vmem>>
    %dma_wait3A_2355 = arith.constant 0 : i32
    %dma_wait3A_2356 = arith.constant 0 : i32
    %dma_wait3A_2357 = tpu.memref_slice %arg2[%dma_wait3A_2355, %dma_wait3A_2356] : memref<32768x256xf32, #tpu.memory_space<hbm>> -> memref<32768x256xf32, #tpu.memory_space<hbm>>
    tpu.wait_indirect_dma semaphore(%arg14 : memref<!tpu.dma_semaphore, #tpu.memory_space<semaphore_mem>>) src(%dma_wait3A_2357 : memref<32768x256xf32, #tpu.memory_space<hbm>>) dst(%arg7 : memref<64x256xf32, #tpu.memory_space<vmem>>)
    %add3A_2358 = arith.constant 1792 : i32
    %add3A_2359 = arith.addi %mul3A_2, %add3A_2358 : i32
    %dma_start3A_2360 = arith.constant 0 : i32
    %dma_start3A_2361 = tpu.memref_slice %arg4[%add3A_2359, %dma_start3A_2360] : memref<65536x256xf32, #tpu.memory_space<hbm>> -> memref<64x256xf32, #tpu.memory_space<hbm>>
    %dma_start3A_2362 = arith.constant 0 : i32
    %dma_start3A_2363 = tpu.memref_slice %arg4[%add3A_2359, %dma_start3A_2362] : memref<65536x256xf32, #tpu.memory_space<hbm>> -> memref<64x256xf32, #tpu.memory_space<hbm>>
    tpu.enqueue_dma source(%arg7 : memref<64x256xf32, #tpu.memory_space<vmem>>) target(%dma_start3A_2363 : memref<64x256xf32, #tpu.memory_space<hbm>>) target_semaphore(%arg21 : memref<!tpu.dma_semaphore, #tpu.memory_space<semaphore_mem>>)
    %dma_wait3A_2364 = arith.constant 29 : i32
    %dma_wait3A_2365 = arith.constant 0 : i32
    %dma_wait3A_2366 = tpu.memref_slice %arg6[%dma_wait3A_2364, %dma_wait3A_2365] : memref<32x64xi32, #tpu.memory_space<vmem>> -> memref<1x64xi32, #tpu.memory_space<vmem>>
    %dma_wait3A_2367 = tpu.memref_squeeze %dma_wait3A_2366 : memref<1x64xi32, #tpu.memory_space<vmem>> -> memref<64xi32, #tpu.memory_space<vmem>>
    %dma_wait3A_2368 = arith.constant 0 : i32
    %dma_wait3A_2369 = arith.constant 0 : i32
    %dma_wait3A_2370 = tpu.memref_slice %arg2[%dma_wait3A_2368, %dma_wait3A_2369] : memref<32768x256xf32, #tpu.memory_space<hbm>> -> memref<32768x256xf32, #tpu.memory_space<hbm>>
    tpu.wait_indirect_dma semaphore(%arg15 : memref<!tpu.dma_semaphore, #tpu.memory_space<semaphore_mem>>) src(%dma_wait3A_2370 : memref<32768x256xf32, #tpu.memory_space<hbm>>) dst(%arg8 : memref<64x256xf32, #tpu.memory_space<vmem>>)
    %add3A_2371 = arith.constant 1856 : i32
    %add3A_2372 = arith.addi %mul3A_2, %add3A_2371 : i32
    %dma_start3A_2373 = arith.constant 0 : i32
    %dma_start3A_2374 = tpu.memref_slice %arg4[%add3A_2372, %dma_start3A_2373] : memref<65536x256xf32, #tpu.memory_space<hbm>> -> memref<64x256xf32, #tpu.memory_space<hbm>>
    %dma_start3A_2375 = arith.constant 0 : i32
    %dma_start3A_2376 = tpu.memref_slice %arg4[%add3A_2372, %dma_start3A_2375] : memref<65536x256xf32, #tpu.memory_space<hbm>> -> memref<64x256xf32, #tpu.memory_space<hbm>>
    tpu.enqueue_dma source(%arg8 : memref<64x256xf32, #tpu.memory_space<vmem>>) target(%dma_start3A_2376 : memref<64x256xf32, #tpu.memory_space<hbm>>) target_semaphore(%arg22 : memref<!tpu.dma_semaphore, #tpu.memory_space<semaphore_mem>>)
    %dma_wait3A_2377 = arith.constant 30 : i32
    %dma_wait3A_2378 = arith.constant 0 : i32
    %dma_wait3A_2379 = tpu.memref_slice %arg6[%dma_wait3A_2377, %dma_wait3A_2378] : memref<32x64xi32, #tpu.memory_space<vmem>> -> memref<1x64xi32, #tpu.memory_space<vmem>>
    %dma_wait3A_2380 = tpu.memref_squeeze %dma_wait3A_2379 : memref<1x64xi32, #tpu.memory_space<vmem>> -> memref<64xi32, #tpu.memory_space<vmem>>
    %dma_wait3A_2381 = arith.constant 0 : i32
    %dma_wait3A_2382 = arith.constant 0 : i32
    %dma_wait3A_2383 = tpu.memref_slice %arg2[%dma_wait3A_2381, %dma_wait3A_2382] : memref<32768x256xf32, #tpu.memory_space<hbm>> -> memref<32768x256xf32, #tpu.memory_space<hbm>>
    tpu.wait_indirect_dma semaphore(%arg16 : memref<!tpu.dma_semaphore, #tpu.memory_space<semaphore_mem>>) src(%dma_wait3A_2383 : memref<32768x256xf32, #tpu.memory_space<hbm>>) dst(%arg9 : memref<64x256xf32, #tpu.memory_space<vmem>>)
    %add3A_2384 = arith.constant 1920 : i32
    %add3A_2385 = arith.addi %mul3A_2, %add3A_2384 : i32
    %dma_start3A_2386 = arith.constant 0 : i32
    %dma_start3A_2387 = tpu.memref_slice %arg4[%add3A_2385, %dma_start3A_2386] : memref<65536x256xf32, #tpu.memory_space<hbm>> -> memref<64x256xf32, #tpu.memory_space<hbm>>
    %dma_start3A_2388 = arith.constant 0 : i32
    %dma_start3A_2389 = tpu.memref_slice %arg4[%add3A_2385, %dma_start3A_2388] : memref<65536x256xf32, #tpu.memory_space<hbm>> -> memref<64x256xf32, #tpu.memory_space<hbm>>
    tpu.enqueue_dma source(%arg9 : memref<64x256xf32, #tpu.memory_space<vmem>>) target(%dma_start3A_2389 : memref<64x256xf32, #tpu.memory_space<hbm>>) target_semaphore(%arg23 : memref<!tpu.dma_semaphore, #tpu.memory_space<semaphore_mem>>)
    %dma_wait3A_2390 = arith.constant 31 : i32
    %dma_wait3A_2391 = arith.constant 0 : i32
    %dma_wait3A_2392 = tpu.memref_slice %arg6[%dma_wait3A_2390, %dma_wait3A_2391] : memref<32x64xi32, #tpu.memory_space<vmem>> -> memref<1x64xi32, #tpu.memory_space<vmem>>
    %dma_wait3A_2393 = tpu.memref_squeeze %dma_wait3A_2392 : memref<1x64xi32, #tpu.memory_space<vmem>> -> memref<64xi32, #tpu.memory_space<vmem>>
    %dma_wait3A_2394 = arith.constant 0 : i32
    %dma_wait3A_2395 = arith.constant 0 : i32
    %dma_wait3A_2396 = tpu.memref_slice %arg2[%dma_wait3A_2394, %dma_wait3A_2395] : memref<32768x256xf32, #tpu.memory_space<hbm>> -> memref<32768x256xf32, #tpu.memory_space<hbm>>
    tpu.wait_indirect_dma semaphore(%arg17 : memref<!tpu.dma_semaphore, #tpu.memory_space<semaphore_mem>>) src(%dma_wait3A_2396 : memref<32768x256xf32, #tpu.memory_space<hbm>>) dst(%arg10 : memref<64x256xf32, #tpu.memory_space<vmem>>)
    %add3A_2397 = arith.constant 1984 : i32
    %add3A_2398 = arith.addi %mul3A_2, %add3A_2397 : i32
    %dma_start3A_2399 = arith.constant 0 : i32
    %dma_start3A_2400 = tpu.memref_slice %arg4[%add3A_2398, %dma_start3A_2399] : memref<65536x256xf32, #tpu.memory_space<hbm>> -> memref<64x256xf32, #tpu.memory_space<hbm>>
    %dma_start3A_2401 = arith.constant 0 : i32
    %dma_start3A_2402 = tpu.memref_slice %arg4[%add3A_2398, %dma_start3A_2401] : memref<65536x256xf32, #tpu.memory_space<hbm>> -> memref<64x256xf32, #tpu.memory_space<hbm>>
    tpu.enqueue_dma source(%arg10 : memref<64x256xf32, #tpu.memory_space<vmem>>) target(%dma_start3A_2402 : memref<64x256xf32, #tpu.memory_space<hbm>>) target_semaphore(%arg24 : memref<!tpu.dma_semaphore, #tpu.memory_space<semaphore_mem>>)
    %dma_wait3A_2403 = arith.constant 0 : i32
    %dma_wait3A_2404 = tpu.memref_slice %arg4[%add3A_2194, %dma_wait3A_2403] : memref<65536x256xf32, #tpu.memory_space<hbm>> -> memref<64x256xf32, #tpu.memory_space<hbm>>
    %dma_wait3A_2405 = arith.constant 0 : i32
    %dma_wait3A_2406 = tpu.memref_slice %arg4[%add3A_2194, %dma_wait3A_2405] : memref<65536x256xf32, #tpu.memory_space<hbm>> -> memref<64x256xf32, #tpu.memory_space<hbm>>
    tpu.wait_dma2 semaphore(%arg25 : memref<!tpu.dma_semaphore, #tpu.memory_space<semaphore_mem>>) src(%arg11 : memref<64x256xf32, #tpu.memory_space<vmem>>) dst(%dma_wait3A_2406 : memref<64x256xf32, #tpu.memory_space<hbm>>)
    %dma_wait3A_2407 = arith.constant 0 : i32
    %dma_wait3A_2408 = tpu.memref_slice %arg4[%add3A_2270, %dma_wait3A_2407] : memref<65536x256xf32, #tpu.memory_space<hbm>> -> memref<64x256xf32, #tpu.memory_space<hbm>>
    %dma_wait3A_2409 = arith.constant 0 : i32
    %dma_wait3A_2410 = tpu.memref_slice %arg4[%add3A_2270, %dma_wait3A_2409] : memref<65536x256xf32, #tpu.memory_space<hbm>> -> memref<64x256xf32, #tpu.memory_space<hbm>>
    tpu.wait_dma2 semaphore(%arg26 : memref<!tpu.dma_semaphore, #tpu.memory_space<semaphore_mem>>) src(%arg12 : memref<64x256xf32, #tpu.memory_space<vmem>>) dst(%dma_wait3A_2410 : memref<64x256xf32, #tpu.memory_space<hbm>>)
    %dma_wait3A_2411 = arith.constant 0 : i32
    %dma_wait3A_2412 = tpu.memref_slice %arg4[%add3A_2346, %dma_wait3A_2411] : memref<65536x256xf32, #tpu.memory_space<hbm>> -> memref<64x256xf32, #tpu.memory_space<hbm>>
    %dma_wait3A_2413 = arith.constant 0 : i32
    %dma_wait3A_2414 = tpu.memref_slice %arg4[%add3A_2346, %dma_wait3A_2413] : memref<65536x256xf32, #tpu.memory_space<hbm>> -> memref<64x256xf32, #tpu.memory_space<hbm>>
    tpu.wait_dma2 semaphore(%arg27 : memref<!tpu.dma_semaphore, #tpu.memory_space<semaphore_mem>>) src(%arg13 : memref<64x256xf32, #tpu.memory_space<vmem>>) dst(%dma_wait3A_2414 : memref<64x256xf32, #tpu.memory_space<hbm>>)
    %dma_wait3A_2415 = arith.constant 0 : i32
    %dma_wait3A_2416 = tpu.memref_slice %arg4[%add3A_2359, %dma_wait3A_2415] : memref<65536x256xf32, #tpu.memory_space<hbm>> -> memref<64x256xf32, #tpu.memory_space<hbm>>
    %dma_wait3A_2417 = arith.constant 0 : i32
    %dma_wait3A_2418 = tpu.memref_slice %arg4[%add3A_2359, %dma_wait3A_2417] : memref<65536x256xf32, #tpu.memory_space<hbm>> -> memref<64x256xf32, #tpu.memory_space<hbm>>
    tpu.wait_dma2 semaphore(%arg21 : memref<!tpu.dma_semaphore, #tpu.memory_space<semaphore_mem>>) src(%arg7 : memref<64x256xf32, #tpu.memory_space<vmem>>) dst(%dma_wait3A_2418 : memref<64x256xf32, #tpu.memory_space<hbm>>)
    %dma_wait3A_2419 = arith.constant 0 : i32
    %dma_wait3A_2420 = tpu.memref_slice %arg4[%add3A_2372, %dma_wait3A_2419] : memref<65536x256xf32, #tpu.memory_space<hbm>> -> memref<64x256xf32, #tpu.memory_space<hbm>>
    %dma_wait3A_2421 = arith.constant 0 : i32
    %dma_wait3A_2422 = tpu.memref_slice %arg4[%add3A_2372, %dma_wait3A_2421] : memref<65536x256xf32, #tpu.memory_space<hbm>> -> memref<64x256xf32, #tpu.memory_space<hbm>>
    tpu.wait_dma2 semaphore(%arg22 : memref<!tpu.dma_semaphore, #tpu.memory_space<semaphore_mem>>) src(%arg8 : memref<64x256xf32, #tpu.memory_space<vmem>>) dst(%dma_wait3A_2422 : memref<64x256xf32, #tpu.memory_space<hbm>>)
    %dma_wait3A_2423 = arith.constant 0 : i32
    %dma_wait3A_2424 = tpu.memref_slice %arg4[%add3A_2385, %dma_wait3A_2423] : memref<65536x256xf32, #tpu.memory_space<hbm>> -> memref<64x256xf32, #tpu.memory_space<hbm>>
    %dma_wait3A_2425 = arith.constant 0 : i32
    %dma_wait3A_2426 = tpu.memref_slice %arg4[%add3A_2385, %dma_wait3A_2425] : memref<65536x256xf32, #tpu.memory_space<hbm>> -> memref<64x256xf32, #tpu.memory_space<hbm>>
    tpu.wait_dma2 semaphore(%arg23 : memref<!tpu.dma_semaphore, #tpu.memory_space<semaphore_mem>>) src(%arg9 : memref<64x256xf32, #tpu.memory_space<vmem>>) dst(%dma_wait3A_2426 : memref<64x256xf32, #tpu.memory_space<hbm>>)
    %dma_wait3A_2427 = arith.constant 0 : i32
    %dma_wait3A_2428 = tpu.memref_slice %arg4[%add3A_2398, %dma_wait3A_2427] : memref<65536x256xf32, #tpu.memory_space<hbm>> -> memref<64x256xf32, #tpu.memory_space<hbm>>
    %dma_wait3A_2429 = arith.constant 0 : i32
    %dma_wait3A_2430 = tpu.memref_slice %arg4[%add3A_2398, %dma_wait3A_2429] : memref<65536x256xf32, #tpu.memory_space<hbm>> -> memref<64x256xf32, #tpu.memory_space<hbm>>
    tpu.wait_dma2 semaphore(%arg24 : memref<!tpu.dma_semaphore, #tpu.memory_space<semaphore_mem>>) src(%arg10 : memref<64x256xf32, #tpu.memory_space<vmem>>) dst(%dma_wait3A_2430 : memref<64x256xf32, #tpu.memory_space<hbm>>)
    return
  }
}

</mosaic_0001>

<sc_bundles>
// kernel: kernel.3.cloned.1.call-start
scs
__scs_entry_jumppad:
0x0: {  	(pc) =	sbr.rel $0x88, $3  }
0x1: {  	(tag) =	ssettag $0x0;
	lr =	simm.s32 $0x1  }
0x2: {  	[smem:$0x3F9E] =	sst lr;
	_ =	strace $0xD0000000  }
0x3: {  	_ = 	snop  }
0x4: {  	_ = 	snop  }
0x5: {  	_ = 	snop  }
0x6: {  	_ = 	snop  }
0x7: {  	_ = 	snop  }
__scs_overlays_trampoline_lowered:
0x8: {  	[smem:$0x3FAD] =	sst s0  }
0x9: {  	[smem:$0x3FAE] =	sst s1  }
0xa: {  	[smem:$0x3FAF] =	sst s2  }
0xb: {  	[smem:$0x3FB0] =	sst s3  }
0xc: {  	[smem:$0x3FB1] =	sst s4  }
0xd: {  	[smem:$0x3FB2] =	sst s5  }
0xe: {  	[smem:$0x3FB3] =	sst s6  }
0xf: {  	[smem:$0x3FB4] =	sst s7  }
0x10: {  	[smem:$0x3FB5] =	sst s8  }
0x11: {  	[smem:$0x3FB6] =	sst s9;
	s0 =	simm.s32 @!p0 $0x0  }
0x12: {  	s1 =	sld [smem:$0x3F9C];
	s0 =	simm.s32 @p0 $0x1  }
0x13: {  	[smem:$0x3FB7] =	sst s0;
	s0 =	simm.s32 @!p1 $0x0  }
0x14: {  	s2 =	sld [smem:$0x3F9B];
	s0 =	simm.s32 @p1 $0x1  }
0x15: {  	[smem:$0x3FB8] =	sst s0;
	s0 =	simm.s32 @!p2 $0x0  }
0x16: {  	s3 =	sld [smem:$0x3FDB];
	s0 =	simm.s32 @p2 $0x1  }
0x17: {  	s4 =	simm.s32 $0x1BF5;
	[smem:$0x3FBA] =	sst s0  }
0x18: {  	s0 =	sld [smem:$0x3F9D];
	_ =	swait.ge [sflag:s4], $0x0  }
0x19: {  	s7 =	sld [smem:$0x3F9E]  }
0x1a: {  	s8 =	sadd.s32 $0xFFFFE003, lr  }
0x1b: {  	s9 =	sadd.s32 $0xFFFFFEF7, lr;
	s5 =	simm.s32 $0xFFFFFFFF;
	p2 =	slt.u32 s8, $0xFFFFF086  }
0x1c: {  	p1 =	slt.u32 s9, $0xF7A;
	s5 =	simm.s32 @!p2 $0x0  }
0x1d: {  	s5 =	simm.s32 @p1 $0x1;
	p0 =	seq.s32 s7, s2  }
0x1e: {  	s7 =	smul.u32 @!p0 $0xF7A, s2;
	p2 =	seq.s32 @!p0 s5, $0x0  }
0x1f: {  	s9 =	smul.u32 $0xF7A, s1;
	s8 =	simm.s32 @!p0 $0x1BF5;
	p2 =	por !p2, p0  }
0x20: {  	[sflag:s8] =	ssyncset.s32 @!p0 $0xFFFFF086;
	s6 =	sadd.s32 @!p0 s3, s7;
	s7 =	simm.s32 @!p0 $0x108  }
0x21: {  	s3 =	sadd.s32 s3, s9;
	s6 =	sadd.s32 @!p0 $0x88, s6;
	s7 =	simm.s32 @p2 $0x1082  }
0x22: {  	[simem:s7], [sflag:s8] =	dma.local @!p0 [hbm:s6], $0xF7A  }
0x23: {  	s9 =	sor.u32 $0xD0000000, s2;
	s6 =	simm.s32 $0x108;
	_ =	swait.ge @!p0 [sflag:s8], $0x0  }
0x24: {  	s3 =	sadd.s32 $0x88, s3;
	s6 =	simm.s32 @!p1 $0x1082;
	[sflag:s4] =	ssyncset.s32 $0xFFFFF086  }
0x25: {  	[simem:s6], [sflag:s4] =	dma.local [hbm:s3], $0xF7A  }
0x26: {  	[smem:$0x3F9E] =	sst s1;
	(tag) =	ssettag s2;
	_ =	strace s9  }
0x27: {  	s1 =	sld [smem:$0x3FAE]  }
0x28: {  	s2 =	sld [smem:$0x3FAF]  }
0x29: {  	s4 =	sld [smem:$0x3FB1]  }
0x2a: {  	p0 =	seq.s32 s5, $0x0;
	s5 =	sld [smem:$0x3FB2]  }
0x2b: {  	s6 =	sld [smem:$0x3FB3]  }
0x2c: {  	s7 =	sld [smem:$0x3FB4]  }
0x2d: {  	s3 =	simm.s32 $0x108;
	s8 =	sld [smem:$0x3FB5]  }
0x2e: {  	s3 =	simm.s32 @!p0 $0x1082;
	s9 =	sld [smem:$0x3FB6]  }
0x2f: {  	lr =	sadd.s32 s0, s3;
	s0 =	sld [smem:$0x3FAD]  }
0x30: {  	s3 =	sld [smem:$0x3FB0]  }
0x31: {  	[smem:$0x3FB9] =	sst s10  }
0x32: {  	s10 =	sld [smem:$0x3FB7];
	_ =	sdelay $0x3  }
0x33: {  	p0 =	seq.s32 s10, $0x1;
	s10 =	sld [smem:$0x3FB9];
	_ =	sdelay $0x3  }
0x34: {  	[smem:$0x3FB9] =	sst s10  }
0x35: {  	s10 =	sld [smem:$0x3FB8];
	_ =	sdelay $0x3  }
0x36: {  	p1 =	seq.s32 s10, $0x1;
	s10 =	sld [smem:$0x3FB9];
	_ =	sdelay $0x3  }
0x37: {  	[smem:$0x3FB9] =	sst s10  }
0x38: {  	s10 =	sld [smem:$0x3FBA]  }
0x39: {  	_ = 	snop;
	(pc) =	sbr.ind lr, $3  }
0x3a: {  	_ = 	snop  }
0x3b: {  	_ = 	snop  }
0x3c: {  	p2 =	seq.s32 s10, $0x1;
	s10 =	sld [smem:$0x3FB9]  }
0x3d: {  	_ =	shalt  }
0x3e: {  	_ =	shalt  }
0x3f: {  	_ =	shalt  }
0x40: {  	_ =	shalt  }
0x41: {  	_ =	shalt  }
0x42: {  	_ =	shalt  }
0x43: {  	_ =	shalt  }
0x44: {  	_ =	shalt  }
0x45: {  	_ =	shalt  }
0x46: {  	_ =	shalt  }
0x47: {  	_ =	shalt  }
0x48: {  	_ =	shalt  }
0x49: {  	_ =	shalt  }
0x4a: {  	_ =	shalt  }
0x4b: {  	_ =	shalt  }
0x4c: {  	_ =	shalt  }
0x4d: {  	_ =	shalt  }
0x4e: {  	_ =	shalt  }
0x4f: {  	_ =	shalt  }
0x50: {  	_ =	shalt  }
0x51: {  	_ =	shalt  }
0x52: {  	_ =	shalt  }
0x53: {  	_ =	shalt  }
0x54: {  	_ =	shalt  }
0x55: {  	_ =	shalt  }
0x56: {  	_ =	shalt  }
0x57: {  	_ =	shalt  }
0x58: {  	_ =	shalt  }
0x59: {  	_ =	shalt  }
0x5a: {  	_ =	shalt  }
0x5b: {  	_ =	shalt  }
0x5c: {  	_ =	shalt  }
0x5d: {  	_ =	shalt  }
0x5e: {  	_ =	shalt  }
0x5f: {  	_ =	shalt  }
0x60: {  	_ =	shalt  }
0x61: {  	_ =	shalt  }
0x62: {  	_ =	shalt  }
0x63: {  	_ =	shalt  }
0x64: {  	_ =	shalt  }
0x65: {  	_ =	shalt  }
0x66: {  	_ =	shalt  }
0x67: {  	_ =	shalt  }
0x68: {  	_ =	shalt  }
0x69: {  	_ =	shalt  }
0x6a: {  	_ =	shalt  }
0x6b: {  	_ =	shalt  }
0x6c: {  	_ =	shalt  }
0x6d: {  	_ =	shalt  }
0x6e: {  	_ =	shalt  }
0x6f: {  	_ =	shalt  }
0x70: {  	_ =	shalt  }
0x71: {  	_ =	shalt  }
0x72: {  	_ =	shalt  }
0x73: {  	_ =	shalt  }
0x74: {  	_ =	shalt  }
0x75: {  	_ =	shalt  }
0x76: {  	_ =	shalt  }
0x77: {  	_ =	shalt  }
0x78: {  	_ =	shalt  }
0x79: {  	_ =	shalt  }
0x7a: {  	_ =	shalt  }
0x7b: {  	_ =	shalt  }
0x7c: {  	_ =	shalt  }
0x7d: {  	_ =	shalt  }
0x7e: {  	_ =	shalt  }
0x7f: {  	_ =	shalt  }
0x80: {  	_ =	shalt  }
0x81: {  	_ =	shalt  }
0x82: {  	_ =	shalt  }
0x83: {  	_ =	shalt  }
0x84: {  	_ =	shalt  }
0x85: {  	_ =	shalt  }
0x86: {  	_ =	shalt  }
0x87: {  	_ =	shalt  }
.Lfunc_end0:
.L_simem_size_0:
called_computation_lowered:
.L_overlay_start_0:
0x88: {  	s2 =	sld [smem:$0x3FD9]  }
0x89: {  	s3 =	sld [smem:$0x3FFE];
	_ =	sdelay $0x1  }
0x8a: {  	s1 =	srdreg.scid  }
0x8b: {  	s0 =	sand.u32 $0x1, s1  }
0x8c: {  	s14 =	sshll.u32 s0, $0xA;
	s2 =	sadd.s32 s3, s2  }
0x8d: {  	s2 =	sadd.s32 s2, s14  }
0x8e: {  	[smem:$0x3FC5] =	sst s2  }
0x8f: {  	_ = 	snop  }
0x90: {  	s2 =	sld [smem:$0x3FD0];
	_ =	sdelay $0x2  }
0x91: {  	s4 =	simm.s32 $0xA;
	s5 =	simm.s32 $0x10;
	s15 =	sld [smem:$0x3FC9]  }
0x92: {  	[smem:s5], [sflag:s4] =	dma.local [hbm:s2], $0x1  }
0x93: {  	_ =	swait.eq [sflag:s4], $0x1  }
0x94: {  	[sflag:s4] =	ssyncset.done $0x0  }
0x95: {  	[sflag:s4] =	ssyncadd.s32 $0xFFFFFFFF  }
0x96: {  	s16 =	sld [smem:$0x10];
	(tm) =	ssettm $0x1  }
0x97: {  	s17 =	sld [smem:$0x3FFB];
	_ =	sdelay $0x3  }
0x98: {  	_ =	strace s17  }
0x99: {  	s4 =	sld [smem:$0x3FFC];
	_ =	sdelay $0x3  }
0x9a: {  	_ =	strace s4  }
0x9b: {  	s4 =	sld [smem:$0x3FFD];
	_ =	sdelay $0x3  }
0x9c: {  	_ =	strace s4  }
0x9d: {  	_ =	strace $0x8FFFFFFF  }
0x9e: {  	s18 =	sld [smem:$0x3FDB];
	_ =	sdelay $0x1  }
0x9f: {  	s19 =	simm.s32 $_scs_section_size  }
0xa0: {  	s6 =	simm.s32 $_size__tile_overlayer_lowered;
	s7 =	simm.s32 $_tile_overlayer_lowered  }
0xa1: {  	s22 =	simm.s32 $0x1BFF;
	s21 =	sshll.u32 s7, $0x1;
	s4 =	sadd.s32 s19, s18  }
0xa2: {  	s8 =	simm.s32 $0x0;
	s20 =	sshll.u32 s6, $0x1;
	s6 =	sadd.s32 s21, s4  }
0xa3: {  	[timem:s8], [sflag:s22] =	dma.local [hbm:s6], s20  }
0xa4: {  	_ =	swait.ge [sflag:s22], s20  }
0xa5: {  	s5 =	ssub.s32 $0x0, s20;
	[sflag:s22] =	ssyncset.done $0x0  }
0xa6: {  	[sflag:s22] =	ssyncadd.s32 s5;
	_ =	sdelay $0x1  }
0xa7: {  	s23 =	simm.s32 $0x1B8B  }
0xa8: {  	_ =	swait.ge [sflag:s23], $0x1  }
0xa9: {  	[sflag:s23] =	ssyncset.done $0x0  }
0xaa: {  	s25 =	simm.s32 $0x1B8E;
	s24 =	sld [smem:$0x3FFE];
	[sflag:s23] =	ssyncadd.s32 $0xFFFFFFFF  }
0xab: {  	s26 =	simm.s32 $execute0_lowered;
	[smem:$0x3FD2] =	sst s25  }
0xac: {  	s6 =	sshll.u32 s26, $0x1;
	_ =	strace $0x80000046;
	[dreg:$0x1] =	wrdreg $0xFFFFFFFF  }
0xad: {  	s28 =	simm.s32 $_size_execute0_lowered;
	s4 =	sadd.s32 s4, s6;
	[dreg:$0x0] =	wrdreg $0x0  }
0xae: {  	s6 =	sshll.u32 s28, $0x1;
	[dreg:$0x2] =	wrdreg s4  }
0xaf: {  	[dreg:$0x3] =	wrdreg s6  }
0xb0: {  	[dreg:$0x4] =	wrdreg $0xC0  }
0xb1: {  	_ =	task [dreg:s8], $0x5FFFF  }
0xb2: {  	[dreg:$0x1] =	wrdreg $0xFFFFFFFF  }
0xb3: {  	[dreg:$0x0] =	wrdreg $0x60  }
0xb4: {  	[dreg:$0x2] =	wrdreg s15  }
0xb5: {  	[dreg:$0x3] =	wrdreg s24  }
0xb6: {  	[dreg:$0x4] =	wrdreg s16  }
0xb7: {  	[dreg:$0x5] =	wrdreg $0x9  }
0xb8: {  	_ =	task.clear_ibuf [dreg:s8], $0x6FFFF;
	_ =	strace $0x90000046  }
0xb9: {  	s29 =	simm.s32 $0x9;
	_ =	strace $0x80000048  }
0xba: {  	_ =	swait.ge [sflag:s29], $0x1  }
0xbb: {  	[sflag:s29] =	ssyncadd.s32 $0xFFFFFFFF  }
0xbc: {  	_ =	strace $0x90000048  }
0xbd: {  	_ =	sfence  }
0xbe: {  	s30 =	sld [smem:$0x0];
	_ =	sdelay $0x2  }
0xbf: {  	s31 =	sshll.u32 s1, $0xD;
	s1 =	sshrl.u32 s1, $0x2  }
0xc0: {  	s3 =	sand.u32 $0x4000, s31;
	s1 =	sadd.s32 s1, s30  }
0xc1: {  	s0 =	sor.u32 s3, s0;
	s1 =	sshll.u32 s1, $0x11  }
0xc2: {  	s0 =	sor.u32 s1, s0  }
0xc3: {  	s0 =	sadd.s32 $0x8F2B, s0  }
0xc4: {  	[sflag:s0] =	ssyncadd.remote.s32 $0x1  }
0xc5: {  	_ =	sfence.sel $0xFFFF  }
0xc6: {  	[dreg:$0x0] =	wrdreg $0xFFFFFFFF;
	(pc) =	sbr.abs _section_cstart, $3  }
0xc7: {  	[dreg:$0x1] =	wrdreg $0xFFFFFFFF  }
0xc8: {  	_ =	task.clear_ibuf [dreg:s8], $0x2FFFF;
	_ =	strace $0x9FFFFFFF  }
0xc9: {  	(tm) =	ssettm $0x7FFFFFFF  }
tec
execute0_lowered:
.L_overlay_start_1:
0x0: {  	(tag) =	ssettag $0x1  }
0x1: {  	s0 =	srdreg.scid  }
0x2: {  	s1 =	rddreg [dreg:$0x0];
	s3 =	stileid.u32;
	s0 =	sand.u32 $0x1, s0  }
0x3: {  	s2 =	rddreg [dreg:$0x1];
	s3 =	sshll.u32 s3, $0xC;
	s4 =	sshll.u32 s0, $0xB  }
0x4: {  	s5 =	rddreg [dreg:$0x2];
	s4 =	sor.u32 s4, s3  }
0x5: {  	s3 =	simm.s32 $0x0;
	s6 =	sshrl.u32 s4, $0x3;
	s4 =	sshll.u32 s4, $0x5  }
0x6: {  	[smem:$0x7FF] =	sst s3;
	s2 =	sadd.s32 s6, s2;
	s5 =	sadd.s32 s5, s4  }
0x7: {  	_ =	strace $0x80000047;
	s2 =	sadd.s32 $0x600, s2;
	[smem:$0x7FC] =	sst s5  }
0x8: {  	s17 =	sadd.s32 $0x800, s5;
	[dreg:$0x4] =	wrdreg s2  }
0x9: {  	s18 =	sadd.s32 $0x1000, s5;
	[dreg:$0x5] =	wrdreg s17  }
0xa: {  	s19 =	sadd.s32 $0x1800, s5;
	[dreg:$0x6] =	wrdreg s18  }
0xb: {  	s20 =	sadd.s32 $0x2000, s5;
	[dreg:$0x7] =	wrdreg s19  }
0xc: {  	s21 =	sadd.s32 $0x2800, s5;
	[dreg:$0x8] =	wrdreg s20  }
0xd: {  	s22 =	sadd.s32 $0x3000, s5;
	[dreg:$0x9] =	wrdreg s21  }
0xe: {  	s23 =	sadd.s32 $0x3800, s5;
	[dreg:$0xa] =	wrdreg s22  }
0xf: {  	s24 =	sadd.s32 $0x4000, s5;
	[dreg:$0xb] =	wrdreg s23  }
0x10: {  	s25 =	sadd.s32 $0x4800, s5;
	[dreg:$0xc] =	wrdreg s24  }
0x11: {  	s26 =	sadd.s32 $0x5000, s5;
	[dreg:$0xd] =	wrdreg s25  }
0x12: {  	s4 =	sadd.s32 $0x5800, s5;
	[dreg:$0xe] =	wrdreg s26  }
0x13: {  	s6 =	sadd.s32 $0x6000, s5;
	[dreg:$0xf] =	wrdreg s4  }
0x14: {  	s7 =	sadd.s32 $0x6800, s5;
	[dreg:$0x10] =	wrdreg s6  }
0x15: {  	s8 =	sadd.s32 $0x7000, s5;
	[dreg:$0x11] =	wrdreg s7  }
0x16: {  	s9 =	sadd.s32 $0x7800, s5;
	[dreg:$0x12] =	wrdreg s8  }
0x17: {  	s10 =	sadd.s32 $0x8000, s5;
	[dreg:$0x13] =	wrdreg s9  }
0x18: {  	s11 =	sadd.s32 $0x8800, s5;
	[dreg:$0x14] =	wrdreg s10  }
0x19: {  	s28 =	simm.s32 $0x7;
	s12 =	sadd.s32 $0x9000, s5;
	[dreg:$0x15] =	wrdreg s11  }
0x1a: {  	s29 =	simm.s32 $0xC;
	s13 =	sadd.s32 $0x9800, s5;
	[dreg:$0x16] =	wrdreg s12  }
0x1b: {  	s30 =	simm.s32 $0xD;
	s14 =	sadd.s32 $0xA000, s5;
	[dreg:$0x17] =	wrdreg s13  }
0x1c: {  	s31 =	simm.s32 $0xE;
	s15 =	sadd.s32 $0xA800, s5;
	[dreg:$0x18] =	wrdreg s14  }
0x1d: {  	s0 =	ssub.s32 $0x2, s0;
	s16 =	sadd.s32 $0xB000, s5;
	[dreg:$0x19] =	wrdreg s15  }
0x1e: {  	[dreg:$0x1a] =	wrdreg s16;
	s17 =	sadd.s32 $0xB800, s5;
	s18 =	sadd.s32 $0xC000, s5  }
0x1f: {  	s19 =	sadd.s32 $0xC800, s5;
	s20 =	sadd.s32 $0xD000, s5;
	[dreg:$0x1b] =	wrdreg s17  }
0x20: {  	s21 =	sadd.s32 $0xD800, s5;
	s22 =	sadd.s32 $0xE000, s5;
	[dreg:$0x1c] =	wrdreg s18  }
0x21: {  	s23 =	sadd.s32 $0xE800, s5;
	s24 =	sadd.s32 $0xF000, s5;
	[dreg:$0x1d] =	wrdreg s19  }
0x22: {  	s25 =	sshrl.u32 s0, $0x1;
	s26 =	sadd.s32 $0xF800, s5;
	[dreg:$0x1e] =	wrdreg s20  }
0x23: {  	s4 =	simm.s32 $0x1800;
	s15 =	simm.s32 $0x5800;
	[dreg:$0x1f] =	wrdreg s21  }
0x24: {  	s2 =	simm.s32 $0xD800;
	s13 =	simm.s32 $0x1;
	[smem:$0x7F9] =	sst s22  }
0x25: {  	s16 =	simm.s32 $0x2;
	s14 =	simm.s32 $0x11800;
	[smem:$0x7FA] =	sst s23  }
0x26: {  	s7 =	simm.s32 $0x19800;
	[smem:$0x7FB] =	sst s24;
	s0 =	ssub.s32 s0, s25  }
0x27: {  	[smem:$0x7FD] =	sst s26;
	s23 =	simm.s32 $0x9800;
	s18 =	simm.s32 $0x3  }
0x28: {  	v0 =	vlaneseq.u32;
	s19 =	simm.s32 $0x8;
	s20 =	simm.s32 $0x4;
	s21 =	simm.s32 $0x9  }
0x29: {  	vm0 =	vmmov $0xffff;
	v2 =	vshrl.u32 v0, $0x3;
	s22 =	simm.s32 $0x5;
	s24 =	simm.s32 $0xA;
	s25 =	simm.s32 $0x6  }
0x2a: {  	v1 =	vand.u32 $0x7, v0;
	v3 =	vor.u32 $0x8, v0;
	v2 =	vmul.u32 $0x8, v2;
	s26 =	simm.s32 $0xB;
	s17 =	simm.s32 $0x15800;
	s5 =	smax.u32 s0, $0x1  }
.LBB2_1:
0x2b: {  	s0 =	rddreg [dreg:$0x4];
	s10 =	simm.s32 $0xF  }
0x2c: {  	[tilespmem:s3], [sflag:$0xF] =	stream.linear.gather [hbm4b:s0+s3], $0x800, $0x38;
	[tilespmem:$0x1D800] =	vst v63  }
0x2d: {  	_ =	swait.ge [sflag:s10], $0x800  }
0x2e: {  	[sflag:s10] =	ssyncset.done $0x0  }
0x2f: {  	[sflag:s10] =	ssyncadd.s32 $0xFFFFF800  }
0x30: {  	v4 =	vld [tilespmem:$0x0];
	_ =	sdelay $0x4  }
0x31: {  	v4 =	vshll.u32 v4, $0x4  }
0x32: {  	v4 =	vor.u32 v0, v4  }
0x33: {  	v5 =	vld [tilespmem:$0x10];
	v6 =	vshll.u32 v4, $0x1  }
0x34: {  	v7 =	vld [tilespmem:$0x20];
	v6 =	vand.u32 $0xFFFFFFF0, v6  }
0x35: {  	v8 =	vld [tilespmem:$0x30];
	v6 =	vor.u32 v1, v6  }
0x36: {  	v9 =	vperm.xlane v6, v1;
	_ =	sdelay $0x1  }
0x37: {  	v5 =	vshll.u32 v5, $0x4;
	v6 =	vperm.xlane v6, v3;
	v9 =	vadd.s32 v2, v9  }
0x38: {  	[tilespmem:$0x800] =	vst v4;
	v4 =	vor.u32 v0, v5;
	v5 =	vshll.u32 v7, $0x4  }
0x39: {  	[tilespmem:$0x810] =	vst v4;
	v4 =	vor.u32 v0, v5;
	v5 =	vshll.u32 v8, $0x4;
	v6 =	vadd.s32 v2, v6  }
0x3a: {  	[tilespmem:$0x820] =	vst v4;
	v4 =	vor.u32 v0, v5  }
0x3b: {  	[tilespmem:$0x830] =	vst v4  }
0x3c: {  	[tilespmem:s4], [sflag:$0x1] =	stream.indirect_vreg.gather [hbm4b:s1+s3], $0x80, v9, vm0, $0xb8;
	[tilespmem:$0x1D800] =	vst v63  }
0x3d: {  	s11 =	simm.s32 $0x2000  }
0x3e: {  	[tilespmem:s11], [sflag:$0x1] =	stream.indirect_vreg.gather [hbm4b:s1+s3], $0x80, v6, vm0, $0xb8;
	[tilespmem:$0x1D800] =	vst v63  }
0x3f: {  	v4 =	vld [tilespmem:$0x810];
	_ =	sdelay $0x4  }
0x40: {  	v5 =	vshll.u32 v4, $0x1  }
0x41: {  	v4 =	vand.u32 $0x7, v4;
	v5 =	vand.u32 $0xFFFFFFF0, v5  }
0x42: {  	v4 =	vor.u32 v4, v5  }
0x43: {  	v5 =	vperm.xlane v4, v1;
	_ =	sdelay $0x1  }
0x44: {  	v4 =	vperm.xlane v4, v3;
	v5 =	vadd.s32 v2, v5;
	_ =	sdelay $0x1  }
0x45: {  	v4 =	vadd.s32 v2, v4;
	_ =	sdelay $0x1  }
0x46: {  	s12 =	simm.s32 $0x2800  }
0x47: {  	[tilespmem:s12], [sflag:$0x1] =	stream.indirect_vreg.gather [hbm4b:s1+s3], $0x80, v5, vm0, $0xb8;
	[tilespmem:$0x1D800] =	vst v63  }
0x48: {  	s8 =	simm.s32 $0x3000  }
0x49: {  	[tilespmem:s8], [sflag:$0x1] =	stream.indirect_vreg.gather [hbm4b:s1+s3], $0x80, v4, vm0, $0xb8;
	[tilespmem:$0x1D800] =	vst v63  }
0x4a: {  	v4 =	vld [tilespmem:$0x820];
	_ =	sdelay $0x4  }
0x4b: {  	v5 =	vshll.u32 v4, $0x1  }
0x4c: {  	v4 =	vand.u32 $0x7, v4;
	v5 =	vand.u32 $0xFFFFFFF0, v5  }
0x4d: {  	v4 =	vor.u32 v4, v5  }
0x4e: {  	v5 =	vperm.xlane v4, v1;
	_ =	sdelay $0x1  }
0x4f: {  	v4 =	vperm.xlane v4, v3;
	v5 =	vadd.s32 v2, v5;
	_ =	sdelay $0x1  }
0x50: {  	v4 =	vadd.s32 v2, v4;
	_ =	sdelay $0x1  }
0x51: {  	s9 =	simm.s32 $0x3800  }
0x52: {  	[tilespmem:s9], [sflag:$0x1] =	stream.indirect_vreg.gather [hbm4b:s1+s3], $0x80, v5, vm0, $0xb8;
	[tilespmem:$0x1D800] =	vst v63  }
0x53: {  	s10 =	simm.s32 $0x4000  }
0x54: {  	[tilespmem:s10], [sflag:$0x1] =	stream.indirect_vreg.gather [hbm4b:s1+s3], $0x80, v4, vm0, $0xb8;
	[tilespmem:$0x1D800] =	vst v63  }
0x55: {  	v4 =	vld [tilespmem:$0x830];
	_ =	sdelay $0x4  }
0x56: {  	v5 =	vshll.u32 v4, $0x1  }
0x57: {  	v4 =	vand.u32 $0x7, v4;
	v5 =	vand.u32 $0xFFFFFFF0, v5  }
0x58: {  	v4 =	vor.u32 v4, v5  }
0x59: {  	v5 =	vperm.xlane v4, v1;
	_ =	sdelay $0x1  }
0x5a: {  	v4 =	vperm.xlane v4, v3;
	v5 =	vadd.s32 v2, v5;
	_ =	sdelay $0x1  }
0x5b: {  	v4 =	vadd.s32 v2, v4;
	_ =	sdelay $0x1  }
0x5c: {  	s12 =	simm.s32 $0x4800  }
0x5d: {  	[tilespmem:s12], [sflag:$0x1] =	stream.indirect_vreg.gather [hbm4b:s1+s3], $0x80, v5, vm0, $0xb8;
	[tilespmem:$0x1D800] =	vst v63  }
0x5e: {  	s10 =	simm.s32 $0x5000  }
0x5f: {  	[tilespmem:s10], [sflag:$0x1] =	stream.indirect_vreg.gather [hbm4b:s1+s3], $0x80, v4, vm0, $0xb8;
	[tilespmem:$0x1D800] =	vst v63  }
0x60: {  	v4 =	vld [tilespmem:$0x40];
	_ =	sdelay $0x4  }
0x61: {  	v4 =	vshll.u32 v4, $0x4  }
0x62: {  	v4 =	vor.u32 v0, v4  }
0x63: {  	v5 =	vld [tilespmem:$0x50];
	v46 =	vshll.u32 v4, $0x1  }
0x64: {  	v47 =	vld [tilespmem:$0x60];
	v6 =	vand.u32 $0xFFFFFFF0, v46  }
0x65: {  	v48 =	vld [tilespmem:$0x70];
	v6 =	vor.u32 v1, v6  }
0x66: {  	v49 =	vperm.xlane v6, v1;
	_ =	sdelay $0x1  }
0x67: {  	v5 =	vshll.u32 v5, $0x4;
	v6 =	vperm.xlane v6, v3;
	v9 =	vadd.s32 v2, v49  }
0x68: {  	[tilespmem:$0x880] =	vst v4;
	v4 =	vor.u32 v0, v5;
	v5 =	vshll.u32 v47, $0x4  }
0x69: {  	[tilespmem:$0x890] =	vst v4;
	v4 =	vor.u32 v0, v5;
	v5 =	vshll.u32 v48, $0x4;
	v6 =	vadd.s32 v2, v6  }
0x6a: {  	[tilespmem:$0x8A0] =	vst v4;
	v4 =	vor.u32 v0, v5  }
0x6b: {  	[tilespmem:$0x8B0] =	vst v4  }
0x6c: {  	[tilespmem:s15], [sflag:$0x2] =	stream.indirect_vreg.gather [hbm4b:s1+s3], $0x80, v9, vm0, $0xb8;
	[tilespmem:$0x1D800] =	vst v63  }
0x6d: {  	s0 =	simm.s32 $0x6000  }
0x6e: {  	[tilespmem:s0], [sflag:$0x2] =	stream.indirect_vreg.gather [hbm4b:s1+s3], $0x80, v6, vm0, $0xb8;
	[tilespmem:$0x1D800] =	vst v63  }
0x6f: {  	v4 =	vld [tilespmem:$0x890];
	_ =	sdelay $0x4  }
0x70: {  	v5 =	vshll.u32 v4, $0x1  }
0x71: {  	v4 =	vand.u32 $0x7, v4;
	v5 =	vand.u32 $0xFFFFFFF0, v5  }
0x72: {  	v4 =	vor.u32 v4, v5  }
0x73: {  	v5 =	vperm.xlane v4, v1;
	_ =	sdelay $0x1  }
0x74: {  	v4 =	vperm.xlane v4, v3;
	v5 =	vadd.s32 v2, v5;
	_ =	sdelay $0x1  }
0x75: {  	v4 =	vadd.s32 v2, v4;
	_ =	sdelay $0x1  }
0x76: {  	s0 =	simm.s32 $0x6800  }
0x77: {  	[tilespmem:s0], [sflag:$0x2] =	stream.indirect_vreg.gather [hbm4b:s1+s3], $0x80, v5, vm0, $0xb8;
	[tilespmem:$0x1D800] =	vst v63  }
0x78: {  	s0 =	simm.s32 $0x7000  }
0x79: {  	[tilespmem:s0], [sflag:$0x2] =	stream.indirect_vreg.gather [hbm4b:s1+s3], $0x80, v4, vm0, $0xb8;
	[tilespmem:$0x1D800] =	vst v63  }
0x7a: {  	v4 =	vld [tilespmem:$0x8A0];
	_ =	sdelay $0x4  }
0x7b: {  	v5 =	vshll.u32 v4, $0x1  }
0x7c: {  	v4 =	vand.u32 $0x7, v4;
	v5 =	vand.u32 $0xFFFFFFF0, v5  }
0x7d: {  	v4 =	vor.u32 v4, v5  }
0x7e: {  	v5 =	vperm.xlane v4, v1;
	_ =	sdelay $0x1  }
0x7f: {  	v4 =	vperm.xlane v4, v3;
	v5 =	vadd.s32 v2, v5;
	_ =	sdelay $0x1  }
0x80: {  	v4 =	vadd.s32 v2, v4;
	_ =	sdelay $0x1  }
0x81: {  	s0 =	simm.s32 $0x7800  }
0x82: {  	[tilespmem:s0], [sflag:$0x2] =	stream.indirect_vreg.gather [hbm4b:s1+s3], $0x80, v5, vm0, $0xb8;
	[tilespmem:$0x1D800] =	vst v63  }
0x83: {  	s0 =	simm.s32 $0x8000  }
0x84: {  	[tilespmem:s0], [sflag:$0x2] =	stream.indirect_vreg.gather [hbm4b:s1+s3], $0x80, v4, vm0, $0xb8;
	[tilespmem:$0x1D800] =	vst v63  }
0x85: {  	v4 =	vld [tilespmem:$0x8B0];
	_ =	sdelay $0x4  }
0x86: {  	v5 =	vshll.u32 v4, $0x1  }
0x87: {  	v4 =	vand.u32 $0x7, v4;
	v5 =	vand.u32 $0xFFFFFFF0, v5  }
0x88: {  	v4 =	vor.u32 v4, v5  }
0x89: {  	v5 =	vperm.xlane v4, v1;
	_ =	sdelay $0x1  }
0x8a: {  	v4 =	vperm.xlane v4, v3;
	v5 =	vadd.s32 v2, v5;
	_ =	sdelay $0x1  }
0x8b: {  	v4 =	vadd.s32 v2, v4;
	_ =	sdelay $0x1  }
0x8c: {  	s0 =	simm.s32 $0x8800  }
0x8d: {  	[tilespmem:s0], [sflag:$0x2] =	stream.indirect_vreg.gather [hbm4b:s1+s3], $0x80, v5, vm0, $0xb8;
	[tilespmem:$0x1D800] =	vst v63  }
0x8e: {  	s0 =	simm.s32 $0x9000  }
0x8f: {  	[tilespmem:s0], [sflag:$0x2] =	stream.indirect_vreg.gather [hbm4b:s1+s3], $0x80, v4, vm0, $0xb8;
	[tilespmem:$0x1D800] =	vst v63  }
0x90: {  	v4 =	vld [tilespmem:$0x80];
	_ =	sdelay $0x4  }
0x91: {  	v4 =	vshll.u32 v4, $0x4  }
0x92: {  	v4 =	vor.u32 v0, v4  }
0x93: {  	v5 =	vld [tilespmem:$0x90];
	v50 =	vshll.u32 v4, $0x1  }
0x94: {  	v51 =	vld [tilespmem:$0xA0];
	v6 =	vand.u32 $0xFFFFFFF0, v50  }
0x95: {  	v52 =	vld [tilespmem:$0xB0];
	v6 =	vor.u32 v1, v6  }
0x96: {  	v53 =	vperm.xlane v6, v1;
	_ =	sdelay $0x1  }
0x97: {  	v5 =	vshll.u32 v5, $0x4;
	v6 =	vperm.xlane v6, v3;
	v9 =	vadd.s32 v2, v53  }
0x98: {  	[tilespmem:$0x900] =	vst v4;
	v4 =	vor.u32 v0, v5;
	v5 =	vshll.u32 v51, $0x4  }
0x99: {  	[tilespmem:$0x910] =	vst v4;
	v4 =	vor.u32 v0, v5;
	v5 =	vshll.u32 v52, $0x4;
	v6 =	vadd.s32 v2, v6  }
0x9a: {  	[tilespmem:$0x920] =	vst v4;
	v4 =	vor.u32 v0, v5  }
0x9b: {  	[tilespmem:$0x930] =	vst v4  }
0x9c: {  	[tilespmem:s23], [sflag:$0x3] =	stream.indirect_vreg.gather [hbm4b:s1+s3], $0x80, v9, vm0, $0xb8;
	[tilespmem:$0x1D800] =	vst v63  }
0x9d: {  	s0 =	simm.s32 $0xA000  }
0x9e: {  	[tilespmem:s0], [sflag:$0x3] =	stream.indirect_vreg.gather [hbm4b:s1+s3], $0x80, v6, vm0, $0xb8;
	[tilespmem:$0x1D800] =	vst v63  }
0x9f: {  	v4 =	vld [tilespmem:$0x910];
	_ =	sdelay $0x4  }
0xa0: {  	v5 =	vshll.u32 v4, $0x1  }
0xa1: {  	v4 =	vand.u32 $0x7, v4;
	v5 =	vand.u32 $0xFFFFFFF0, v5  }
0xa2: {  	v4 =	vor.u32 v4, v5  }
0xa3: {  	v5 =	vperm.xlane v4, v1;
	_ =	sdelay $0x1  }
0xa4: {  	v4 =	vperm.xlane v4, v3;
	v5 =	vadd.s32 v2, v5;
	_ =	sdelay $0x1  }
0xa5: {  	v4 =	vadd.s32 v2, v4;
	_ =	sdelay $0x1  }
0xa6: {  	s0 =	simm.s32 $0xA800  }
0xa7: {  	[tilespmem:s0], [sflag:$0x3] =	stream.indirect_vreg.gather [hbm4b:s1+s3], $0x80, v5, vm0, $0xb8;
	[tilespmem:$0x1D800] =	vst v63  }
0xa8: {  	s0 =	simm.s32 $0xB000  }
0xa9: {  	[tilespmem:s0], [sflag:$0x3] =	stream.indirect_vreg.gather [hbm4b:s1+s3], $0x80, v4, vm0, $0xb8;
	[tilespmem:$0x1D800] =	vst v63  }
0xaa: {  	v4 =	vld [tilespmem:$0x920];
	_ =	sdelay $0x4  }
0xab: {  	v5 =	vshll.u32 v4, $0x1  }
0xac: {  	v4 =	vand.u32 $0x7, v4;
	v5 =	vand.u32 $0xFFFFFFF0, v5  }
0xad: {  	v4 =	vor.u32 v4, v5  }
0xae: {  	v5 =	vperm.xlane v4, v1;
	_ =	sdelay $0x1  }
0xaf: {  	v4 =	vperm.xlane v4, v3;
	v5 =	vadd.s32 v2, v5;
	_ =	sdelay $0x1  }
0xb0: {  	v4 =	vadd.s32 v2, v4;
	_ =	sdelay $0x1  }
0xb1: {  	s0 =	simm.s32 $0xB800  }
0xb2: {  	[tilespmem:s0], [sflag:$0x3] =	stream.indirect_vreg.gather [hbm4b:s1+s3], $0x80, v5, vm0, $0xb8;
	[tilespmem:$0x1D800] =	vst v63  }
0xb3: {  	s0 =	simm.s32 $0xC000  }
0xb4: {  	[tilespmem:s0], [sflag:$0x3] =	stream.indirect_vreg.gather [hbm4b:s1+s3], $0x80, v4, vm0, $0xb8;
	[tilespmem:$0x1D800] =	vst v63  }
0xb5: {  	v4 =	vld [tilespmem:$0x930];
	_ =	sdelay $0x4  }
0xb6: {  	v5 =	vshll.u32 v4, $0x1  }
0xb7: {  	v4 =	vand.u32 $0x7, v4;
	v5 =	vand.u32 $0xFFFFFFF0, v5  }
0xb8: {  	v4 =	vor.u32 v4, v5  }
0xb9: {  	v5 =	vperm.xlane v4, v1;
	_ =	sdelay $0x1  }
0xba: {  	v4 =	vperm.xlane v4, v3;
	v5 =	vadd.s32 v2, v5;
	_ =	sdelay $0x1  }
0xbb: {  	v4 =	vadd.s32 v2, v4;
	_ =	sdelay $0x1  }
0xbc: {  	s0 =	simm.s32 $0xC800  }
0xbd: {  	[tilespmem:s0], [sflag:$0x3] =	stream.indirect_vreg.gather [hbm4b:s1+s3], $0x80, v5, vm0, $0xb8;
	[tilespmem:$0x1D800] =	vst v63  }
0xbe: {  	s0 =	simm.s32 $0xD000  }
0xbf: {  	[tilespmem:s0], [sflag:$0x3] =	stream.indirect_vreg.gather [hbm4b:s1+s3], $0x80, v4, vm0, $0xb8;
	[tilespmem:$0x1D800] =	vst v63  }
0xc0: {  	v4 =	vld [tilespmem:$0xC0];
	_ =	sdelay $0x4  }
0xc1: {  	v4 =	vshll.u32 v4, $0x4  }
0xc2: {  	v4 =	vor.u32 v0, v4  }
0xc3: {  	v5 =	vld [tilespmem:$0xD0];
	v54 =	vshll.u32 v4, $0x1  }
0xc4: {  	v55 =	vld [tilespmem:$0xE0];
	v6 =	vand.u32 $0xFFFFFFF0, v54  }
0xc5: {  	v56 =	vld [tilespmem:$0xF0];
	v6 =	vor.u32 v1, v6  }
0xc6: {  	v57 =	vperm.xlane v6, v1;
	_ =	sdelay $0x1  }
0xc7: {  	v5 =	vshll.u32 v5, $0x4;
	v6 =	vperm.xlane v6, v3;
	v9 =	vadd.s32 v2, v57  }
0xc8: {  	[tilespmem:$0x980] =	vst v4;
	v4 =	vor.u32 v0, v5;
	v5 =	vshll.u32 v55, $0x4  }
0xc9: {  	[tilespmem:$0x990] =	vst v4;
	v4 =	vor.u32 v0, v5;
	v5 =	vshll.u32 v56, $0x4;
	v6 =	vadd.s32 v2, v6  }
0xca: {  	[tilespmem:$0x9A0] =	vst v4;
	v4 =	vor.u32 v0, v5  }
0xcb: {  	[tilespmem:$0x9B0] =	vst v4  }
0xcc: {  	[tilespmem:s2], [sflag:$0x4] =	stream.indirect_vreg.gather [hbm4b:s1+s3], $0x80, v9, vm0, $0xb8;
	[tilespmem:$0x1D800] =	vst v63  }
0xcd: {  	s0 =	simm.s32 $0xE000  }
0xce: {  	[tilespmem:s0], [sflag:$0x4] =	stream.indirect_vreg.gather [hbm4b:s1+s3], $0x80, v6, vm0, $0xb8;
	[tilespmem:$0x1D800] =	vst v63  }
0xcf: {  	v4 =	vld [tilespmem:$0x990];
	_ =	sdelay $0x4  }
0xd0: {  	v5 =	vshll.u32 v4, $0x1  }
0xd1: {  	v4 =	vand.u32 $0x7, v4;
	v5 =	vand.u32 $0xFFFFFFF0, v5  }
0xd2: {  	v4 =	vor.u32 v4, v5  }
0xd3: {  	v5 =	vperm.xlane v4, v1;
	_ =	sdelay $0x1  }
0xd4: {  	v4 =	vperm.xlane v4, v3;
	v5 =	vadd.s32 v2, v5;
	_ =	sdelay $0x1  }
0xd5: {  	v4 =	vadd.s32 v2, v4;
	_ =	sdelay $0x1  }
0xd6: {  	s0 =	simm.s32 $0xE800  }
0xd7: {  	[tilespmem:s0], [sflag:$0x4] =	stream.indirect_vreg.gather [hbm4b:s1+s3], $0x80, v5, vm0, $0xb8;
	[tilespmem:$0x1D800] =	vst v63  }
0xd8: {  	s0 =	simm.s32 $0xF000  }
0xd9: {  	[tilespmem:s0], [sflag:$0x4] =	stream.indirect_vreg.gather [hbm4b:s1+s3], $0x80, v4, vm0, $0xb8;
	[tilespmem:$0x1D800] =	vst v63  }
0xda: {  	v4 =	vld [tilespmem:$0x9A0];
	_ =	sdelay $0x4  }
0xdb: {  	v5 =	vshll.u32 v4, $0x1  }
0xdc: {  	v4 =	vand.u32 $0x7, v4;
	v5 =	vand.u32 $0xFFFFFFF0, v5  }
0xdd: {  	v4 =	vor.u32 v4, v5  }
0xde: {  	v5 =	vperm.xlane v4, v1;
	_ =	sdelay $0x1  }
0xdf: {  	v4 =	vperm.xlane v4, v3;
	v5 =	vadd.s32 v2, v5;
	_ =	sdelay $0x1  }
0xe0: {  	v4 =	vadd.s32 v2, v4;
	_ =	sdelay $0x1  }
0xe1: {  	s0 =	simm.s32 $0xF800  }
0xe2: {  	[tilespmem:s0], [sflag:$0x4] =	stream.indirect_vreg.gather [hbm4b:s1+s3], $0x80, v5, vm0, $0xb8;
	[tilespmem:$0x1D800] =	vst v63  }
0xe3: {  	s0 =	simm.s32 $0x10000  }
0xe4: {  	[tilespmem:s0], [sflag:$0x4] =	stream.indirect_vreg.gather [hbm4b:s1+s3], $0x80, v4, vm0, $0xb8;
	[tilespmem:$0x1D800] =	vst v63  }
0xe5: {  	v4 =	vld [tilespmem:$0x9B0];
	_ =	sdelay $0x4  }
0xe6: {  	v5 =	vshll.u32 v4, $0x1  }
0xe7: {  	v4 =	vand.u32 $0x7, v4;
	v5 =	vand.u32 $0xFFFFFFF0, v5  }
0xe8: {  	v4 =	vor.u32 v4, v5  }
0xe9: {  	v5 =	vperm.xlane v4, v1;
	_ =	sdelay $0x1  }
0xea: {  	v4 =	vperm.xlane v4, v3;
	v5 =	vadd.s32 v2, v5;
	_ =	sdelay $0x1  }
0xeb: {  	v4 =	vadd.s32 v2, v4;
	_ =	sdelay $0x1  }
0xec: {  	s0 =	simm.s32 $0x10800  }
0xed: {  	[tilespmem:s0], [sflag:$0x4] =	stream.indirect_vreg.gather [hbm4b:s1+s3], $0x80, v5, vm0, $0xb8;
	[tilespmem:$0x1D800] =	vst v63  }
0xee: {  	s0 =	simm.s32 $0x11000  }
0xef: {  	[tilespmem:s0], [sflag:$0x4] =	stream.indirect_vreg.gather [hbm4b:s1+s3], $0x80, v4, vm0, $0xb8;
	[tilespmem:$0x1D800] =	vst v63  }
0xf0: {  	v4 =	vld [tilespmem:$0x100];
	_ =	sdelay $0x4  }
0xf1: {  	v4 =	vshll.u32 v4, $0x4  }
0xf2: {  	v4 =	vor.u32 v0, v4  }
0xf3: {  	v5 =	vld [tilespmem:$0x110];
	v58 =	vshll.u32 v4, $0x1  }
0xf4: {  	v59 =	vld [tilespmem:$0x120];
	v6 =	vand.u32 $0xFFFFFFF0, v58  }
0xf5: {  	v60 =	vld [tilespmem:$0x130];
	v6 =	vor.u32 v1, v6  }
0xf6: {  	v61 =	vperm.xlane v6, v1;
	_ =	sdelay $0x1  }
0xf7: {  	v5 =	vshll.u32 v5, $0x4;
	v6 =	vperm.xlane v6, v3;
	v9 =	vadd.s32 v2, v61  }
0xf8: {  	[tilespmem:$0xA00] =	vst v4;
	v4 =	vor.u32 v0, v5;
	v5 =	vshll.u32 v59, $0x4  }
0xf9: {  	[tilespmem:$0xA10] =	vst v4;
	v4 =	vor.u32 v0, v5;
	v5 =	vshll.u32 v60, $0x4;
	v6 =	vadd.s32 v2, v6  }
0xfa: {  	[tilespmem:$0xA20] =	vst v4;
	v4 =	vor.u32 v0, v5  }
0xfb: {  	[tilespmem:$0xA30] =	vst v4  }
0xfc: {  	[tilespmem:s14], [sflag:$0x5] =	stream.indirect_vreg.gather [hbm4b:s1+s3], $0x80, v9, vm0, $0xb8;
	[tilespmem:$0x1D800] =	vst v63  }
0xfd: {  	s0 =	simm.s32 $0x12000  }
0xfe: {  	[tilespmem:s0], [sflag:$0x5] =	stream.indirect_vreg.gather [hbm4b:s1+s3], $0x80, v6, vm0, $0xb8;
	[tilespmem:$0x1D800] =	vst v63  }
0xff: {  	v4 =	vld [tilespmem:$0xA10];
	_ =	sdelay $0x4  }
0x100: {  	v5 =	vshll.u32 v4, $0x1  }
0x101: {  	v4 =	vand.u32 $0x7, v4;
	v5 =	vand.u32 $0xFFFFFFF0, v5  }
0x102: {  	v4 =	vor.u32 v4, v5  }
0x103: {  	v5 =	vperm.xlane v4, v1;
	_ =	sdelay $0x1  }
0x104: {  	v4 =	vperm.xlane v4, v3;
	v5 =	vadd.s32 v2, v5;
	_ =	sdelay $0x1  }
0x105: {  	v4 =	vadd.s32 v2, v4;
	_ =	sdelay $0x1  }
0x106: {  	s0 =	simm.s32 $0x12800  }
0x107: {  	[tilespmem:s0], [sflag:$0x5] =	stream.indirect_vreg.gather [hbm4b:s1+s3], $0x80, v5, vm0, $0xb8;
	[tilespmem:$0x1D800] =	vst v63  }
0x108: {  	s0 =	simm.s32 $0x13000  }
0x109: {  	[tilespmem:s0], [sflag:$0x5] =	stream.indirect_vreg.gather [hbm4b:s1+s3], $0x80, v4, vm0, $0xb8;
	[tilespmem:$0x1D800] =	vst v63  }
0x10a: {  	v4 =	vld [tilespmem:$0xA20];
	_ =	sdelay $0x4  }
0x10b: {  	v5 =	vshll.u32 v4, $0x1  }
0x10c: {  	v4 =	vand.u32 $0x7, v4;
	v5 =	vand.u32 $0xFFFFFFF0, v5  }
0x10d: {  	v4 =	vor.u32 v4, v5  }
0x10e: {  	v5 =	vperm.xlane v4, v1;
	_ =	sdelay $0x1  }
0x10f: {  	v4 =	vperm.xlane v4, v3;
	v5 =	vadd.s32 v2, v5;
	_ =	sdelay $0x1  }
0x110: {  	v4 =	vadd.s32 v2, v4;
	_ =	sdelay $0x1  }
0x111: {  	s0 =	simm.s32 $0x13800  }
0x112: {  	[tilespmem:s0], [sflag:$0x5] =	stream.indirect_vreg.gather [hbm4b:s1+s3], $0x80, v5, vm0, $0xb8;
	[tilespmem:$0x1D800] =	vst v63  }
0x113: {  	s0 =	simm.s32 $0x14000  }
0x114: {  	[tilespmem:s0], [sflag:$0x5] =	stream.indirect_vreg.gather [hbm4b:s1+s3], $0x80, v4, vm0, $0xb8;
	[tilespmem:$0x1D800] =	vst v63  }
0x115: {  	v4 =	vld [tilespmem:$0xA30];
	_ =	sdelay $0x4  }
0x116: {  	v5 =	vshll.u32 v4, $0x1  }
0x117: {  	v4 =	vand.u32 $0x7, v4;
	v5 =	vand.u32 $0xFFFFFFF0, v5  }
0x118: {  	v4 =	vor.u32 v4, v5  }
0x119: {  	v5 =	vperm.xlane v4, v1;
	_ =	sdelay $0x1  }
0x11a: {  	v4 =	vperm.xlane v4, v3;
	v5 =	vadd.s32 v2, v5;
	_ =	sdelay $0x1  }
0x11b: {  	v4 =	vadd.s32 v2, v4;
	_ =	sdelay $0x1  }
0x11c: {  	s0 =	simm.s32 $0x14800  }
0x11d: {  	[tilespmem:s0], [sflag:$0x5] =	stream.indirect_vreg.gather [hbm4b:s1+s3], $0x80, v5, vm0, $0xb8;
	[tilespmem:$0x1D800] =	vst v63  }
0x11e: {  	s0 =	simm.s32 $0x15000  }
0x11f: {  	[tilespmem:s0], [sflag:$0x5] =	stream.indirect_vreg.gather [hbm4b:s1+s3], $0x80, v4, vm0, $0xb8;
	[tilespmem:$0x1D800] =	vst v63  }
0x120: {  	_ =	swait.ge [sflag:s13], $0x4000  }
0x121: {  	s0 =	sld [smem:$0x7FC]  }
0x122: {  	[sflag:s13] =	ssyncset.done $0x0  }
0x123: {  	[sflag:s13] =	ssyncadd.s32 $0xFFFFC000  }
0x124: {  	[hbm4b:s0+s3] =	stream.linear.scatter [tilespmem:s4], [sflag:$0x8], $0x4000, $0x38;
	[tilespmem:$0x1D800] =	vst v63  }
0x125: {  	v4 =	vld [tilespmem:$0x140];
	_ =	sdelay $0x4  }
0x126: {  	v4 =	vshll.u32 v4, $0x4  }
0x127: {  	v4 =	vor.u32 v0, v4  }
0x128: {  	v5 =	vld [tilespmem:$0x150];
	v62 =	vshll.u32 v4, $0x1  }
0x129: {  	v63 =	vld [tilespmem:$0x160];
	v6 =	vand.u32 $0xFFFFFFF0, v62  }
0x12a: {  	v12 =	vld [tilespmem:$0x170];
	v6 =	vor.u32 v1, v6  }
0x12b: {  	v13 =	vperm.xlane v6, v1;
	_ =	sdelay $0x1  }
0x12c: {  	v5 =	vshll.u32 v5, $0x4;
	v6 =	vperm.xlane v6, v3;
	v9 =	vadd.s32 v2, v13  }
0x12d: {  	[tilespmem:$0xA80] =	vst v4;
	v4 =	vor.u32 v0, v5;
	v5 =	vshll.u32 v63, $0x4  }
0x12e: {  	[tilespmem:$0xA90] =	vst v4;
	v4 =	vor.u32 v0, v5;
	v5 =	vshll.u32 v12, $0x4;
	v6 =	vadd.s32 v2, v6  }
0x12f: {  	[tilespmem:$0xAA0] =	vst v4;
	v4 =	vor.u32 v0, v5  }
0x130: {  	[tilespmem:$0xAB0] =	vst v4  }
0x131: {  	[tilespmem:s17], [sflag:$0x6] =	stream.indirect_vreg.gather [hbm4b:s1+s3], $0x80, v9, vm0, $0xb8;
	[tilespmem:$0x1D800] =	vst v63  }
0x132: {  	s0 =	simm.s32 $0x16000  }
0x133: {  	[tilespmem:s0], [sflag:$0x6] =	stream.indirect_vreg.gather [hbm4b:s1+s3], $0x80, v6, vm0, $0xb8;
	[tilespmem:$0x1D800] =	vst v63  }
0x134: {  	v4 =	vld [tilespmem:$0xA90];
	_ =	sdelay $0x4  }
0x135: {  	v5 =	vshll.u32 v4, $0x1  }
0x136: {  	v4 =	vand.u32 $0x7, v4;
	v5 =	vand.u32 $0xFFFFFFF0, v5  }
0x137: {  	v4 =	vor.u32 v4, v5  }
0x138: {  	v5 =	vperm.xlane v4, v1;
	_ =	sdelay $0x1  }
0x139: {  	v4 =	vperm.xlane v4, v3;
	v5 =	vadd.s32 v2, v5;
	_ =	sdelay $0x1  }
0x13a: {  	v4 =	vadd.s32 v2, v4;
	_ =	sdelay $0x1  }
0x13b: {  	s0 =	simm.s32 $0x16800  }
0x13c: {  	[tilespmem:s0], [sflag:$0x6] =	stream.indirect_vreg.gather [hbm4b:s1+s3], $0x80, v5, vm0, $0xb8;
	[tilespmem:$0x1D800] =	vst v63  }
0x13d: {  	s0 =	simm.s32 $0x17000  }
0x13e: {  	[tilespmem:s0], [sflag:$0x6] =	stream.indirect_vreg.gather [hbm4b:s1+s3], $0x80, v4, vm0, $0xb8;
	[tilespmem:$0x1D800] =	vst v63  }
0x13f: {  	v4 =	vld [tilespmem:$0xAA0];
	_ =	sdelay $0x4  }
0x140: {  	v5 =	vshll.u32 v4, $0x1  }
0x141: {  	v4 =	vand.u32 $0x7, v4;
	v5 =	vand.u32 $0xFFFFFFF0, v5  }
0x142: {  	v4 =	vor.u32 v4, v5  }
0x143: {  	v5 =	vperm.xlane v4, v1;
	_ =	sdelay $0x1  }
0x144: {  	v4 =	vperm.xlane v4, v3;
	v5 =	vadd.s32 v2, v5;
	_ =	sdelay $0x1  }
0x145: {  	v4 =	vadd.s32 v2, v4;
	_ =	sdelay $0x1  }
0x146: {  	s0 =	simm.s32 $0x17800  }
0x147: {  	[tilespmem:s0], [sflag:$0x6] =	stream.indirect_vreg.gather [hbm4b:s1+s3], $0x80, v5, vm0, $0xb8;
	[tilespmem:$0x1D800] =	vst v63  }
0x148: {  	s0 =	simm.s32 $0x18000  }
0x149: {  	[tilespmem:s0], [sflag:$0x6] =	stream.indirect_vreg.gather [hbm4b:s1+s3], $0x80, v4, vm0, $0xb8;
	[tilespmem:$0x1D800] =	vst v63  }
0x14a: {  	v4 =	vld [tilespmem:$0xAB0];
	_ =	sdelay $0x4  }
0x14b: {  	v5 =	vshll.u32 v4, $0x1  }
0x14c: {  	v4 =	vand.u32 $0x7, v4;
	v5 =	vand.u32 $0xFFFFFFF0, v5  }
0x14d: {  	v4 =	vor.u32 v4, v5  }
0x14e: {  	v5 =	vperm.xlane v4, v1;
	_ =	sdelay $0x1  }
0x14f: {  	v4 =	vperm.xlane v4, v3;
	v5 =	vadd.s32 v2, v5;
	_ =	sdelay $0x1  }
0x150: {  	v4 =	vadd.s32 v2, v4;
	_ =	sdelay $0x1  }
0x151: {  	s0 =	simm.s32 $0x18800  }
0x152: {  	[tilespmem:s0], [sflag:$0x6] =	stream.indirect_vreg.gather [hbm4b:s1+s3], $0x80, v5, vm0, $0xb8;
	[tilespmem:$0x1D800] =	vst v63  }
0x153: {  	s0 =	simm.s32 $0x19000  }
0x154: {  	[tilespmem:s0], [sflag:$0x6] =	stream.indirect_vreg.gather [hbm4b:s1+s3], $0x80, v4, vm0, $0xb8;
	[tilespmem:$0x1D800] =	vst v63  }
0x155: {  	_ =	swait.ge [sflag:s16], $0x4000  }
0x156: {  	[sflag:s16] =	ssyncset.done $0x0  }
0x157: {  	s0 =	rddreg [dreg:$0x5];
	[sflag:s16] =	ssyncadd.s32 $0xFFFFC000  }
0x158: {  	[hbm4b:s0+s3] =	stream.linear.scatter [tilespmem:s15], [sflag:$0x9], $0x4000, $0x38;
	[tilespmem:$0x1D800] =	vst v63  }
0x159: {  	v4 =	vld [tilespmem:$0x180];
	_ =	sdelay $0x4  }
0x15a: {  	v4 =	vshll.u32 v4, $0x4  }
0x15b: {  	v4 =	vor.u32 v0, v4  }
0x15c: {  	v5 =	vld [tilespmem:$0x190];
	v14 =	vshll.u32 v4, $0x1  }
0x15d: {  	v15 =	vld [tilespmem:$0x1A0];
	v6 =	vand.u32 $0xFFFFFFF0, v14  }
0x15e: {  	v16 =	vld [tilespmem:$0x1B0];
	v6 =	vor.u32 v1, v6  }
0x15f: {  	v17 =	vperm.xlane v6, v1;
	_ =	sdelay $0x1  }
0x160: {  	v5 =	vshll.u32 v5, $0x4;
	v6 =	vperm.xlane v6, v3;
	v9 =	vadd.s32 v2, v17  }
0x161: {  	[tilespmem:$0xB00] =	vst v4;
	v4 =	vor.u32 v0, v5;
	v5 =	vshll.u32 v15, $0x4  }
0x162: {  	[tilespmem:$0xB10] =	vst v4;
	v4 =	vor.u32 v0, v5;
	v5 =	vshll.u32 v16, $0x4;
	v6 =	vadd.s32 v2, v6  }
0x163: {  	[tilespmem:$0xB20] =	vst v4;
	v4 =	vor.u32 v0, v5  }
0x164: {  	[tilespmem:$0xB30] =	vst v4  }
0x165: {  	[tilespmem:s7], [sflag:$0x7] =	stream.indirect_vreg.gather [hbm4b:s1+s3], $0x80, v9, vm0, $0xb8;
	[tilespmem:$0x1D800] =	vst v63  }
0x166: {  	s0 =	simm.s32 $0x1A000  }
0x167: {  	[tilespmem:s0], [sflag:$0x7] =	stream.indirect_vreg.gather [hbm4b:s1+s3], $0x80, v6, vm0, $0xb8;
	[tilespmem:$0x1D800] =	vst v63  }
0x168: {  	v4 =	vld [tilespmem:$0xB10];
	_ =	sdelay $0x4  }
0x169: {  	v5 =	vshll.u32 v4, $0x1  }
0x16a: {  	v4 =	vand.u32 $0x7, v4;
	v5 =	vand.u32 $0xFFFFFFF0, v5  }
0x16b: {  	v4 =	vor.u32 v4, v5  }
0x16c: {  	v5 =	vperm.xlane v4, v1;
	_ =	sdelay $0x1  }
0x16d: {  	v4 =	vperm.xlane v4, v3;
	v5 =	vadd.s32 v2, v5;
	_ =	sdelay $0x1  }
0x16e: {  	v4 =	vadd.s32 v2, v4;
	_ =	sdelay $0x1  }
0x16f: {  	s0 =	simm.s32 $0x1A800  }
0x170: {  	[tilespmem:s0], [sflag:$0x7] =	stream.indirect_vreg.gather [hbm4b:s1+s3], $0x80, v5, vm0, $0xb8;
	[tilespmem:$0x1D800] =	vst v63  }
0x171: {  	s0 =	simm.s32 $0x1B000  }
0x172: {  	[tilespmem:s0], [sflag:$0x7] =	stream.indirect_vreg.gather [hbm4b:s1+s3], $0x80, v4, vm0, $0xb8;
	[tilespmem:$0x1D800] =	vst v63  }
0x173: {  	v4 =	vld [tilespmem:$0xB20];
	_ =	sdelay $0x4  }
0x174: {  	v5 =	vshll.u32 v4, $0x1  }
0x175: {  	v4 =	vand.u32 $0x7, v4;
	v5 =	vand.u32 $0xFFFFFFF0, v5  }
0x176: {  	v4 =	vor.u32 v4, v5  }
0x177: {  	v5 =	vperm.xlane v4, v1;
	_ =	sdelay $0x1  }
0x178: {  	v4 =	vperm.xlane v4, v3;
	v5 =	vadd.s32 v2, v5;
	_ =	sdelay $0x1  }
0x179: {  	v4 =	vadd.s32 v2, v4;
	_ =	sdelay $0x1  }
0x17a: {  	s0 =	simm.s32 $0x1B800  }
0x17b: {  	[tilespmem:s0], [sflag:$0x7] =	stream.indirect_vreg.gather [hbm4b:s1+s3], $0x80, v5, vm0, $0xb8;
	[tilespmem:$0x1D800] =	vst v63  }
0x17c: {  	s0 =	simm.s32 $0x1C000  }
0x17d: {  	[tilespmem:s0], [sflag:$0x7] =	stream.indirect_vreg.gather [hbm4b:s1+s3], $0x80, v4, vm0, $0xb8;
	[tilespmem:$0x1D800] =	vst v63  }
0x17e: {  	v4 =	vld [tilespmem:$0xB30];
	_ =	sdelay $0x4  }
0x17f: {  	v5 =	vshll.u32 v4, $0x1  }
0x180: {  	v4 =	vand.u32 $0x7, v4;
	v5 =	vand.u32 $0xFFFFFFF0, v5  }
0x181: {  	v4 =	vor.u32 v4, v5  }
0x182: {  	v5 =	vperm.xlane v4, v1;
	_ =	sdelay $0x1  }
0x183: {  	v4 =	vperm.xlane v4, v3;
	v5 =	vadd.s32 v2, v5;
	_ =	sdelay $0x1  }
0x184: {  	v4 =	vadd.s32 v2, v4;
	_ =	sdelay $0x1  }
0x185: {  	s0 =	simm.s32 $0x1C800  }
0x186: {  	[tilespmem:s0], [sflag:$0x7] =	stream.indirect_vreg.gather [hbm4b:s1+s3], $0x80, v5, vm0, $0xb8;
	[tilespmem:$0x1D800] =	vst v63  }
0x187: {  	s0 =	simm.s32 $0x1D000  }
0x188: {  	[tilespmem:s0], [sflag:$0x7] =	stream.indirect_vreg.gather [hbm4b:s1+s3], $0x80, v4, vm0, $0xb8;
	[tilespmem:$0x1D800] =	vst v63  }
0x189: {  	_ =	swait.ge [sflag:s18], $0x4000  }
0x18a: {  	[sflag:s18] =	ssyncset.done $0x0  }
0x18b: {  	s0 =	rddreg [dreg:$0x6];
	[sflag:s18] =	ssyncadd.s32 $0xFFFFC000  }
0x18c: {  	[hbm4b:s0+s3] =	stream.linear.scatter [tilespmem:s23], [sflag:$0xA], $0x4000, $0x38;
	[tilespmem:$0x1D800] =	vst v63  }
0x18d: {  	_ =	swait.ge [sflag:s19], $0x4000  }
0x18e: {  	[sflag:s19] =	ssyncset.done $0x0  }
0x18f: {  	[sflag:s19] =	ssyncadd.s32 $0xFFFFC000  }
0x190: {  	v4 =	vld [tilespmem:$0x1C0];
	_ =	sdelay $0x4  }
0x191: {  	v4 =	vshll.u32 v4, $0x4  }
0x192: {  	v4 =	vor.u32 v0, v4  }
0x193: {  	v5 =	vld [tilespmem:$0x1D0];
	v18 =	vshll.u32 v4, $0x1  }
0x194: {  	v19 =	vld [tilespmem:$0x1E0];
	v6 =	vand.u32 $0xFFFFFFF0, v18  }
0x195: {  	v20 =	vld [tilespmem:$0x1F0];
	v6 =	vor.u32 v1, v6  }
0x196: {  	v21 =	vperm.xlane v6, v1;
	_ =	sdelay $0x1  }
0x197: {  	v5 =	vshll.u32 v5, $0x4;
	v6 =	vperm.xlane v6, v3;
	v9 =	vadd.s32 v2, v21  }
0x198: {  	[tilespmem:$0xB80] =	vst v4;
	v4 =	vor.u32 v0, v5;
	v5 =	vshll.u32 v19, $0x4  }
0x199: {  	[tilespmem:$0xB90] =	vst v4;
	v4 =	vor.u32 v0, v5;
	v5 =	vshll.u32 v20, $0x4;
	v6 =	vadd.s32 v2, v6  }
0x19a: {  	[tilespmem:$0xBA0] =	vst v4;
	v4 =	vor.u32 v0, v5  }
0x19b: {  	[tilespmem:$0xBB0] =	vst v4  }
0x19c: {  	[tilespmem:s4], [sflag:$0x1] =	stream.indirect_vreg.gather [hbm4b:s1+s3], $0x80, v9, vm0, $0xb8;
	[tilespmem:$0x1D800] =	vst v63  }
0x19d: {  	s6 =	simm.s32 $0x2000  }
0x19e: {  	[tilespmem:s6], [sflag:$0x1] =	stream.indirect_vreg.gather [hbm4b:s1+s3], $0x80, v6, vm0, $0xb8;
	[tilespmem:$0x1D800] =	vst v63  }
0x19f: {  	v4 =	vld [tilespmem:$0xB90];
	_ =	sdelay $0x4  }
0x1a0: {  	v5 =	vshll.u32 v4, $0x1  }
0x1a1: {  	v4 =	vand.u32 $0x7, v4;
	v5 =	vand.u32 $0xFFFFFFF0, v5  }
0x1a2: {  	v4 =	vor.u32 v4, v5  }
0x1a3: {  	v5 =	vperm.xlane v4, v1;
	_ =	sdelay $0x1  }
0x1a4: {  	v4 =	vperm.xlane v4, v3;
	v5 =	vadd.s32 v2, v5;
	_ =	sdelay $0x1  }
0x1a5: {  	v4 =	vadd.s32 v2, v4;
	_ =	sdelay $0x1  }
0x1a6: {  	s6 =	simm.s32 $0x2800  }
0x1a7: {  	[tilespmem:s6], [sflag:$0x1] =	stream.indirect_vreg.gather [hbm4b:s1+s3], $0x80, v5, vm0, $0xb8;
	[tilespmem:$0x1D800] =	vst v63  }
0x1a8: {  	s8 =	simm.s32 $0x3000  }
0x1a9: {  	[tilespmem:s8], [sflag:$0x1] =	stream.indirect_vreg.gather [hbm4b:s1+s3], $0x80, v4, vm0, $0xb8;
	[tilespmem:$0x1D800] =	vst v63  }
0x1aa: {  	v4 =	vld [tilespmem:$0xBA0];
	_ =	sdelay $0x4  }
0x1ab: {  	v5 =	vshll.u32 v4, $0x1  }
0x1ac: {  	v4 =	vand.u32 $0x7, v4;
	v5 =	vand.u32 $0xFFFFFFF0, v5  }
0x1ad: {  	v4 =	vor.u32 v4, v5  }
0x1ae: {  	v5 =	vperm.xlane v4, v1;
	_ =	sdelay $0x1  }
0x1af: {  	v4 =	vperm.xlane v4, v3;
	v5 =	vadd.s32 v2, v5;
	_ =	sdelay $0x1  }
0x1b0: {  	v4 =	vadd.s32 v2, v4;
	_ =	sdelay $0x1  }
0x1b1: {  	s11 =	simm.s32 $0x3800  }
0x1b2: {  	[tilespmem:s11], [sflag:$0x1] =	stream.indirect_vreg.gather [hbm4b:s1+s3], $0x80, v5, vm0, $0xb8;
	[tilespmem:$0x1D800] =	vst v63  }
0x1b3: {  	s9 =	simm.s32 $0x4000  }
0x1b4: {  	[tilespmem:s9], [sflag:$0x1] =	stream.indirect_vreg.gather [hbm4b:s1+s3], $0x80, v4, vm0, $0xb8;
	[tilespmem:$0x1D800] =	vst v63  }
0x1b5: {  	v4 =	vld [tilespmem:$0xBB0];
	_ =	sdelay $0x4  }
0x1b6: {  	v5 =	vshll.u32 v4, $0x1  }
0x1b7: {  	v4 =	vand.u32 $0x7, v4;
	v5 =	vand.u32 $0xFFFFFFF0, v5  }
0x1b8: {  	v4 =	vor.u32 v4, v5  }
0x1b9: {  	v5 =	vperm.xlane v4, v1;
	_ =	sdelay $0x1  }
0x1ba: {  	v4 =	vperm.xlane v4, v3;
	v5 =	vadd.s32 v2, v5;
	_ =	sdelay $0x1  }
0x1bb: {  	v4 =	vadd.s32 v2, v4;
	_ =	sdelay $0x1  }
0x1bc: {  	s12 =	simm.s32 $0x4800  }
0x1bd: {  	[tilespmem:s12], [sflag:$0x1] =	stream.indirect_vreg.gather [hbm4b:s1+s3], $0x80, v5, vm0, $0xb8;
	[tilespmem:$0x1D800] =	vst v63  }
0x1be: {  	s10 =	simm.s32 $0x5000  }
0x1bf: {  	[tilespmem:s10], [sflag:$0x1] =	stream.indirect_vreg.gather [hbm4b:s1+s3], $0x80, v4, vm0, $0xb8;
	[tilespmem:$0x1D800] =	vst v63  }
0x1c0: {  	_ =	swait.ge [sflag:s20], $0x4000  }
0x1c1: {  	[sflag:s20] =	ssyncset.done $0x0  }
0x1c2: {  	s10 =	rddreg [dreg:$0x7];
	[sflag:s20] =	ssyncadd.s32 $0xFFFFC000  }
0x1c3: {  	[hbm4b:s10+s3] =	stream.linear.scatter [tilespmem:s2], [sflag:$0xB], $0x4000, $0x38;
	[tilespmem:$0x1D800] =	vst v63  }
0x1c4: {  	_ =	swait.ge [sflag:s21], $0x4000  }
0x1c5: {  	[sflag:s21] =	ssyncset.done $0x0  }
0x1c6: {  	[sflag:s21] =	ssyncadd.s32 $0xFFFFC000  }
0x1c7: {  	v4 =	vld [tilespmem:$0x200];
	_ =	sdelay $0x4  }
0x1c8: {  	v4 =	vshll.u32 v4, $0x4  }
0x1c9: {  	v4 =	vor.u32 v0, v4  }
0x1ca: {  	v5 =	vld [tilespmem:$0x210];
	v22 =	vshll.u32 v4, $0x1  }
0x1cb: {  	v23 =	vld [tilespmem:$0x220];
	v6 =	vand.u32 $0xFFFFFFF0, v22  }
0x1cc: {  	v24 =	vld [tilespmem:$0x230];
	v6 =	vor.u32 v1, v6  }
0x1cd: {  	v25 =	vperm.xlane v6, v1;
	_ =	sdelay $0x1  }
0x1ce: {  	v5 =	vshll.u32 v5, $0x4;
	v6 =	vperm.xlane v6, v3;
	v9 =	vadd.s32 v2, v25  }
0x1cf: {  	[tilespmem:$0xC00] =	vst v4;
	v4 =	vor.u32 v0, v5;
	v5 =	vshll.u32 v23, $0x4  }
0x1d0: {  	[tilespmem:$0xC10] =	vst v4;
	v4 =	vor.u32 v0, v5;
	v5 =	vshll.u32 v24, $0x4;
	v6 =	vadd.s32 v2, v6  }
0x1d1: {  	[tilespmem:$0xC20] =	vst v4;
	v4 =	vor.u32 v0, v5  }
0x1d2: {  	[tilespmem:$0xC30] =	vst v4  }
0x1d3: {  	[tilespmem:s15], [sflag:$0x2] =	stream.indirect_vreg.gather [hbm4b:s1+s3], $0x80, v9, vm0, $0xb8;
	[tilespmem:$0x1D800] =	vst v63  }
0x1d4: {  	s11 =	simm.s32 $0x6000  }
0x1d5: {  	[tilespmem:s11], [sflag:$0x2] =	stream.indirect_vreg.gather [hbm4b:s1+s3], $0x80, v6, vm0, $0xb8;
	[tilespmem:$0x1D800] =	vst v63  }
0x1d6: {  	v4 =	vld [tilespmem:$0xC10];
	_ =	sdelay $0x4  }
0x1d7: {  	v5 =	vshll.u32 v4, $0x1  }
0x1d8: {  	v4 =	vand.u32 $0x7, v4;
	v5 =	vand.u32 $0xFFFFFFF0, v5  }
0x1d9: {  	v4 =	vor.u32 v4, v5  }
0x1da: {  	v5 =	vperm.xlane v4, v1;
	_ =	sdelay $0x1  }
0x1db: {  	v4 =	vperm.xlane v4, v3;
	v5 =	vadd.s32 v2, v5;
	_ =	sdelay $0x1  }
0x1dc: {  	v4 =	vadd.s32 v2, v4;
	_ =	sdelay $0x1  }
0x1dd: {  	s12 =	simm.s32 $0x6800  }
0x1de: {  	[tilespmem:s12], [sflag:$0x2] =	stream.indirect_vreg.gather [hbm4b:s1+s3], $0x80, v5, vm0, $0xb8;
	[tilespmem:$0x1D800] =	vst v63  }
0x1df: {  	s6 =	simm.s32 $0x7000  }
0x1e0: {  	[tilespmem:s6], [sflag:$0x2] =	stream.indirect_vreg.gather [hbm4b:s1+s3], $0x80, v4, vm0, $0xb8;
	[tilespmem:$0x1D800] =	vst v63  }
0x1e1: {  	v4 =	vld [tilespmem:$0xC20];
	_ =	sdelay $0x4  }
0x1e2: {  	v5 =	vshll.u32 v4, $0x1  }
0x1e3: {  	v4 =	vand.u32 $0x7, v4;
	v5 =	vand.u32 $0xFFFFFFF0, v5  }
0x1e4: {  	v4 =	vor.u32 v4, v5  }
0x1e5: {  	v5 =	vperm.xlane v4, v1;
	_ =	sdelay $0x1  }
0x1e6: {  	v4 =	vperm.xlane v4, v3;
	v5 =	vadd.s32 v2, v5;
	_ =	sdelay $0x1  }
0x1e7: {  	v4 =	vadd.s32 v2, v4;
	_ =	sdelay $0x1  }
0x1e8: {  	s8 =	simm.s32 $0x7800  }
0x1e9: {  	[tilespmem:s8], [sflag:$0x2] =	stream.indirect_vreg.gather [hbm4b:s1+s3], $0x80, v5, vm0, $0xb8;
	[tilespmem:$0x1D800] =	vst v63  }
0x1ea: {  	s9 =	simm.s32 $0x8000  }
0x1eb: {  	[tilespmem:s9], [sflag:$0x2] =	stream.indirect_vreg.gather [hbm4b:s1+s3], $0x80, v4, vm0, $0xb8;
	[tilespmem:$0x1D800] =	vst v63  }
0x1ec: {  	v4 =	vld [tilespmem:$0xC30];
	_ =	sdelay $0x4  }
0x1ed: {  	v5 =	vshll.u32 v4, $0x1  }
0x1ee: {  	v4 =	vand.u32 $0x7, v4;
	v5 =	vand.u32 $0xFFFFFFF0, v5  }
0x1ef: {  	v4 =	vor.u32 v4, v5  }
0x1f0: {  	v5 =	vperm.xlane v4, v1;
	_ =	sdelay $0x1  }
0x1f1: {  	v4 =	vperm.xlane v4, v3;
	v5 =	vadd.s32 v2, v5;
	_ =	sdelay $0x1  }
0x1f2: {  	v4 =	vadd.s32 v2, v4;
	_ =	sdelay $0x1  }
0x1f3: {  	s10 =	simm.s32 $0x8800  }
0x1f4: {  	[tilespmem:s10], [sflag:$0x2] =	stream.indirect_vreg.gather [hbm4b:s1+s3], $0x80, v5, vm0, $0xb8;
	[tilespmem:$0x1D800] =	vst v63  }
0x1f5: {  	s11 =	simm.s32 $0x9000  }
0x1f6: {  	[tilespmem:s11], [sflag:$0x2] =	stream.indirect_vreg.gather [hbm4b:s1+s3], $0x80, v4, vm0, $0xb8;
	[tilespmem:$0x1D800] =	vst v63  }
0x1f7: {  	_ =	swait.ge [sflag:s22], $0x4000  }
0x1f8: {  	[sflag:s22] =	ssyncset.done $0x0  }
0x1f9: {  	s12 =	rddreg [dreg:$0x8];
	[sflag:s22] =	ssyncadd.s32 $0xFFFFC000  }
0x1fa: {  	[hbm4b:s12+s3] =	stream.linear.scatter [tilespmem:s14], [sflag:$0xC], $0x4000, $0x38;
	[tilespmem:$0x1D800] =	vst v63  }
0x1fb: {  	_ =	swait.ge [sflag:s24], $0x4000  }
0x1fc: {  	[sflag:s24] =	ssyncset.done $0x0  }
0x1fd: {  	[sflag:s24] =	ssyncadd.s32 $0xFFFFC000  }
0x1fe: {  	v4 =	vld [tilespmem:$0x240];
	_ =	sdelay $0x4  }
0x1ff: {  	v4 =	vshll.u32 v4, $0x4  }
0x200: {  	v4 =	vor.u32 v0, v4  }
0x201: {  	v5 =	vld [tilespmem:$0x250];
	v26 =	vshll.u32 v4, $0x1  }
0x202: {  	v27 =	vld [tilespmem:$0x260];
	v6 =	vand.u32 $0xFFFFFFF0, v26  }
0x203: {  	v28 =	vld [tilespmem:$0x270];
	v6 =	vor.u32 v1, v6  }
0x204: {  	v29 =	vperm.xlane v6, v1;
	_ =	sdelay $0x1  }
0x205: {  	v5 =	vshll.u32 v5, $0x4;
	v6 =	vperm.xlane v6, v3;
	v9 =	vadd.s32 v2, v29  }
0x206: {  	[tilespmem:$0xC80] =	vst v4;
	v4 =	vor.u32 v0, v5;
	v5 =	vshll.u32 v27, $0x4  }
0x207: {  	[tilespmem:$0xC90] =	vst v4;
	v4 =	vor.u32 v0, v5;
	v5 =	vshll.u32 v28, $0x4;
	v6 =	vadd.s32 v2, v6  }
0x208: {  	[tilespmem:$0xCA0] =	vst v4;
	v4 =	vor.u32 v0, v5  }
0x209: {  	[tilespmem:$0xCB0] =	vst v4  }
0x20a: {  	[tilespmem:s23], [sflag:$0x3] =	stream.indirect_vreg.gather [hbm4b:s1+s3], $0x80, v9, vm0, $0xb8;
	[tilespmem:$0x1D800] =	vst v63  }
0x20b: {  	s6 =	simm.s32 $0xA000  }
0x20c: {  	[tilespmem:s6], [sflag:$0x3] =	stream.indirect_vreg.gather [hbm4b:s1+s3], $0x80, v6, vm0, $0xb8;
	[tilespmem:$0x1D800] =	vst v63  }
0x20d: {  	v4 =	vld [tilespmem:$0xC90];
	_ =	sdelay $0x4  }
0x20e: {  	v5 =	vshll.u32 v4, $0x1  }
0x20f: {  	v4 =	vand.u32 $0x7, v4;
	v5 =	vand.u32 $0xFFFFFFF0, v5  }
0x210: {  	v4 =	vor.u32 v4, v5  }
0x211: {  	v5 =	vperm.xlane v4, v1;
	_ =	sdelay $0x1  }
0x212: {  	v4 =	vperm.xlane v4, v3;
	v5 =	vadd.s32 v2, v5;
	_ =	sdelay $0x1  }
0x213: {  	v4 =	vadd.s32 v2, v4;
	_ =	sdelay $0x1  }
0x214: {  	s8 =	simm.s32 $0xA800  }
0x215: {  	[tilespmem:s8], [sflag:$0x3] =	stream.indirect_vreg.gather [hbm4b:s1+s3], $0x80, v5, vm0, $0xb8;
	[tilespmem:$0x1D800] =	vst v63  }
0x216: {  	s9 =	simm.s32 $0xB000  }
0x217: {  	[tilespmem:s9], [sflag:$0x3] =	stream.indirect_vreg.gather [hbm4b:s1+s3], $0x80, v4, vm0, $0xb8;
	[tilespmem:$0x1D800] =	vst v63  }
0x218: {  	v4 =	vld [tilespmem:$0xCA0];
	_ =	sdelay $0x4  }
0x219: {  	v5 =	vshll.u32 v4, $0x1  }
0x21a: {  	v4 =	vand.u32 $0x7, v4;
	v5 =	vand.u32 $0xFFFFFFF0, v5  }
0x21b: {  	v4 =	vor.u32 v4, v5  }
0x21c: {  	v5 =	vperm.xlane v4, v1;
	_ =	sdelay $0x1  }
0x21d: {  	v4 =	vperm.xlane v4, v3;
	v5 =	vadd.s32 v2, v5;
	_ =	sdelay $0x1  }
0x21e: {  	v4 =	vadd.s32 v2, v4;
	_ =	sdelay $0x1  }
0x21f: {  	s10 =	simm.s32 $0xB800  }
0x220: {  	[tilespmem:s10], [sflag:$0x3] =	stream.indirect_vreg.gather [hbm4b:s1+s3], $0x80, v5, vm0, $0xb8;
	[tilespmem:$0x1D800] =	vst v63  }
0x221: {  	s11 =	simm.s32 $0xC000  }
0x222: {  	[tilespmem:s11], [sflag:$0x3] =	stream.indirect_vreg.gather [hbm4b:s1+s3], $0x80, v4, vm0, $0xb8;
	[tilespmem:$0x1D800] =	vst v63  }
0x223: {  	v4 =	vld [tilespmem:$0xCB0];
	_ =	sdelay $0x4  }
0x224: {  	v5 =	vshll.u32 v4, $0x1  }
0x225: {  	v4 =	vand.u32 $0x7, v4;
	v5 =	vand.u32 $0xFFFFFFF0, v5  }
0x226: {  	v4 =	vor.u32 v4, v5  }
0x227: {  	v5 =	vperm.xlane v4, v1;
	_ =	sdelay $0x1  }
0x228: {  	v4 =	vperm.xlane v4, v3;
	v5 =	vadd.s32 v2, v5;
	_ =	sdelay $0x1  }
0x229: {  	v4 =	vadd.s32 v2, v4;
	_ =	sdelay $0x1  }
0x22a: {  	s12 =	simm.s32 $0xC800  }
0x22b: {  	[tilespmem:s12], [sflag:$0x3] =	stream.indirect_vreg.gather [hbm4b:s1+s3], $0x80, v5, vm0, $0xb8;
	[tilespmem:$0x1D800] =	vst v63  }
0x22c: {  	s6 =	simm.s32 $0xD000  }
0x22d: {  	[tilespmem:s6], [sflag:$0x3] =	stream.indirect_vreg.gather [hbm4b:s1+s3], $0x80, v4, vm0, $0xb8;
	[tilespmem:$0x1D800] =	vst v63  }
0x22e: {  	_ =	swait.ge [sflag:s25], $0x4000  }
0x22f: {  	[sflag:s25] =	ssyncset.done $0x0  }
0x230: {  	s8 =	rddreg [dreg:$0x9];
	[sflag:s25] =	ssyncadd.s32 $0xFFFFC000  }
0x231: {  	[hbm4b:s8+s3] =	stream.linear.scatter [tilespmem:s17], [sflag:$0xD], $0x4000, $0x38;
	[tilespmem:$0x1D800] =	vst v63  }
0x232: {  	_ =	swait.ge [sflag:s26], $0x4000  }
0x233: {  	[sflag:s26] =	ssyncset.done $0x0  }
0x234: {  	[sflag:s26] =	ssyncadd.s32 $0xFFFFC000  }
0x235: {  	v4 =	vld [tilespmem:$0x280];
	_ =	sdelay $0x4  }
0x236: {  	v4 =	vshll.u32 v4, $0x4  }
0x237: {  	v4 =	vor.u32 v0, v4  }
0x238: {  	v5 =	vld [tilespmem:$0x290];
	v30 =	vshll.u32 v4, $0x1  }
0x239: {  	v31 =	vld [tilespmem:$0x2A0];
	v6 =	vand.u32 $0xFFFFFFF0, v30  }
0x23a: {  	v32 =	vld [tilespmem:$0x2B0];
	v6 =	vor.u32 v1, v6  }
0x23b: {  	v33 =	vperm.xlane v6, v1;
	_ =	sdelay $0x1  }
0x23c: {  	v5 =	vshll.u32 v5, $0x4;
	v6 =	vperm.xlane v6, v3;
	v9 =	vadd.s32 v2, v33  }
0x23d: {  	[tilespmem:$0xD00] =	vst v4;
	v4 =	vor.u32 v0, v5;
	v5 =	vshll.u32 v31, $0x4  }
0x23e: {  	[tilespmem:$0xD10] =	vst v4;
	v4 =	vor.u32 v0, v5;
	v5 =	vshll.u32 v32, $0x4;
	v6 =	vadd.s32 v2, v6  }
0x23f: {  	[tilespmem:$0xD20] =	vst v4;
	v4 =	vor.u32 v0, v5  }
0x240: {  	[tilespmem:$0xD30] =	vst v4  }
0x241: {  	[tilespmem:s2], [sflag:$0x4] =	stream.indirect_vreg.gather [hbm4b:s1+s3], $0x80, v9, vm0, $0xb8;
	[tilespmem:$0x1D800] =	vst v63  }
0x242: {  	s9 =	simm.s32 $0xE000  }
0x243: {  	[tilespmem:s9], [sflag:$0x4] =	stream.indirect_vreg.gather [hbm4b:s1+s3], $0x80, v6, vm0, $0xb8;
	[tilespmem:$0x1D800] =	vst v63  }
0x244: {  	v4 =	vld [tilespmem:$0xD10];
	_ =	sdelay $0x4  }
0x245: {  	v5 =	vshll.u32 v4, $0x1  }
0x246: {  	v4 =	vand.u32 $0x7, v4;
	v5 =	vand.u32 $0xFFFFFFF0, v5  }
0x247: {  	v4 =	vor.u32 v4, v5  }
0x248: {  	v5 =	vperm.xlane v4, v1;
	_ =	sdelay $0x1  }
0x249: {  	v4 =	vperm.xlane v4, v3;
	v5 =	vadd.s32 v2, v5;
	_ =	sdelay $0x1  }
0x24a: {  	v4 =	vadd.s32 v2, v4;
	_ =	sdelay $0x1  }
0x24b: {  	s10 =	simm.s32 $0xE800  }
0x24c: {  	[tilespmem:s10], [sflag:$0x4] =	stream.indirect_vreg.gather [hbm4b:s1+s3], $0x80, v5, vm0, $0xb8;
	[tilespmem:$0x1D800] =	vst v63  }
0x24d: {  	s11 =	simm.s32 $0xF000  }
0x24e: {  	[tilespmem:s11], [sflag:$0x4] =	stream.indirect_vreg.gather [hbm4b:s1+s3], $0x80, v4, vm0, $0xb8;
	[tilespmem:$0x1D800] =	vst v63  }
0x24f: {  	v4 =	vld [tilespmem:$0xD20];
	_ =	sdelay $0x4  }
0x250: {  	v5 =	vshll.u32 v4, $0x1  }
0x251: {  	v4 =	vand.u32 $0x7, v4;
	v5 =	vand.u32 $0xFFFFFFF0, v5  }
0x252: {  	v4 =	vor.u32 v4, v5  }
0x253: {  	v5 =	vperm.xlane v4, v1;
	_ =	sdelay $0x1  }
0x254: {  	v4 =	vperm.xlane v4, v3;
	v5 =	vadd.s32 v2, v5;
	_ =	sdelay $0x1  }
0x255: {  	v4 =	vadd.s32 v2, v4;
	_ =	sdelay $0x1  }
0x256: {  	s12 =	simm.s32 $0xF800  }
0x257: {  	[tilespmem:s12], [sflag:$0x4] =	stream.indirect_vreg.gather [hbm4b:s1+s3], $0x80, v5, vm0, $0xb8;
	[tilespmem:$0x1D800] =	vst v63  }
0x258: {  	s10 =	simm.s32 $0x10000  }
0x259: {  	[tilespmem:s10], [sflag:$0x4] =	stream.indirect_vreg.gather [hbm4b:s1+s3], $0x80, v4, vm0, $0xb8;
	[tilespmem:$0x1D800] =	vst v63  }
0x25a: {  	v4 =	vld [tilespmem:$0xD30];
	_ =	sdelay $0x4  }
0x25b: {  	v5 =	vshll.u32 v4, $0x1  }
0x25c: {  	v4 =	vand.u32 $0x7, v4;
	v5 =	vand.u32 $0xFFFFFFF0, v5  }
0x25d: {  	v4 =	vor.u32 v4, v5  }
0x25e: {  	v5 =	vperm.xlane v4, v1;
	_ =	sdelay $0x1  }
0x25f: {  	v4 =	vperm.xlane v4, v3;
	v5 =	vadd.s32 v2, v5;
	_ =	sdelay $0x1  }
0x260: {  	v4 =	vadd.s32 v2, v4;
	_ =	sdelay $0x1  }
0x261: {  	s12 =	simm.s32 $0x10800  }
0x262: {  	[tilespmem:s12], [sflag:$0x4] =	stream.indirect_vreg.gather [hbm4b:s1+s3], $0x80, v5, vm0, $0xb8;
	[tilespmem:$0x1D800] =	vst v63  }
0x263: {  	s0 =	simm.s32 $0x11000  }
0x264: {  	[tilespmem:s0], [sflag:$0x4] =	stream.indirect_vreg.gather [hbm4b:s1+s3], $0x80, v4, vm0, $0xb8;
	[tilespmem:$0x1D800] =	vst v63  }
0x265: {  	_ =	swait.ge [sflag:s28], $0x4000  }
0x266: {  	[sflag:s28] =	ssyncset.done $0x0  }
0x267: {  	s0 =	rddreg [dreg:$0xa];
	[sflag:s28] =	ssyncadd.s32 $0xFFFFC000  }
0x268: {  	[hbm4b:s0+s3] =	stream.linear.scatter [tilespmem:s7], [sflag:$0xE], $0x4000, $0x38;
	[tilespmem:$0x1D800] =	vst v63  }
0x269: {  	_ =	swait.ge [sflag:s29], $0x4000  }
0x26a: {  	[sflag:s29] =	ssyncset.done $0x0  }
0x26b: {  	[sflag:s29] =	ssyncadd.s32 $0xFFFFC000  }
0x26c: {  	v4 =	vld [tilespmem:$0x2C0];
	_ =	sdelay $0x4  }
0x26d: {  	v4 =	vshll.u32 v4, $0x4  }
0x26e: {  	v4 =	vor.u32 v0, v4  }
0x26f: {  	v5 =	vld [tilespmem:$0x2D0];
	v34 =	vshll.u32 v4, $0x1  }
0x270: {  	v35 =	vld [tilespmem:$0x2E0];
	v6 =	vand.u32 $0xFFFFFFF0, v34  }
0x271: {  	v36 =	vld [tilespmem:$0x2F0];
	v6 =	vor.u32 v1, v6  }
0x272: {  	v37 =	vperm.xlane v6, v1;
	_ =	sdelay $0x1  }
0x273: {  	v5 =	vshll.u32 v5, $0x4;
	v6 =	vperm.xlane v6, v3;
	v9 =	vadd.s32 v2, v37  }
0x274: {  	[tilespmem:$0xD80] =	vst v4;
	v4 =	vor.u32 v0, v5;
	v5 =	vshll.u32 v35, $0x4  }
0x275: {  	[tilespmem:$0xD90] =	vst v4;
	v4 =	vor.u32 v0, v5;
	v5 =	vshll.u32 v36, $0x4;
	v6 =	vadd.s32 v2, v6  }
0x276: {  	[tilespmem:$0xDA0] =	vst v4;
	v4 =	vor.u32 v0, v5  }
0x277: {  	[tilespmem:$0xDB0] =	vst v4  }
0x278: {  	[tilespmem:s14], [sflag:$0x5] =	stream.indirect_vreg.gather [hbm4b:s1+s3], $0x80, v9, vm0, $0xb8;
	[tilespmem:$0x1D800] =	vst v63  }
0x279: {  	s0 =	simm.s32 $0x12000  }
0x27a: {  	[tilespmem:s0], [sflag:$0x5] =	stream.indirect_vreg.gather [hbm4b:s1+s3], $0x80, v6, vm0, $0xb8;
	[tilespmem:$0x1D800] =	vst v63  }
0x27b: {  	v4 =	vld [tilespmem:$0xD90];
	_ =	sdelay $0x4  }
0x27c: {  	v5 =	vshll.u32 v4, $0x1  }
0x27d: {  	v4 =	vand.u32 $0x7, v4;
	v5 =	vand.u32 $0xFFFFFFF0, v5  }
0x27e: {  	v4 =	vor.u32 v4, v5  }
0x27f: {  	v5 =	vperm.xlane v4, v1;
	_ =	sdelay $0x1  }
0x280: {  	v4 =	vperm.xlane v4, v3;
	v5 =	vadd.s32 v2, v5;
	_ =	sdelay $0x1  }
0x281: {  	v4 =	vadd.s32 v2, v4;
	_ =	sdelay $0x1  }
0x282: {  	s0 =	simm.s32 $0x12800  }
0x283: {  	[tilespmem:s0], [sflag:$0x5] =	stream.indirect_vreg.gather [hbm4b:s1+s3], $0x80, v5, vm0, $0xb8;
	[tilespmem:$0x1D800] =	vst v63  }
0x284: {  	s0 =	simm.s32 $0x13000  }
0x285: {  	[tilespmem:s0], [sflag:$0x5] =	stream.indirect_vreg.gather [hbm4b:s1+s3], $0x80, v4, vm0, $0xb8;
	[tilespmem:$0x1D800] =	vst v63  }
0x286: {  	v4 =	vld [tilespmem:$0xDA0];
	_ =	sdelay $0x4  }
0x287: {  	v5 =	vshll.u32 v4, $0x1  }
0x288: {  	v4 =	vand.u32 $0x7, v4;
	v5 =	vand.u32 $0xFFFFFFF0, v5  }
0x289: {  	v4 =	vor.u32 v4, v5  }
0x28a: {  	v5 =	vperm.xlane v4, v1;
	_ =	sdelay $0x1  }
0x28b: {  	v4 =	vperm.xlane v4, v3;
	v5 =	vadd.s32 v2, v5;
	_ =	sdelay $0x1  }
0x28c: {  	v4 =	vadd.s32 v2, v4;
	_ =	sdelay $0x1  }
0x28d: {  	s0 =	simm.s32 $0x13800  }
0x28e: {  	[tilespmem:s0], [sflag:$0x5] =	stream.indirect_vreg.gather [hbm4b:s1+s3], $0x80, v5, vm0, $0xb8;
	[tilespmem:$0x1D800] =	vst v63  }
0x28f: {  	s0 =	simm.s32 $0x14000  }
0x290: {  	[tilespmem:s0], [sflag:$0x5] =	stream.indirect_vreg.gather [hbm4b:s1+s3], $0x80, v4, vm0, $0xb8;
	[tilespmem:$0x1D800] =	vst v63  }
0x291: {  	v4 =	vld [tilespmem:$0xDB0];
	_ =	sdelay $0x4  }
0x292: {  	v5 =	vshll.u32 v4, $0x1  }
0x293: {  	v4 =	vand.u32 $0x7, v4;
	v5 =	vand.u32 $0xFFFFFFF0, v5  }
0x294: {  	v4 =	vor.u32 v4, v5  }
0x295: {  	v5 =	vperm.xlane v4, v1;
	_ =	sdelay $0x1  }
0x296: {  	v4 =	vperm.xlane v4, v3;
	v5 =	vadd.s32 v2, v5;
	_ =	sdelay $0x1  }
0x297: {  	v4 =	vadd.s32 v2, v4;
	_ =	sdelay $0x1  }
0x298: {  	s0 =	simm.s32 $0x14800  }
0x299: {  	[tilespmem:s0], [sflag:$0x5] =	stream.indirect_vreg.gather [hbm4b:s1+s3], $0x80, v5, vm0, $0xb8;
	[tilespmem:$0x1D800] =	vst v63  }
0x29a: {  	s0 =	simm.s32 $0x15000  }
0x29b: {  	[tilespmem:s0], [sflag:$0x5] =	stream.indirect_vreg.gather [hbm4b:s1+s3], $0x80, v4, vm0, $0xb8;
	[tilespmem:$0x1D800] =	vst v63  }
0x29c: {  	_ =	swait.ge [sflag:s13], $0x4000  }
0x29d: {  	[sflag:s13] =	ssyncset.done $0x0  }
0x29e: {  	s0 =	rddreg [dreg:$0xb];
	[sflag:s13] =	ssyncadd.s32 $0xFFFFC000  }
0x29f: {  	[hbm4b:s0+s3] =	stream.linear.scatter [tilespmem:s4], [sflag:$0x8], $0x4000, $0x38;
	[tilespmem:$0x1D800] =	vst v63  }
0x2a0: {  	_ =	swait.ge [sflag:s30], $0x4000  }
0x2a1: {  	[sflag:s30] =	ssyncset.done $0x0  }
0x2a2: {  	[sflag:s30] =	ssyncadd.s32 $0xFFFFC000  }
0x2a3: {  	v4 =	vld [tilespmem:$0x300];
	_ =	sdelay $0x4  }
0x2a4: {  	v4 =	vshll.u32 v4, $0x4  }
0x2a5: {  	v4 =	vor.u32 v0, v4  }
0x2a6: {  	v5 =	vld [tilespmem:$0x310];
	v38 =	vshll.u32 v4, $0x1  }
0x2a7: {  	v39 =	vld [tilespmem:$0x320];
	v6 =	vand.u32 $0xFFFFFFF0, v38  }
0x2a8: {  	v40 =	vld [tilespmem:$0x330];
	v6 =	vor.u32 v1, v6  }
0x2a9: {  	v41 =	vperm.xlane v6, v1;
	_ =	sdelay $0x1  }
0x2aa: {  	v5 =	vshll.u32 v5, $0x4;
	v6 =	vperm.xlane v6, v3;
	v9 =	vadd.s32 v2, v41  }
0x2ab: {  	[tilespmem:$0xE00] =	vst v4;
	v4 =	vor.u32 v0, v5;
	v5 =	vshll.u32 v39, $0x4  }
0x2ac: {  	[tilespmem:$0xE10] =	vst v4;
	v4 =	vor.u32 v0, v5;
	v5 =	vshll.u32 v40, $0x4;
	v6 =	vadd.s32 v2, v6  }
0x2ad: {  	[tilespmem:$0xE20] =	vst v4;
	v4 =	vor.u32 v0, v5  }
0x2ae: {  	[tilespmem:$0xE30] =	vst v4  }
0x2af: {  	[tilespmem:s17], [sflag:$0x6] =	stream.indirect_vreg.gather [hbm4b:s1+s3], $0x80, v9, vm0, $0xb8;
	[tilespmem:$0x1D800] =	vst v63  }
0x2b0: {  	s0 =	simm.s32 $0x16000  }
0x2b1: {  	[tilespmem:s0], [sflag:$0x6] =	stream.indirect_vreg.gather [hbm4b:s1+s3], $0x80, v6, vm0, $0xb8;
	[tilespmem:$0x1D800] =	vst v63  }
0x2b2: {  	v4 =	vld [tilespmem:$0xE10];
	_ =	sdelay $0x4  }
0x2b3: {  	v5 =	vshll.u32 v4, $0x1  }
0x2b4: {  	v4 =	vand.u32 $0x7, v4;
	v5 =	vand.u32 $0xFFFFFFF0, v5  }
0x2b5: {  	v4 =	vor.u32 v4, v5  }
0x2b6: {  	v5 =	vperm.xlane v4, v1;
	_ =	sdelay $0x1  }
0x2b7: {  	v4 =	vperm.xlane v4, v3;
	v5 =	vadd.s32 v2, v5;
	_ =	sdelay $0x1  }
0x2b8: {  	v4 =	vadd.s32 v2, v4;
	_ =	sdelay $0x1  }
0x2b9: {  	s0 =	simm.s32 $0x16800  }
0x2ba: {  	[tilespmem:s0], [sflag:$0x6] =	stream.indirect_vreg.gather [hbm4b:s1+s3], $0x80, v5, vm0, $0xb8;
	[tilespmem:$0x1D800] =	vst v63  }
0x2bb: {  	s0 =	simm.s32 $0x17000  }
0x2bc: {  	[tilespmem:s0], [sflag:$0x6] =	stream.indirect_vreg.gather [hbm4b:s1+s3], $0x80, v4, vm0, $0xb8;
	[tilespmem:$0x1D800] =	vst v63  }
0x2bd: {  	v4 =	vld [tilespmem:$0xE20];
	_ =	sdelay $0x4  }
0x2be: {  	v5 =	vshll.u32 v4, $0x1  }
0x2bf: {  	v4 =	vand.u32 $0x7, v4;
	v5 =	vand.u32 $0xFFFFFFF0, v5  }
0x2c0: {  	v4 =	vor.u32 v4, v5  }
0x2c1: {  	v5 =	vperm.xlane v4, v1;
	_ =	sdelay $0x1  }
0x2c2: {  	v4 =	vperm.xlane v4, v3;
	v5 =	vadd.s32 v2, v5;
	_ =	sdelay $0x1  }
0x2c3: {  	v4 =	vadd.s32 v2, v4;
	_ =	sdelay $0x1  }
0x2c4: {  	s0 =	simm.s32 $0x17800  }
0x2c5: {  	[tilespmem:s0], [sflag:$0x6] =	stream.indirect_vreg.gather [hbm4b:s1+s3], $0x80, v5, vm0, $0xb8;
	[tilespmem:$0x1D800] =	vst v63  }
0x2c6: {  	s0 =	simm.s32 $0x18000  }
0x2c7: {  	[tilespmem:s0], [sflag:$0x6] =	stream.indirect_vreg.gather [hbm4b:s1+s3], $0x80, v4, vm0, $0xb8;
	[tilespmem:$0x1D800] =	vst v63  }
0x2c8: {  	v4 =	vld [tilespmem:$0xE30];
	_ =	sdelay $0x4  }
0x2c9: {  	v5 =	vshll.u32 v4, $0x1  }
0x2ca: {  	v4 =	vand.u32 $0x7, v4;
	v5 =	vand.u32 $0xFFFFFFF0, v5  }
0x2cb: {  	v4 =	vor.u32 v4, v5  }
0x2cc: {  	v5 =	vperm.xlane v4, v1;
	_ =	sdelay $0x1  }
0x2cd: {  	v4 =	vperm.xlane v4, v3;
	v5 =	vadd.s32 v2, v5;
	_ =	sdelay $0x1  }
0x2ce: {  	v4 =	vadd.s32 v2, v4;
	_ =	sdelay $0x1  }
0x2cf: {  	s0 =	simm.s32 $0x18800  }
0x2d0: {  	[tilespmem:s0], [sflag:$0x6] =	stream.indirect_vreg.gather [hbm4b:s1+s3], $0x80, v5, vm0, $0xb8;
	[tilespmem:$0x1D800] =	vst v63  }
0x2d1: {  	s0 =	simm.s32 $0x19000  }
0x2d2: {  	[tilespmem:s0], [sflag:$0x6] =	stream.indirect_vreg.gather [hbm4b:s1+s3], $0x80, v4, vm0, $0xb8;
	[tilespmem:$0x1D800] =	vst v63  }
0x2d3: {  	_ =	swait.ge [sflag:s16], $0x4000  }
0x2d4: {  	[sflag:s16] =	ssyncset.done $0x0  }
0x2d5: {  	s0 =	rddreg [dreg:$0xc];
	[sflag:s16] =	ssyncadd.s32 $0xFFFFC000  }
0x2d6: {  	[hbm4b:s0+s3] =	stream.linear.scatter [tilespmem:s15], [sflag:$0x9], $0x4000, $0x38;
	[tilespmem:$0x1D800] =	vst v63  }
0x2d7: {  	_ =	swait.ge [sflag:s31], $0x4000  }
0x2d8: {  	[sflag:s31] =	ssyncset.done $0x0  }
0x2d9: {  	[sflag:s31] =	ssyncadd.s32 $0xFFFFC000  }
0x2da: {  	v4 =	vld [tilespmem:$0x340]  }
0x2db: {  	v5 =	vld [tilespmem:$0x350];
	_ =	sdelay $0x3  }
0x2dc: {  	v4 =	vshll.u32 v4, $0x4  }
0x2dd: {  	v5 =	vshll.u32 v5, $0x4;
	v4 =	vor.u32 v0, v4  }
0x2de: {  	v5 =	vor.u32 v0, v5;
	[tilespmem:$0xE80] =	vst v4  }
0x2df: {  	[tilespmem:$0xE90] =	vst v5;
	v4 =	vshll.u32 v4, $0x1  }
0x2e0: {  	v5 =	vld [tilespmem:$0x360];
	v4 =	vand.u32 $0xFFFFFFF0, v4  }
0x2e1: {  	v42 =	vld [tilespmem:$0x370];
	v4 =	vor.u32 v1, v4  }
0x2e2: {  	v43 =	vperm.xlane v4, v1;
	_ =	sdelay $0x1  }
0x2e3: {  	v4 =	vperm.xlane v4, v3;
	v7 =	vadd.s32 v2, v43  }
0x2e4: {  	v5 =	vshll.u32 v5, $0x4  }
0x2e5: {  	v4 =	vadd.s32 v2, v4;
	v6 =	vshll.u32 v42, $0x4;
	v5 =	vor.u32 v0, v5  }
0x2e6: {  	[tilespmem:$0xEA0] =	vst v5;
	v5 =	vor.u32 v0, v6  }
0x2e7: {  	[tilespmem:$0xEB0] =	vst v5  }
0x2e8: {  	[tilespmem:s7], [sflag:$0x7] =	stream.indirect_vreg.gather [hbm4b:s1+s3], $0x80, v7, vm0, $0xb8;
	[tilespmem:$0x1D800] =	vst v63  }
0x2e9: {  	s0 =	simm.s32 $0x1A000  }
0x2ea: {  	[tilespmem:s0], [sflag:$0x7] =	stream.indirect_vreg.gather [hbm4b:s1+s3], $0x80, v4, vm0, $0xb8;
	[tilespmem:$0x1D800] =	vst v63  }
0x2eb: {  	v4 =	vld [tilespmem:$0xE90];
	_ =	sdelay $0x4  }
0x2ec: {  	v5 =	vshll.u32 v4, $0x1  }
0x2ed: {  	v4 =	vand.u32 $0x7, v4;
	v5 =	vand.u32 $0xFFFFFFF0, v5  }
0x2ee: {  	v4 =	vor.u32 v4, v5  }
0x2ef: {  	v5 =	vperm.xlane v4, v1;
	_ =	sdelay $0x1  }
0x2f0: {  	v4 =	vperm.xlane v4, v3;
	v5 =	vadd.s32 v2, v5;
	_ =	sdelay $0x1  }
0x2f1: {  	v4 =	vadd.s32 v2, v4;
	_ =	sdelay $0x1  }
0x2f2: {  	s0 =	simm.s32 $0x1A800  }
0x2f3: {  	[tilespmem:s0], [sflag:$0x7] =	stream.indirect_vreg.gather [hbm4b:s1+s3], $0x80, v5, vm0, $0xb8;
	[tilespmem:$0x1D800] =	vst v63  }
0x2f4: {  	s0 =	simm.s32 $0x1B000  }
0x2f5: {  	[tilespmem:s0], [sflag:$0x7] =	stream.indirect_vreg.gather [hbm4b:s1+s3], $0x80, v4, vm0, $0xb8;
	[tilespmem:$0x1D800] =	vst v63  }
0x2f6: {  	v4 =	vld [tilespmem:$0xEA0];
	_ =	sdelay $0x4  }
0x2f7: {  	v5 =	vshll.u32 v4, $0x1  }
0x2f8: {  	v4 =	vand.u32 $0x7, v4;
	v5 =	vand.u32 $0xFFFFFFF0, v5  }
0x2f9: {  	v4 =	vor.u32 v4, v5  }
0x2fa: {  	v5 =	vperm.xlane v4, v1;
	_ =	sdelay $0x1  }
0x2fb: {  	v4 =	vperm.xlane v4, v3;
	v5 =	vadd.s32 v2, v5;
	_ =	sdelay $0x1  }
0x2fc: {  	v4 =	vadd.s32 v2, v4;
	_ =	sdelay $0x1  }
0x2fd: {  	s0 =	simm.s32 $0x1B800  }
0x2fe: {  	[tilespmem:s0], [sflag:$0x7] =	stream.indirect_vreg.gather [hbm4b:s1+s3], $0x80, v5, vm0, $0xb8;
	[tilespmem:$0x1D800] =	vst v63  }
0x2ff: {  	s0 =	simm.s32 $0x1C000  }
0x300: {  	[tilespmem:s0], [sflag:$0x7] =	stream.indirect_vreg.gather [hbm4b:s1+s3], $0x80, v4, vm0, $0xb8;
	[tilespmem:$0x1D800] =	vst v63  }
0x301: {  	v4 =	vld [tilespmem:$0xEB0];
	_ =	sdelay $0x4  }
0x302: {  	v5 =	vshll.u32 v4, $0x1  }
0x303: {  	v4 =	vand.u32 $0x7, v4;
	v5 =	vand.u32 $0xFFFFFFF0, v5  }
0x304: {  	v4 =	vor.u32 v4, v5  }
0x305: {  	v5 =	vperm.xlane v4, v1;
	_ =	sdelay $0x1  }
0x306: {  	v4 =	vperm.xlane v4, v3;
	v5 =	vadd.s32 v2, v5;
	_ =	sdelay $0x1  }
0x307: {  	v4 =	vadd.s32 v2, v4;
	_ =	sdelay $0x1  }
0x308: {  	s0 =	simm.s32 $0x1C800  }
0x309: {  	[tilespmem:s0], [sflag:$0x7] =	stream.indirect_vreg.gather [hbm4b:s1+s3], $0x80, v5, vm0, $0xb8;
	[tilespmem:$0x1D800] =	vst v63  }
0x30a: {  	s0 =	simm.s32 $0x1D000  }
0x30b: {  	[tilespmem:s0], [sflag:$0x7] =	stream.indirect_vreg.gather [hbm4b:s1+s3], $0x80, v4, vm0, $0xb8;
	[tilespmem:$0x1D800] =	vst v63  }
0x30c: {  	_ =	swait.ge [sflag:s18], $0x4000  }
0x30d: {  	[sflag:s18] =	ssyncset.done $0x0  }
0x30e: {  	s0 =	rddreg [dreg:$0xd];
	[sflag:s18] =	ssyncadd.s32 $0xFFFFC000  }
0x30f: {  	[hbm4b:s0+s3] =	stream.linear.scatter [tilespmem:s23], [sflag:$0xA], $0x4000, $0x38;
	[tilespmem:$0x1D800] =	vst v63  }
0x310: {  	_ =	swait.ge [sflag:s19], $0x4000  }
0x311: {  	[sflag:s19] =	ssyncset.done $0x0  }
0x312: {  	[sflag:s19] =	ssyncadd.s32 $0xFFFFC000  }
0x313: {  	v4 =	vld [tilespmem:$0x380];
	_ =	sdelay $0x4  }
0x314: {  	v4 =	vshll.u32 v4, $0x4  }
0x315: {  	v4 =	vor.u32 v0, v4  }
0x316: {  	v5 =	vld [tilespmem:$0x390];
	v44 =	vshll.u32 v4, $0x1  }
0x317: {  	v45 =	vld [tilespmem:$0x3A0];
	v6 =	vand.u32 $0xFFFFFFF0, v44  }
0x318: {  	v46 =	vld [tilespmem:$0x3B0];
	v6 =	vor.u32 v1, v6  }
0x319: {  	v47 =	vperm.xlane v6, v1;
	_ =	sdelay $0x1  }
0x31a: {  	v5 =	vshll.u32 v5, $0x4;
	v6 =	vperm.xlane v6, v3;
	v9 =	vadd.s32 v2, v47  }
0x31b: {  	[tilespmem:$0xF00] =	vst v4;
	v4 =	vor.u32 v0, v5;
	v5 =	vshll.u32 v45, $0x4  }
0x31c: {  	[tilespmem:$0xF10] =	vst v4;
	v4 =	vor.u32 v0, v5;
	v5 =	vshll.u32 v46, $0x4;
	v6 =	vadd.s32 v2, v6  }
0x31d: {  	[tilespmem:$0xF20] =	vst v4;
	v4 =	vor.u32 v0, v5  }
0x31e: {  	[tilespmem:$0xF30] =	vst v4  }
0x31f: {  	[tilespmem:s4], [sflag:$0x1] =	stream.indirect_vreg.gather [hbm4b:s1+s3], $0x80, v9, vm0, $0xb8;
	[tilespmem:$0x1D800] =	vst v63  }
0x320: {  	s0 =	simm.s32 $0x2000  }
0x321: {  	[tilespmem:s0], [sflag:$0x1] =	stream.indirect_vreg.gather [hbm4b:s1+s3], $0x80, v6, vm0, $0xb8;
	[tilespmem:$0x1D800] =	vst v63  }
0x322: {  	v4 =	vld [tilespmem:$0xF10];
	_ =	sdelay $0x4  }
0x323: {  	v5 =	vshll.u32 v4, $0x1  }
0x324: {  	v4 =	vand.u32 $0x7, v4;
	v5 =	vand.u32 $0xFFFFFFF0, v5  }
0x325: {  	v4 =	vor.u32 v4, v5  }
0x326: {  	v5 =	vperm.xlane v4, v1;
	_ =	sdelay $0x1  }
0x327: {  	v4 =	vperm.xlane v4, v3;
	v5 =	vadd.s32 v2, v5;
	_ =	sdelay $0x1  }
0x328: {  	v4 =	vadd.s32 v2, v4;
	_ =	sdelay $0x1  }
0x329: {  	s0 =	simm.s32 $0x2800  }
0x32a: {  	[tilespmem:s0], [sflag:$0x1] =	stream.indirect_vreg.gather [hbm4b:s1+s3], $0x80, v5, vm0, $0xb8;
	[tilespmem:$0x1D800] =	vst v63  }
0x32b: {  	s0 =	simm.s32 $0x3000  }
0x32c: {  	[tilespmem:s0], [sflag:$0x1] =	stream.indirect_vreg.gather [hbm4b:s1+s3], $0x80, v4, vm0, $0xb8;
	[tilespmem:$0x1D800] =	vst v63  }
0x32d: {  	v4 =	vld [tilespmem:$0xF20];
	_ =	sdelay $0x4  }
0x32e: {  	v5 =	vshll.u32 v4, $0x1  }
0x32f: {  	v4 =	vand.u32 $0x7, v4;
	v5 =	vand.u32 $0xFFFFFFF0, v5  }
0x330: {  	v4 =	vor.u32 v4, v5  }
0x331: {  	v5 =	vperm.xlane v4, v1;
	_ =	sdelay $0x1  }
0x332: {  	v4 =	vperm.xlane v4, v3;
	v5 =	vadd.s32 v2, v5;
	_ =	sdelay $0x1  }
0x333: {  	v4 =	vadd.s32 v2, v4;
	_ =	sdelay $0x1  }
0x334: {  	s0 =	simm.s32 $0x3800  }
0x335: {  	[tilespmem:s0], [sflag:$0x1] =	stream.indirect_vreg.gather [hbm4b:s1+s3], $0x80, v5, vm0, $0xb8;
	[tilespmem:$0x1D800] =	vst v63  }
0x336: {  	s0 =	simm.s32 $0x4000  }
0x337: {  	[tilespmem:s0], [sflag:$0x1] =	stream.indirect_vreg.gather [hbm4b:s1+s3], $0x80, v4, vm0, $0xb8;
	[tilespmem:$0x1D800] =	vst v63  }
0x338: {  	v4 =	vld [tilespmem:$0xF30];
	_ =	sdelay $0x4  }
0x339: {  	v5 =	vshll.u32 v4, $0x1  }
0x33a: {  	v4 =	vand.u32 $0x7, v4;
	v5 =	vand.u32 $0xFFFFFFF0, v5  }
0x33b: {  	v4 =	vor.u32 v4, v5  }
0x33c: {  	v5 =	vperm.xlane v4, v1;
	_ =	sdelay $0x1  }
0x33d: {  	v4 =	vperm.xlane v4, v3;
	v5 =	vadd.s32 v2, v5;
	_ =	sdelay $0x1  }
0x33e: {  	v4 =	vadd.s32 v2, v4;
	_ =	sdelay $0x1  }
0x33f: {  	s0 =	simm.s32 $0x4800  }
0x340: {  	[tilespmem:s0], [sflag:$0x1] =	stream.indirect_vreg.gather [hbm4b:s1+s3], $0x80, v5, vm0, $0xb8;
	[tilespmem:$0x1D800] =	vst v63  }
0x341: {  	s0 =	simm.s32 $0x5000  }
0x342: {  	[tilespmem:s0], [sflag:$0x1] =	stream.indirect_vreg.gather [hbm4b:s1+s3], $0x80, v4, vm0, $0xb8;
	[tilespmem:$0x1D800] =	vst v63  }
0x343: {  	_ =	swait.ge [sflag:s20], $0x4000  }
0x344: {  	[sflag:s20] =	ssyncset.done $0x0  }
0x345: {  	s0 =	rddreg [dreg:$0xe];
	[sflag:s20] =	ssyncadd.s32 $0xFFFFC000  }
0x346: {  	[hbm4b:s0+s3] =	stream.linear.scatter [tilespmem:s2], [sflag:$0xB], $0x4000, $0x38;
	[tilespmem:$0x1D800] =	vst v63  }
0x347: {  	_ =	swait.ge [sflag:s21], $0x4000  }
0x348: {  	[sflag:s21] =	ssyncset.done $0x0  }
0x349: {  	[sflag:s21] =	ssyncadd.s32 $0xFFFFC000  }
0x34a: {  	v4 =	vld [tilespmem:$0x3C0];
	_ =	sdelay $0x4  }
0x34b: {  	v4 =	vshll.u32 v4, $0x4  }
0x34c: {  	v4 =	vor.u32 v0, v4  }
0x34d: {  	v5 =	vld [tilespmem:$0x3D0];
	v48 =	vshll.u32 v4, $0x1  }
0x34e: {  	v49 =	vld [tilespmem:$0x3E0];
	v6 =	vand.u32 $0xFFFFFFF0, v48  }
0x34f: {  	v50 =	vld [tilespmem:$0x3F0];
	v6 =	vor.u32 v1, v6  }
0x350: {  	v51 =	vperm.xlane v6, v1;
	_ =	sdelay $0x1  }
0x351: {  	v5 =	vshll.u32 v5, $0x4;
	v6 =	vperm.xlane v6, v3;
	v9 =	vadd.s32 v2, v51  }
0x352: {  	[tilespmem:$0xF80] =	vst v4;
	v4 =	vor.u32 v0, v5;
	v5 =	vshll.u32 v49, $0x4  }
0x353: {  	[tilespmem:$0xF90] =	vst v4;
	v4 =	vor.u32 v0, v5;
	v5 =	vshll.u32 v50, $0x4;
	v6 =	vadd.s32 v2, v6  }
0x354: {  	[tilespmem:$0xFA0] =	vst v4;
	v4 =	vor.u32 v0, v5  }
0x355: {  	[tilespmem:$0xFB0] =	vst v4  }
0x356: {  	[tilespmem:s15], [sflag:$0x2] =	stream.indirect_vreg.gather [hbm4b:s1+s3], $0x80, v9, vm0, $0xb8;
	[tilespmem:$0x1D800] =	vst v63  }
0x357: {  	s0 =	simm.s32 $0x6000  }
0x358: {  	[tilespmem:s0], [sflag:$0x2] =	stream.indirect_vreg.gather [hbm4b:s1+s3], $0x80, v6, vm0, $0xb8;
	[tilespmem:$0x1D800] =	vst v63  }
0x359: {  	v4 =	vld [tilespmem:$0xF90];
	_ =	sdelay $0x4  }
0x35a: {  	v5 =	vshll.u32 v4, $0x1  }
0x35b: {  	v4 =	vand.u32 $0x7, v4;
	v5 =	vand.u32 $0xFFFFFFF0, v5  }
0x35c: {  	v4 =	vor.u32 v4, v5  }
0x35d: {  	v5 =	vperm.xlane v4, v1;
	_ =	sdelay $0x1  }
0x35e: {  	v4 =	vperm.xlane v4, v3;
	v5 =	vadd.s32 v2, v5;
	_ =	sdelay $0x1  }
0x35f: {  	v4 =	vadd.s32 v2, v4;
	_ =	sdelay $0x1  }
0x360: {  	s0 =	simm.s32 $0x6800  }
0x361: {  	[tilespmem:s0], [sflag:$0x2] =	stream.indirect_vreg.gather [hbm4b:s1+s3], $0x80, v5, vm0, $0xb8;
	[tilespmem:$0x1D800] =	vst v63  }
0x362: {  	s0 =	simm.s32 $0x7000  }
0x363: {  	[tilespmem:s0], [sflag:$0x2] =	stream.indirect_vreg.gather [hbm4b:s1+s3], $0x80, v4, vm0, $0xb8;
	[tilespmem:$0x1D800] =	vst v63  }
0x364: {  	v4 =	vld [tilespmem:$0xFA0];
	_ =	sdelay $0x4  }
0x365: {  	v5 =	vshll.u32 v4, $0x1  }
0x366: {  	v4 =	vand.u32 $0x7, v4;
	v5 =	vand.u32 $0xFFFFFFF0, v5  }
0x367: {  	v4 =	vor.u32 v4, v5  }
0x368: {  	v5 =	vperm.xlane v4, v1;
	_ =	sdelay $0x1  }
0x369: {  	v4 =	vperm.xlane v4, v3;
	v5 =	vadd.s32 v2, v5;
	_ =	sdelay $0x1  }
0x36a: {  	v4 =	vadd.s32 v2, v4;
	_ =	sdelay $0x1  }
0x36b: {  	s0 =	simm.s32 $0x7800  }
0x36c: {  	[tilespmem:s0], [sflag:$0x2] =	stream.indirect_vreg.gather [hbm4b:s1+s3], $0x80, v5, vm0, $0xb8;
	[tilespmem:$0x1D800] =	vst v63  }
0x36d: {  	s0 =	simm.s32 $0x8000  }
0x36e: {  	[tilespmem:s0], [sflag:$0x2] =	stream.indirect_vreg.gather [hbm4b:s1+s3], $0x80, v4, vm0, $0xb8;
	[tilespmem:$0x1D800] =	vst v63  }
0x36f: {  	v4 =	vld [tilespmem:$0xFB0];
	_ =	sdelay $0x4  }
0x370: {  	v5 =	vshll.u32 v4, $0x1  }
0x371: {  	v4 =	vand.u32 $0x7, v4;
	v5 =	vand.u32 $0xFFFFFFF0, v5  }
0x372: {  	v4 =	vor.u32 v4, v5  }
0x373: {  	v5 =	vperm.xlane v4, v1;
	_ =	sdelay $0x1  }
0x374: {  	v4 =	vperm.xlane v4, v3;
	v5 =	vadd.s32 v2, v5;
	_ =	sdelay $0x1  }
0x375: {  	v4 =	vadd.s32 v2, v4;
	_ =	sdelay $0x1  }
0x376: {  	s0 =	simm.s32 $0x8800  }
0x377: {  	[tilespmem:s0], [sflag:$0x2] =	stream.indirect_vreg.gather [hbm4b:s1+s3], $0x80, v5, vm0, $0xb8;
	[tilespmem:$0x1D800] =	vst v63  }
0x378: {  	s0 =	simm.s32 $0x9000  }
0x379: {  	[tilespmem:s0], [sflag:$0x2] =	stream.indirect_vreg.gather [hbm4b:s1+s3], $0x80, v4, vm0, $0xb8;
	[tilespmem:$0x1D800] =	vst v63  }
0x37a: {  	_ =	swait.ge [sflag:s22], $0x4000  }
0x37b: {  	[sflag:s22] =	ssyncset.done $0x0  }
0x37c: {  	s0 =	rddreg [dreg:$0xf];
	[sflag:s22] =	ssyncadd.s32 $0xFFFFC000  }
0x37d: {  	[hbm4b:s0+s3] =	stream.linear.scatter [tilespmem:s14], [sflag:$0xC], $0x4000, $0x38;
	[tilespmem:$0x1D800] =	vst v63  }
0x37e: {  	_ =	swait.ge [sflag:s24], $0x4000  }
0x37f: {  	[sflag:s24] =	ssyncset.done $0x0  }
0x380: {  	[sflag:s24] =	ssyncadd.s32 $0xFFFFC000  }
0x381: {  	v4 =	vld [tilespmem:$0x400];
	_ =	sdelay $0x4  }
0x382: {  	v4 =	vshll.u32 v4, $0x4  }
0x383: {  	v4 =	vor.u32 v0, v4  }
0x384: {  	v5 =	vld [tilespmem:$0x410];
	v52 =	vshll.u32 v4, $0x1  }
0x385: {  	v53 =	vld [tilespmem:$0x420];
	v6 =	vand.u32 $0xFFFFFFF0, v52  }
0x386: {  	v54 =	vld [tilespmem:$0x430];
	v6 =	vor.u32 v1, v6  }
0x387: {  	v55 =	vperm.xlane v6, v1;
	_ =	sdelay $0x1  }
0x388: {  	v5 =	vshll.u32 v5, $0x4;
	v6 =	vperm.xlane v6, v3;
	v9 =	vadd.s32 v2, v55  }
0x389: {  	[tilespmem:$0x1000] =	vst v4;
	v4 =	vor.u32 v0, v5;
	v5 =	vshll.u32 v53, $0x4  }
0x38a: {  	[tilespmem:$0x1010] =	vst v4;
	v4 =	vor.u32 v0, v5;
	v5 =	vshll.u32 v54, $0x4;
	v6 =	vadd.s32 v2, v6  }
0x38b: {  	[tilespmem:$0x1020] =	vst v4;
	v4 =	vor.u32 v0, v5  }
0x38c: {  	[tilespmem:$0x1030] =	vst v4  }
0x38d: {  	[tilespmem:s23], [sflag:$0x3] =	stream.indirect_vreg.gather [hbm4b:s1+s3], $0x80, v9, vm0, $0xb8;
	[tilespmem:$0x1D800] =	vst v63  }
0x38e: {  	s0 =	simm.s32 $0xA000  }
0x38f: {  	[tilespmem:s0], [sflag:$0x3] =	stream.indirect_vreg.gather [hbm4b:s1+s3], $0x80, v6, vm0, $0xb8;
	[tilespmem:$0x1D800] =	vst v63  }
0x390: {  	v4 =	vld [tilespmem:$0x1010];
	_ =	sdelay $0x4  }
0x391: {  	v5 =	vshll.u32 v4, $0x1  }
0x392: {  	v4 =	vand.u32 $0x7, v4;
	v5 =	vand.u32 $0xFFFFFFF0, v5  }
0x393: {  	v4 =	vor.u32 v4, v5  }
0x394: {  	v5 =	vperm.xlane v4, v1;
	_ =	sdelay $0x1  }
0x395: {  	v4 =	vperm.xlane v4, v3;
	v5 =	vadd.s32 v2, v5;
	_ =	sdelay $0x1  }
0x396: {  	v4 =	vadd.s32 v2, v4;
	_ =	sdelay $0x1  }
0x397: {  	s0 =	simm.s32 $0xA800  }
0x398: {  	[tilespmem:s0], [sflag:$0x3] =	stream.indirect_vreg.gather [hbm4b:s1+s3], $0x80, v5, vm0, $0xb8;
	[tilespmem:$0x1D800] =	vst v63  }
0x399: {  	s0 =	simm.s32 $0xB000  }
0x39a: {  	[tilespmem:s0], [sflag:$0x3] =	stream.indirect_vreg.gather [hbm4b:s1+s3], $0x80, v4, vm0, $0xb8;
	[tilespmem:$0x1D800] =	vst v63  }
0x39b: {  	v4 =	vld [tilespmem:$0x1020];
	_ =	sdelay $0x4  }
0x39c: {  	v5 =	vshll.u32 v4, $0x1  }
0x39d: {  	v4 =	vand.u32 $0x7, v4;
	v5 =	vand.u32 $0xFFFFFFF0, v5  }
0x39e: {  	v4 =	vor.u32 v4, v5  }
0x39f: {  	v5 =	vperm.xlane v4, v1;
	_ =	sdelay $0x1  }
0x3a0: {  	v4 =	vperm.xlane v4, v3;
	v5 =	vadd.s32 v2, v5;
	_ =	sdelay $0x1  }
0x3a1: {  	v4 =	vadd.s32 v2, v4;
	_ =	sdelay $0x1  }
0x3a2: {  	s0 =	simm.s32 $0xB800  }
0x3a3: {  	[tilespmem:s0], [sflag:$0x3] =	stream.indirect_vreg.gather [hbm4b:s1+s3], $0x80, v5, vm0, $0xb8;
	[tilespmem:$0x1D800] =	vst v63  }
0x3a4: {  	s0 =	simm.s32 $0xC000  }
0x3a5: {  	[tilespmem:s0], [sflag:$0x3] =	stream.indirect_vreg.gather [hbm4b:s1+s3], $0x80, v4, vm0, $0xb8;
	[tilespmem:$0x1D800] =	vst v63  }
0x3a6: {  	v4 =	vld [tilespmem:$0x1030];
	_ =	sdelay $0x4  }
0x3a7: {  	v5 =	vshll.u32 v4, $0x1  }
0x3a8: {  	v4 =	vand.u32 $0x7, v4;
	v5 =	vand.u32 $0xFFFFFFF0, v5  }
0x3a9: {  	v4 =	vor.u32 v4, v5  }
0x3aa: {  	v5 =	vperm.xlane v4, v1;
	_ =	sdelay $0x1  }
0x3ab: {  	v4 =	vperm.xlane v4, v3;
	v5 =	vadd.s32 v2, v5;
	_ =	sdelay $0x1  }
0x3ac: {  	v4 =	vadd.s32 v2, v4;
	_ =	sdelay $0x1  }
0x3ad: {  	s0 =	simm.s32 $0xC800  }
0x3ae: {  	[tilespmem:s0], [sflag:$0x3] =	stream.indirect_vreg.gather [hbm4b:s1+s3], $0x80, v5, vm0, $0xb8;
	[tilespmem:$0x1D800] =	vst v63  }
0x3af: {  	s0 =	simm.s32 $0xD000  }
0x3b0: {  	[tilespmem:s0], [sflag:$0x3] =	stream.indirect_vreg.gather [hbm4b:s1+s3], $0x80, v4, vm0, $0xb8;
	[tilespmem:$0x1D800] =	vst v63  }
0x3b1: {  	_ =	swait.ge [sflag:s25], $0x4000  }
0x3b2: {  	[sflag:s25] =	ssyncset.done $0x0  }
0x3b3: {  	s0 =	rddreg [dreg:$0x10];
	[sflag:s25] =	ssyncadd.s32 $0xFFFFC000  }
0x3b4: {  	[hbm4b:s0+s3] =	stream.linear.scatter [tilespmem:s17], [sflag:$0xD], $0x4000, $0x38;
	[tilespmem:$0x1D800] =	vst v63  }
0x3b5: {  	_ =	swait.ge [sflag:s26], $0x4000  }
0x3b6: {  	[sflag:s26] =	ssyncset.done $0x0  }
0x3b7: {  	[sflag:s26] =	ssyncadd.s32 $0xFFFFC000  }
0x3b8: {  	v4 =	vld [tilespmem:$0x440];
	_ =	sdelay $0x4  }
0x3b9: {  	v4 =	vshll.u32 v4, $0x4  }
0x3ba: {  	v4 =	vor.u32 v0, v4  }
0x3bb: {  	v5 =	vld [tilespmem:$0x450];
	v56 =	vshll.u32 v4, $0x1  }
0x3bc: {  	v57 =	vld [tilespmem:$0x460];
	v6 =	vand.u32 $0xFFFFFFF0, v56  }
0x3bd: {  	v58 =	vld [tilespmem:$0x470];
	v6 =	vor.u32 v1, v6  }
0x3be: {  	v59 =	vperm.xlane v6, v1;
	_ =	sdelay $0x1  }
0x3bf: {  	v5 =	vshll.u32 v5, $0x4;
	v6 =	vperm.xlane v6, v3;
	v9 =	vadd.s32 v2, v59  }
0x3c0: {  	[tilespmem:$0x1080] =	vst v4;
	v4 =	vor.u32 v0, v5;
	v5 =	vshll.u32 v57, $0x4  }
0x3c1: {  	[tilespmem:$0x1090] =	vst v4;
	v4 =	vor.u32 v0, v5;
	v5 =	vshll.u32 v58, $0x4;
	v6 =	vadd.s32 v2, v6  }
0x3c2: {  	[tilespmem:$0x10A0] =	vst v4;
	v4 =	vor.u32 v0, v5  }
0x3c3: {  	[tilespmem:$0x10B0] =	vst v4  }
0x3c4: {  	[tilespmem:s2], [sflag:$0x4] =	stream.indirect_vreg.gather [hbm4b:s1+s3], $0x80, v9, vm0, $0xb8;
	[tilespmem:$0x1D800] =	vst v63  }
0x3c5: {  	s6 =	simm.s32 $0xE000  }
0x3c6: {  	[tilespmem:s6], [sflag:$0x4] =	stream.indirect_vreg.gather [hbm4b:s1+s3], $0x80, v6, vm0, $0xb8;
	[tilespmem:$0x1D800] =	vst v63  }
0x3c7: {  	v4 =	vld [tilespmem:$0x1090];
	_ =	sdelay $0x4  }
0x3c8: {  	v5 =	vshll.u32 v4, $0x1  }
0x3c9: {  	v4 =	vand.u32 $0x7, v4;
	v5 =	vand.u32 $0xFFFFFFF0, v5  }
0x3ca: {  	v4 =	vor.u32 v4, v5  }
0x3cb: {  	v5 =	vperm.xlane v4, v1;
	_ =	sdelay $0x1  }
0x3cc: {  	v4 =	vperm.xlane v4, v3;
	v5 =	vadd.s32 v2, v5;
	_ =	sdelay $0x1  }
0x3cd: {  	v4 =	vadd.s32 v2, v4;
	_ =	sdelay $0x1  }
0x3ce: {  	s9 =	simm.s32 $0xE800  }
0x3cf: {  	[tilespmem:s9], [sflag:$0x4] =	stream.indirect_vreg.gather [hbm4b:s1+s3], $0x80, v5, vm0, $0xb8;
	[tilespmem:$0x1D800] =	vst v63  }
0x3d0: {  	s8 =	simm.s32 $0xF000  }
0x3d1: {  	[tilespmem:s8], [sflag:$0x4] =	stream.indirect_vreg.gather [hbm4b:s1+s3], $0x80, v4, vm0, $0xb8;
	[tilespmem:$0x1D800] =	vst v63  }
0x3d2: {  	v4 =	vld [tilespmem:$0x10A0];
	_ =	sdelay $0x4  }
0x3d3: {  	v5 =	vshll.u32 v4, $0x1  }
0x3d4: {  	v4 =	vand.u32 $0x7, v4;
	v5 =	vand.u32 $0xFFFFFFF0, v5  }
0x3d5: {  	v4 =	vor.u32 v4, v5  }
0x3d6: {  	v5 =	vperm.xlane v4, v1;
	_ =	sdelay $0x1  }
0x3d7: {  	v4 =	vperm.xlane v4, v3;
	v5 =	vadd.s32 v2, v5;
	_ =	sdelay $0x1  }
0x3d8: {  	v4 =	vadd.s32 v2, v4;
	_ =	sdelay $0x1  }
0x3d9: {  	s11 =	simm.s32 $0xF800  }
0x3da: {  	[tilespmem:s11], [sflag:$0x4] =	stream.indirect_vreg.gather [hbm4b:s1+s3], $0x80, v5, vm0, $0xb8;
	[tilespmem:$0x1D800] =	vst v63  }
0x3db: {  	s10 =	simm.s32 $0x10000  }
0x3dc: {  	[tilespmem:s10], [sflag:$0x4] =	stream.indirect_vreg.gather [hbm4b:s1+s3], $0x80, v4, vm0, $0xb8;
	[tilespmem:$0x1D800] =	vst v63  }
0x3dd: {  	v4 =	vld [tilespmem:$0x10B0];
	_ =	sdelay $0x4  }
0x3de: {  	v5 =	vshll.u32 v4, $0x1  }
0x3df: {  	v4 =	vand.u32 $0x7, v4;
	v5 =	vand.u32 $0xFFFFFFF0, v5  }
0x3e0: {  	v4 =	vor.u32 v4, v5  }
0x3e1: {  	v5 =	vperm.xlane v4, v1;
	_ =	sdelay $0x1  }
0x3e2: {  	v4 =	vperm.xlane v4, v3;
	v5 =	vadd.s32 v2, v5;
	_ =	sdelay $0x1  }
0x3e3: {  	v4 =	vadd.s32 v2, v4;
	_ =	sdelay $0x1  }
0x3e4: {  	s12 =	simm.s32 $0x10800  }
0x3e5: {  	[tilespmem:s12], [sflag:$0x4] =	stream.indirect_vreg.gather [hbm4b:s1+s3], $0x80, v5, vm0, $0xb8;
	[tilespmem:$0x1D800] =	vst v63  }
0x3e6: {  	s8 =	simm.s32 $0x11000  }
0x3e7: {  	[tilespmem:s8], [sflag:$0x4] =	stream.indirect_vreg.gather [hbm4b:s1+s3], $0x80, v4, vm0, $0xb8;
	[tilespmem:$0x1D800] =	vst v63  }
0x3e8: {  	_ =	swait.ge [sflag:s28], $0x4000  }
0x3e9: {  	[sflag:s28] =	ssyncset.done $0x0  }
0x3ea: {  	s9 =	rddreg [dreg:$0x11];
	[sflag:s28] =	ssyncadd.s32 $0xFFFFC000  }
0x3eb: {  	[hbm4b:s9+s3] =	stream.linear.scatter [tilespmem:s7], [sflag:$0xE], $0x4000, $0x38;
	[tilespmem:$0x1D800] =	vst v63  }
0x3ec: {  	_ =	swait.ge [sflag:s29], $0x4000  }
0x3ed: {  	[sflag:s29] =	ssyncset.done $0x0  }
0x3ee: {  	[sflag:s29] =	ssyncadd.s32 $0xFFFFC000  }
0x3ef: {  	v4 =	vld [tilespmem:$0x480];
	_ =	sdelay $0x4  }
0x3f0: {  	v4 =	vshll.u32 v4, $0x4  }
0x3f1: {  	v4 =	vor.u32 v0, v4  }
0x3f2: {  	v5 =	vld [tilespmem:$0x490];
	v60 =	vshll.u32 v4, $0x1  }
0x3f3: {  	v61 =	vld [tilespmem:$0x4A0];
	v6 =	vand.u32 $0xFFFFFFF0, v60  }
0x3f4: {  	v62 =	vld [tilespmem:$0x4B0];
	v6 =	vor.u32 v1, v6  }
0x3f5: {  	v63 =	vperm.xlane v6, v1;
	_ =	sdelay $0x1  }
0x3f6: {  	v5 =	vshll.u32 v5, $0x4;
	v6 =	vperm.xlane v6, v3;
	v9 =	vadd.s32 v2, v63  }
0x3f7: {  	[tilespmem:$0x1100] =	vst v4;
	v4 =	vor.u32 v0, v5;
	v5 =	vshll.u32 v61, $0x4  }
0x3f8: {  	[tilespmem:$0x1110] =	vst v4;
	v4 =	vor.u32 v0, v5;
	v5 =	vshll.u32 v62, $0x4;
	v6 =	vadd.s32 v2, v6  }
0x3f9: {  	[tilespmem:$0x1120] =	vst v4;
	v4 =	vor.u32 v0, v5  }
0x3fa: {  	[tilespmem:$0x1130] =	vst v4  }
0x3fb: {  	[tilespmem:s14], [sflag:$0x5] =	stream.indirect_vreg.gather [hbm4b:s1+s3], $0x80, v9, vm0, $0xb8;
	[tilespmem:$0x1D800] =	vst v63  }
0x3fc: {  	s10 =	simm.s32 $0x12000  }
0x3fd: {  	[tilespmem:s10], [sflag:$0x5] =	stream.indirect_vreg.gather [hbm4b:s1+s3], $0x80, v6, vm0, $0xb8;
	[tilespmem:$0x1D800] =	vst v63  }
0x3fe: {  	v4 =	vld [tilespmem:$0x1110];
	_ =	sdelay $0x4  }
0x3ff: {  	v5 =	vshll.u32 v4, $0x1  }
0x400: {  	v4 =	vand.u32 $0x7, v4;
	v5 =	vand.u32 $0xFFFFFFF0, v5  }
0x401: {  	v4 =	vor.u32 v4, v5  }
0x402: {  	v5 =	vperm.xlane v4, v1;
	_ =	sdelay $0x1  }
0x403: {  	v4 =	vperm.xlane v4, v3;
	v5 =	vadd.s32 v2, v5;
	_ =	sdelay $0x1  }
0x404: {  	v4 =	vadd.s32 v2, v4;
	_ =	sdelay $0x1  }
0x405: {  	s11 =	simm.s32 $0x12800  }
0x406: {  	[tilespmem:s11], [sflag:$0x5] =	stream.indirect_vreg.gather [hbm4b:s1+s3], $0x80, v5, vm0, $0xb8;
	[tilespmem:$0x1D800] =	vst v63  }
0x407: {  	s12 =	simm.s32 $0x13000  }
0x408: {  	[tilespmem:s12], [sflag:$0x5] =	stream.indirect_vreg.gather [hbm4b:s1+s3], $0x80, v4, vm0, $0xb8;
	[tilespmem:$0x1D800] =	vst v63  }
0x409: {  	v4 =	vld [tilespmem:$0x1120];
	_ =	sdelay $0x4  }
0x40a: {  	v5 =	vshll.u32 v4, $0x1  }
0x40b: {  	v4 =	vand.u32 $0x7, v4;
	v5 =	vand.u32 $0xFFFFFFF0, v5  }
0x40c: {  	v4 =	vor.u32 v4, v5  }
0x40d: {  	v5 =	vperm.xlane v4, v1;
	_ =	sdelay $0x1  }
0x40e: {  	v4 =	vperm.xlane v4, v3;
	v5 =	vadd.s32 v2, v5;
	_ =	sdelay $0x1  }
0x40f: {  	v4 =	vadd.s32 v2, v4;
	_ =	sdelay $0x1  }
0x410: {  	s6 =	simm.s32 $0x13800  }
0x411: {  	[tilespmem:s6], [sflag:$0x5] =	stream.indirect_vreg.gather [hbm4b:s1+s3], $0x80, v5, vm0, $0xb8;
	[tilespmem:$0x1D800] =	vst v63  }
0x412: {  	s8 =	simm.s32 $0x14000  }
0x413: {  	[tilespmem:s8], [sflag:$0x5] =	stream.indirect_vreg.gather [hbm4b:s1+s3], $0x80, v4, vm0, $0xb8;
	[tilespmem:$0x1D800] =	vst v63  }
0x414: {  	v4 =	vld [tilespmem:$0x1130];
	_ =	sdelay $0x4  }
0x415: {  	v5 =	vshll.u32 v4, $0x1  }
0x416: {  	v4 =	vand.u32 $0x7, v4;
	v5 =	vand.u32 $0xFFFFFFF0, v5  }
0x417: {  	v4 =	vor.u32 v4, v5  }
0x418: {  	v5 =	vperm.xlane v4, v1;
	_ =	sdelay $0x1  }
0x419: {  	v4 =	vperm.xlane v4, v3;
	v5 =	vadd.s32 v2, v5;
	_ =	sdelay $0x1  }
0x41a: {  	v4 =	vadd.s32 v2, v4;
	_ =	sdelay $0x1  }
0x41b: {  	s9 =	simm.s32 $0x14800  }
0x41c: {  	[tilespmem:s9], [sflag:$0x5] =	stream.indirect_vreg.gather [hbm4b:s1+s3], $0x80, v5, vm0, $0xb8;
	[tilespmem:$0x1D800] =	vst v63  }
0x41d: {  	s10 =	simm.s32 $0x15000  }
0x41e: {  	[tilespmem:s10], [sflag:$0x5] =	stream.indirect_vreg.gather [hbm4b:s1+s3], $0x80, v4, vm0, $0xb8;
	[tilespmem:$0x1D800] =	vst v63  }
0x41f: {  	_ =	swait.ge [sflag:s13], $0x4000  }
0x420: {  	[sflag:s13] =	ssyncset.done $0x0  }
0x421: {  	s11 =	rddreg [dreg:$0x12];
	[sflag:s13] =	ssyncadd.s32 $0xFFFFC000  }
0x422: {  	[hbm4b:s11+s3] =	stream.linear.scatter [tilespmem:s4], [sflag:$0x8], $0x4000, $0x38;
	[tilespmem:$0x1D800] =	vst v63  }
0x423: {  	_ =	swait.ge [sflag:s30], $0x4000  }
0x424: {  	[sflag:s30] =	ssyncset.done $0x0  }
0x425: {  	[sflag:s30] =	ssyncadd.s32 $0xFFFFC000  }
0x426: {  	v4 =	vld [tilespmem:$0x4C0];
	_ =	sdelay $0x4  }
0x427: {  	v4 =	vshll.u32 v4, $0x4  }
0x428: {  	v4 =	vor.u32 v0, v4  }
0x429: {  	v5 =	vld [tilespmem:$0x4D0];
	v12 =	vshll.u32 v4, $0x1  }
0x42a: {  	v13 =	vld [tilespmem:$0x4E0];
	v6 =	vand.u32 $0xFFFFFFF0, v12  }
0x42b: {  	v14 =	vld [tilespmem:$0x4F0];
	v6 =	vor.u32 v1, v6  }
0x42c: {  	v15 =	vperm.xlane v6, v1;
	_ =	sdelay $0x1  }
0x42d: {  	v5 =	vshll.u32 v5, $0x4;
	v6 =	vperm.xlane v6, v3;
	v9 =	vadd.s32 v2, v15  }
0x42e: {  	[tilespmem:$0x1180] =	vst v4;
	v4 =	vor.u32 v0, v5;
	v5 =	vshll.u32 v13, $0x4  }
0x42f: {  	[tilespmem:$0x1190] =	vst v4;
	v4 =	vor.u32 v0, v5;
	v5 =	vshll.u32 v14, $0x4;
	v6 =	vadd.s32 v2, v6  }
0x430: {  	[tilespmem:$0x11A0] =	vst v4;
	v4 =	vor.u32 v0, v5  }
0x431: {  	[tilespmem:$0x11B0] =	vst v4  }
0x432: {  	[tilespmem:s17], [sflag:$0x6] =	stream.indirect_vreg.gather [hbm4b:s1+s3], $0x80, v9, vm0, $0xb8;
	[tilespmem:$0x1D800] =	vst v63  }
0x433: {  	s12 =	simm.s32 $0x16000  }
0x434: {  	[tilespmem:s12], [sflag:$0x6] =	stream.indirect_vreg.gather [hbm4b:s1+s3], $0x80, v6, vm0, $0xb8;
	[tilespmem:$0x1D800] =	vst v63  }
0x435: {  	v4 =	vld [tilespmem:$0x1190];
	_ =	sdelay $0x4  }
0x436: {  	v5 =	vshll.u32 v4, $0x1  }
0x437: {  	v4 =	vand.u32 $0x7, v4;
	v5 =	vand.u32 $0xFFFFFFF0, v5  }
0x438: {  	v4 =	vor.u32 v4, v5  }
0x439: {  	v5 =	vperm.xlane v4, v1;
	_ =	sdelay $0x1  }
0x43a: {  	v4 =	vperm.xlane v4, v3;
	v5 =	vadd.s32 v2, v5;
	_ =	sdelay $0x1  }
0x43b: {  	v4 =	vadd.s32 v2, v4;
	_ =	sdelay $0x1  }
0x43c: {  	s6 =	simm.s32 $0x16800  }
0x43d: {  	[tilespmem:s6], [sflag:$0x6] =	stream.indirect_vreg.gather [hbm4b:s1+s3], $0x80, v5, vm0, $0xb8;
	[tilespmem:$0x1D800] =	vst v63  }
0x43e: {  	s8 =	simm.s32 $0x17000  }
0x43f: {  	[tilespmem:s8], [sflag:$0x6] =	stream.indirect_vreg.gather [hbm4b:s1+s3], $0x80, v4, vm0, $0xb8;
	[tilespmem:$0x1D800] =	vst v63  }
0x440: {  	v4 =	vld [tilespmem:$0x11A0];
	_ =	sdelay $0x4  }
0x441: {  	v5 =	vshll.u32 v4, $0x1  }
0x442: {  	v4 =	vand.u32 $0x7, v4;
	v5 =	vand.u32 $0xFFFFFFF0, v5  }
0x443: {  	v4 =	vor.u32 v4, v5  }
0x444: {  	v5 =	vperm.xlane v4, v1;
	_ =	sdelay $0x1  }
0x445: {  	v4 =	vperm.xlane v4, v3;
	v5 =	vadd.s32 v2, v5;
	_ =	sdelay $0x1  }
0x446: {  	v4 =	vadd.s32 v2, v4;
	_ =	sdelay $0x1  }
0x447: {  	s9 =	simm.s32 $0x17800  }
0x448: {  	[tilespmem:s9], [sflag:$0x6] =	stream.indirect_vreg.gather [hbm4b:s1+s3], $0x80, v5, vm0, $0xb8;
	[tilespmem:$0x1D800] =	vst v63  }
0x449: {  	s10 =	simm.s32 $0x18000  }
0x44a: {  	[tilespmem:s10], [sflag:$0x6] =	stream.indirect_vreg.gather [hbm4b:s1+s3], $0x80, v4, vm0, $0xb8;
	[tilespmem:$0x1D800] =	vst v63  }
0x44b: {  	v4 =	vld [tilespmem:$0x11B0];
	_ =	sdelay $0x4  }
0x44c: {  	v5 =	vshll.u32 v4, $0x1  }
0x44d: {  	v4 =	vand.u32 $0x7, v4;
	v5 =	vand.u32 $0xFFFFFFF0, v5  }
0x44e: {  	v4 =	vor.u32 v4, v5  }
0x44f: {  	v5 =	vperm.xlane v4, v1;
	_ =	sdelay $0x1  }
0x450: {  	v4 =	vperm.xlane v4, v3;
	v5 =	vadd.s32 v2, v5;
	_ =	sdelay $0x1  }
0x451: {  	v4 =	vadd.s32 v2, v4;
	_ =	sdelay $0x1  }
0x452: {  	s11 =	simm.s32 $0x18800  }
0x453: {  	[tilespmem:s11], [sflag:$0x6] =	stream.indirect_vreg.gather [hbm4b:s1+s3], $0x80, v5, vm0, $0xb8;
	[tilespmem:$0x1D800] =	vst v63  }
0x454: {  	s12 =	simm.s32 $0x19000  }
0x455: {  	[tilespmem:s12], [sflag:$0x6] =	stream.indirect_vreg.gather [hbm4b:s1+s3], $0x80, v4, vm0, $0xb8;
	[tilespmem:$0x1D800] =	vst v63  }
0x456: {  	_ =	swait.ge [sflag:s16], $0x4000  }
0x457: {  	[sflag:s16] =	ssyncset.done $0x0  }
0x458: {  	s6 =	rddreg [dreg:$0x13];
	[sflag:s16] =	ssyncadd.s32 $0xFFFFC000  }
0x459: {  	[hbm4b:s6+s3] =	stream.linear.scatter [tilespmem:s15], [sflag:$0x9], $0x4000, $0x38;
	[tilespmem:$0x1D800] =	vst v63  }
0x45a: {  	_ =	swait.ge [sflag:s31], $0x4000  }
0x45b: {  	[sflag:s31] =	ssyncset.done $0x0  }
0x45c: {  	[sflag:s31] =	ssyncadd.s32 $0xFFFFC000  }
0x45d: {  	v4 =	vld [tilespmem:$0x500];
	_ =	sdelay $0x4  }
0x45e: {  	v4 =	vshll.u32 v4, $0x4  }
0x45f: {  	v4 =	vor.u32 v0, v4  }
0x460: {  	v5 =	vld [tilespmem:$0x510];
	v16 =	vshll.u32 v4, $0x1  }
0x461: {  	v17 =	vld [tilespmem:$0x520];
	v6 =	vand.u32 $0xFFFFFFF0, v16  }
0x462: {  	v18 =	vld [tilespmem:$0x530];
	v6 =	vor.u32 v1, v6  }
0x463: {  	v19 =	vperm.xlane v6, v1;
	_ =	sdelay $0x1  }
0x464: {  	v5 =	vshll.u32 v5, $0x4;
	v6 =	vperm.xlane v6, v3;
	v9 =	vadd.s32 v2, v19  }
0x465: {  	[tilespmem:$0x1200] =	vst v4;
	v4 =	vor.u32 v0, v5;
	v5 =	vshll.u32 v17, $0x4  }
0x466: {  	[tilespmem:$0x1210] =	vst v4;
	v4 =	vor.u32 v0, v5;
	v5 =	vshll.u32 v18, $0x4;
	v6 =	vadd.s32 v2, v6  }
0x467: {  	[tilespmem:$0x1220] =	vst v4;
	v4 =	vor.u32 v0, v5  }
0x468: {  	[tilespmem:$0x1230] =	vst v4  }
0x469: {  	[tilespmem:s7], [sflag:$0x7] =	stream.indirect_vreg.gather [hbm4b:s1+s3], $0x80, v9, vm0, $0xb8;
	[tilespmem:$0x1D800] =	vst v63  }
0x46a: {  	s8 =	simm.s32 $0x1A000  }
0x46b: {  	[tilespmem:s8], [sflag:$0x7] =	stream.indirect_vreg.gather [hbm4b:s1+s3], $0x80, v6, vm0, $0xb8;
	[tilespmem:$0x1D800] =	vst v63  }
0x46c: {  	v4 =	vld [tilespmem:$0x1210];
	_ =	sdelay $0x4  }
0x46d: {  	v5 =	vshll.u32 v4, $0x1  }
0x46e: {  	v4 =	vand.u32 $0x7, v4;
	v5 =	vand.u32 $0xFFFFFFF0, v5  }
0x46f: {  	v4 =	vor.u32 v4, v5  }
0x470: {  	v5 =	vperm.xlane v4, v1;
	_ =	sdelay $0x1  }
0x471: {  	v4 =	vperm.xlane v4, v3;
	v5 =	vadd.s32 v2, v5;
	_ =	sdelay $0x1  }
0x472: {  	v4 =	vadd.s32 v2, v4;
	_ =	sdelay $0x1  }
0x473: {  	s9 =	simm.s32 $0x1A800  }
0x474: {  	[tilespmem:s9], [sflag:$0x7] =	stream.indirect_vreg.gather [hbm4b:s1+s3], $0x80, v5, vm0, $0xb8;
	[tilespmem:$0x1D800] =	vst v63  }
0x475: {  	s10 =	simm.s32 $0x1B000  }
0x476: {  	[tilespmem:s10], [sflag:$0x7] =	stream.indirect_vreg.gather [hbm4b:s1+s3], $0x80, v4, vm0, $0xb8;
	[tilespmem:$0x1D800] =	vst v63  }
0x477: {  	v4 =	vld [tilespmem:$0x1220];
	_ =	sdelay $0x4  }
0x478: {  	v5 =	vshll.u32 v4, $0x1  }
0x479: {  	v4 =	vand.u32 $0x7, v4;
	v5 =	vand.u32 $0xFFFFFFF0, v5  }
0x47a: {  	v4 =	vor.u32 v4, v5  }
0x47b: {  	v5 =	vperm.xlane v4, v1;
	_ =	sdelay $0x1  }
0x47c: {  	v4 =	vperm.xlane v4, v3;
	v5 =	vadd.s32 v2, v5;
	_ =	sdelay $0x1  }
0x47d: {  	v4 =	vadd.s32 v2, v4;
	_ =	sdelay $0x1  }
0x47e: {  	s11 =	simm.s32 $0x1B800  }
0x47f: {  	[tilespmem:s11], [sflag:$0x7] =	stream.indirect_vreg.gather [hbm4b:s1+s3], $0x80, v5, vm0, $0xb8;
	[tilespmem:$0x1D800] =	vst v63  }
0x480: {  	s12 =	simm.s32 $0x1C000  }
0x481: {  	[tilespmem:s12], [sflag:$0x7] =	stream.indirect_vreg.gather [hbm4b:s1+s3], $0x80, v4, vm0, $0xb8;
	[tilespmem:$0x1D800] =	vst v63  }
0x482: {  	v4 =	vld [tilespmem:$0x1230];
	_ =	sdelay $0x4  }
0x483: {  	v5 =	vshll.u32 v4, $0x1  }
0x484: {  	v4 =	vand.u32 $0x7, v4;
	v5 =	vand.u32 $0xFFFFFFF0, v5  }
0x485: {  	v4 =	vor.u32 v4, v5  }
0x486: {  	v5 =	vperm.xlane v4, v1;
	_ =	sdelay $0x1  }
0x487: {  	v4 =	vperm.xlane v4, v3;
	v5 =	vadd.s32 v2, v5;
	_ =	sdelay $0x1  }
0x488: {  	v4 =	vadd.s32 v2, v4;
	_ =	sdelay $0x1  }
0x489: {  	s9 =	simm.s32 $0x1C800  }
0x48a: {  	[tilespmem:s9], [sflag:$0x7] =	stream.indirect_vreg.gather [hbm4b:s1+s3], $0x80, v5, vm0, $0xb8;
	[tilespmem:$0x1D800] =	vst v63  }
0x48b: {  	s10 =	simm.s32 $0x1D000  }
0x48c: {  	[tilespmem:s10], [sflag:$0x7] =	stream.indirect_vreg.gather [hbm4b:s1+s3], $0x80, v4, vm0, $0xb8;
	[tilespmem:$0x1D800] =	vst v63  }
0x48d: {  	_ =	swait.ge [sflag:s18], $0x4000  }
0x48e: {  	[sflag:s18] =	ssyncset.done $0x0  }
0x48f: {  	s11 =	rddreg [dreg:$0x14];
	[sflag:s18] =	ssyncadd.s32 $0xFFFFC000  }
0x490: {  	[hbm4b:s11+s3] =	stream.linear.scatter [tilespmem:s23], [sflag:$0xA], $0x4000, $0x38;
	[tilespmem:$0x1D800] =	vst v63  }
0x491: {  	_ =	swait.ge [sflag:s19], $0x4000  }
0x492: {  	[sflag:s19] =	ssyncset.done $0x0  }
0x493: {  	[sflag:s19] =	ssyncadd.s32 $0xFFFFC000  }
0x494: {  	v4 =	vld [tilespmem:$0x540];
	_ =	sdelay $0x4  }
0x495: {  	v4 =	vshll.u32 v4, $0x4  }
0x496: {  	v4 =	vor.u32 v0, v4  }
0x497: {  	v5 =	vld [tilespmem:$0x550];
	v20 =	vshll.u32 v4, $0x1  }
0x498: {  	v21 =	vld [tilespmem:$0x560];
	v6 =	vand.u32 $0xFFFFFFF0, v20  }
0x499: {  	v22 =	vld [tilespmem:$0x570];
	v6 =	vor.u32 v1, v6  }
0x49a: {  	v23 =	vperm.xlane v6, v1;
	_ =	sdelay $0x1  }
0x49b: {  	v5 =	vshll.u32 v5, $0x4;
	v6 =	vperm.xlane v6, v3;
	v9 =	vadd.s32 v2, v23  }
0x49c: {  	[tilespmem:$0x1280] =	vst v4;
	v4 =	vor.u32 v0, v5;
	v5 =	vshll.u32 v21, $0x4  }
0x49d: {  	[tilespmem:$0x1290] =	vst v4;
	v4 =	vor.u32 v0, v5;
	v5 =	vshll.u32 v22, $0x4;
	v6 =	vadd.s32 v2, v6  }
0x49e: {  	[tilespmem:$0x12A0] =	vst v4;
	v4 =	vor.u32 v0, v5  }
0x49f: {  	[tilespmem:$0x12B0] =	vst v4  }
0x4a0: {  	[tilespmem:s4], [sflag:$0x1] =	stream.indirect_vreg.gather [hbm4b:s1+s3], $0x80, v9, vm0, $0xb8;
	[tilespmem:$0x1D800] =	vst v63  }
0x4a1: {  	s12 =	simm.s32 $0x2000  }
0x4a2: {  	[tilespmem:s12], [sflag:$0x1] =	stream.indirect_vreg.gather [hbm4b:s1+s3], $0x80, v6, vm0, $0xb8;
	[tilespmem:$0x1D800] =	vst v63  }
0x4a3: {  	v4 =	vld [tilespmem:$0x1290];
	_ =	sdelay $0x4  }
0x4a4: {  	v5 =	vshll.u32 v4, $0x1  }
0x4a5: {  	v4 =	vand.u32 $0x7, v4;
	v5 =	vand.u32 $0xFFFFFFF0, v5  }
0x4a6: {  	v4 =	vor.u32 v4, v5  }
0x4a7: {  	v5 =	vperm.xlane v4, v1;
	_ =	sdelay $0x1  }
0x4a8: {  	v4 =	vperm.xlane v4, v3;
	v5 =	vadd.s32 v2, v5;
	_ =	sdelay $0x1  }
0x4a9: {  	v4 =	vadd.s32 v2, v4;
	_ =	sdelay $0x1  }
0x4aa: {  	s10 =	simm.s32 $0x2800  }
0x4ab: {  	[tilespmem:s10], [sflag:$0x1] =	stream.indirect_vreg.gather [hbm4b:s1+s3], $0x80, v5, vm0, $0xb8;
	[tilespmem:$0x1D800] =	vst v63  }
0x4ac: {  	s11 =	simm.s32 $0x3000  }
0x4ad: {  	[tilespmem:s11], [sflag:$0x1] =	stream.indirect_vreg.gather [hbm4b:s1+s3], $0x80, v4, vm0, $0xb8;
	[tilespmem:$0x1D800] =	vst v63  }
0x4ae: {  	v4 =	vld [tilespmem:$0x12A0];
	_ =	sdelay $0x4  }
0x4af: {  	v5 =	vshll.u32 v4, $0x1  }
0x4b0: {  	v4 =	vand.u32 $0x7, v4;
	v5 =	vand.u32 $0xFFFFFFF0, v5  }
0x4b1: {  	v4 =	vor.u32 v4, v5  }
0x4b2: {  	v5 =	vperm.xlane v4, v1;
	_ =	sdelay $0x1  }
0x4b3: {  	v4 =	vperm.xlane v4, v3;
	v5 =	vadd.s32 v2, v5;
	_ =	sdelay $0x1  }
0x4b4: {  	v4 =	vadd.s32 v2, v4;
	_ =	sdelay $0x1  }
0x4b5: {  	s12 =	simm.s32 $0x3800  }
0x4b6: {  	[tilespmem:s12], [sflag:$0x1] =	stream.indirect_vreg.gather [hbm4b:s1+s3], $0x80, v5, vm0, $0xb8;
	[tilespmem:$0x1D800] =	vst v63  }
0x4b7: {  	s10 =	simm.s32 $0x4000  }
0x4b8: {  	[tilespmem:s10], [sflag:$0x1] =	stream.indirect_vreg.gather [hbm4b:s1+s3], $0x80, v4, vm0, $0xb8;
	[tilespmem:$0x1D800] =	vst v63  }
0x4b9: {  	v4 =	vld [tilespmem:$0x12B0];
	_ =	sdelay $0x4  }
0x4ba: {  	v5 =	vshll.u32 v4, $0x1  }
0x4bb: {  	v4 =	vand.u32 $0x7, v4;
	v5 =	vand.u32 $0xFFFFFFF0, v5  }
0x4bc: {  	v4 =	vor.u32 v4, v5  }
0x4bd: {  	v5 =	vperm.xlane v4, v1;
	_ =	sdelay $0x1  }
0x4be: {  	v4 =	vperm.xlane v4, v3;
	v5 =	vadd.s32 v2, v5;
	_ =	sdelay $0x1  }
0x4bf: {  	v4 =	vadd.s32 v2, v4;
	_ =	sdelay $0x1  }
0x4c0: {  	s11 =	simm.s32 $0x4800  }
0x4c1: {  	[tilespmem:s11], [sflag:$0x1] =	stream.indirect_vreg.gather [hbm4b:s1+s3], $0x80, v5, vm0, $0xb8;
	[tilespmem:$0x1D800] =	vst v63  }
0x4c2: {  	s12 =	simm.s32 $0x5000  }
0x4c3: {  	[tilespmem:s12], [sflag:$0x1] =	stream.indirect_vreg.gather [hbm4b:s1+s3], $0x80, v4, vm0, $0xb8;
	[tilespmem:$0x1D800] =	vst v63  }
0x4c4: {  	_ =	swait.ge [sflag:s20], $0x4000  }
0x4c5: {  	[sflag:s20] =	ssyncset.done $0x0  }
0x4c6: {  	s10 =	rddreg [dreg:$0x15];
	[sflag:s20] =	ssyncadd.s32 $0xFFFFC000  }
0x4c7: {  	[hbm4b:s10+s3] =	stream.linear.scatter [tilespmem:s2], [sflag:$0xB], $0x4000, $0x38;
	[tilespmem:$0x1D800] =	vst v63  }
0x4c8: {  	_ =	swait.ge [sflag:s21], $0x4000  }
0x4c9: {  	[sflag:s21] =	ssyncset.done $0x0  }
0x4ca: {  	[sflag:s21] =	ssyncadd.s32 $0xFFFFC000  }
0x4cb: {  	v4 =	vld [tilespmem:$0x580];
	_ =	sdelay $0x4  }
0x4cc: {  	v4 =	vshll.u32 v4, $0x4  }
0x4cd: {  	v4 =	vor.u32 v0, v4  }
0x4ce: {  	v5 =	vld [tilespmem:$0x590];
	v24 =	vshll.u32 v4, $0x1  }
0x4cf: {  	v25 =	vld [tilespmem:$0x5A0];
	v6 =	vand.u32 $0xFFFFFFF0, v24  }
0x4d0: {  	v26 =	vld [tilespmem:$0x5B0];
	v6 =	vor.u32 v1, v6  }
0x4d1: {  	v27 =	vperm.xlane v6, v1;
	_ =	sdelay $0x1  }
0x4d2: {  	v5 =	vshll.u32 v5, $0x4;
	v6 =	vperm.xlane v6, v3;
	v9 =	vadd.s32 v2, v27  }
0x4d3: {  	[tilespmem:$0x1300] =	vst v4;
	v4 =	vor.u32 v0, v5;
	v5 =	vshll.u32 v25, $0x4  }
0x4d4: {  	[tilespmem:$0x1310] =	vst v4;
	v4 =	vor.u32 v0, v5;
	v5 =	vshll.u32 v26, $0x4;
	v6 =	vadd.s32 v2, v6  }
0x4d5: {  	[tilespmem:$0x1320] =	vst v4;
	v4 =	vor.u32 v0, v5  }
0x4d6: {  	[tilespmem:$0x1330] =	vst v4  }
0x4d7: {  	[tilespmem:s15], [sflag:$0x2] =	stream.indirect_vreg.gather [hbm4b:s1+s3], $0x80, v9, vm0, $0xb8;
	[tilespmem:$0x1D800] =	vst v63  }
0x4d8: {  	s11 =	simm.s32 $0x6000  }
0x4d9: {  	[tilespmem:s11], [sflag:$0x2] =	stream.indirect_vreg.gather [hbm4b:s1+s3], $0x80, v6, vm0, $0xb8;
	[tilespmem:$0x1D800] =	vst v63  }
0x4da: {  	v4 =	vld [tilespmem:$0x1310];
	_ =	sdelay $0x4  }
0x4db: {  	v5 =	vshll.u32 v4, $0x1  }
0x4dc: {  	v4 =	vand.u32 $0x7, v4;
	v5 =	vand.u32 $0xFFFFFFF0, v5  }
0x4dd: {  	v4 =	vor.u32 v4, v5  }
0x4de: {  	v5 =	vperm.xlane v4, v1;
	_ =	sdelay $0x1  }
0x4df: {  	v4 =	vperm.xlane v4, v3;
	v5 =	vadd.s32 v2, v5;
	_ =	sdelay $0x1  }
0x4e0: {  	v4 =	vadd.s32 v2, v4;
	_ =	sdelay $0x1  }
0x4e1: {  	s12 =	simm.s32 $0x6800  }
0x4e2: {  	[tilespmem:s12], [sflag:$0x2] =	stream.indirect_vreg.gather [hbm4b:s1+s3], $0x80, v5, vm0, $0xb8;
	[tilespmem:$0x1D800] =	vst v63  }
0x4e3: {  	s10 =	simm.s32 $0x7000  }
0x4e4: {  	[tilespmem:s10], [sflag:$0x2] =	stream.indirect_vreg.gather [hbm4b:s1+s3], $0x80, v4, vm0, $0xb8;
	[tilespmem:$0x1D800] =	vst v63  }
0x4e5: {  	v4 =	vld [tilespmem:$0x1320];
	_ =	sdelay $0x4  }
0x4e6: {  	v5 =	vshll.u32 v4, $0x1  }
0x4e7: {  	v4 =	vand.u32 $0x7, v4;
	v5 =	vand.u32 $0xFFFFFFF0, v5  }
0x4e8: {  	v4 =	vor.u32 v4, v5  }
0x4e9: {  	v5 =	vperm.xlane v4, v1;
	_ =	sdelay $0x1  }
0x4ea: {  	v4 =	vperm.xlane v4, v3;
	v5 =	vadd.s32 v2, v5;
	_ =	sdelay $0x1  }
0x4eb: {  	v4 =	vadd.s32 v2, v4;
	_ =	sdelay $0x1  }
0x4ec: {  	s11 =	simm.s32 $0x7800  }
0x4ed: {  	[tilespmem:s11], [sflag:$0x2] =	stream.indirect_vreg.gather [hbm4b:s1+s3], $0x80, v5, vm0, $0xb8;
	[tilespmem:$0x1D800] =	vst v63  }
0x4ee: {  	s12 =	simm.s32 $0x8000  }
0x4ef: {  	[tilespmem:s12], [sflag:$0x2] =	stream.indirect_vreg.gather [hbm4b:s1+s3], $0x80, v4, vm0, $0xb8;
	[tilespmem:$0x1D800] =	vst v63  }
0x4f0: {  	v4 =	vld [tilespmem:$0x1330];
	_ =	sdelay $0x4  }
0x4f1: {  	v5 =	vshll.u32 v4, $0x1  }
0x4f2: {  	v4 =	vand.u32 $0x7, v4;
	v5 =	vand.u32 $0xFFFFFFF0, v5  }
0x4f3: {  	v4 =	vor.u32 v4, v5  }
0x4f4: {  	v5 =	vperm.xlane v4, v1;
	_ =	sdelay $0x1  }
0x4f5: {  	v4 =	vperm.xlane v4, v3;
	v5 =	vadd.s32 v2, v5;
	_ =	sdelay $0x1  }
0x4f6: {  	v4 =	vadd.s32 v2, v4;
	_ =	sdelay $0x1  }
0x4f7: {  	s10 =	simm.s32 $0x8800  }
0x4f8: {  	[tilespmem:s10], [sflag:$0x2] =	stream.indirect_vreg.gather [hbm4b:s1+s3], $0x80, v5, vm0, $0xb8;
	[tilespmem:$0x1D800] =	vst v63  }
0x4f9: {  	s11 =	simm.s32 $0x9000  }
0x4fa: {  	[tilespmem:s11], [sflag:$0x2] =	stream.indirect_vreg.gather [hbm4b:s1+s3], $0x80, v4, vm0, $0xb8;
	[tilespmem:$0x1D800] =	vst v63  }
0x4fb: {  	_ =	swait.ge [sflag:s22], $0x4000  }
0x4fc: {  	[sflag:s22] =	ssyncset.done $0x0  }
0x4fd: {  	s12 =	rddreg [dreg:$0x16];
	[sflag:s22] =	ssyncadd.s32 $0xFFFFC000  }
0x4fe: {  	[hbm4b:s12+s3] =	stream.linear.scatter [tilespmem:s14], [sflag:$0xC], $0x4000, $0x38;
	[tilespmem:$0x1D800] =	vst v63  }
0x4ff: {  	_ =	swait.ge [sflag:s24], $0x4000  }
0x500: {  	[sflag:s24] =	ssyncset.done $0x0  }
0x501: {  	[sflag:s24] =	ssyncadd.s32 $0xFFFFC000  }
0x502: {  	v4 =	vld [tilespmem:$0x5C0];
	_ =	sdelay $0x4  }
0x503: {  	v4 =	vshll.u32 v4, $0x4  }
0x504: {  	v4 =	vor.u32 v0, v4  }
0x505: {  	v5 =	vld [tilespmem:$0x5D0];
	v28 =	vshll.u32 v4, $0x1  }
0x506: {  	v29 =	vld [tilespmem:$0x5E0];
	v6 =	vand.u32 $0xFFFFFFF0, v28  }
0x507: {  	v30 =	vld [tilespmem:$0x5F0];
	v6 =	vor.u32 v1, v6  }
0x508: {  	v31 =	vperm.xlane v6, v1;
	_ =	sdelay $0x1  }
0x509: {  	v5 =	vshll.u32 v5, $0x4;
	v6 =	vperm.xlane v6, v3;
	v9 =	vadd.s32 v2, v31  }
0x50a: {  	[tilespmem:$0x1380] =	vst v4;
	v4 =	vor.u32 v0, v5;
	v5 =	vshll.u32 v29, $0x4  }
0x50b: {  	[tilespmem:$0x1390] =	vst v4;
	v4 =	vor.u32 v0, v5;
	v5 =	vshll.u32 v30, $0x4;
	v6 =	vadd.s32 v2, v6  }
0x50c: {  	[tilespmem:$0x13A0] =	vst v4;
	v4 =	vor.u32 v0, v5  }
0x50d: {  	[tilespmem:$0x13B0] =	vst v4  }
0x50e: {  	[tilespmem:s23], [sflag:$0x3] =	stream.indirect_vreg.gather [hbm4b:s1+s3], $0x80, v9, vm0, $0xb8;
	[tilespmem:$0x1D800] =	vst v63  }
0x50f: {  	s10 =	simm.s32 $0xA000  }
0x510: {  	[tilespmem:s10], [sflag:$0x3] =	stream.indirect_vreg.gather [hbm4b:s1+s3], $0x80, v6, vm0, $0xb8;
	[tilespmem:$0x1D800] =	vst v63  }
0x511: {  	v4 =	vld [tilespmem:$0x1390];
	_ =	sdelay $0x4  }
0x512: {  	v5 =	vshll.u32 v4, $0x1  }
0x513: {  	v4 =	vand.u32 $0x7, v4;
	v5 =	vand.u32 $0xFFFFFFF0, v5  }
0x514: {  	v4 =	vor.u32 v4, v5  }
0x515: {  	v5 =	vperm.xlane v4, v1;
	_ =	sdelay $0x1  }
0x516: {  	v4 =	vperm.xlane v4, v3;
	v5 =	vadd.s32 v2, v5;
	_ =	sdelay $0x1  }
0x517: {  	v4 =	vadd.s32 v2, v4;
	_ =	sdelay $0x1  }
0x518: {  	s11 =	simm.s32 $0xA800  }
0x519: {  	[tilespmem:s11], [sflag:$0x3] =	stream.indirect_vreg.gather [hbm4b:s1+s3], $0x80, v5, vm0, $0xb8;
	[tilespmem:$0x1D800] =	vst v63  }
0x51a: {  	s12 =	simm.s32 $0xB000  }
0x51b: {  	[tilespmem:s12], [sflag:$0x3] =	stream.indirect_vreg.gather [hbm4b:s1+s3], $0x80, v4, vm0, $0xb8;
	[tilespmem:$0x1D800] =	vst v63  }
0x51c: {  	v4 =	vld [tilespmem:$0x13A0];
	_ =	sdelay $0x4  }
0x51d: {  	v5 =	vshll.u32 v4, $0x1  }
0x51e: {  	v4 =	vand.u32 $0x7, v4;
	v5 =	vand.u32 $0xFFFFFFF0, v5  }
0x51f: {  	v4 =	vor.u32 v4, v5  }
0x520: {  	v5 =	vperm.xlane v4, v1;
	_ =	sdelay $0x1  }
0x521: {  	v4 =	vperm.xlane v4, v3;
	v5 =	vadd.s32 v2, v5;
	_ =	sdelay $0x1  }
0x522: {  	v4 =	vadd.s32 v2, v4;
	_ =	sdelay $0x1  }
0x523: {  	s10 =	simm.s32 $0xB800  }
0x524: {  	[tilespmem:s10], [sflag:$0x3] =	stream.indirect_vreg.gather [hbm4b:s1+s3], $0x80, v5, vm0, $0xb8;
	[tilespmem:$0x1D800] =	vst v63  }
0x525: {  	s11 =	simm.s32 $0xC000  }
0x526: {  	[tilespmem:s11], [sflag:$0x3] =	stream.indirect_vreg.gather [hbm4b:s1+s3], $0x80, v4, vm0, $0xb8;
	[tilespmem:$0x1D800] =	vst v63  }
0x527: {  	v4 =	vld [tilespmem:$0x13B0];
	_ =	sdelay $0x4  }
0x528: {  	v5 =	vshll.u32 v4, $0x1  }
0x529: {  	v4 =	vand.u32 $0x7, v4;
	v5 =	vand.u32 $0xFFFFFFF0, v5  }
0x52a: {  	v4 =	vor.u32 v4, v5  }
0x52b: {  	v5 =	vperm.xlane v4, v1;
	_ =	sdelay $0x1  }
0x52c: {  	v4 =	vperm.xlane v4, v3;
	v5 =	vadd.s32 v2, v5;
	_ =	sdelay $0x1  }
0x52d: {  	v4 =	vadd.s32 v2, v4;
	_ =	sdelay $0x1  }
0x52e: {  	s12 =	simm.s32 $0xC800  }
0x52f: {  	[tilespmem:s12], [sflag:$0x3] =	stream.indirect_vreg.gather [hbm4b:s1+s3], $0x80, v5, vm0, $0xb8;
	[tilespmem:$0x1D800] =	vst v63  }
0x530: {  	s10 =	simm.s32 $0xD000  }
0x531: {  	[tilespmem:s10], [sflag:$0x3] =	stream.indirect_vreg.gather [hbm4b:s1+s3], $0x80, v4, vm0, $0xb8;
	[tilespmem:$0x1D800] =	vst v63  }
0x532: {  	_ =	swait.ge [sflag:s25], $0x4000  }
0x533: {  	[sflag:s25] =	ssyncset.done $0x0  }
0x534: {  	s11 =	rddreg [dreg:$0x17];
	[sflag:s25] =	ssyncadd.s32 $0xFFFFC000  }
0x535: {  	[hbm4b:s11+s3] =	stream.linear.scatter [tilespmem:s17], [sflag:$0xD], $0x4000, $0x38;
	[tilespmem:$0x1D800] =	vst v63  }
0x536: {  	_ =	swait.ge [sflag:s26], $0x4000  }
0x537: {  	[sflag:s26] =	ssyncset.done $0x0  }
0x538: {  	[sflag:s26] =	ssyncadd.s32 $0xFFFFC000  }
0x539: {  	v4 =	vld [tilespmem:$0x600];
	_ =	sdelay $0x4  }
0x53a: {  	v4 =	vshll.u32 v4, $0x4  }
0x53b: {  	v4 =	vor.u32 v0, v4  }
0x53c: {  	v5 =	vld [tilespmem:$0x610];
	v32 =	vshll.u32 v4, $0x1  }
0x53d: {  	v33 =	vld [tilespmem:$0x620];
	v6 =	vand.u32 $0xFFFFFFF0, v32  }
0x53e: {  	v34 =	vld [tilespmem:$0x630];
	v6 =	vor.u32 v1, v6  }
0x53f: {  	v35 =	vperm.xlane v6, v1;
	_ =	sdelay $0x1  }
0x540: {  	v5 =	vshll.u32 v5, $0x4;
	v6 =	vperm.xlane v6, v3;
	v9 =	vadd.s32 v2, v35  }
0x541: {  	[tilespmem:$0x1400] =	vst v4;
	v4 =	vor.u32 v0, v5;
	v5 =	vshll.u32 v33, $0x4  }
0x542: {  	[tilespmem:$0x1410] =	vst v4;
	v4 =	vor.u32 v0, v5;
	v5 =	vshll.u32 v34, $0x4;
	v6 =	vadd.s32 v2, v6  }
0x543: {  	[tilespmem:$0x1420] =	vst v4;
	v4 =	vor.u32 v0, v5  }
0x544: {  	[tilespmem:$0x1430] =	vst v4  }
0x545: {  	[tilespmem:s2], [sflag:$0x4] =	stream.indirect_vreg.gather [hbm4b:s1+s3], $0x80, v9, vm0, $0xb8;
	[tilespmem:$0x1D800] =	vst v63  }
0x546: {  	s12 =	simm.s32 $0xE000  }
0x547: {  	[tilespmem:s12], [sflag:$0x4] =	stream.indirect_vreg.gather [hbm4b:s1+s3], $0x80, v6, vm0, $0xb8;
	[tilespmem:$0x1D800] =	vst v63  }
0x548: {  	v4 =	vld [tilespmem:$0x1410];
	_ =	sdelay $0x4  }
0x549: {  	v5 =	vshll.u32 v4, $0x1  }
0x54a: {  	v4 =	vand.u32 $0x7, v4;
	v5 =	vand.u32 $0xFFFFFFF0, v5  }
0x54b: {  	v4 =	vor.u32 v4, v5  }
0x54c: {  	v5 =	vperm.xlane v4, v1;
	_ =	sdelay $0x1  }
0x54d: {  	v4 =	vperm.xlane v4, v3;
	v5 =	vadd.s32 v2, v5;
	_ =	sdelay $0x1  }
0x54e: {  	v4 =	vadd.s32 v2, v4;
	_ =	sdelay $0x1  }
0x54f: {  	s10 =	simm.s32 $0xE800  }
0x550: {  	[tilespmem:s10], [sflag:$0x4] =	stream.indirect_vreg.gather [hbm4b:s1+s3], $0x80, v5, vm0, $0xb8;
	[tilespmem:$0x1D800] =	vst v63  }
0x551: {  	s12 =	simm.s32 $0xF000  }
0x552: {  	[tilespmem:s12], [sflag:$0x4] =	stream.indirect_vreg.gather [hbm4b:s1+s3], $0x80, v4, vm0, $0xb8;
	[tilespmem:$0x1D800] =	vst v63  }
0x553: {  	v4 =	vld [tilespmem:$0x1420];
	_ =	sdelay $0x4  }
0x554: {  	v5 =	vshll.u32 v4, $0x1  }
0x555: {  	v4 =	vand.u32 $0x7, v4;
	v5 =	vand.u32 $0xFFFFFFF0, v5  }
0x556: {  	v4 =	vor.u32 v4, v5  }
0x557: {  	v5 =	vperm.xlane v4, v1;
	_ =	sdelay $0x1  }
0x558: {  	v4 =	vperm.xlane v4, v3;
	v5 =	vadd.s32 v2, v5;
	_ =	sdelay $0x1  }
0x559: {  	v4 =	vadd.s32 v2, v4;
	_ =	sdelay $0x1  }
0x55a: {  	s12 =	simm.s32 $0xF800  }
0x55b: {  	[tilespmem:s12], [sflag:$0x4] =	stream.indirect_vreg.gather [hbm4b:s1+s3], $0x80, v5, vm0, $0xb8;
	[tilespmem:$0x1D800] =	vst v63  }
0x55c: {  	s0 =	simm.s32 $0x10000  }
0x55d: {  	[tilespmem:s0], [sflag:$0x4] =	stream.indirect_vreg.gather [hbm4b:s1+s3], $0x80, v4, vm0, $0xb8;
	[tilespmem:$0x1D800] =	vst v63  }
0x55e: {  	v4 =	vld [tilespmem:$0x1430];
	_ =	sdelay $0x4  }
0x55f: {  	v5 =	vshll.u32 v4, $0x1  }
0x560: {  	v4 =	vand.u32 $0x7, v4;
	v5 =	vand.u32 $0xFFFFFFF0, v5  }
0x561: {  	v4 =	vor.u32 v4, v5  }
0x562: {  	v5 =	vperm.xlane v4, v1;
	_ =	sdelay $0x1  }
0x563: {  	v4 =	vperm.xlane v4, v3;
	v5 =	vadd.s32 v2, v5;
	_ =	sdelay $0x1  }
0x564: {  	v4 =	vadd.s32 v2, v4;
	_ =	sdelay $0x1  }
0x565: {  	s0 =	simm.s32 $0x10800  }
0x566: {  	[tilespmem:s0], [sflag:$0x4] =	stream.indirect_vreg.gather [hbm4b:s1+s3], $0x80, v5, vm0, $0xb8;
	[tilespmem:$0x1D800] =	vst v63  }
0x567: {  	s0 =	simm.s32 $0x11000  }
0x568: {  	[tilespmem:s0], [sflag:$0x4] =	stream.indirect_vreg.gather [hbm4b:s1+s3], $0x80, v4, vm0, $0xb8;
	[tilespmem:$0x1D800] =	vst v63  }
0x569: {  	_ =	swait.ge [sflag:s28], $0x4000  }
0x56a: {  	[sflag:s28] =	ssyncset.done $0x0  }
0x56b: {  	s0 =	rddreg [dreg:$0x18];
	[sflag:s28] =	ssyncadd.s32 $0xFFFFC000  }
0x56c: {  	[hbm4b:s0+s3] =	stream.linear.scatter [tilespmem:s7], [sflag:$0xE], $0x4000, $0x38;
	[tilespmem:$0x1D800] =	vst v63  }
0x56d: {  	_ =	swait.ge [sflag:s29], $0x4000  }
0x56e: {  	[sflag:s29] =	ssyncset.done $0x0  }
0x56f: {  	[sflag:s29] =	ssyncadd.s32 $0xFFFFC000  }
0x570: {  	v4 =	vld [tilespmem:$0x640];
	_ =	sdelay $0x4  }
0x571: {  	v4 =	vshll.u32 v4, $0x4  }
0x572: {  	v4 =	vor.u32 v0, v4  }
0x573: {  	v5 =	vld [tilespmem:$0x650];
	v36 =	vshll.u32 v4, $0x1  }
0x574: {  	v37 =	vld [tilespmem:$0x660];
	v6 =	vand.u32 $0xFFFFFFF0, v36  }
0x575: {  	v38 =	vld [tilespmem:$0x670];
	v6 =	vor.u32 v1, v6  }
0x576: {  	v39 =	vperm.xlane v6, v1;
	_ =	sdelay $0x1  }
0x577: {  	v5 =	vshll.u32 v5, $0x4;
	v6 =	vperm.xlane v6, v3;
	v9 =	vadd.s32 v2, v39  }
0x578: {  	[tilespmem:$0x1480] =	vst v4;
	v4 =	vor.u32 v0, v5;
	v5 =	vshll.u32 v37, $0x4  }
0x579: {  	[tilespmem:$0x1490] =	vst v4;
	v4 =	vor.u32 v0, v5;
	v5 =	vshll.u32 v38, $0x4;
	v6 =	vadd.s32 v2, v6  }
0x57a: {  	[tilespmem:$0x14A0] =	vst v4;
	v4 =	vor.u32 v0, v5  }
0x57b: {  	[tilespmem:$0x14B0] =	vst v4  }
0x57c: {  	[tilespmem:s14], [sflag:$0x5] =	stream.indirect_vreg.gather [hbm4b:s1+s3], $0x80, v9, vm0, $0xb8;
	[tilespmem:$0x1D800] =	vst v63  }
0x57d: {  	s0 =	simm.s32 $0x12000  }
0x57e: {  	[tilespmem:s0], [sflag:$0x5] =	stream.indirect_vreg.gather [hbm4b:s1+s3], $0x80, v6, vm0, $0xb8;
	[tilespmem:$0x1D800] =	vst v63  }
0x57f: {  	v4 =	vld [tilespmem:$0x1490];
	_ =	sdelay $0x4  }
0x580: {  	v5 =	vshll.u32 v4, $0x1  }
0x581: {  	v4 =	vand.u32 $0x7, v4;
	v5 =	vand.u32 $0xFFFFFFF0, v5  }
0x582: {  	v4 =	vor.u32 v4, v5  }
0x583: {  	v5 =	vperm.xlane v4, v1;
	_ =	sdelay $0x1  }
0x584: {  	v4 =	vperm.xlane v4, v3;
	v5 =	vadd.s32 v2, v5;
	_ =	sdelay $0x1  }
0x585: {  	v4 =	vadd.s32 v2, v4;
	_ =	sdelay $0x1  }
0x586: {  	s0 =	simm.s32 $0x12800  }
0x587: {  	[tilespmem:s0], [sflag:$0x5] =	stream.indirect_vreg.gather [hbm4b:s1+s3], $0x80, v5, vm0, $0xb8;
	[tilespmem:$0x1D800] =	vst v63  }
0x588: {  	s0 =	simm.s32 $0x13000  }
0x589: {  	[tilespmem:s0], [sflag:$0x5] =	stream.indirect_vreg.gather [hbm4b:s1+s3], $0x80, v4, vm0, $0xb8;
	[tilespmem:$0x1D800] =	vst v63  }
0x58a: {  	v4 =	vld [tilespmem:$0x14A0];
	_ =	sdelay $0x4  }
0x58b: {  	v5 =	vshll.u32 v4, $0x1  }
0x58c: {  	v4 =	vand.u32 $0x7, v4;
	v5 =	vand.u32 $0xFFFFFFF0, v5  }
0x58d: {  	v4 =	vor.u32 v4, v5  }
0x58e: {  	v5 =	vperm.xlane v4, v1;
	_ =	sdelay $0x1  }
0x58f: {  	v4 =	vperm.xlane v4, v3;
	v5 =	vadd.s32 v2, v5;
	_ =	sdelay $0x1  }
0x590: {  	v4 =	vadd.s32 v2, v4;
	_ =	sdelay $0x1  }
0x591: {  	s0 =	simm.s32 $0x13800  }
0x592: {  	[tilespmem:s0], [sflag:$0x5] =	stream.indirect_vreg.gather [hbm4b:s1+s3], $0x80, v5, vm0, $0xb8;
	[tilespmem:$0x1D800] =	vst v63  }
0x593: {  	s0 =	simm.s32 $0x14000  }
0x594: {  	[tilespmem:s0], [sflag:$0x5] =	stream.indirect_vreg.gather [hbm4b:s1+s3], $0x80, v4, vm0, $0xb8;
	[tilespmem:$0x1D800] =	vst v63  }
0x595: {  	v4 =	vld [tilespmem:$0x14B0];
	_ =	sdelay $0x4  }
0x596: {  	v5 =	vshll.u32 v4, $0x1  }
0x597: {  	v4 =	vand.u32 $0x7, v4;
	v5 =	vand.u32 $0xFFFFFFF0, v5  }
0x598: {  	v4 =	vor.u32 v4, v5  }
0x599: {  	v5 =	vperm.xlane v4, v1;
	_ =	sdelay $0x1  }
0x59a: {  	v4 =	vperm.xlane v4, v3;
	v5 =	vadd.s32 v2, v5;
	_ =	sdelay $0x1  }
0x59b: {  	v4 =	vadd.s32 v2, v4;
	_ =	sdelay $0x1  }
0x59c: {  	s0 =	simm.s32 $0x14800  }
0x59d: {  	[tilespmem:s0], [sflag:$0x5] =	stream.indirect_vreg.gather [hbm4b:s1+s3], $0x80, v5, vm0, $0xb8;
	[tilespmem:$0x1D800] =	vst v63  }
0x59e: {  	s0 =	simm.s32 $0x15000  }
0x59f: {  	[tilespmem:s0], [sflag:$0x5] =	stream.indirect_vreg.gather [hbm4b:s1+s3], $0x80, v4, vm0, $0xb8;
	[tilespmem:$0x1D800] =	vst v63  }
0x5a0: {  	_ =	swait.ge [sflag:s13], $0x4000  }
0x5a1: {  	[sflag:s13] =	ssyncset.done $0x0  }
0x5a2: {  	s0 =	rddreg [dreg:$0x19];
	[sflag:s13] =	ssyncadd.s32 $0xFFFFC000  }
0x5a3: {  	[hbm4b:s0+s3] =	stream.linear.scatter [tilespmem:s4], [sflag:$0x8], $0x4000, $0x38;
	[tilespmem:$0x1D800] =	vst v63  }
0x5a4: {  	_ =	swait.ge [sflag:s30], $0x4000  }
0x5a5: {  	[sflag:s30] =	ssyncset.done $0x0  }
0x5a6: {  	[sflag:s30] =	ssyncadd.s32 $0xFFFFC000  }
0x5a7: {  	v4 =	vld [tilespmem:$0x680];
	_ =	sdelay $0x4  }
0x5a8: {  	v4 =	vshll.u32 v4, $0x4  }
0x5a9: {  	v4 =	vor.u32 v0, v4  }
0x5aa: {  	v5 =	vld [tilespmem:$0x690];
	v40 =	vshll.u32 v4, $0x1  }
0x5ab: {  	v41 =	vld [tilespmem:$0x6A0];
	v6 =	vand.u32 $0xFFFFFFF0, v40  }
0x5ac: {  	v42 =	vld [tilespmem:$0x6B0];
	v6 =	vor.u32 v1, v6  }
0x5ad: {  	v43 =	vperm.xlane v6, v1;
	_ =	sdelay $0x1  }
0x5ae: {  	v5 =	vshll.u32 v5, $0x4;
	v6 =	vperm.xlane v6, v3;
	v9 =	vadd.s32 v2, v43  }
0x5af: {  	[tilespmem:$0x1500] =	vst v4;
	v4 =	vor.u32 v0, v5;
	v5 =	vshll.u32 v41, $0x4  }
0x5b0: {  	[tilespmem:$0x1510] =	vst v4;
	v4 =	vor.u32 v0, v5;
	v5 =	vshll.u32 v42, $0x4;
	v6 =	vadd.s32 v2, v6  }
0x5b1: {  	[tilespmem:$0x1520] =	vst v4;
	v4 =	vor.u32 v0, v5  }
0x5b2: {  	[tilespmem:$0x1530] =	vst v4  }
0x5b3: {  	[tilespmem:s17], [sflag:$0x6] =	stream.indirect_vreg.gather [hbm4b:s1+s3], $0x80, v9, vm0, $0xb8;
	[tilespmem:$0x1D800] =	vst v63  }
0x5b4: {  	s0 =	simm.s32 $0x16000  }
0x5b5: {  	[tilespmem:s0], [sflag:$0x6] =	stream.indirect_vreg.gather [hbm4b:s1+s3], $0x80, v6, vm0, $0xb8;
	[tilespmem:$0x1D800] =	vst v63  }
0x5b6: {  	v4 =	vld [tilespmem:$0x1510];
	_ =	sdelay $0x4  }
0x5b7: {  	v5 =	vshll.u32 v4, $0x1  }
0x5b8: {  	v4 =	vand.u32 $0x7, v4;
	v5 =	vand.u32 $0xFFFFFFF0, v5  }
0x5b9: {  	v4 =	vor.u32 v4, v5  }
0x5ba: {  	v5 =	vperm.xlane v4, v1;
	_ =	sdelay $0x1  }
0x5bb: {  	v4 =	vperm.xlane v4, v3;
	v5 =	vadd.s32 v2, v5;
	_ =	sdelay $0x1  }
0x5bc: {  	v4 =	vadd.s32 v2, v4;
	_ =	sdelay $0x1  }
0x5bd: {  	s0 =	simm.s32 $0x16800  }
0x5be: {  	[tilespmem:s0], [sflag:$0x6] =	stream.indirect_vreg.gather [hbm4b:s1+s3], $0x80, v5, vm0, $0xb8;
	[tilespmem:$0x1D800] =	vst v63  }
0x5bf: {  	s0 =	simm.s32 $0x17000  }
0x5c0: {  	[tilespmem:s0], [sflag:$0x6] =	stream.indirect_vreg.gather [hbm4b:s1+s3], $0x80, v4, vm0, $0xb8;
	[tilespmem:$0x1D800] =	vst v63  }
0x5c1: {  	v4 =	vld [tilespmem:$0x1520];
	_ =	sdelay $0x4  }
0x5c2: {  	v5 =	vshll.u32 v4, $0x1  }
0x5c3: {  	v4 =	vand.u32 $0x7, v4;
	v5 =	vand.u32 $0xFFFFFFF0, v5  }
0x5c4: {  	v4 =	vor.u32 v4, v5  }
0x5c5: {  	v5 =	vperm.xlane v4, v1;
	_ =	sdelay $0x1  }
0x5c6: {  	v4 =	vperm.xlane v4, v3;
	v5 =	vadd.s32 v2, v5;
	_ =	sdelay $0x1  }
0x5c7: {  	v4 =	vadd.s32 v2, v4;
	_ =	sdelay $0x1  }
0x5c8: {  	s0 =	simm.s32 $0x17800  }
0x5c9: {  	[tilespmem:s0], [sflag:$0x6] =	stream.indirect_vreg.gather [hbm4b:s1+s3], $0x80, v5, vm0, $0xb8;
	[tilespmem:$0x1D800] =	vst v63  }
0x5ca: {  	s0 =	simm.s32 $0x18000  }
0x5cb: {  	[tilespmem:s0], [sflag:$0x6] =	stream.indirect_vreg.gather [hbm4b:s1+s3], $0x80, v4, vm0, $0xb8;
	[tilespmem:$0x1D800] =	vst v63  }
0x5cc: {  	v4 =	vld [tilespmem:$0x1530];
	_ =	sdelay $0x4  }
0x5cd: {  	v5 =	vshll.u32 v4, $0x1  }
0x5ce: {  	v4 =	vand.u32 $0x7, v4;
	v5 =	vand.u32 $0xFFFFFFF0, v5  }
0x5cf: {  	v4 =	vor.u32 v4, v5  }
0x5d0: {  	v5 =	vperm.xlane v4, v1;
	_ =	sdelay $0x1  }
0x5d1: {  	v4 =	vperm.xlane v4, v3;
	v5 =	vadd.s32 v2, v5;
	_ =	sdelay $0x1  }
0x5d2: {  	v4 =	vadd.s32 v2, v4;
	_ =	sdelay $0x1  }
0x5d3: {  	s0 =	simm.s32 $0x18800  }
0x5d4: {  	[tilespmem:s0], [sflag:$0x6] =	stream.indirect_vreg.gather [hbm4b:s1+s3], $0x80, v5, vm0, $0xb8;
	[tilespmem:$0x1D800] =	vst v63  }
0x5d5: {  	s0 =	simm.s32 $0x19000  }
0x5d6: {  	[tilespmem:s0], [sflag:$0x6] =	stream.indirect_vreg.gather [hbm4b:s1+s3], $0x80, v4, vm0, $0xb8;
	[tilespmem:$0x1D800] =	vst v63  }
0x5d7: {  	_ =	swait.ge [sflag:s16], $0x4000  }
0x5d8: {  	[sflag:s16] =	ssyncset.done $0x0  }
0x5d9: {  	s0 =	rddreg [dreg:$0x1a];
	[sflag:s16] =	ssyncadd.s32 $0xFFFFC000  }
0x5da: {  	[hbm4b:s0+s3] =	stream.linear.scatter [tilespmem:s15], [sflag:$0x9], $0x4000, $0x38;
	[tilespmem:$0x1D800] =	vst v63  }
0x5db: {  	_ =	swait.ge [sflag:s31], $0x4000  }
0x5dc: {  	[sflag:s31] =	ssyncset.done $0x0  }
0x5dd: {  	[sflag:s31] =	ssyncadd.s32 $0xFFFFC000  }
0x5de: {  	v4 =	vld [tilespmem:$0x6C0];
	_ =	sdelay $0x4  }
0x5df: {  	v4 =	vshll.u32 v4, $0x4  }
0x5e0: {  	v4 =	vor.u32 v0, v4  }
0x5e1: {  	v5 =	vld [tilespmem:$0x6D0];
	v44 =	vshll.u32 v4, $0x1  }
0x5e2: {  	v45 =	vld [tilespmem:$0x6E0];
	v6 =	vand.u32 $0xFFFFFFF0, v44  }
0x5e3: {  	v46 =	vld [tilespmem:$0x6F0];
	v6 =	vor.u32 v1, v6  }
0x5e4: {  	v47 =	vperm.xlane v6, v1;
	_ =	sdelay $0x1  }
0x5e5: {  	v5 =	vshll.u32 v5, $0x4;
	v6 =	vperm.xlane v6, v3;
	v9 =	vadd.s32 v2, v47  }
0x5e6: {  	[tilespmem:$0x1580] =	vst v4;
	v4 =	vor.u32 v0, v5;
	v5 =	vshll.u32 v45, $0x4  }
0x5e7: {  	[tilespmem:$0x1590] =	vst v4;
	v4 =	vor.u32 v0, v5;
	v5 =	vshll.u32 v46, $0x4;
	v6 =	vadd.s32 v2, v6  }
0x5e8: {  	[tilespmem:$0x15A0] =	vst v4;
	v4 =	vor.u32 v0, v5  }
0x5e9: {  	[tilespmem:$0x15B0] =	vst v4  }
0x5ea: {  	[tilespmem:s7], [sflag:$0x7] =	stream.indirect_vreg.gather [hbm4b:s1+s3], $0x80, v9, vm0, $0xb8;
	[tilespmem:$0x1D800] =	vst v63  }
0x5eb: {  	s0 =	simm.s32 $0x1A000  }
0x5ec: {  	[tilespmem:s0], [sflag:$0x7] =	stream.indirect_vreg.gather [hbm4b:s1+s3], $0x80, v6, vm0, $0xb8;
	[tilespmem:$0x1D800] =	vst v63  }
0x5ed: {  	v4 =	vld [tilespmem:$0x1590];
	_ =	sdelay $0x4  }
0x5ee: {  	v5 =	vshll.u32 v4, $0x1  }
0x5ef: {  	v4 =	vand.u32 $0x7, v4;
	v5 =	vand.u32 $0xFFFFFFF0, v5  }
0x5f0: {  	v4 =	vor.u32 v4, v5  }
0x5f1: {  	v5 =	vperm.xlane v4, v1;
	_ =	sdelay $0x1  }
0x5f2: {  	v4 =	vperm.xlane v4, v3;
	v5 =	vadd.s32 v2, v5;
	_ =	sdelay $0x1  }
0x5f3: {  	v4 =	vadd.s32 v2, v4;
	_ =	sdelay $0x1  }
0x5f4: {  	s6 =	simm.s32 $0x1A800  }
0x5f5: {  	[tilespmem:s6], [sflag:$0x7] =	stream.indirect_vreg.gather [hbm4b:s1+s3], $0x80, v5, vm0, $0xb8;
	[tilespmem:$0x1D800] =	vst v63  }
0x5f6: {  	s6 =	simm.s32 $0x1B000  }
0x5f7: {  	[tilespmem:s6], [sflag:$0x7] =	stream.indirect_vreg.gather [hbm4b:s1+s3], $0x80, v4, vm0, $0xb8;
	[tilespmem:$0x1D800] =	vst v63  }
0x5f8: {  	v4 =	vld [tilespmem:$0x15A0];
	_ =	sdelay $0x4  }
0x5f9: {  	v5 =	vshll.u32 v4, $0x1  }
0x5fa: {  	v4 =	vand.u32 $0x7, v4;
	v5 =	vand.u32 $0xFFFFFFF0, v5  }
0x5fb: {  	v4 =	vor.u32 v4, v5  }
0x5fc: {  	v5 =	vperm.xlane v4, v1;
	_ =	sdelay $0x1  }
0x5fd: {  	v4 =	vperm.xlane v4, v3;
	v5 =	vadd.s32 v2, v5;
	_ =	sdelay $0x1  }
0x5fe: {  	v4 =	vadd.s32 v2, v4;
	_ =	sdelay $0x1  }
0x5ff: {  	s8 =	simm.s32 $0x1B800  }
0x600: {  	[tilespmem:s8], [sflag:$0x7] =	stream.indirect_vreg.gather [hbm4b:s1+s3], $0x80, v5, vm0, $0xb8;
	[tilespmem:$0x1D800] =	vst v63  }
0x601: {  	s6 =	simm.s32 $0x1C000  }
0x602: {  	[tilespmem:s6], [sflag:$0x7] =	stream.indirect_vreg.gather [hbm4b:s1+s3], $0x80, v4, vm0, $0xb8;
	[tilespmem:$0x1D800] =	vst v63  }
0x603: {  	v4 =	vld [tilespmem:$0x15B0];
	_ =	sdelay $0x4  }
0x604: {  	v5 =	vshll.u32 v4, $0x1  }
0x605: {  	v4 =	vand.u32 $0x7, v4;
	v5 =	vand.u32 $0xFFFFFFF0, v5  }
0x606: {  	v4 =	vor.u32 v4, v5  }
0x607: {  	v5 =	vperm.xlane v4, v1;
	_ =	sdelay $0x1  }
0x608: {  	v4 =	vperm.xlane v4, v3;
	v5 =	vadd.s32 v2, v5;
	_ =	sdelay $0x1  }
0x609: {  	v4 =	vadd.s32 v2, v4;
	_ =	sdelay $0x1  }
0x60a: {  	s9 =	simm.s32 $0x1C800  }
0x60b: {  	[tilespmem:s9], [sflag:$0x7] =	stream.indirect_vreg.gather [hbm4b:s1+s3], $0x80, v5, vm0, $0xb8;
	[tilespmem:$0x1D800] =	vst v63  }
0x60c: {  	s8 =	simm.s32 $0x1D000  }
0x60d: {  	[tilespmem:s8], [sflag:$0x7] =	stream.indirect_vreg.gather [hbm4b:s1+s3], $0x80, v4, vm0, $0xb8;
	[tilespmem:$0x1D800] =	vst v63  }
0x60e: {  	_ =	swait.ge [sflag:s18], $0x4000  }
0x60f: {  	[sflag:s18] =	ssyncset.done $0x0  }
0x610: {  	s9 =	rddreg [dreg:$0x1b];
	[sflag:s18] =	ssyncadd.s32 $0xFFFFC000  }
0x611: {  	[hbm4b:s9+s3] =	stream.linear.scatter [tilespmem:s23], [sflag:$0xA], $0x4000, $0x38;
	[tilespmem:$0x1D800] =	vst v63  }
0x612: {  	_ =	swait.ge [sflag:s19], $0x4000  }
0x613: {  	[sflag:s19] =	ssyncset.done $0x0  }
0x614: {  	[sflag:s19] =	ssyncadd.s32 $0xFFFFC000  }
0x615: {  	v4 =	vld [tilespmem:$0x700];
	_ =	sdelay $0x4  }
0x616: {  	v4 =	vshll.u32 v4, $0x4  }
0x617: {  	v4 =	vor.u32 v0, v4  }
0x618: {  	v5 =	vld [tilespmem:$0x710];
	v48 =	vshll.u32 v4, $0x1  }
0x619: {  	v49 =	vld [tilespmem:$0x720];
	v6 =	vand.u32 $0xFFFFFFF0, v48  }
0x61a: {  	v50 =	vld [tilespmem:$0x730];
	v6 =	vor.u32 v1, v6  }
0x61b: {  	v51 =	vperm.xlane v6, v1;
	_ =	sdelay $0x1  }
0x61c: {  	v5 =	vshll.u32 v5, $0x4;
	v6 =	vperm.xlane v6, v3;
	v9 =	vadd.s32 v2, v51  }
0x61d: {  	[tilespmem:$0x1600] =	vst v4;
	v4 =	vor.u32 v0, v5;
	v5 =	vshll.u32 v49, $0x4  }
0x61e: {  	[tilespmem:$0x1610] =	vst v4;
	v4 =	vor.u32 v0, v5;
	v5 =	vshll.u32 v50, $0x4;
	v6 =	vadd.s32 v2, v6  }
0x61f: {  	[tilespmem:$0x1620] =	vst v4;
	v4 =	vor.u32 v0, v5  }
0x620: {  	[tilespmem:$0x1630] =	vst v4  }
0x621: {  	[tilespmem:s4], [sflag:$0x1] =	stream.indirect_vreg.gather [hbm4b:s1+s3], $0x80, v9, vm0, $0xb8;
	[tilespmem:$0x1D800] =	vst v63  }
0x622: {  	s6 =	simm.s32 $0x2000  }
0x623: {  	[tilespmem:s6], [sflag:$0x1] =	stream.indirect_vreg.gather [hbm4b:s1+s3], $0x80, v6, vm0, $0xb8;
	[tilespmem:$0x1D800] =	vst v63  }
0x624: {  	v4 =	vld [tilespmem:$0x1610];
	_ =	sdelay $0x4  }
0x625: {  	v5 =	vshll.u32 v4, $0x1  }
0x626: {  	v4 =	vand.u32 $0x7, v4;
	v5 =	vand.u32 $0xFFFFFFF0, v5  }
0x627: {  	v4 =	vor.u32 v4, v5  }
0x628: {  	v5 =	vperm.xlane v4, v1;
	_ =	sdelay $0x1  }
0x629: {  	v4 =	vperm.xlane v4, v3;
	v5 =	vadd.s32 v2, v5;
	_ =	sdelay $0x1  }
0x62a: {  	v4 =	vadd.s32 v2, v4;
	_ =	sdelay $0x1  }
0x62b: {  	s8 =	simm.s32 $0x2800  }
0x62c: {  	[tilespmem:s8], [sflag:$0x1] =	stream.indirect_vreg.gather [hbm4b:s1+s3], $0x80, v5, vm0, $0xb8;
	[tilespmem:$0x1D800] =	vst v63  }
0x62d: {  	s9 =	simm.s32 $0x3000  }
0x62e: {  	[tilespmem:s9], [sflag:$0x1] =	stream.indirect_vreg.gather [hbm4b:s1+s3], $0x80, v4, vm0, $0xb8;
	[tilespmem:$0x1D800] =	vst v63  }
0x62f: {  	v4 =	vld [tilespmem:$0x1620];
	_ =	sdelay $0x4  }
0x630: {  	v5 =	vshll.u32 v4, $0x1  }
0x631: {  	v4 =	vand.u32 $0x7, v4;
	v5 =	vand.u32 $0xFFFFFFF0, v5  }
0x632: {  	v4 =	vor.u32 v4, v5  }
0x633: {  	v5 =	vperm.xlane v4, v1;
	_ =	sdelay $0x1  }
0x634: {  	v4 =	vperm.xlane v4, v3;
	v5 =	vadd.s32 v2, v5;
	_ =	sdelay $0x1  }
0x635: {  	v4 =	vadd.s32 v2, v4;
	_ =	sdelay $0x1  }
0x636: {  	s6 =	simm.s32 $0x3800  }
0x637: {  	[tilespmem:s6], [sflag:$0x1] =	stream.indirect_vreg.gather [hbm4b:s1+s3], $0x80, v5, vm0, $0xb8;
	[tilespmem:$0x1D800] =	vst v63  }
0x638: {  	s8 =	simm.s32 $0x4000  }
0x639: {  	[tilespmem:s8], [sflag:$0x1] =	stream.indirect_vreg.gather [hbm4b:s1+s3], $0x80, v4, vm0, $0xb8;
	[tilespmem:$0x1D800] =	vst v63  }
0x63a: {  	v4 =	vld [tilespmem:$0x1630];
	_ =	sdelay $0x4  }
0x63b: {  	v5 =	vshll.u32 v4, $0x1  }
0x63c: {  	v4 =	vand.u32 $0x7, v4;
	v5 =	vand.u32 $0xFFFFFFF0, v5  }
0x63d: {  	v4 =	vor.u32 v4, v5  }
0x63e: {  	v5 =	vperm.xlane v4, v1;
	_ =	sdelay $0x1  }
0x63f: {  	v4 =	vperm.xlane v4, v3;
	v5 =	vadd.s32 v2, v5;
	_ =	sdelay $0x1  }
0x640: {  	v4 =	vadd.s32 v2, v4;
	_ =	sdelay $0x1  }
0x641: {  	s9 =	simm.s32 $0x4800  }
0x642: {  	[tilespmem:s9], [sflag:$0x1] =	stream.indirect_vreg.gather [hbm4b:s1+s3], $0x80, v5, vm0, $0xb8;
	[tilespmem:$0x1D800] =	vst v63  }
0x643: {  	s6 =	simm.s32 $0x5000  }
0x644: {  	[tilespmem:s6], [sflag:$0x1] =	stream.indirect_vreg.gather [hbm4b:s1+s3], $0x80, v4, vm0, $0xb8;
	[tilespmem:$0x1D800] =	vst v63  }
0x645: {  	_ =	swait.ge [sflag:s20], $0x4000  }
0x646: {  	[sflag:s20] =	ssyncset.done $0x0  }
0x647: {  	s8 =	rddreg [dreg:$0x1c];
	[sflag:s20] =	ssyncadd.s32 $0xFFFFC000  }
0x648: {  	[hbm4b:s8+s3] =	stream.linear.scatter [tilespmem:s2], [sflag:$0xB], $0x4000, $0x38;
	[tilespmem:$0x1D800] =	vst v63  }
0x649: {  	_ =	swait.ge [sflag:s21], $0x4000  }
0x64a: {  	[sflag:s21] =	ssyncset.done $0x0  }
0x64b: {  	[sflag:s21] =	ssyncadd.s32 $0xFFFFC000  }
0x64c: {  	v4 =	vld [tilespmem:$0x740];
	_ =	sdelay $0x4  }
0x64d: {  	v4 =	vshll.u32 v4, $0x4  }
0x64e: {  	v4 =	vor.u32 v0, v4  }
0x64f: {  	v5 =	vld [tilespmem:$0x750];
	v52 =	vshll.u32 v4, $0x1  }
0x650: {  	v53 =	vld [tilespmem:$0x760];
	v6 =	vand.u32 $0xFFFFFFF0, v52  }
0x651: {  	v54 =	vld [tilespmem:$0x770];
	v6 =	vor.u32 v1, v6  }
0x652: {  	v55 =	vperm.xlane v6, v1;
	_ =	sdelay $0x1  }
0x653: {  	v5 =	vshll.u32 v5, $0x4;
	v6 =	vperm.xlane v6, v3;
	v9 =	vadd.s32 v2, v55  }
0x654: {  	[tilespmem:$0x1680] =	vst v4;
	v4 =	vor.u32 v0, v5;
	v5 =	vshll.u32 v53, $0x4  }
0x655: {  	[tilespmem:$0x1690] =	vst v4;
	v4 =	vor.u32 v0, v5;
	v5 =	vshll.u32 v54, $0x4;
	v6 =	vadd.s32 v2, v6  }
0x656: {  	[tilespmem:$0x16A0] =	vst v4;
	v4 =	vor.u32 v0, v5  }
0x657: {  	[tilespmem:$0x16B0] =	vst v4  }
0x658: {  	[tilespmem:s15], [sflag:$0x2] =	stream.indirect_vreg.gather [hbm4b:s1+s3], $0x80, v9, vm0, $0xb8;
	[tilespmem:$0x1D800] =	vst v63  }
0x659: {  	s9 =	simm.s32 $0x6000  }
0x65a: {  	[tilespmem:s9], [sflag:$0x2] =	stream.indirect_vreg.gather [hbm4b:s1+s3], $0x80, v6, vm0, $0xb8;
	[tilespmem:$0x1D800] =	vst v63  }
0x65b: {  	v4 =	vld [tilespmem:$0x1690];
	_ =	sdelay $0x4  }
0x65c: {  	v5 =	vshll.u32 v4, $0x1  }
0x65d: {  	v4 =	vand.u32 $0x7, v4;
	v5 =	vand.u32 $0xFFFFFFF0, v5  }
0x65e: {  	v4 =	vor.u32 v4, v5  }
0x65f: {  	v5 =	vperm.xlane v4, v1;
	_ =	sdelay $0x1  }
0x660: {  	v4 =	vperm.xlane v4, v3;
	v5 =	vadd.s32 v2, v5;
	_ =	sdelay $0x1  }
0x661: {  	v4 =	vadd.s32 v2, v4;
	_ =	sdelay $0x1  }
0x662: {  	s6 =	simm.s32 $0x6800  }
0x663: {  	[tilespmem:s6], [sflag:$0x2] =	stream.indirect_vreg.gather [hbm4b:s1+s3], $0x80, v5, vm0, $0xb8;
	[tilespmem:$0x1D800] =	vst v63  }
0x664: {  	s8 =	simm.s32 $0x7000  }
0x665: {  	[tilespmem:s8], [sflag:$0x2] =	stream.indirect_vreg.gather [hbm4b:s1+s3], $0x80, v4, vm0, $0xb8;
	[tilespmem:$0x1D800] =	vst v63  }
0x666: {  	v4 =	vld [tilespmem:$0x16A0];
	_ =	sdelay $0x4  }
0x667: {  	v5 =	vshll.u32 v4, $0x1  }
0x668: {  	v4 =	vand.u32 $0x7, v4;
	v5 =	vand.u32 $0xFFFFFFF0, v5  }
0x669: {  	v4 =	vor.u32 v4, v5  }
0x66a: {  	v5 =	vperm.xlane v4, v1;
	_ =	sdelay $0x1  }
0x66b: {  	v4 =	vperm.xlane v4, v3;
	v5 =	vadd.s32 v2, v5;
	_ =	sdelay $0x1  }
0x66c: {  	v4 =	vadd.s32 v2, v4;
	_ =	sdelay $0x1  }
0x66d: {  	s9 =	simm.s32 $0x7800  }
0x66e: {  	[tilespmem:s9], [sflag:$0x2] =	stream.indirect_vreg.gather [hbm4b:s1+s3], $0x80, v5, vm0, $0xb8;
	[tilespmem:$0x1D800] =	vst v63  }
0x66f: {  	s6 =	simm.s32 $0x8000  }
0x670: {  	[tilespmem:s6], [sflag:$0x2] =	stream.indirect_vreg.gather [hbm4b:s1+s3], $0x80, v4, vm0, $0xb8;
	[tilespmem:$0x1D800] =	vst v63  }
0x671: {  	v4 =	vld [tilespmem:$0x16B0];
	_ =	sdelay $0x4  }
0x672: {  	v5 =	vshll.u32 v4, $0x1  }
0x673: {  	v4 =	vand.u32 $0x7, v4;
	v5 =	vand.u32 $0xFFFFFFF0, v5  }
0x674: {  	v4 =	vor.u32 v4, v5  }
0x675: {  	v5 =	vperm.xlane v4, v1;
	_ =	sdelay $0x1  }
0x676: {  	v4 =	vperm.xlane v4, v3;
	v5 =	vadd.s32 v2, v5;
	_ =	sdelay $0x1  }
0x677: {  	v4 =	vadd.s32 v2, v4;
	_ =	sdelay $0x1  }
0x678: {  	s8 =	simm.s32 $0x8800  }
0x679: {  	[tilespmem:s8], [sflag:$0x2] =	stream.indirect_vreg.gather [hbm4b:s1+s3], $0x80, v5, vm0, $0xb8;
	[tilespmem:$0x1D800] =	vst v63  }
0x67a: {  	s9 =	simm.s32 $0x9000  }
0x67b: {  	[tilespmem:s9], [sflag:$0x2] =	stream.indirect_vreg.gather [hbm4b:s1+s3], $0x80, v4, vm0, $0xb8;
	[tilespmem:$0x1D800] =	vst v63  }
0x67c: {  	_ =	swait.ge [sflag:s22], $0x4000  }
0x67d: {  	[sflag:s22] =	ssyncset.done $0x0  }
0x67e: {  	s6 =	rddreg [dreg:$0x1d];
	[sflag:s22] =	ssyncadd.s32 $0xFFFFC000  }
0x67f: {  	[hbm4b:s6+s3] =	stream.linear.scatter [tilespmem:s14], [sflag:$0xC], $0x4000, $0x38;
	[tilespmem:$0x1D800] =	vst v63  }
0x680: {  	_ =	swait.ge [sflag:s24], $0x4000  }
0x681: {  	[sflag:s24] =	ssyncset.done $0x0  }
0x682: {  	[sflag:s24] =	ssyncadd.s32 $0xFFFFC000  }
0x683: {  	v4 =	vld [tilespmem:$0x780];
	_ =	sdelay $0x4  }
0x684: {  	v4 =	vshll.u32 v4, $0x4  }
0x685: {  	v4 =	vor.u32 v0, v4  }
0x686: {  	v5 =	vld [tilespmem:$0x790];
	v56 =	vshll.u32 v4, $0x1  }
0x687: {  	v57 =	vld [tilespmem:$0x7A0];
	v6 =	vand.u32 $0xFFFFFFF0, v56  }
0x688: {  	v58 =	vld [tilespmem:$0x7B0];
	v6 =	vor.u32 v1, v6  }
0x689: {  	v59 =	vperm.xlane v6, v1;
	_ =	sdelay $0x1  }
0x68a: {  	v5 =	vshll.u32 v5, $0x4;
	v6 =	vperm.xlane v6, v3;
	v9 =	vadd.s32 v2, v59  }
0x68b: {  	[tilespmem:$0x1700] =	vst v4;
	v4 =	vor.u32 v0, v5;
	v5 =	vshll.u32 v57, $0x4  }
0x68c: {  	[tilespmem:$0x1710] =	vst v4;
	v4 =	vor.u32 v0, v5;
	v5 =	vshll.u32 v58, $0x4;
	v6 =	vadd.s32 v2, v6  }
0x68d: {  	[tilespmem:$0x1720] =	vst v4;
	v4 =	vor.u32 v0, v5  }
0x68e: {  	[tilespmem:$0x1730] =	vst v4  }
0x68f: {  	[tilespmem:s23], [sflag:$0x3] =	stream.indirect_vreg.gather [hbm4b:s1+s3], $0x80, v9, vm0, $0xb8;
	[tilespmem:$0x1D800] =	vst v63  }
0x690: {  	s8 =	simm.s32 $0xA000  }
0x691: {  	[tilespmem:s8], [sflag:$0x3] =	stream.indirect_vreg.gather [hbm4b:s1+s3], $0x80, v6, vm0, $0xb8;
	[tilespmem:$0x1D800] =	vst v63  }
0x692: {  	v4 =	vld [tilespmem:$0x1710];
	_ =	sdelay $0x4  }
0x693: {  	v5 =	vshll.u32 v4, $0x1  }
0x694: {  	v4 =	vand.u32 $0x7, v4;
	v5 =	vand.u32 $0xFFFFFFF0, v5  }
0x695: {  	v4 =	vor.u32 v4, v5  }
0x696: {  	v5 =	vperm.xlane v4, v1;
	_ =	sdelay $0x1  }
0x697: {  	v4 =	vperm.xlane v4, v3;
	v5 =	vadd.s32 v2, v5;
	_ =	sdelay $0x1  }
0x698: {  	v4 =	vadd.s32 v2, v4;
	_ =	sdelay $0x1  }
0x699: {  	s9 =	simm.s32 $0xA800  }
0x69a: {  	[tilespmem:s9], [sflag:$0x3] =	stream.indirect_vreg.gather [hbm4b:s1+s3], $0x80, v5, vm0, $0xb8;
	[tilespmem:$0x1D800] =	vst v63  }
0x69b: {  	s6 =	simm.s32 $0xB000  }
0x69c: {  	[tilespmem:s6], [sflag:$0x3] =	stream.indirect_vreg.gather [hbm4b:s1+s3], $0x80, v4, vm0, $0xb8;
	[tilespmem:$0x1D800] =	vst v63  }
0x69d: {  	v4 =	vld [tilespmem:$0x1720];
	_ =	sdelay $0x4  }
0x69e: {  	v5 =	vshll.u32 v4, $0x1  }
0x69f: {  	v4 =	vand.u32 $0x7, v4;
	v5 =	vand.u32 $0xFFFFFFF0, v5  }
0x6a0: {  	v4 =	vor.u32 v4, v5  }
0x6a1: {  	v5 =	vperm.xlane v4, v1;
	_ =	sdelay $0x1  }
0x6a2: {  	v4 =	vperm.xlane v4, v3;
	v5 =	vadd.s32 v2, v5;
	_ =	sdelay $0x1  }
0x6a3: {  	v4 =	vadd.s32 v2, v4;
	_ =	sdelay $0x1  }
0x6a4: {  	s8 =	simm.s32 $0xB800  }
0x6a5: {  	[tilespmem:s8], [sflag:$0x3] =	stream.indirect_vreg.gather [hbm4b:s1+s3], $0x80, v5, vm0, $0xb8;
	[tilespmem:$0x1D800] =	vst v63  }
0x6a6: {  	s9 =	simm.s32 $0xC000  }
0x6a7: {  	[tilespmem:s9], [sflag:$0x3] =	stream.indirect_vreg.gather [hbm4b:s1+s3], $0x80, v4, vm0, $0xb8;
	[tilespmem:$0x1D800] =	vst v63  }
0x6a8: {  	v4 =	vld [tilespmem:$0x1730];
	_ =	sdelay $0x4  }
0x6a9: {  	v5 =	vshll.u32 v4, $0x1  }
0x6aa: {  	v4 =	vand.u32 $0x7, v4;
	v5 =	vand.u32 $0xFFFFFFF0, v5  }
0x6ab: {  	v4 =	vor.u32 v4, v5  }
0x6ac: {  	v5 =	vperm.xlane v4, v1;
	_ =	sdelay $0x1  }
0x6ad: {  	v4 =	vperm.xlane v4, v3;
	v5 =	vadd.s32 v2, v5;
	_ =	sdelay $0x1  }
0x6ae: {  	v4 =	vadd.s32 v2, v4;
	_ =	sdelay $0x1  }
0x6af: {  	s6 =	simm.s32 $0xC800  }
0x6b0: {  	[tilespmem:s6], [sflag:$0x3] =	stream.indirect_vreg.gather [hbm4b:s1+s3], $0x80, v5, vm0, $0xb8;
	[tilespmem:$0x1D800] =	vst v63  }
0x6b1: {  	s8 =	simm.s32 $0xD000  }
0x6b2: {  	[tilespmem:s8], [sflag:$0x3] =	stream.indirect_vreg.gather [hbm4b:s1+s3], $0x80, v4, vm0, $0xb8;
	[tilespmem:$0x1D800] =	vst v63  }
0x6b3: {  	_ =	swait.ge [sflag:s25], $0x4000  }
0x6b4: {  	[sflag:s25] =	ssyncset.done $0x0  }
0x6b5: {  	s9 =	rddreg [dreg:$0x1e];
	[sflag:s25] =	ssyncadd.s32 $0xFFFFC000  }
0x6b6: {  	[hbm4b:s9+s3] =	stream.linear.scatter [tilespmem:s17], [sflag:$0xD], $0x4000, $0x38;
	[tilespmem:$0x1D800] =	vst v63  }
0x6b7: {  	_ =	swait.ge [sflag:s26], $0x4000  }
0x6b8: {  	[sflag:s26] =	ssyncset.done $0x0  }
0x6b9: {  	[sflag:s26] =	ssyncadd.s32 $0xFFFFC000  }
0x6ba: {  	v4 =	vld [tilespmem:$0x7C0];
	_ =	sdelay $0x4  }
0x6bb: {  	v4 =	vshll.u32 v4, $0x4  }
0x6bc: {  	v4 =	vor.u32 v0, v4  }
0x6bd: {  	v5 =	vld [tilespmem:$0x7D0];
	v60 =	vshll.u32 v4, $0x1  }
0x6be: {  	v61 =	vld [tilespmem:$0x7E0];
	v6 =	vand.u32 $0xFFFFFFF0, v60  }
0x6bf: {  	v62 =	vld [tilespmem:$0x7F0];
	v6 =	vor.u32 v1, v6  }
0x6c0: {  	v63 =	vperm.xlane v6, v1;
	_ =	sdelay $0x1  }
0x6c1: {  	v5 =	vshll.u32 v5, $0x4;
	v6 =	vperm.xlane v6, v3;
	v9 =	vadd.s32 v2, v63  }
0x6c2: {  	[tilespmem:$0x1780] =	vst v4;
	v4 =	vor.u32 v0, v5;
	v5 =	vshll.u32 v61, $0x4  }
0x6c3: {  	[tilespmem:$0x1790] =	vst v4;
	v4 =	vor.u32 v0, v5;
	v5 =	vshll.u32 v62, $0x4;
	v6 =	vadd.s32 v2, v6  }
0x6c4: {  	[tilespmem:$0x17A0] =	vst v4;
	v4 =	vor.u32 v0, v5  }
0x6c5: {  	[tilespmem:$0x17B0] =	vst v4  }
0x6c6: {  	[tilespmem:s2], [sflag:$0x4] =	stream.indirect_vreg.gather [hbm4b:s1+s3], $0x80, v9, vm0, $0xb8;
	[tilespmem:$0x1D800] =	vst v63  }
0x6c7: {  	s11 =	simm.s32 $0xE000  }
0x6c8: {  	[tilespmem:s11], [sflag:$0x4] =	stream.indirect_vreg.gather [hbm4b:s1+s3], $0x80, v6, vm0, $0xb8;
	[tilespmem:$0x1D800] =	vst v63  }
0x6c9: {  	v4 =	vld [tilespmem:$0x1790];
	_ =	sdelay $0x4  }
0x6ca: {  	v5 =	vshll.u32 v4, $0x1  }
0x6cb: {  	v4 =	vand.u32 $0x7, v4;
	v5 =	vand.u32 $0xFFFFFFF0, v5  }
0x6cc: {  	v4 =	vor.u32 v4, v5  }
0x6cd: {  	v5 =	vperm.xlane v4, v1;
	_ =	sdelay $0x1  }
0x6ce: {  	v4 =	vperm.xlane v4, v3;
	v5 =	vadd.s32 v2, v5;
	_ =	sdelay $0x1  }
0x6cf: {  	v4 =	vadd.s32 v2, v4;
	_ =	sdelay $0x1  }
0x6d0: {  	s10 =	simm.s32 $0xE800  }
0x6d1: {  	[tilespmem:s10], [sflag:$0x4] =	stream.indirect_vreg.gather [hbm4b:s1+s3], $0x80, v5, vm0, $0xb8;
	[tilespmem:$0x1D800] =	vst v63  }
0x6d2: {  	s10 =	simm.s32 $0xF000  }
0x6d3: {  	[tilespmem:s10], [sflag:$0x4] =	stream.indirect_vreg.gather [hbm4b:s1+s3], $0x80, v4, vm0, $0xb8;
	[tilespmem:$0x1D800] =	vst v63  }
0x6d4: {  	v4 =	vld [tilespmem:$0x17A0];
	_ =	sdelay $0x4  }
0x6d5: {  	v5 =	vshll.u32 v4, $0x1  }
0x6d6: {  	v4 =	vand.u32 $0x7, v4;
	v5 =	vand.u32 $0xFFFFFFF0, v5  }
0x6d7: {  	v4 =	vor.u32 v4, v5  }
0x6d8: {  	v5 =	vperm.xlane v4, v1;
	_ =	sdelay $0x1  }
0x6d9: {  	v4 =	vperm.xlane v4, v3;
	v5 =	vadd.s32 v2, v5;
	_ =	sdelay $0x1  }
0x6da: {  	v4 =	vadd.s32 v2, v4;
	_ =	sdelay $0x1  }
0x6db: {  	s12 =	simm.s32 $0xF800  }
0x6dc: {  	[tilespmem:s12], [sflag:$0x4] =	stream.indirect_vreg.gather [hbm4b:s1+s3], $0x80, v5, vm0, $0xb8;
	[tilespmem:$0x1D800] =	vst v63  }
0x6dd: {  	s11 =	simm.s32 $0x10000  }
0x6de: {  	[tilespmem:s11], [sflag:$0x4] =	stream.indirect_vreg.gather [hbm4b:s1+s3], $0x80, v4, vm0, $0xb8;
	[tilespmem:$0x1D800] =	vst v63  }
0x6df: {  	v4 =	vld [tilespmem:$0x17B0];
	_ =	sdelay $0x4  }
0x6e0: {  	v5 =	vshll.u32 v4, $0x1  }
0x6e1: {  	v4 =	vand.u32 $0x7, v4;
	v5 =	vand.u32 $0xFFFFFFF0, v5  }
0x6e2: {  	v4 =	vor.u32 v4, v5  }
0x6e3: {  	v5 =	vperm.xlane v4, v1;
	_ =	sdelay $0x1  }
0x6e4: {  	v4 =	vperm.xlane v4, v3;
	v5 =	vadd.s32 v2, v5;
	_ =	sdelay $0x1  }
0x6e5: {  	v4 =	vadd.s32 v2, v4;
	_ =	sdelay $0x1  }
0x6e6: {  	s12 =	simm.s32 $0x10800  }
0x6e7: {  	[tilespmem:s12], [sflag:$0x4] =	stream.indirect_vreg.gather [hbm4b:s1+s3], $0x80, v5, vm0, $0xb8;
	[tilespmem:$0x1D800] =	vst v63  }
0x6e8: {  	s6 =	simm.s32 $0x11000  }
0x6e9: {  	[tilespmem:s6], [sflag:$0x4] =	stream.indirect_vreg.gather [hbm4b:s1+s3], $0x80, v4, vm0, $0xb8;
	[tilespmem:$0x1D800] =	vst v63  }
0x6ea: {  	_ =	swait.ge [sflag:s28], $0x4000  }
0x6eb: {  	[sflag:s28] =	ssyncset.done $0x0  }
0x6ec: {  	s8 =	rddreg [dreg:$0x1f];
	[sflag:s28] =	ssyncadd.s32 $0xFFFFC000  }
0x6ed: {  	[hbm4b:s8+s3] =	stream.linear.scatter [tilespmem:s7], [sflag:$0xE], $0x4000, $0x38;
	[tilespmem:$0x1D800] =	vst v63  }
0x6ee: {  	_ =	swait.ge [sflag:s13], $0x4000  }
0x6ef: {  	s9 =	sld [smem:$0x7F9]  }
0x6f0: {  	[sflag:s13] =	ssyncset.done $0x0  }
0x6f1: {  	[sflag:s13] =	ssyncadd.s32 $0xFFFFC000  }
0x6f2: {  	[hbm4b:s9+s3] =	stream.linear.scatter [tilespmem:s4], [sflag:$0x8], $0x4000, $0x38;
	[tilespmem:$0x1D800] =	vst v63  }
0x6f3: {  	_ =	swait.ge [sflag:s16], $0x4000  }
0x6f4: {  	s10 =	sld [smem:$0x7FA]  }
0x6f5: {  	[sflag:s16] =	ssyncset.done $0x0  }
0x6f6: {  	[sflag:s16] =	ssyncadd.s32 $0xFFFFC000  }
0x6f7: {  	[hbm4b:s10+s3] =	stream.linear.scatter [tilespmem:s15], [sflag:$0x9], $0x4000, $0x38;
	[tilespmem:$0x1D800] =	vst v63  }
0x6f8: {  	_ =	swait.ge [sflag:s18], $0x4000  }
0x6f9: {  	s11 =	sld [smem:$0x7FB]  }
0x6fa: {  	[sflag:s18] =	ssyncset.done $0x0  }
0x6fb: {  	[sflag:s18] =	ssyncadd.s32 $0xFFFFC000  }
0x6fc: {  	[hbm4b:s11+s3] =	stream.linear.scatter [tilespmem:s23], [sflag:$0xA], $0x4000, $0x38;
	[tilespmem:$0x1D800] =	vst v63  }
0x6fd: {  	_ =	swait.ge [sflag:s20], $0x4000  }
0x6fe: {  	s12 =	sld [smem:$0x7FD]  }
0x6ff: {  	[sflag:s20] =	ssyncset.done $0x0  }
0x700: {  	[sflag:s20] =	ssyncadd.s32 $0xFFFFC000  }
0x701: {  	[hbm4b:s12+s3] =	stream.linear.scatter [tilespmem:s2], [sflag:$0xB], $0x4000, $0x38;
	[tilespmem:$0x1D800] =	vst v63  }
0x702: {  	_ =	swait.ge [sflag:s29], $0x4000  }
0x703: {  	[sflag:s29] =	ssyncset.done $0x0  }
0x704: {  	[sflag:s29] =	ssyncadd.s32 $0xFFFFC000  }
0x705: {  	_ =	swait.ge [sflag:s30], $0x4000  }
0x706: {  	[sflag:s30] =	ssyncset.done $0x0  }
0x707: {  	[sflag:s30] =	ssyncadd.s32 $0xFFFFC000  }
0x708: {  	_ =	swait.ge [sflag:s31], $0x4000  }
0x709: {  	[sflag:s31] =	ssyncset.done $0x0  }
0x70a: {  	[sflag:s31] =	ssyncadd.s32 $0xFFFFC000  }
0x70b: {  	_ =	swait.ge [sflag:s19], $0x4000  }
0x70c: {  	[sflag:s19] =	ssyncset.done $0x0  }
0x70d: {  	[sflag:s19] =	ssyncadd.s32 $0xFFFFC000  }
0x70e: {  	_ =	swait.ge [sflag:s21], $0x4000  }
0x70f: {  	[sflag:s21] =	ssyncset.done $0x0  }
0x710: {  	[sflag:s21] =	ssyncadd.s32 $0xFFFFC000  }
0x711: {  	p0 =	sne.s32 s5, $0x1;
	_ =	swait.ge [sflag:s24], $0x4000  }
.Ltmp0:
0x712: {  	[sflag:s24] =	ssyncset.done $0x0;
	(pc) =	sbr.rel @p0 .LBB2_1-.Ltmp0, $4  }
0x713: {  	[sflag:s24] =	ssyncadd.s32 $0xFFFFC000  }
0x714: {  	_ =	swait.ge [sflag:s26], $0x4000  }
0x715: {  	[sflag:s26] =	ssyncset.done $0x0  }
0x716: {  	s5 =	sadd.s32 $0xFFFFFFFF, s5;
	[sflag:s26] =	ssyncadd.s32 $0xFFFFC000  }
0x717: {  	_ =	sfence.sel $0x180000  }
0x718: {  	[bflag:$0x0] =	sbarrier.arrive $0xFFFF  }
0x719: {  	_ =	strace $0x90000047  }
0x71a: {  	s0 =	stileid.u32;
	[bflag:$0x2] =	sbarrier.arrive $0xFFFF  }
0x71b: {  	p0 =	sne.s32 s0, $0x0;
	s0 =	rddreg [dreg:$0x3]  }
0x71c: {  	s0 =	sadd.s32 @!p0 $0x100000, s0  }
0x71d: {  	[sflag:s0] =	ssyncadd.tile.s32 @!p0 $0x1;
	_ =	shalt  }
.Lfunc_end2:
_tile_overlayer_lowered:
.L_overlay_start_2:
0x71e: {  	(tag) =	ssettag $0x2  }
0x71f: {  	s0 =	rddreg [dreg:$0x0];
	s2 =	stileid.u32  }
0x720: {  	s1 =	rddreg [dreg:$0x1];
	p0 =	sne.s32 s2, $0x0  }
0x721: {  	s3 =	rddreg [dreg:$0x2];
	[bflag:$0x3] =	sbarrier.arrive $0xFFFF;
	s2 =	simm.s32 @!p0 $0x1C0F  }
0x722: {  	[timem:s3], [sflag:s2] =	dma.local @!p0 [hbm:s0], s1  }
0x723: {  	s0 =	simm.s32 @!p0 $0xF  }
0x724: {  	_ =	swait.ge @!p0 [sflag:s0], s1  }
0x725: {  	s1 =	ssub.s32 @!p0 $0x0, s1;
	[sflag:s0] =	ssyncset.done @!p0 $0x0  }
0x726: {  	[sflag:s0] =	ssyncadd.s32 @!p0 s1  }
0x727: {  	[bflag:$0x3] =	sbarrier.arrive $0xFFFF  }
0x728: {  	_ =	shalt  }

</sc_bundles>
